<compile_context>
chip_gen: v7x
topology: tpu7x:2x2x1
jax: 0.10.2.dev20260603
libtpu: 0.0.44.dev20260713+nightly
codegen_flags: <defaults>
</compile_context>

<pallas_src>
import functools

import jax
import jax.numpy as jnp
from jax import lax
from jax.experimental import pallas as pl
from jax.experimental.pallas import tpu as pltpu
from jax.experimental.pallas import tpu_sc as plsc

E = 320000
D = 128
L = 16
NC = 2
NS = 16
NW = NC * NS
EPW = E // NW
C = 80
NCHUNK = EPW // C
GPC = C // L
KD = D // L


def _compute_chunk(rows_v, cols_v, outc_v, i):
    lane = lax.broadcasted_iota(jnp.int32, (L,), 0)

    def group_body(g, sel_prev):
        sel = None
        for e in range(L // 2):
            eoff = g * (L // 2) + e
            acc = rows_v[eoff, pl.ds(0, L)] * cols_v[eoff, pl.ds(0, L)]
            for k in range(1, KD):
                acc = acc + (rows_v[eoff, pl.ds(k * L, L)]
                             * cols_v[eoff, pl.ds(k * L, L)])
            for shift in (8, 4, 2, 1):
                acc = acc + acc.at[lane ^ shift].get(mode="promise_in_bounds")
            sel = acc if e == 0 else jnp.where(lane == e, acc, sel)

        @pl.when(g % 2 == 1)
        def _store():
            hi = sel.at[lane ^ (L // 2)].get(mode="promise_in_bounds")
            both = jnp.where(lane < (L // 2), sel_prev, hi)
            outc_v[pl.ds(i * C + (g // 2) * L, L)] = 1.0 / (1.0 + jnp.exp(-both))

        return sel

    lax.fori_loop(0, 2 * GPC, group_body, jnp.zeros((L,), jnp.float32))


def _make_sc_call():
    mesh = plsc.VectorSubcoreMesh(core_axis_name="c", subcore_axis_name="s")

    @functools.partial(
        pl.kernel,
        mesh=mesh,
        out_type=jax.ShapeDtypeStruct((E,), jnp.float32),
        scratch_types=[
            pltpu.VMEM((NCHUNK, C), jnp.int32),
            pltpu.VMEM((NCHUNK, C), jnp.int32),
            pltpu.VMEM((C, D), jnp.float32),
            pltpu.VMEM((C, D), jnp.float32),
            pltpu.VMEM((C, D), jnp.float32),
            pltpu.VMEM((C, D), jnp.float32),
            pltpu.VMEM((EPW + 8,), jnp.float32),
            pltpu.SemaphoreType.DMA,
            pltpu.SemaphoreType.DMA,
            pltpu.SemaphoreType.DMA,
            pltpu.SemaphoreType.DMA,
        ],
    )
    def sc_call(z_hbm, row_hbm, col_hbm, out_hbm,
                ridx_v, cidx_v, rows_a, cols_a, rows_b, cols_b,
                outc_v, sem_ra, sem_ca, sem_rb, sem_cb):
        wid = lax.axis_index("s") * NC + lax.axis_index("c")
        pltpu.sync_copy(row_hbm.at[wid], ridx_v)
        pltpu.sync_copy(col_hbm.at[wid], cidx_v)

        def gather_start(i, rows, cols, sr, sc2):
            pltpu.make_async_copy(z_hbm.at[ridx_v.at[i]], rows, sr).start()
            pltpu.make_async_copy(z_hbm.at[cidx_v.at[i]], cols, sc2).start()

        def gather_wait(i, rows, cols, sr, sc2):
            pltpu.make_async_copy(z_hbm.at[ridx_v.at[i]], rows, sr).wait()
            pltpu.make_async_copy(z_hbm.at[cidx_v.at[i]], cols, sc2).wait()

        gather_start(0, rows_a, cols_a, sem_ra, sem_ca)

        def pair_body(j, carry):
            i0 = 2 * j
            i1 = i0 + 1
            gather_start(i1, rows_b, cols_b, sem_rb, sem_cb)
            gather_wait(i0, rows_a, cols_a, sem_ra, sem_ca)
            _compute_chunk(rows_a, cols_a, outc_v, i0)
            gather_start(i0 + 2, rows_a, cols_a, sem_ra, sem_ca)
            gather_wait(i1, rows_b, cols_b, sem_rb, sem_cb)
            _compute_chunk(rows_b, cols_b, outc_v, i1)
            return carry

        lax.fori_loop(0, (NCHUNK - 1) // 2, pair_body, 0)
        last = NCHUNK - 1
        gather_wait(last, rows_a, cols_a, sem_ra, sem_ca)
        _compute_chunk(rows_a, cols_a, outc_v, last)

        pltpu.sync_copy(outc_v.at[pl.ds(0, EPW)],
                        out_hbm.at[pl.ds(wid * EPW, EPW)])

    return sc_call


_SC_CALL = _make_sc_call()


def kernel(z, edge_index):
    ei = edge_index.astype(jnp.int32)
    row2 = ei[0].reshape(NW, NCHUNK, C)
    col2 = ei[1].reshape(NW, NCHUNK, C)
    return _SC_CALL(z, row2, col2)

# --- scband reference (transcript-rebuilt; emitter-appended) ---
"""Pipeline reference for scband-placeholder-decoder-87643102642845 (READ-ONLY COPY).

The authoritative reference and input builder live on the scoring server;
editing this copy changes nothing except your own understanding.
"""

import jax, jax.numpy as jnp
import numpy as np


def setup_inputs(seed: int = 0) -> dict:
    key = jax.random.key(seed)
    k1, k2 = jax.random.split(key)
    z = jax.random.normal(k1, (10000, 128), dtype=jnp.float32)
    edge_index = jax.random.randint(k2, (2, 320000), 0, 10000, dtype=jnp.int64)
    return {"z": z, "edge_index": edge_index}


def reference(z, edge_index):
    row = edge_index[0]
    col = edge_index[1]
    similarity = jnp.sum(z[row] * z[col], axis=1)
    return jax.nn.sigmoid(similarity)

if __name__ == "__main__":
    import jax
    _d = setup_inputs()
    print(jax.jit(kernel)(*tuple(_d.values())))

</pallas_src>

<mosaic_0001>
#map = affine_map<(d0, d1) -> (0, 0)>
#map1 = affine_map<(d0, d1) -> (0, 0, 0)>
#map2 = affine_map<(d0, d1) -> (0)>
module attributes {stable_mosaic.version = 14 : i64} {
  func.func @sc_call(%arg0: i32, %arg1: i32, %arg2: memref<10000x128xf32, #tpu.memory_space<hbm>>, %arg3: memref<32x125x80xi32, #tpu.memory_space<hbm>>, %arg4: memref<32x125x80xi32, #tpu.memory_space<hbm>>, %arg5: memref<320000xf32, #tpu.memory_space<hbm>>, %arg6: memref<125x80xi32, #tpu.memory_space<vmem>>, %arg7: memref<125x80xi32, #tpu.memory_space<vmem>>, %arg8: memref<80x128xf32, #tpu.memory_space<vmem>>, %arg9: memref<80x128xf32, #tpu.memory_space<vmem>>, %arg10: memref<80x128xf32, #tpu.memory_space<vmem>>, %arg11: memref<80x128xf32, #tpu.memory_space<vmem>>, %arg12: memref<10008xf32, #tpu.memory_space<vmem>>, %arg13: memref<!tpu.dma_semaphore, #tpu.memory_space<semaphore_mem>>, %arg14: memref<!tpu.dma_semaphore, #tpu.memory_space<semaphore_mem>>, %arg15: memref<!tpu.dma_semaphore, #tpu.memory_space<semaphore_mem>>, %arg16: memref<!tpu.dma_semaphore, #tpu.memory_space<semaphore_mem>>) attributes {dimension_semantics = [#tpu.dimension_semantics<core_parallel>, #tpu.dimension_semantics<subcore_parallel>], iteration_bounds = array<i64: 2, 16>, scalar_prefetch = 0 : i64, scratch_operands = 11 : i64, tpu.core_type = #tpu.core_type<sc_vector_subcore>, window_params = [{transform_indices = #map}, {transform_indices = #map1}, {transform_indices = #map1}, {transform_indices = #map2}]} {
    %mul3A = arith.constant 2 : i32
    %mul3A_0 = arith.muli %arg1, %mul3A : i32
    %add3A = arith.addi %mul3A_0, %arg0 : i32
    "tpu.region"() ({
      %run_scoped3A = tpu.sem_alloc : memref<!tpu.dma_semaphore, #tpu.memory_space<semaphore_mem>>
      %dma_start3A_41 = arith.constant 0 : i32
      %dma_start3A_42 = arith.constant 0 : i32
      %dma_start3A_43 = tpu.memref_slice %arg3[%add3A, %dma_start3A_41, %dma_start3A_42] : memref<32x125x80xi32, #tpu.memory_space<hbm>> -> memref<1x125x80xi32, #tpu.memory_space<hbm>>
      %dma_start3A_44 = tpu.memref_squeeze %dma_start3A_43 : memref<1x125x80xi32, #tpu.memory_space<hbm>> -> memref<125x80xi32, #tpu.memory_space<hbm>>
      %dma_start3A_45 = arith.constant 0 : i32
      %dma_start3A_46 = arith.constant 0 : i32
      %dma_start3A_47 = tpu.memref_slice %arg3[%add3A, %dma_start3A_45, %dma_start3A_46] : memref<32x125x80xi32, #tpu.memory_space<hbm>> -> memref<1x125x80xi32, #tpu.memory_space<hbm>>
      %dma_start3A_48 = tpu.memref_squeeze %dma_start3A_47 : memref<1x125x80xi32, #tpu.memory_space<hbm>> -> memref<125x80xi32, #tpu.memory_space<hbm>>
      tpu.enqueue_dma source(%dma_start3A_48 : memref<125x80xi32, #tpu.memory_space<hbm>>) target(%arg6 : memref<125x80xi32, #tpu.memory_space<vmem>>) target_semaphore(%run_scoped3A : memref<!tpu.dma_semaphore, #tpu.memory_space<semaphore_mem>>)
      %dma_wait3A_49 = arith.constant 0 : i32
      %dma_wait3A_50 = arith.constant 0 : i32
      %dma_wait3A_51 = tpu.memref_slice %arg3[%add3A, %dma_wait3A_49, %dma_wait3A_50] : memref<32x125x80xi32, #tpu.memory_space<hbm>> -> memref<1x125x80xi32, #tpu.memory_space<hbm>>
      %dma_wait3A_52 = tpu.memref_squeeze %dma_wait3A_51 : memref<1x125x80xi32, #tpu.memory_space<hbm>> -> memref<125x80xi32, #tpu.memory_space<hbm>>
      %dma_wait3A_53 = arith.constant 0 : i32
      %dma_wait3A_54 = arith.constant 0 : i32
      %dma_wait3A_55 = tpu.memref_slice %arg3[%add3A, %dma_wait3A_53, %dma_wait3A_54] : memref<32x125x80xi32, #tpu.memory_space<hbm>> -> memref<1x125x80xi32, #tpu.memory_space<hbm>>
      %dma_wait3A_56 = tpu.memref_squeeze %dma_wait3A_55 : memref<1x125x80xi32, #tpu.memory_space<hbm>> -> memref<125x80xi32, #tpu.memory_space<hbm>>
      tpu.wait_dma2 semaphore(%run_scoped3A : memref<!tpu.dma_semaphore, #tpu.memory_space<semaphore_mem>>) src(%dma_wait3A_56 : memref<125x80xi32, #tpu.memory_space<hbm>>) dst(%arg6 : memref<125x80xi32, #tpu.memory_space<vmem>>)
      tpu.yield
    }) : () -> ()
    "tpu.region"() ({
      %run_scoped3A = tpu.sem_alloc : memref<!tpu.dma_semaphore, #tpu.memory_space<semaphore_mem>>
      %dma_start3A_41 = arith.constant 0 : i32
      %dma_start3A_42 = arith.constant 0 : i32
      %dma_start3A_43 = tpu.memref_slice %arg4[%add3A, %dma_start3A_41, %dma_start3A_42] : memref<32x125x80xi32, #tpu.memory_space<hbm>> -> memref<1x125x80xi32, #tpu.memory_space<hbm>>
      %dma_start3A_44 = tpu.memref_squeeze %dma_start3A_43 : memref<1x125x80xi32, #tpu.memory_space<hbm>> -> memref<125x80xi32, #tpu.memory_space<hbm>>
      %dma_start3A_45 = arith.constant 0 : i32
      %dma_start3A_46 = arith.constant 0 : i32
      %dma_start3A_47 = tpu.memref_slice %arg4[%add3A, %dma_start3A_45, %dma_start3A_46] : memref<32x125x80xi32, #tpu.memory_space<hbm>> -> memref<1x125x80xi32, #tpu.memory_space<hbm>>
      %dma_start3A_48 = tpu.memref_squeeze %dma_start3A_47 : memref<1x125x80xi32, #tpu.memory_space<hbm>> -> memref<125x80xi32, #tpu.memory_space<hbm>>
      tpu.enqueue_dma source(%dma_start3A_48 : memref<125x80xi32, #tpu.memory_space<hbm>>) target(%arg7 : memref<125x80xi32, #tpu.memory_space<vmem>>) target_semaphore(%run_scoped3A : memref<!tpu.dma_semaphore, #tpu.memory_space<semaphore_mem>>)
      %dma_wait3A_49 = arith.constant 0 : i32
      %dma_wait3A_50 = arith.constant 0 : i32
      %dma_wait3A_51 = tpu.memref_slice %arg4[%add3A, %dma_wait3A_49, %dma_wait3A_50] : memref<32x125x80xi32, #tpu.memory_space<hbm>> -> memref<1x125x80xi32, #tpu.memory_space<hbm>>
      %dma_wait3A_52 = tpu.memref_squeeze %dma_wait3A_51 : memref<1x125x80xi32, #tpu.memory_space<hbm>> -> memref<125x80xi32, #tpu.memory_space<hbm>>
      %dma_wait3A_53 = arith.constant 0 : i32
      %dma_wait3A_54 = arith.constant 0 : i32
      %dma_wait3A_55 = tpu.memref_slice %arg4[%add3A, %dma_wait3A_53, %dma_wait3A_54] : memref<32x125x80xi32, #tpu.memory_space<hbm>> -> memref<1x125x80xi32, #tpu.memory_space<hbm>>
      %dma_wait3A_56 = tpu.memref_squeeze %dma_wait3A_55 : memref<1x125x80xi32, #tpu.memory_space<hbm>> -> memref<125x80xi32, #tpu.memory_space<hbm>>
      tpu.wait_dma2 semaphore(%run_scoped3A : memref<!tpu.dma_semaphore, #tpu.memory_space<semaphore_mem>>) src(%dma_wait3A_56 : memref<125x80xi32, #tpu.memory_space<hbm>>) dst(%arg7 : memref<125x80xi32, #tpu.memory_space<vmem>>)
      tpu.yield
    }) : () -> ()
    %dma_start3A = arith.constant 0 : i32
    %dma_start3A_1 = arith.constant 0 : i32
    %dma_start3A_2 = tpu.memref_slice %arg6[%dma_start3A, %dma_start3A_1] : memref<125x80xi32, #tpu.memory_space<vmem>> -> memref<1x80xi32, #tpu.memory_space<vmem>>
    %dma_start3A_3 = tpu.memref_squeeze %dma_start3A_2 : memref<1x80xi32, #tpu.memory_space<vmem>> -> memref<80xi32, #tpu.memory_space<vmem>>
    %dma_start3A_4 = arith.constant 0 : i32
    %dma_start3A_5 = arith.constant 0 : i32
    %dma_start3A_6 = tpu.memref_slice %arg2[%dma_start3A_4, %dma_start3A_5] : memref<10000x128xf32, #tpu.memory_space<hbm>> -> memref<10000x128xf32, #tpu.memory_space<hbm>>
    tpu.enqueue_indirect_dma source(%dma_start3A_6 : memref<10000x128xf32, #tpu.memory_space<hbm>>) target(%arg8 : memref<80x128xf32, #tpu.memory_space<vmem>>) offsets(%dma_start3A_3 : memref<80xi32, #tpu.memory_space<vmem>>) semaphore(%arg13 : memref<!tpu.dma_semaphore, #tpu.memory_space<semaphore_mem>>)
    %dma_start3A_7 = arith.constant 0 : i32
    %dma_start3A_8 = arith.constant 0 : i32
    %dma_start3A_9 = tpu.memref_slice %arg7[%dma_start3A_7, %dma_start3A_8] : memref<125x80xi32, #tpu.memory_space<vmem>> -> memref<1x80xi32, #tpu.memory_space<vmem>>
    %dma_start3A_10 = tpu.memref_squeeze %dma_start3A_9 : memref<1x80xi32, #tpu.memory_space<vmem>> -> memref<80xi32, #tpu.memory_space<vmem>>
    %dma_start3A_11 = arith.constant 0 : i32
    %dma_start3A_12 = arith.constant 0 : i32
    %dma_start3A_13 = tpu.memref_slice %arg2[%dma_start3A_11, %dma_start3A_12] : memref<10000x128xf32, #tpu.memory_space<hbm>> -> memref<10000x128xf32, #tpu.memory_space<hbm>>
    tpu.enqueue_indirect_dma source(%dma_start3A_13 : memref<10000x128xf32, #tpu.memory_space<hbm>>) target(%arg9 : memref<80x128xf32, #tpu.memory_space<vmem>>) offsets(%dma_start3A_10 : memref<80xi32, #tpu.memory_space<vmem>>) semaphore(%arg14 : memref<!tpu.dma_semaphore, #tpu.memory_space<semaphore_mem>>)
    %scan3A = arith.constant 0 : i32
    %scan3A_14 = arith.constant 0 : i32
    %scan3A_15 = arith.constant 62 : i32
    %scan3A_16 = arith.addi %scan3A_14, %scan3A_15 : i32
    %scan3A_17 = arith.constant 1 : i32
    scf.for %scan3A_41 = %scan3A_14 to %scan3A_16 step %scan3A_17  : i32 {
      %mul3A_42 = arith.constant 2 : i32
      %mul3A_43 = arith.muli %mul3A_42, %scan3A_41 : i32
      %add3A_44 = arith.constant 1 : i32
      %add3A_45 = arith.addi %mul3A_43, %add3A_44 : i32
      %dma_start3A_46 = arith.constant 0 : i32
      %dma_start3A_47 = tpu.memref_slice %arg6[%add3A_45, %dma_start3A_46] : memref<125x80xi32, #tpu.memory_space<vmem>> -> memref<1x80xi32, #tpu.memory_space<vmem>>
      %dma_start3A_48 = tpu.memref_squeeze %dma_start3A_47 : memref<1x80xi32, #tpu.memory_space<vmem>> -> memref<80xi32, #tpu.memory_space<vmem>>
      %dma_start3A_49 = arith.constant 0 : i32
      %dma_start3A_50 = arith.constant 0 : i32
      %dma_start3A_51 = tpu.memref_slice %arg2[%dma_start3A_49, %dma_start3A_50] : memref<10000x128xf32, #tpu.memory_space<hbm>> -> memref<10000x128xf32, #tpu.memory_space<hbm>>
      tpu.enqueue_indirect_dma source(%dma_start3A_51 : memref<10000x128xf32, #tpu.memory_space<hbm>>) target(%arg10 : memref<80x128xf32, #tpu.memory_space<vmem>>) offsets(%dma_start3A_48 : memref<80xi32, #tpu.memory_space<vmem>>) semaphore(%arg15 : memref<!tpu.dma_semaphore, #tpu.memory_space<semaphore_mem>>)
      %dma_start3A_52 = arith.constant 0 : i32
      %dma_start3A_53 = tpu.memref_slice %arg7[%add3A_45, %dma_start3A_52] : memref<125x80xi32, #tpu.memory_space<vmem>> -> memref<1x80xi32, #tpu.memory_space<vmem>>
      %dma_start3A_54 = tpu.memref_squeeze %dma_start3A_53 : memref<1x80xi32, #tpu.memory_space<vmem>> -> memref<80xi32, #tpu.memory_space<vmem>>
      %dma_start3A_55 = arith.constant 0 : i32
      %dma_start3A_56 = arith.constant 0 : i32
      %dma_start3A_57 = tpu.memref_slice %arg2[%dma_start3A_55, %dma_start3A_56] : memref<10000x128xf32, #tpu.memory_space<hbm>> -> memref<10000x128xf32, #tpu.memory_space<hbm>>
      tpu.enqueue_indirect_dma source(%dma_start3A_57 : memref<10000x128xf32, #tpu.memory_space<hbm>>) target(%arg11 : memref<80x128xf32, #tpu.memory_space<vmem>>) offsets(%dma_start3A_54 : memref<80xi32, #tpu.memory_space<vmem>>) semaphore(%arg16 : memref<!tpu.dma_semaphore, #tpu.memory_space<semaphore_mem>>)
      %dma_wait3A_58 = arith.constant 0 : i32
      %dma_wait3A_59 = tpu.memref_slice %arg6[%mul3A_43, %dma_wait3A_58] : memref<125x80xi32, #tpu.memory_space<vmem>> -> memref<1x80xi32, #tpu.memory_space<vmem>>
      %dma_wait3A_60 = tpu.memref_squeeze %dma_wait3A_59 : memref<1x80xi32, #tpu.memory_space<vmem>> -> memref<80xi32, #tpu.memory_space<vmem>>
      %dma_wait3A_61 = arith.constant 0 : i32
      %dma_wait3A_62 = arith.constant 0 : i32
      %dma_wait3A_63 = tpu.memref_slice %arg2[%dma_wait3A_61, %dma_wait3A_62] : memref<10000x128xf32, #tpu.memory_space<hbm>> -> memref<10000x128xf32, #tpu.memory_space<hbm>>
      tpu.wait_indirect_dma semaphore(%arg13 : memref<!tpu.dma_semaphore, #tpu.memory_space<semaphore_mem>>) src(%dma_wait3A_63 : memref<10000x128xf32, #tpu.memory_space<hbm>>) dst(%arg8 : memref<80x128xf32, #tpu.memory_space<vmem>>)
      %dma_wait3A_64 = arith.constant 0 : i32
      %dma_wait3A_65 = tpu.memref_slice %arg7[%mul3A_43, %dma_wait3A_64] : memref<125x80xi32, #tpu.memory_space<vmem>> -> memref<1x80xi32, #tpu.memory_space<vmem>>
      %dma_wait3A_66 = tpu.memref_squeeze %dma_wait3A_65 : memref<1x80xi32, #tpu.memory_space<vmem>> -> memref<80xi32, #tpu.memory_space<vmem>>
      %dma_wait3A_67 = arith.constant 0 : i32
      %dma_wait3A_68 = arith.constant 0 : i32
      %dma_wait3A_69 = tpu.memref_slice %arg2[%dma_wait3A_67, %dma_wait3A_68] : memref<10000x128xf32, #tpu.memory_space<hbm>> -> memref<10000x128xf32, #tpu.memory_space<hbm>>
      tpu.wait_indirect_dma semaphore(%arg14 : memref<!tpu.dma_semaphore, #tpu.memory_space<semaphore_mem>>) src(%dma_wait3A_69 : memref<10000x128xf32, #tpu.memory_space<hbm>>) dst(%arg9 : memref<80x128xf32, #tpu.memory_space<vmem>>)
      %iota3A_70 = tpu.iota {dimensions = array<i32: 0>} : vector<16xi32>
      %broadcast_in_dim3A_71 = arith.constant 0.000000e+00 : f32
      %broadcast_in_dim3A_72 = vector.broadcast %broadcast_in_dim3A_71 : f32 to vector<16xf32>
      %scan3A_73 = arith.constant 0 : i32
      %scan3A_74 = arith.constant 10 : i32
      %scan3A_75 = arith.addi %scan3A_73, %scan3A_74 : i32
      %scan3A_76 = arith.constant 1 : i32
      %scan3A_77 = scf.for %scan3A_114 = %scan3A_73 to %scan3A_75 step %scan3A_76 iter_args(%scan3A_115 = %broadcast_in_dim3A_72) -> (vector<16xf32>)  : i32 {
        %mul3A_116 = arith.constant 8 : i32
        %mul3A_117 = arith.muli %scan3A_114, %mul3A_116 : i32
        %add3A_118 = arith.constant 0 : i32
        %add3A_119 = arith.addi %mul3A_117, %add3A_118 : i32
        %get3A = arith.index_cast %add3A_119 : i32 to index
        %get3A_120 = arith.constant 0 : index
        %get3A_121 = tpu.vector_load %arg8[%get3A, %get3A_120] {strides = array<i32>} : memref<80x128xf32, #tpu.memory_space<vmem>>, vector<1x16xf32>,
        %get3A_122 = vector.shape_cast %get3A_121 : vector<1x16xf32> to vector<16xf32>
        %get3A_123 = arith.index_cast %add3A_119 : i32 to index
        %get3A_124 = arith.constant 0 : index
        %get3A_125 = tpu.vector_load %arg9[%get3A_123, %get3A_124] {strides = array<i32>} : memref<80x128xf32, #tpu.memory_space<vmem>>, vector<1x16xf32>,
        %get3A_126 = vector.shape_cast %get3A_125 : vector<1x16xf32> to vector<16xf32>
        %mul3A_127 = arith.mulf %get3A_122, %get3A_126 : vector<16xf32>
        %get3A_128 = arith.index_cast %add3A_119 : i32 to index
        %get3A_129 = arith.constant 16 : index
        %get3A_130 = tpu.vector_load %arg8[%get3A_128, %get3A_129] {strides = array<i32>} : memref<80x128xf32, #tpu.memory_space<vmem>>, vector<1x16xf32>,
        %get3A_131 = vector.shape_cast %get3A_130 : vector<1x16xf32> to vector<16xf32>
        %get3A_132 = arith.index_cast %add3A_119 : i32 to index
        %get3A_133 = arith.constant 16 : index
        %get3A_134 = tpu.vector_load %arg9[%get3A_132, %get3A_133] {strides = array<i32>} : memref<80x128xf32, #tpu.memory_space<vmem>>, vector<1x16xf32>,
        %get3A_135 = vector.shape_cast %get3A_134 : vector<1x16xf32> to vector<16xf32>
        %mul3A_136 = arith.mulf %get3A_131, %get3A_135 : vector<16xf32>
        %add3A_137 = arith.addf %mul3A_127, %mul3A_136 : vector<16xf32>
        %get3A_138 = arith.index_cast %add3A_119 : i32 to index
        %get3A_139 = arith.constant 32 : index
        %get3A_140 = tpu.vector_load %arg8[%get3A_138, %get3A_139] {strides = array<i32>} : memref<80x128xf32, #tpu.memory_space<vmem>>, vector<1x16xf32>,
        %get3A_141 = vector.shape_cast %get3A_140 : vector<1x16xf32> to vector<16xf32>
        %get3A_142 = arith.index_cast %add3A_119 : i32 to index
        %get3A_143 = arith.constant 32 : index
        %get3A_144 = tpu.vector_load %arg9[%get3A_142, %get3A_143] {strides = array<i32>} : memref<80x128xf32, #tpu.memory_space<vmem>>, vector<1x16xf32>,
        %get3A_145 = vector.shape_cast %get3A_144 : vector<1x16xf32> to vector<16xf32>
        %mul3A_146 = arith.mulf %get3A_141, %get3A_145 : vector<16xf32>
        %add3A_147 = arith.addf %add3A_137, %mul3A_146 : vector<16xf32>
        %get3A_148 = arith.index_cast %add3A_119 : i32 to index
        %get3A_149 = arith.constant 48 : index
        %get3A_150 = tpu.vector_load %arg8[%get3A_148, %get3A_149] {strides = array<i32>} : memref<80x128xf32, #tpu.memory_space<vmem>>, vector<1x16xf32>,
        %get3A_151 = vector.shape_cast %get3A_150 : vector<1x16xf32> to vector<16xf32>
        %get3A_152 = arith.index_cast %add3A_119 : i32 to index
        %get3A_153 = arith.constant 48 : index
        %get3A_154 = tpu.vector_load %arg9[%get3A_152, %get3A_153] {strides = array<i32>} : memref<80x128xf32, #tpu.memory_space<vmem>>, vector<1x16xf32>,
        %get3A_155 = vector.shape_cast %get3A_154 : vector<1x16xf32> to vector<16xf32>
        %mul3A_156 = arith.mulf %get3A_151, %get3A_155 : vector<16xf32>
        %add3A_157 = arith.addf %add3A_147, %mul3A_156 : vector<16xf32>
        %get3A_158 = arith.index_cast %add3A_119 : i32 to index
        %get3A_159 = arith.constant 64 : index
        %get3A_160 = tpu.vector_load %arg8[%get3A_158, %get3A_159] {strides = array<i32>} : memref<80x128xf32, #tpu.memory_space<vmem>>, vector<1x16xf32>,
        %get3A_161 = vector.shape_cast %get3A_160 : vector<1x16xf32> to vector<16xf32>
        %get3A_162 = arith.index_cast %add3A_119 : i32 to index
        %get3A_163 = arith.constant 64 : index
        %get3A_164 = tpu.vector_load %arg9[%get3A_162, %get3A_163] {strides = array<i32>} : memref<80x128xf32, #tpu.memory_space<vmem>>, vector<1x16xf32>,
        %get3A_165 = vector.shape_cast %get3A_164 : vector<1x16xf32> to vector<16xf32>
        %mul3A_166 = arith.mulf %get3A_161, %get3A_165 : vector<16xf32>
        %add3A_167 = arith.addf %add3A_157, %mul3A_166 : vector<16xf32>
        %get3A_168 = arith.index_cast %add3A_119 : i32 to index
        %get3A_169 = arith.constant 80 : index
        %get3A_170 = tpu.vector_load %arg8[%get3A_168, %get3A_169] {strides = array<i32>} : memref<80x128xf32, #tpu.memory_space<vmem>>, vector<1x16xf32>,
        %get3A_171 = vector.shape_cast %get3A_170 : vector<1x16xf32> to vector<16xf32>
        %get3A_172 = arith.index_cast %add3A_119 : i32 to index
        %get3A_173 = arith.constant 80 : index
        %get3A_174 = tpu.vector_load %arg9[%get3A_172, %get3A_173] {strides = array<i32>} : memref<80x128xf32, #tpu.memory_space<vmem>>, vector<1x16xf32>,
        %get3A_175 = vector.shape_cast %get3A_174 : vector<1x16xf32> to vector<16xf32>
        %mul3A_176 = arith.mulf %get3A_171, %get3A_175 : vector<16xf32>
        %add3A_177 = arith.addf %add3A_167, %mul3A_176 : vector<16xf32>
        %get3A_178 = arith.index_cast %add3A_119 : i32 to index
        %get3A_179 = arith.constant 96 : index
        %get3A_180 = tpu.vector_load %arg8[%get3A_178, %get3A_179] {strides = array<i32>} : memref<80x128xf32, #tpu.memory_space<vmem>>, vector<1x16xf32>,
        %get3A_181 = vector.shape_cast %get3A_180 : vector<1x16xf32> to vector<16xf32>
        %get3A_182 = arith.index_cast %add3A_119 : i32 to index
        %get3A_183 = arith.constant 96 : index
        %get3A_184 = tpu.vector_load %arg9[%get3A_182, %get3A_183] {strides = array<i32>} : memref<80x128xf32, #tpu.memory_space<vmem>>, vector<1x16xf32>,
        %get3A_185 = vector.shape_cast %get3A_184 : vector<1x16xf32> to vector<16xf32>
        %mul3A_186 = arith.mulf %get3A_181, %get3A_185 : vector<16xf32>
        %add3A_187 = arith.addf %add3A_177, %mul3A_186 : vector<16xf32>
        %get3A_188 = arith.index_cast %add3A_119 : i32 to index
        %get3A_189 = arith.constant 112 : index
        %get3A_190 = tpu.vector_load %arg8[%get3A_188, %get3A_189] {strides = array<i32>} : memref<80x128xf32, #tpu.memory_space<vmem>>, vector<1x16xf32>,
        %get3A_191 = vector.shape_cast %get3A_190 : vector<1x16xf32> to vector<16xf32>
        %get3A_192 = arith.index_cast %add3A_119 : i32 to index
        %get3A_193 = arith.constant 112 : index
        %get3A_194 = tpu.vector_load %arg9[%get3A_192, %get3A_193] {strides = array<i32>} : memref<80x128xf32, #tpu.memory_space<vmem>>, vector<1x16xf32>,
        %get3A_195 = vector.shape_cast %get3A_194 : vector<1x16xf32> to vector<16xf32>
        %mul3A_196 = arith.mulf %get3A_191, %get3A_195 : vector<16xf32>
        %add3A_197 = arith.addf %add3A_187, %mul3A_196 : vector<16xf32>
        %xor3A = arith.constant 8 : i32
        %xor3A_198 = vector.broadcast %xor3A : i32 to vector<16xi32>
        %xor3A_199 = arith.xori %iota3A_70, %xor3A_198 : vector<16xi32>
        %lt3A = arith.constant 0 : i32
        %lt3A_200 = vector.broadcast %lt3A : i32 to vector<16xi32>
        %lt3A_201 = arith.cmpi slt, %xor3A_199, %lt3A_200 : vector<16xi32>
        %add3A_202 = arith.constant 16 : i32
        %add3A_203 = vector.broadcast %add3A_202 : i32 to vector<16xi32>
        %add3A_204 = arith.addi %xor3A_199, %add3A_203 : vector<16xi32>
        %select_n3A = arith.select %lt3A_201, %add3A_204, %xor3A_199 : vector<16xi1>, vector<16xi32>
        %broadcast_in_dim3A_205 = vector.shape_cast %select_n3A : vector<16xi32> to vector<16x1xi32>
        %gather3A = vector.shape_cast %broadcast_in_dim3A_205 : vector<16x1xi32> to vector<16xi32>
        %gather3A_206 = tpu.dynamic_gather %add3A_197[%gather3A] in [0] : vector<16xf32>, vector<16xi32> -> vector<16xf32>
        %add3A_207 = arith.addf %add3A_197, %gather3A_206 : vector<16xf32>
        %xor3A_208 = arith.constant 4 : i32
        %xor3A_209 = vector.broadcast %xor3A_208 : i32 to vector<16xi32>
        %xor3A_210 = arith.xori %iota3A_70, %xor3A_209 : vector<16xi32>
        %lt3A_211 = arith.constant 0 : i32
        %lt3A_212 = vector.broadcast %lt3A_211 : i32 to vector<16xi32>
        %lt3A_213 = arith.cmpi slt, %xor3A_210, %lt3A_212 : vector<16xi32>
        %add3A_214 = arith.constant 16 : i32
        %add3A_215 = vector.broadcast %add3A_214 : i32 to vector<16xi32>
        %add3A_216 = arith.addi %xor3A_210, %add3A_215 : vector<16xi32>
        %select_n3A_217 = arith.select %lt3A_213, %add3A_216, %xor3A_210 : vector<16xi1>, vector<16xi32>
        %broadcast_in_dim3A_218 = vector.shape_cast %select_n3A_217 : vector<16xi32> to vector<16x1xi32>
        %gather3A_219 = vector.shape_cast %broadcast_in_dim3A_218 : vector<16x1xi32> to vector<16xi32>
        %gather3A_220 = tpu.dynamic_gather %add3A_207[%gather3A_219] in [0] : vector<16xf32>, vector<16xi32> -> vector<16xf32>
        %add3A_221 = arith.addf %add3A_207, %gather3A_220 : vector<16xf32>
        %xor3A_222 = arith.constant 2 : i32
        %xor3A_223 = vector.broadcast %xor3A_222 : i32 to vector<16xi32>
        %xor3A_224 = arith.xori %iota3A_70, %xor3A_223 : vector<16xi32>
        %lt3A_225 = arith.constant 0 : i32
        %lt3A_226 = vector.broadcast %lt3A_225 : i32 to vector<16xi32>
        %lt3A_227 = arith.cmpi slt, %xor3A_224, %lt3A_226 : vector<16xi32>
        %add3A_228 = arith.constant 16 : i32
        %add3A_229 = vector.broadcast %add3A_228 : i32 to vector<16xi32>
        %add3A_230 = arith.addi %xor3A_224, %add3A_229 : vector<16xi32>
        %select_n3A_231 = arith.select %lt3A_227, %add3A_230, %xor3A_224 : vector<16xi1>, vector<16xi32>
        %broadcast_in_dim3A_232 = vector.shape_cast %select_n3A_231 : vector<16xi32> to vector<16x1xi32>
        %gather3A_233 = vector.shape_cast %broadcast_in_dim3A_232 : vector<16x1xi32> to vector<16xi32>
        %gather3A_234 = tpu.dynamic_gather %add3A_221[%gather3A_233] in [0] : vector<16xf32>, vector<16xi32> -> vector<16xf32>
        %add3A_235 = arith.addf %add3A_221, %gather3A_234 : vector<16xf32>
        %xor3A_236 = arith.constant 1 : i32
        %xor3A_237 = vector.broadcast %xor3A_236 : i32 to vector<16xi32>
        %xor3A_238 = arith.xori %iota3A_70, %xor3A_237 : vector<16xi32>
        %lt3A_239 = arith.constant 0 : i32
        %lt3A_240 = vector.broadcast %lt3A_239 : i32 to vector<16xi32>
        %lt3A_241 = arith.cmpi slt, %xor3A_238, %lt3A_240 : vector<16xi32>
        %add3A_242 = arith.constant 16 : i32
        %add3A_243 = vector.broadcast %add3A_242 : i32 to vector<16xi32>
        %add3A_244 = arith.addi %xor3A_238, %add3A_243 : vector<16xi32>
        %select_n3A_245 = arith.select %lt3A_241, %add3A_244, %xor3A_238 : vector<16xi1>, vector<16xi32>
        %broadcast_in_dim3A_246 = vector.shape_cast %select_n3A_245 : vector<16xi32> to vector<16x1xi32>
        %gather3A_247 = vector.shape_cast %broadcast_in_dim3A_246 : vector<16x1xi32> to vector<16xi32>
        %gather3A_248 = tpu.dynamic_gather %add3A_235[%gather3A_247] in [0] : vector<16xf32>, vector<16xi32> -> vector<16xf32>
        %add3A_249 = arith.addf %add3A_235, %gather3A_248 : vector<16xf32>
        %mul3A_250 = arith.constant 8 : i32
        %mul3A_251 = arith.muli %scan3A_114, %mul3A_250 : i32
        %add3A_252 = arith.constant 1 : i32
        %add3A_253 = arith.addi %mul3A_251, %add3A_252 : i32
        %get3A_254 = arith.index_cast %add3A_253 : i32 to index
        %get3A_255 = arith.constant 0 : index
        %get3A_256 = tpu.vector_load %arg8[%get3A_254, %get3A_255] {strides = array<i32>} : memref<80x128xf32, #tpu.memory_space<vmem>>, vector<1x16xf32>,
        %get3A_257 = vector.shape_cast %get3A_256 : vector<1x16xf32> to vector<16xf32>
        %get3A_258 = arith.index_cast %add3A_253 : i32 to index
        %get3A_259 = arith.constant 0 : index
        %get3A_260 = tpu.vector_load %arg9[%get3A_258, %get3A_259] {strides = array<i32>} : memref<80x128xf32, #tpu.memory_space<vmem>>, vector<1x16xf32>,
        %get3A_261 = vector.shape_cast %get3A_260 : vector<1x16xf32> to vector<16xf32>
        %mul3A_262 = arith.mulf %get3A_257, %get3A_261 : vector<16xf32>
        %get3A_263 = arith.index_cast %add3A_253 : i32 to index
        %get3A_264 = arith.constant 16 : index
        %get3A_265 = tpu.vector_load %arg8[%get3A_263, %get3A_264] {strides = array<i32>} : memref<80x128xf32, #tpu.memory_space<vmem>>, vector<1x16xf32>,
        %get3A_266 = vector.shape_cast %get3A_265 : vector<1x16xf32> to vector<16xf32>
        %get3A_267 = arith.index_cast %add3A_253 : i32 to index
        %get3A_268 = arith.constant 16 : index
        %get3A_269 = tpu.vector_load %arg9[%get3A_267, %get3A_268] {strides = array<i32>} : memref<80x128xf32, #tpu.memory_space<vmem>>, vector<1x16xf32>,
        %get3A_270 = vector.shape_cast %get3A_269 : vector<1x16xf32> to vector<16xf32>
        %mul3A_271 = arith.mulf %get3A_266, %get3A_270 : vector<16xf32>
        %add3A_272 = arith.addf %mul3A_262, %mul3A_271 : vector<16xf32>
        %get3A_273 = arith.index_cast %add3A_253 : i32 to index
        %get3A_274 = arith.constant 32 : index
        %get3A_275 = tpu.vector_load %arg8[%get3A_273, %get3A_274] {strides = array<i32>} : memref<80x128xf32, #tpu.memory_space<vmem>>, vector<1x16xf32>,
        %get3A_276 = vector.shape_cast %get3A_275 : vector<1x16xf32> to vector<16xf32>
        %get3A_277 = arith.index_cast %add3A_253 : i32 to index
        %get3A_278 = arith.constant 32 : index
        %get3A_279 = tpu.vector_load %arg9[%get3A_277, %get3A_278] {strides = array<i32>} : memref<80x128xf32, #tpu.memory_space<vmem>>, vector<1x16xf32>,
        %get3A_280 = vector.shape_cast %get3A_279 : vector<1x16xf32> to vector<16xf32>
        %mul3A_281 = arith.mulf %get3A_276, %get3A_280 : vector<16xf32>
        %add3A_282 = arith.addf %add3A_272, %mul3A_281 : vector<16xf32>
        %get3A_283 = arith.index_cast %add3A_253 : i32 to index
        %get3A_284 = arith.constant 48 : index
        %get3A_285 = tpu.vector_load %arg8[%get3A_283, %get3A_284] {strides = array<i32>} : memref<80x128xf32, #tpu.memory_space<vmem>>, vector<1x16xf32>,
        %get3A_286 = vector.shape_cast %get3A_285 : vector<1x16xf32> to vector<16xf32>
        %get3A_287 = arith.index_cast %add3A_253 : i32 to index
        %get3A_288 = arith.constant 48 : index
        %get3A_289 = tpu.vector_load %arg9[%get3A_287, %get3A_288] {strides = array<i32>} : memref<80x128xf32, #tpu.memory_space<vmem>>, vector<1x16xf32>,
        %get3A_290 = vector.shape_cast %get3A_289 : vector<1x16xf32> to vector<16xf32>
        %mul3A_291 = arith.mulf %get3A_286, %get3A_290 : vector<16xf32>
        %add3A_292 = arith.addf %add3A_282, %mul3A_291 : vector<16xf32>
        %get3A_293 = arith.index_cast %add3A_253 : i32 to index
        %get3A_294 = arith.constant 64 : index
        %get3A_295 = tpu.vector_load %arg8[%get3A_293, %get3A_294] {strides = array<i32>} : memref<80x128xf32, #tpu.memory_space<vmem>>, vector<1x16xf32>,
        %get3A_296 = vector.shape_cast %get3A_295 : vector<1x16xf32> to vector<16xf32>
        %get3A_297 = arith.index_cast %add3A_253 : i32 to index
        %get3A_298 = arith.constant 64 : index
        %get3A_299 = tpu.vector_load %arg9[%get3A_297, %get3A_298] {strides = array<i32>} : memref<80x128xf32, #tpu.memory_space<vmem>>, vector<1x16xf32>,
        %get3A_300 = vector.shape_cast %get3A_299 : vector<1x16xf32> to vector<16xf32>
        %mul3A_301 = arith.mulf %get3A_296, %get3A_300 : vector<16xf32>
        %add3A_302 = arith.addf %add3A_292, %mul3A_301 : vector<16xf32>
        %get3A_303 = arith.index_cast %add3A_253 : i32 to index
        %get3A_304 = arith.constant 80 : index
        %get3A_305 = tpu.vector_load %arg8[%get3A_303, %get3A_304] {strides = array<i32>} : memref<80x128xf32, #tpu.memory_space<vmem>>, vector<1x16xf32>,
        %get3A_306 = vector.shape_cast %get3A_305 : vector<1x16xf32> to vector<16xf32>
        %get3A_307 = arith.index_cast %add3A_253 : i32 to index
        %get3A_308 = arith.constant 80 : index
        %get3A_309 = tpu.vector_load %arg9[%get3A_307, %get3A_308] {strides = array<i32>} : memref<80x128xf32, #tpu.memory_space<vmem>>, vector<1x16xf32>,
        %get3A_310 = vector.shape_cast %get3A_309 : vector<1x16xf32> to vector<16xf32>
        %mul3A_311 = arith.mulf %get3A_306, %get3A_310 : vector<16xf32>
        %add3A_312 = arith.addf %add3A_302, %mul3A_311 : vector<16xf32>
        %get3A_313 = arith.index_cast %add3A_253 : i32 to index
        %get3A_314 = arith.constant 96 : index
        %get3A_315 = tpu.vector_load %arg8[%get3A_313, %get3A_314] {strides = array<i32>} : memref<80x128xf32, #tpu.memory_space<vmem>>, vector<1x16xf32>,
        %get3A_316 = vector.shape_cast %get3A_315 : vector<1x16xf32> to vector<16xf32>
        %get3A_317 = arith.index_cast %add3A_253 : i32 to index
        %get3A_318 = arith.constant 96 : index
        %get3A_319 = tpu.vector_load %arg9[%get3A_317, %get3A_318] {strides = array<i32>} : memref<80x128xf32, #tpu.memory_space<vmem>>, vector<1x16xf32>,
        %get3A_320 = vector.shape_cast %get3A_319 : vector<1x16xf32> to vector<16xf32>
        %mul3A_321 = arith.mulf %get3A_316, %get3A_320 : vector<16xf32>
        %add3A_322 = arith.addf %add3A_312, %mul3A_321 : vector<16xf32>
        %get3A_323 = arith.index_cast %add3A_253 : i32 to index
        %get3A_324 = arith.constant 112 : index
        %get3A_325 = tpu.vector_load %arg8[%get3A_323, %get3A_324] {strides = array<i32>} : memref<80x128xf32, #tpu.memory_space<vmem>>, vector<1x16xf32>,
        %get3A_326 = vector.shape_cast %get3A_325 : vector<1x16xf32> to vector<16xf32>
        %get3A_327 = arith.index_cast %add3A_253 : i32 to index
        %get3A_328 = arith.constant 112 : index
        %get3A_329 = tpu.vector_load %arg9[%get3A_327, %get3A_328] {strides = array<i32>} : memref<80x128xf32, #tpu.memory_space<vmem>>, vector<1x16xf32>,
        %get3A_330 = vector.shape_cast %get3A_329 : vector<1x16xf32> to vector<16xf32>
        %mul3A_331 = arith.mulf %get3A_326, %get3A_330 : vector<16xf32>
        %add3A_332 = arith.addf %add3A_322, %mul3A_331 : vector<16xf32>
        %xor3A_333 = arith.constant 8 : i32
        %xor3A_334 = vector.broadcast %xor3A_333 : i32 to vector<16xi32>
        %xor3A_335 = arith.xori %iota3A_70, %xor3A_334 : vector<16xi32>
        %lt3A_336 = arith.constant 0 : i32
        %lt3A_337 = vector.broadcast %lt3A_336 : i32 to vector<16xi32>
        %lt3A_338 = arith.cmpi slt, %xor3A_335, %lt3A_337 : vector<16xi32>
        %add3A_339 = arith.constant 16 : i32
        %add3A_340 = vector.broadcast %add3A_339 : i32 to vector<16xi32>
        %add3A_341 = arith.addi %xor3A_335, %add3A_340 : vector<16xi32>
        %select_n3A_342 = arith.select %lt3A_338, %add3A_341, %xor3A_335 : vector<16xi1>, vector<16xi32>
        %broadcast_in_dim3A_343 = vector.shape_cast %select_n3A_342 : vector<16xi32> to vector<16x1xi32>
        %gather3A_344 = vector.shape_cast %broadcast_in_dim3A_343 : vector<16x1xi32> to vector<16xi32>
        %gather3A_345 = tpu.dynamic_gather %add3A_332[%gather3A_344] in [0] : vector<16xf32>, vector<16xi32> -> vector<16xf32>
        %add3A_346 = arith.addf %add3A_332, %gather3A_345 : vector<16xf32>
        %xor3A_347 = arith.constant 4 : i32
        %xor3A_348 = vector.broadcast %xor3A_347 : i32 to vector<16xi32>
        %xor3A_349 = arith.xori %iota3A_70, %xor3A_348 : vector<16xi32>
        %lt3A_350 = arith.constant 0 : i32
        %lt3A_351 = vector.broadcast %lt3A_350 : i32 to vector<16xi32>
        %lt3A_352 = arith.cmpi slt, %xor3A_349, %lt3A_351 : vector<16xi32>
        %add3A_353 = arith.constant 16 : i32
        %add3A_354 = vector.broadcast %add3A_353 : i32 to vector<16xi32>
        %add3A_355 = arith.addi %xor3A_349, %add3A_354 : vector<16xi32>
        %select_n3A_356 = arith.select %lt3A_352, %add3A_355, %xor3A_349 : vector<16xi1>, vector<16xi32>
        %broadcast_in_dim3A_357 = vector.shape_cast %select_n3A_356 : vector<16xi32> to vector<16x1xi32>
        %gather3A_358 = vector.shape_cast %broadcast_in_dim3A_357 : vector<16x1xi32> to vector<16xi32>
        %gather3A_359 = tpu.dynamic_gather %add3A_346[%gather3A_358] in [0] : vector<16xf32>, vector<16xi32> -> vector<16xf32>
        %add3A_360 = arith.addf %add3A_346, %gather3A_359 : vector<16xf32>
        %xor3A_361 = arith.constant 2 : i32
        %xor3A_362 = vector.broadcast %xor3A_361 : i32 to vector<16xi32>
        %xor3A_363 = arith.xori %iota3A_70, %xor3A_362 : vector<16xi32>
        %lt3A_364 = arith.constant 0 : i32
        %lt3A_365 = vector.broadcast %lt3A_364 : i32 to vector<16xi32>
        %lt3A_366 = arith.cmpi slt, %xor3A_363, %lt3A_365 : vector<16xi32>
        %add3A_367 = arith.constant 16 : i32
        %add3A_368 = vector.broadcast %add3A_367 : i32 to vector<16xi32>
        %add3A_369 = arith.addi %xor3A_363, %add3A_368 : vector<16xi32>
        %select_n3A_370 = arith.select %lt3A_366, %add3A_369, %xor3A_363 : vector<16xi1>, vector<16xi32>
        %broadcast_in_dim3A_371 = vector.shape_cast %select_n3A_370 : vector<16xi32> to vector<16x1xi32>
        %gather3A_372 = vector.shape_cast %broadcast_in_dim3A_371 : vector<16x1xi32> to vector<16xi32>
        %gather3A_373 = tpu.dynamic_gather %add3A_360[%gather3A_372] in [0] : vector<16xf32>, vector<16xi32> -> vector<16xf32>
        %add3A_374 = arith.addf %add3A_360, %gather3A_373 : vector<16xf32>
        %xor3A_375 = arith.constant 1 : i32
        %xor3A_376 = vector.broadcast %xor3A_375 : i32 to vector<16xi32>
        %xor3A_377 = arith.xori %iota3A_70, %xor3A_376 : vector<16xi32>
        %lt3A_378 = arith.constant 0 : i32
        %lt3A_379 = vector.broadcast %lt3A_378 : i32 to vector<16xi32>
        %lt3A_380 = arith.cmpi slt, %xor3A_377, %lt3A_379 : vector<16xi32>
        %add3A_381 = arith.constant 16 : i32
        %add3A_382 = vector.broadcast %add3A_381 : i32 to vector<16xi32>
        %add3A_383 = arith.addi %xor3A_377, %add3A_382 : vector<16xi32>
        %select_n3A_384 = arith.select %lt3A_380, %add3A_383, %xor3A_377 : vector<16xi1>, vector<16xi32>
        %broadcast_in_dim3A_385 = vector.shape_cast %select_n3A_384 : vector<16xi32> to vector<16x1xi32>
        %gather3A_386 = vector.shape_cast %broadcast_in_dim3A_385 : vector<16x1xi32> to vector<16xi32>
        %gather3A_387 = tpu.dynamic_gather %add3A_374[%gather3A_386] in [0] : vector<16xf32>, vector<16xi32> -> vector<16xf32>
        %add3A_388 = arith.addf %add3A_374, %gather3A_387 : vector<16xf32>
        %eq3A = arith.constant 1 : i32
        %eq3A_389 = vector.broadcast %eq3A : i32 to vector<16xi32>
        %eq3A_390 = arith.cmpi eq, %iota3A_70, %eq3A_389 : vector<16xi32>
        %select_n3A_391 = arith.select %eq3A_390, %add3A_388, %add3A_249 : vector<16xi1>, vector<16xf32>
        %mul3A_392 = arith.constant 8 : i32
        %mul3A_393 = arith.muli %scan3A_114, %mul3A_392 : i32
        %add3A_394 = arith.constant 2 : i32
        %add3A_395 = arith.addi %mul3A_393, %add3A_394 : i32
        %get3A_396 = arith.index_cast %add3A_395 : i32 to index
        %get3A_397 = arith.constant 0 : index
        %get3A_398 = tpu.vector_load %arg8[%get3A_396, %get3A_397] {strides = array<i32>} : memref<80x128xf32, #tpu.memory_space<vmem>>, vector<1x16xf32>,
        %get3A_399 = vector.shape_cast %get3A_398 : vector<1x16xf32> to vector<16xf32>
        %get3A_400 = arith.index_cast %add3A_395 : i32 to index
        %get3A_401 = arith.constant 0 : index
        %get3A_402 = tpu.vector_load %arg9[%get3A_400, %get3A_401] {strides = array<i32>} : memref<80x128xf32, #tpu.memory_space<vmem>>, vector<1x16xf32>,
        %get3A_403 = vector.shape_cast %get3A_402 : vector<1x16xf32> to vector<16xf32>
        %mul3A_404 = arith.mulf %get3A_399, %get3A_403 : vector<16xf32>
        %get3A_405 = arith.index_cast %add3A_395 : i32 to index
        %get3A_406 = arith.constant 16 : index
        %get3A_407 = tpu.vector_load %arg8[%get3A_405, %get3A_406] {strides = array<i32>} : memref<80x128xf32, #tpu.memory_space<vmem>>, vector<1x16xf32>,
        %get3A_408 = vector.shape_cast %get3A_407 : vector<1x16xf32> to vector<16xf32>
        %get3A_409 = arith.index_cast %add3A_395 : i32 to index
        %get3A_410 = arith.constant 16 : index
        %get3A_411 = tpu.vector_load %arg9[%get3A_409, %get3A_410] {strides = array<i32>} : memref<80x128xf32, #tpu.memory_space<vmem>>, vector<1x16xf32>,
        %get3A_412 = vector.shape_cast %get3A_411 : vector<1x16xf32> to vector<16xf32>
        %mul3A_413 = arith.mulf %get3A_408, %get3A_412 : vector<16xf32>
        %add3A_414 = arith.addf %mul3A_404, %mul3A_413 : vector<16xf32>
        %get3A_415 = arith.index_cast %add3A_395 : i32 to index
        %get3A_416 = arith.constant 32 : index
        %get3A_417 = tpu.vector_load %arg8[%get3A_415, %get3A_416] {strides = array<i32>} : memref<80x128xf32, #tpu.memory_space<vmem>>, vector<1x16xf32>,
        %get3A_418 = vector.shape_cast %get3A_417 : vector<1x16xf32> to vector<16xf32>
        %get3A_419 = arith.index_cast %add3A_395 : i32 to index
        %get3A_420 = arith.constant 32 : index
        %get3A_421 = tpu.vector_load %arg9[%get3A_419, %get3A_420] {strides = array<i32>} : memref<80x128xf32, #tpu.memory_space<vmem>>, vector<1x16xf32>,
        %get3A_422 = vector.shape_cast %get3A_421 : vector<1x16xf32> to vector<16xf32>
        %mul3A_423 = arith.mulf %get3A_418, %get3A_422 : vector<16xf32>
        %add3A_424 = arith.addf %add3A_414, %mul3A_423 : vector<16xf32>
        %get3A_425 = arith.index_cast %add3A_395 : i32 to index
        %get3A_426 = arith.constant 48 : index
        %get3A_427 = tpu.vector_load %arg8[%get3A_425, %get3A_426] {strides = array<i32>} : memref<80x128xf32, #tpu.memory_space<vmem>>, vector<1x16xf32>,
        %get3A_428 = vector.shape_cast %get3A_427 : vector<1x16xf32> to vector<16xf32>
        %get3A_429 = arith.index_cast %add3A_395 : i32 to index
        %get3A_430 = arith.constant 48 : index
        %get3A_431 = tpu.vector_load %arg9[%get3A_429, %get3A_430] {strides = array<i32>} : memref<80x128xf32, #tpu.memory_space<vmem>>, vector<1x16xf32>,
        %get3A_432 = vector.shape_cast %get3A_431 : vector<1x16xf32> to vector<16xf32>
        %mul3A_433 = arith.mulf %get3A_428, %get3A_432 : vector<16xf32>
        %add3A_434 = arith.addf %add3A_424, %mul3A_433 : vector<16xf32>
        %get3A_435 = arith.index_cast %add3A_395 : i32 to index
        %get3A_436 = arith.constant 64 : index
        %get3A_437 = tpu.vector_load %arg8[%get3A_435, %get3A_436] {strides = array<i32>} : memref<80x128xf32, #tpu.memory_space<vmem>>, vector<1x16xf32>,
        %get3A_438 = vector.shape_cast %get3A_437 : vector<1x16xf32> to vector<16xf32>
        %get3A_439 = arith.index_cast %add3A_395 : i32 to index
        %get3A_440 = arith.constant 64 : index
        %get3A_441 = tpu.vector_load %arg9[%get3A_439, %get3A_440] {strides = array<i32>} : memref<80x128xf32, #tpu.memory_space<vmem>>, vector<1x16xf32>,
        %get3A_442 = vector.shape_cast %get3A_441 : vector<1x16xf32> to vector<16xf32>
        %mul3A_443 = arith.mulf %get3A_438, %get3A_442 : vector<16xf32>
        %add3A_444 = arith.addf %add3A_434, %mul3A_443 : vector<16xf32>
        %get3A_445 = arith.index_cast %add3A_395 : i32 to index
        %get3A_446 = arith.constant 80 : index
        %get3A_447 = tpu.vector_load %arg8[%get3A_445, %get3A_446] {strides = array<i32>} : memref<80x128xf32, #tpu.memory_space<vmem>>, vector<1x16xf32>,
        %get3A_448 = vector.shape_cast %get3A_447 : vector<1x16xf32> to vector<16xf32>
        %get3A_449 = arith.index_cast %add3A_395 : i32 to index
        %get3A_450 = arith.constant 80 : index
        %get3A_451 = tpu.vector_load %arg9[%get3A_449, %get3A_450] {strides = array<i32>} : memref<80x128xf32, #tpu.memory_space<vmem>>, vector<1x16xf32>,
        %get3A_452 = vector.shape_cast %get3A_451 : vector<1x16xf32> to vector<16xf32>
        %mul3A_453 = arith.mulf %get3A_448, %get3A_452 : vector<16xf32>
        %add3A_454 = arith.addf %add3A_444, %mul3A_453 : vector<16xf32>
        %get3A_455 = arith.index_cast %add3A_395 : i32 to index
        %get3A_456 = arith.constant 96 : index
        %get3A_457 = tpu.vector_load %arg8[%get3A_455, %get3A_456] {strides = array<i32>} : memref<80x128xf32, #tpu.memory_space<vmem>>, vector<1x16xf32>,
        %get3A_458 = vector.shape_cast %get3A_457 : vector<1x16xf32> to vector<16xf32>
        %get3A_459 = arith.index_cast %add3A_395 : i32 to index
        %get3A_460 = arith.constant 96 : index
        %get3A_461 = tpu.vector_load %arg9[%get3A_459, %get3A_460] {strides = array<i32>} : memref<80x128xf32, #tpu.memory_space<vmem>>, vector<1x16xf32>,
        %get3A_462 = vector.shape_cast %get3A_461 : vector<1x16xf32> to vector<16xf32>
        %mul3A_463 = arith.mulf %get3A_458, %get3A_462 : vector<16xf32>
        %add3A_464 = arith.addf %add3A_454, %mul3A_463 : vector<16xf32>
        %get3A_465 = arith.index_cast %add3A_395 : i32 to index
        %get3A_466 = arith.constant 112 : index
        %get3A_467 = tpu.vector_load %arg8[%get3A_465, %get3A_466] {strides = array<i32>} : memref<80x128xf32, #tpu.memory_space<vmem>>, vector<1x16xf32>,
        %get3A_468 = vector.shape_cast %get3A_467 : vector<1x16xf32> to vector<16xf32>
        %get3A_469 = arith.index_cast %add3A_395 : i32 to index
        %get3A_470 = arith.constant 112 : index
        %get3A_471 = tpu.vector_load %arg9[%get3A_469, %get3A_470] {strides = array<i32>} : memref<80x128xf32, #tpu.memory_space<vmem>>, vector<1x16xf32>,
        %get3A_472 = vector.shape_cast %get3A_471 : vector<1x16xf32> to vector<16xf32>
        %mul3A_473 = arith.mulf %get3A_468, %get3A_472 : vector<16xf32>
        %add3A_474 = arith.addf %add3A_464, %mul3A_473 : vector<16xf32>
        %xor3A_475 = arith.constant 8 : i32
        %xor3A_476 = vector.broadcast %xor3A_475 : i32 to vector<16xi32>
        %xor3A_477 = arith.xori %iota3A_70, %xor3A_476 : vector<16xi32>
        %lt3A_478 = arith.constant 0 : i32
        %lt3A_479 = vector.broadcast %lt3A_478 : i32 to vector<16xi32>
        %lt3A_480 = arith.cmpi slt, %xor3A_477, %lt3A_479 : vector<16xi32>
        %add3A_481 = arith.constant 16 : i32
        %add3A_482 = vector.broadcast %add3A_481 : i32 to vector<16xi32>
        %add3A_483 = arith.addi %xor3A_477, %add3A_482 : vector<16xi32>
        %select_n3A_484 = arith.select %lt3A_480, %add3A_483, %xor3A_477 : vector<16xi1>, vector<16xi32>
        %broadcast_in_dim3A_485 = vector.shape_cast %select_n3A_484 : vector<16xi32> to vector<16x1xi32>
        %gather3A_486 = vector.shape_cast %broadcast_in_dim3A_485 : vector<16x1xi32> to vector<16xi32>
        %gather3A_487 = tpu.dynamic_gather %add3A_474[%gather3A_486] in [0] : vector<16xf32>, vector<16xi32> -> vector<16xf32>
        %add3A_488 = arith.addf %add3A_474, %gather3A_487 : vector<16xf32>
        %xor3A_489 = arith.constant 4 : i32
        %xor3A_490 = vector.broadcast %xor3A_489 : i32 to vector<16xi32>
        %xor3A_491 = arith.xori %iota3A_70, %xor3A_490 : vector<16xi32>
        %lt3A_492 = arith.constant 0 : i32
        %lt3A_493 = vector.broadcast %lt3A_492 : i32 to vector<16xi32>
        %lt3A_494 = arith.cmpi slt, %xor3A_491, %lt3A_493 : vector<16xi32>
        %add3A_495 = arith.constant 16 : i32
        %add3A_496 = vector.broadcast %add3A_495 : i32 to vector<16xi32>
        %add3A_497 = arith.addi %xor3A_491, %add3A_496 : vector<16xi32>
        %select_n3A_498 = arith.select %lt3A_494, %add3A_497, %xor3A_491 : vector<16xi1>, vector<16xi32>
        %broadcast_in_dim3A_499 = vector.shape_cast %select_n3A_498 : vector<16xi32> to vector<16x1xi32>
        %gather3A_500 = vector.shape_cast %broadcast_in_dim3A_499 : vector<16x1xi32> to vector<16xi32>
        %gather3A_501 = tpu.dynamic_gather %add3A_488[%gather3A_500] in [0] : vector<16xf32>, vector<16xi32> -> vector<16xf32>
        %add3A_502 = arith.addf %add3A_488, %gather3A_501 : vector<16xf32>
        %xor3A_503 = arith.constant 2 : i32
        %xor3A_504 = vector.broadcast %xor3A_503 : i32 to vector<16xi32>
        %xor3A_505 = arith.xori %iota3A_70, %xor3A_504 : vector<16xi32>
        %lt3A_506 = arith.constant 0 : i32
        %lt3A_507 = vector.broadcast %lt3A_506 : i32 to vector<16xi32>
        %lt3A_508 = arith.cmpi slt, %xor3A_505, %lt3A_507 : vector<16xi32>
        %add3A_509 = arith.constant 16 : i32
        %add3A_510 = vector.broadcast %add3A_509 : i32 to vector<16xi32>
        %add3A_511 = arith.addi %xor3A_505, %add3A_510 : vector<16xi32>
        %select_n3A_512 = arith.select %lt3A_508, %add3A_511, %xor3A_505 : vector<16xi1>, vector<16xi32>
        %broadcast_in_dim3A_513 = vector.shape_cast %select_n3A_512 : vector<16xi32> to vector<16x1xi32>
        %gather3A_514 = vector.shape_cast %broadcast_in_dim3A_513 : vector<16x1xi32> to vector<16xi32>
        %gather3A_515 = tpu.dynamic_gather %add3A_502[%gather3A_514] in [0] : vector<16xf32>, vector<16xi32> -> vector<16xf32>
        %add3A_516 = arith.addf %add3A_502, %gather3A_515 : vector<16xf32>
        %xor3A_517 = arith.constant 1 : i32
        %xor3A_518 = vector.broadcast %xor3A_517 : i32 to vector<16xi32>
        %xor3A_519 = arith.xori %iota3A_70, %xor3A_518 : vector<16xi32>
        %lt3A_520 = arith.constant 0 : i32
        %lt3A_521 = vector.broadcast %lt3A_520 : i32 to vector<16xi32>
        %lt3A_522 = arith.cmpi slt, %xor3A_519, %lt3A_521 : vector<16xi32>
        %add3A_523 = arith.constant 16 : i32
        %add3A_524 = vector.broadcast %add3A_523 : i32 to vector<16xi32>
        %add3A_525 = arith.addi %xor3A_519, %add3A_524 : vector<16xi32>
        %select_n3A_526 = arith.select %lt3A_522, %add3A_525, %xor3A_519 : vector<16xi1>, vector<16xi32>
        %broadcast_in_dim3A_527 = vector.shape_cast %select_n3A_526 : vector<16xi32> to vector<16x1xi32>
        %gather3A_528 = vector.shape_cast %broadcast_in_dim3A_527 : vector<16x1xi32> to vector<16xi32>
        %gather3A_529 = tpu.dynamic_gather %add3A_516[%gather3A_528] in [0] : vector<16xf32>, vector<16xi32> -> vector<16xf32>
        %add3A_530 = arith.addf %add3A_516, %gather3A_529 : vector<16xf32>
        %eq3A_531 = arith.constant 2 : i32
        %eq3A_532 = vector.broadcast %eq3A_531 : i32 to vector<16xi32>
        %eq3A_533 = arith.cmpi eq, %iota3A_70, %eq3A_532 : vector<16xi32>
        %select_n3A_534 = arith.select %eq3A_533, %add3A_530, %select_n3A_391 : vector<16xi1>, vector<16xf32>
        %mul3A_535 = arith.constant 8 : i32
        %mul3A_536 = arith.muli %scan3A_114, %mul3A_535 : i32
        %add3A_537 = arith.constant 3 : i32
        %add3A_538 = arith.addi %mul3A_536, %add3A_537 : i32
        %get3A_539 = arith.index_cast %add3A_538 : i32 to index
        %get3A_540 = arith.constant 0 : index
        %get3A_541 = tpu.vector_load %arg8[%get3A_539, %get3A_540] {strides = array<i32>} : memref<80x128xf32, #tpu.memory_space<vmem>>, vector<1x16xf32>,
        %get3A_542 = vector.shape_cast %get3A_541 : vector<1x16xf32> to vector<16xf32>
        %get3A_543 = arith.index_cast %add3A_538 : i32 to index
        %get3A_544 = arith.constant 0 : index
        %get3A_545 = tpu.vector_load %arg9[%get3A_543, %get3A_544] {strides = array<i32>} : memref<80x128xf32, #tpu.memory_space<vmem>>, vector<1x16xf32>,
        %get3A_546 = vector.shape_cast %get3A_545 : vector<1x16xf32> to vector<16xf32>
        %mul3A_547 = arith.mulf %get3A_542, %get3A_546 : vector<16xf32>
        %get3A_548 = arith.index_cast %add3A_538 : i32 to index
        %get3A_549 = arith.constant 16 : index
        %get3A_550 = tpu.vector_load %arg8[%get3A_548, %get3A_549] {strides = array<i32>} : memref<80x128xf32, #tpu.memory_space<vmem>>, vector<1x16xf32>,
        %get3A_551 = vector.shape_cast %get3A_550 : vector<1x16xf32> to vector<16xf32>
        %get3A_552 = arith.index_cast %add3A_538 : i32 to index
        %get3A_553 = arith.constant 16 : index
        %get3A_554 = tpu.vector_load %arg9[%get3A_552, %get3A_553] {strides = array<i32>} : memref<80x128xf32, #tpu.memory_space<vmem>>, vector<1x16xf32>,
        %get3A_555 = vector.shape_cast %get3A_554 : vector<1x16xf32> to vector<16xf32>
        %mul3A_556 = arith.mulf %get3A_551, %get3A_555 : vector<16xf32>
        %add3A_557 = arith.addf %mul3A_547, %mul3A_556 : vector<16xf32>
        %get3A_558 = arith.index_cast %add3A_538 : i32 to index
        %get3A_559 = arith.constant 32 : index
        %get3A_560 = tpu.vector_load %arg8[%get3A_558, %get3A_559] {strides = array<i32>} : memref<80x128xf32, #tpu.memory_space<vmem>>, vector<1x16xf32>,
        %get3A_561 = vector.shape_cast %get3A_560 : vector<1x16xf32> to vector<16xf32>
        %get3A_562 = arith.index_cast %add3A_538 : i32 to index
        %get3A_563 = arith.constant 32 : index
        %get3A_564 = tpu.vector_load %arg9[%get3A_562, %get3A_563] {strides = array<i32>} : memref<80x128xf32, #tpu.memory_space<vmem>>, vector<1x16xf32>,
        %get3A_565 = vector.shape_cast %get3A_564 : vector<1x16xf32> to vector<16xf32>
        %mul3A_566 = arith.mulf %get3A_561, %get3A_565 : vector<16xf32>
        %add3A_567 = arith.addf %add3A_557, %mul3A_566 : vector<16xf32>
        %get3A_568 = arith.index_cast %add3A_538 : i32 to index
        %get3A_569 = arith.constant 48 : index
        %get3A_570 = tpu.vector_load %arg8[%get3A_568, %get3A_569] {strides = array<i32>} : memref<80x128xf32, #tpu.memory_space<vmem>>, vector<1x16xf32>,
        %get3A_571 = vector.shape_cast %get3A_570 : vector<1x16xf32> to vector<16xf32>
        %get3A_572 = arith.index_cast %add3A_538 : i32 to index
        %get3A_573 = arith.constant 48 : index
        %get3A_574 = tpu.vector_load %arg9[%get3A_572, %get3A_573] {strides = array<i32>} : memref<80x128xf32, #tpu.memory_space<vmem>>, vector<1x16xf32>,
        %get3A_575 = vector.shape_cast %get3A_574 : vector<1x16xf32> to vector<16xf32>
        %mul3A_576 = arith.mulf %get3A_571, %get3A_575 : vector<16xf32>
        %add3A_577 = arith.addf %add3A_567, %mul3A_576 : vector<16xf32>
        %get3A_578 = arith.index_cast %add3A_538 : i32 to index
        %get3A_579 = arith.constant 64 : index
        %get3A_580 = tpu.vector_load %arg8[%get3A_578, %get3A_579] {strides = array<i32>} : memref<80x128xf32, #tpu.memory_space<vmem>>, vector<1x16xf32>,
        %get3A_581 = vector.shape_cast %get3A_580 : vector<1x16xf32> to vector<16xf32>
        %get3A_582 = arith.index_cast %add3A_538 : i32 to index
        %get3A_583 = arith.constant 64 : index
        %get3A_584 = tpu.vector_load %arg9[%get3A_582, %get3A_583] {strides = array<i32>} : memref<80x128xf32, #tpu.memory_space<vmem>>, vector<1x16xf32>,
        %get3A_585 = vector.shape_cast %get3A_584 : vector<1x16xf32> to vector<16xf32>
        %mul3A_586 = arith.mulf %get3A_581, %get3A_585 : vector<16xf32>
        %add3A_587 = arith.addf %add3A_577, %mul3A_586 : vector<16xf32>
        %get3A_588 = arith.index_cast %add3A_538 : i32 to index
        %get3A_589 = arith.constant 80 : index
        %get3A_590 = tpu.vector_load %arg8[%get3A_588, %get3A_589] {strides = array<i32>} : memref<80x128xf32, #tpu.memory_space<vmem>>, vector<1x16xf32>,
        %get3A_591 = vector.shape_cast %get3A_590 : vector<1x16xf32> to vector<16xf32>
        %get3A_592 = arith.index_cast %add3A_538 : i32 to index
        %get3A_593 = arith.constant 80 : index
        %get3A_594 = tpu.vector_load %arg9[%get3A_592, %get3A_593] {strides = array<i32>} : memref<80x128xf32, #tpu.memory_space<vmem>>, vector<1x16xf32>,
        %get3A_595 = vector.shape_cast %get3A_594 : vector<1x16xf32> to vector<16xf32>
        %mul3A_596 = arith.mulf %get3A_591, %get3A_595 : vector<16xf32>
        %add3A_597 = arith.addf %add3A_587, %mul3A_596 : vector<16xf32>
        %get3A_598 = arith.index_cast %add3A_538 : i32 to index
        %get3A_599 = arith.constant 96 : index
        %get3A_600 = tpu.vector_load %arg8[%get3A_598, %get3A_599] {strides = array<i32>} : memref<80x128xf32, #tpu.memory_space<vmem>>, vector<1x16xf32>,
        %get3A_601 = vector.shape_cast %get3A_600 : vector<1x16xf32> to vector<16xf32>
        %get3A_602 = arith.index_cast %add3A_538 : i32 to index
        %get3A_603 = arith.constant 96 : index
        %get3A_604 = tpu.vector_load %arg9[%get3A_602, %get3A_603] {strides = array<i32>} : memref<80x128xf32, #tpu.memory_space<vmem>>, vector<1x16xf32>,
        %get3A_605 = vector.shape_cast %get3A_604 : vector<1x16xf32> to vector<16xf32>
        %mul3A_606 = arith.mulf %get3A_601, %get3A_605 : vector<16xf32>
        %add3A_607 = arith.addf %add3A_597, %mul3A_606 : vector<16xf32>
        %get3A_608 = arith.index_cast %add3A_538 : i32 to index
        %get3A_609 = arith.constant 112 : index
        %get3A_610 = tpu.vector_load %arg8[%get3A_608, %get3A_609] {strides = array<i32>} : memref<80x128xf32, #tpu.memory_space<vmem>>, vector<1x16xf32>,
        %get3A_611 = vector.shape_cast %get3A_610 : vector<1x16xf32> to vector<16xf32>
        %get3A_612 = arith.index_cast %add3A_538 : i32 to index
        %get3A_613 = arith.constant 112 : index
        %get3A_614 = tpu.vector_load %arg9[%get3A_612, %get3A_613] {strides = array<i32>} : memref<80x128xf32, #tpu.memory_space<vmem>>, vector<1x16xf32>,
        %get3A_615 = vector.shape_cast %get3A_614 : vector<1x16xf32> to vector<16xf32>
        %mul3A_616 = arith.mulf %get3A_611, %get3A_615 : vector<16xf32>
        %add3A_617 = arith.addf %add3A_607, %mul3A_616 : vector<16xf32>
        %xor3A_618 = arith.constant 8 : i32
        %xor3A_619 = vector.broadcast %xor3A_618 : i32 to vector<16xi32>
        %xor3A_620 = arith.xori %iota3A_70, %xor3A_619 : vector<16xi32>
        %lt3A_621 = arith.constant 0 : i32
        %lt3A_622 = vector.broadcast %lt3A_621 : i32 to vector<16xi32>
        %lt3A_623 = arith.cmpi slt, %xor3A_620, %lt3A_622 : vector<16xi32>
        %add3A_624 = arith.constant 16 : i32
        %add3A_625 = vector.broadcast %add3A_624 : i32 to vector<16xi32>
        %add3A_626 = arith.addi %xor3A_620, %add3A_625 : vector<16xi32>
        %select_n3A_627 = arith.select %lt3A_623, %add3A_626, %xor3A_620 : vector<16xi1>, vector<16xi32>
        %broadcast_in_dim3A_628 = vector.shape_cast %select_n3A_627 : vector<16xi32> to vector<16x1xi32>
        %gather3A_629 = vector.shape_cast %broadcast_in_dim3A_628 : vector<16x1xi32> to vector<16xi32>
        %gather3A_630 = tpu.dynamic_gather %add3A_617[%gather3A_629] in [0] : vector<16xf32>, vector<16xi32> -> vector<16xf32>
        %add3A_631 = arith.addf %add3A_617, %gather3A_630 : vector<16xf32>
        %xor3A_632 = arith.constant 4 : i32
        %xor3A_633 = vector.broadcast %xor3A_632 : i32 to vector<16xi32>
        %xor3A_634 = arith.xori %iota3A_70, %xor3A_633 : vector<16xi32>
        %lt3A_635 = arith.constant 0 : i32
        %lt3A_636 = vector.broadcast %lt3A_635 : i32 to vector<16xi32>
        %lt3A_637 = arith.cmpi slt, %xor3A_634, %lt3A_636 : vector<16xi32>
        %add3A_638 = arith.constant 16 : i32
        %add3A_639 = vector.broadcast %add3A_638 : i32 to vector<16xi32>
        %add3A_640 = arith.addi %xor3A_634, %add3A_639 : vector<16xi32>
        %select_n3A_641 = arith.select %lt3A_637, %add3A_640, %xor3A_634 : vector<16xi1>, vector<16xi32>
        %broadcast_in_dim3A_642 = vector.shape_cast %select_n3A_641 : vector<16xi32> to vector<16x1xi32>
        %gather3A_643 = vector.shape_cast %broadcast_in_dim3A_642 : vector<16x1xi32> to vector<16xi32>
        %gather3A_644 = tpu.dynamic_gather %add3A_631[%gather3A_643] in [0] : vector<16xf32>, vector<16xi32> -> vector<16xf32>
        %add3A_645 = arith.addf %add3A_631, %gather3A_644 : vector<16xf32>
        %xor3A_646 = arith.constant 2 : i32
        %xor3A_647 = vector.broadcast %xor3A_646 : i32 to vector<16xi32>
        %xor3A_648 = arith.xori %iota3A_70, %xor3A_647 : vector<16xi32>
        %lt3A_649 = arith.constant 0 : i32
        %lt3A_650 = vector.broadcast %lt3A_649 : i32 to vector<16xi32>
        %lt3A_651 = arith.cmpi slt, %xor3A_648, %lt3A_650 : vector<16xi32>
        %add3A_652 = arith.constant 16 : i32
        %add3A_653 = vector.broadcast %add3A_652 : i32 to vector<16xi32>
        %add3A_654 = arith.addi %xor3A_648, %add3A_653 : vector<16xi32>
        %select_n3A_655 = arith.select %lt3A_651, %add3A_654, %xor3A_648 : vector<16xi1>, vector<16xi32>
        %broadcast_in_dim3A_656 = vector.shape_cast %select_n3A_655 : vector<16xi32> to vector<16x1xi32>
        %gather3A_657 = vector.shape_cast %broadcast_in_dim3A_656 : vector<16x1xi32> to vector<16xi32>
        %gather3A_658 = tpu.dynamic_gather %add3A_645[%gather3A_657] in [0] : vector<16xf32>, vector<16xi32> -> vector<16xf32>
        %add3A_659 = arith.addf %add3A_645, %gather3A_658 : vector<16xf32>
        %xor3A_660 = arith.constant 1 : i32
        %xor3A_661 = vector.broadcast %xor3A_660 : i32 to vector<16xi32>
        %xor3A_662 = arith.xori %iota3A_70, %xor3A_661 : vector<16xi32>
        %lt3A_663 = arith.constant 0 : i32
        %lt3A_664 = vector.broadcast %lt3A_663 : i32 to vector<16xi32>
        %lt3A_665 = arith.cmpi slt, %xor3A_662, %lt3A_664 : vector<16xi32>
        %add3A_666 = arith.constant 16 : i32
        %add3A_667 = vector.broadcast %add3A_666 : i32 to vector<16xi32>
        %add3A_668 = arith.addi %xor3A_662, %add3A_667 : vector<16xi32>
        %select_n3A_669 = arith.select %lt3A_665, %add3A_668, %xor3A_662 : vector<16xi1>, vector<16xi32>
        %broadcast_in_dim3A_670 = vector.shape_cast %select_n3A_669 : vector<16xi32> to vector<16x1xi32>
        %gather3A_671 = vector.shape_cast %broadcast_in_dim3A_670 : vector<16x1xi32> to vector<16xi32>
        %gather3A_672 = tpu.dynamic_gather %add3A_659[%gather3A_671] in [0] : vector<16xf32>, vector<16xi32> -> vector<16xf32>
        %add3A_673 = arith.addf %add3A_659, %gather3A_672 : vector<16xf32>
        %eq3A_674 = arith.constant 3 : i32
        %eq3A_675 = vector.broadcast %eq3A_674 : i32 to vector<16xi32>
        %eq3A_676 = arith.cmpi eq, %iota3A_70, %eq3A_675 : vector<16xi32>
        %select_n3A_677 = arith.select %eq3A_676, %add3A_673, %select_n3A_534 : vector<16xi1>, vector<16xf32>
        %mul3A_678 = arith.constant 8 : i32
        %mul3A_679 = arith.muli %scan3A_114, %mul3A_678 : i32
        %add3A_680 = arith.constant 4 : i32
        %add3A_681 = arith.addi %mul3A_679, %add3A_680 : i32
        %get3A_682 = arith.index_cast %add3A_681 : i32 to index
        %get3A_683 = arith.constant 0 : index
        %get3A_684 = tpu.vector_load %arg8[%get3A_682, %get3A_683] {strides = array<i32>} : memref<80x128xf32, #tpu.memory_space<vmem>>, vector<1x16xf32>,
        %get3A_685 = vector.shape_cast %get3A_684 : vector<1x16xf32> to vector<16xf32>
        %get3A_686 = arith.index_cast %add3A_681 : i32 to index
        %get3A_687 = arith.constant 0 : index
        %get3A_688 = tpu.vector_load %arg9[%get3A_686, %get3A_687] {strides = array<i32>} : memref<80x128xf32, #tpu.memory_space<vmem>>, vector<1x16xf32>,
        %get3A_689 = vector.shape_cast %get3A_688 : vector<1x16xf32> to vector<16xf32>
        %mul3A_690 = arith.mulf %get3A_685, %get3A_689 : vector<16xf32>
        %get3A_691 = arith.index_cast %add3A_681 : i32 to index
        %get3A_692 = arith.constant 16 : index
        %get3A_693 = tpu.vector_load %arg8[%get3A_691, %get3A_692] {strides = array<i32>} : memref<80x128xf32, #tpu.memory_space<vmem>>, vector<1x16xf32>,
        %get3A_694 = vector.shape_cast %get3A_693 : vector<1x16xf32> to vector<16xf32>
        %get3A_695 = arith.index_cast %add3A_681 : i32 to index
        %get3A_696 = arith.constant 16 : index
        %get3A_697 = tpu.vector_load %arg9[%get3A_695, %get3A_696] {strides = array<i32>} : memref<80x128xf32, #tpu.memory_space<vmem>>, vector<1x16xf32>,
        %get3A_698 = vector.shape_cast %get3A_697 : vector<1x16xf32> to vector<16xf32>
        %mul3A_699 = arith.mulf %get3A_694, %get3A_698 : vector<16xf32>
        %add3A_700 = arith.addf %mul3A_690, %mul3A_699 : vector<16xf32>
        %get3A_701 = arith.index_cast %add3A_681 : i32 to index
        %get3A_702 = arith.constant 32 : index
        %get3A_703 = tpu.vector_load %arg8[%get3A_701, %get3A_702] {strides = array<i32>} : memref<80x128xf32, #tpu.memory_space<vmem>>, vector<1x16xf32>,
        %get3A_704 = vector.shape_cast %get3A_703 : vector<1x16xf32> to vector<16xf32>
        %get3A_705 = arith.index_cast %add3A_681 : i32 to index
        %get3A_706 = arith.constant 32 : index
        %get3A_707 = tpu.vector_load %arg9[%get3A_705, %get3A_706] {strides = array<i32>} : memref<80x128xf32, #tpu.memory_space<vmem>>, vector<1x16xf32>,
        %get3A_708 = vector.shape_cast %get3A_707 : vector<1x16xf32> to vector<16xf32>
        %mul3A_709 = arith.mulf %get3A_704, %get3A_708 : vector<16xf32>
        %add3A_710 = arith.addf %add3A_700, %mul3A_709 : vector<16xf32>
        %get3A_711 = arith.index_cast %add3A_681 : i32 to index
        %get3A_712 = arith.constant 48 : index
        %get3A_713 = tpu.vector_load %arg8[%get3A_711, %get3A_712] {strides = array<i32>} : memref<80x128xf32, #tpu.memory_space<vmem>>, vector<1x16xf32>,
        %get3A_714 = vector.shape_cast %get3A_713 : vector<1x16xf32> to vector<16xf32>
        %get3A_715 = arith.index_cast %add3A_681 : i32 to index
        %get3A_716 = arith.constant 48 : index
        %get3A_717 = tpu.vector_load %arg9[%get3A_715, %get3A_716] {strides = array<i32>} : memref<80x128xf32, #tpu.memory_space<vmem>>, vector<1x16xf32>,
        %get3A_718 = vector.shape_cast %get3A_717 : vector<1x16xf32> to vector<16xf32>
        %mul3A_719 = arith.mulf %get3A_714, %get3A_718 : vector<16xf32>
        %add3A_720 = arith.addf %add3A_710, %mul3A_719 : vector<16xf32>
        %get3A_721 = arith.index_cast %add3A_681 : i32 to index
        %get3A_722 = arith.constant 64 : index
        %get3A_723 = tpu.vector_load %arg8[%get3A_721, %get3A_722] {strides = array<i32>} : memref<80x128xf32, #tpu.memory_space<vmem>>, vector<1x16xf32>,
        %get3A_724 = vector.shape_cast %get3A_723 : vector<1x16xf32> to vector<16xf32>
        %get3A_725 = arith.index_cast %add3A_681 : i32 to index
        %get3A_726 = arith.constant 64 : index
        %get3A_727 = tpu.vector_load %arg9[%get3A_725, %get3A_726] {strides = array<i32>} : memref<80x128xf32, #tpu.memory_space<vmem>>, vector<1x16xf32>,
        %get3A_728 = vector.shape_cast %get3A_727 : vector<1x16xf32> to vector<16xf32>
        %mul3A_729 = arith.mulf %get3A_724, %get3A_728 : vector<16xf32>
        %add3A_730 = arith.addf %add3A_720, %mul3A_729 : vector<16xf32>
        %get3A_731 = arith.index_cast %add3A_681 : i32 to index
        %get3A_732 = arith.constant 80 : index
        %get3A_733 = tpu.vector_load %arg8[%get3A_731, %get3A_732] {strides = array<i32>} : memref<80x128xf32, #tpu.memory_space<vmem>>, vector<1x16xf32>,
        %get3A_734 = vector.shape_cast %get3A_733 : vector<1x16xf32> to vector<16xf32>
        %get3A_735 = arith.index_cast %add3A_681 : i32 to index
        %get3A_736 = arith.constant 80 : index
        %get3A_737 = tpu.vector_load %arg9[%get3A_735, %get3A_736] {strides = array<i32>} : memref<80x128xf32, #tpu.memory_space<vmem>>, vector<1x16xf32>,
        %get3A_738 = vector.shape_cast %get3A_737 : vector<1x16xf32> to vector<16xf32>
        %mul3A_739 = arith.mulf %get3A_734, %get3A_738 : vector<16xf32>
        %add3A_740 = arith.addf %add3A_730, %mul3A_739 : vector<16xf32>
        %get3A_741 = arith.index_cast %add3A_681 : i32 to index
        %get3A_742 = arith.constant 96 : index
        %get3A_743 = tpu.vector_load %arg8[%get3A_741, %get3A_742] {strides = array<i32>} : memref<80x128xf32, #tpu.memory_space<vmem>>, vector<1x16xf32>,
        %get3A_744 = vector.shape_cast %get3A_743 : vector<1x16xf32> to vector<16xf32>
        %get3A_745 = arith.index_cast %add3A_681 : i32 to index
        %get3A_746 = arith.constant 96 : index
        %get3A_747 = tpu.vector_load %arg9[%get3A_745, %get3A_746] {strides = array<i32>} : memref<80x128xf32, #tpu.memory_space<vmem>>, vector<1x16xf32>,
        %get3A_748 = vector.shape_cast %get3A_747 : vector<1x16xf32> to vector<16xf32>
        %mul3A_749 = arith.mulf %get3A_744, %get3A_748 : vector<16xf32>
        %add3A_750 = arith.addf %add3A_740, %mul3A_749 : vector<16xf32>
        %get3A_751 = arith.index_cast %add3A_681 : i32 to index
        %get3A_752 = arith.constant 112 : index
        %get3A_753 = tpu.vector_load %arg8[%get3A_751, %get3A_752] {strides = array<i32>} : memref<80x128xf32, #tpu.memory_space<vmem>>, vector<1x16xf32>,
        %get3A_754 = vector.shape_cast %get3A_753 : vector<1x16xf32> to vector<16xf32>
        %get3A_755 = arith.index_cast %add3A_681 : i32 to index
        %get3A_756 = arith.constant 112 : index
        %get3A_757 = tpu.vector_load %arg9[%get3A_755, %get3A_756] {strides = array<i32>} : memref<80x128xf32, #tpu.memory_space<vmem>>, vector<1x16xf32>,
        %get3A_758 = vector.shape_cast %get3A_757 : vector<1x16xf32> to vector<16xf32>
        %mul3A_759 = arith.mulf %get3A_754, %get3A_758 : vector<16xf32>
        %add3A_760 = arith.addf %add3A_750, %mul3A_759 : vector<16xf32>
        %xor3A_761 = arith.constant 8 : i32
        %xor3A_762 = vector.broadcast %xor3A_761 : i32 to vector<16xi32>
        %xor3A_763 = arith.xori %iota3A_70, %xor3A_762 : vector<16xi32>
        %lt3A_764 = arith.constant 0 : i32
        %lt3A_765 = vector.broadcast %lt3A_764 : i32 to vector<16xi32>
        %lt3A_766 = arith.cmpi slt, %xor3A_763, %lt3A_765 : vector<16xi32>
        %add3A_767 = arith.constant 16 : i32
        %add3A_768 = vector.broadcast %add3A_767 : i32 to vector<16xi32>
        %add3A_769 = arith.addi %xor3A_763, %add3A_768 : vector<16xi32>
        %select_n3A_770 = arith.select %lt3A_766, %add3A_769, %xor3A_763 : vector<16xi1>, vector<16xi32>
        %broadcast_in_dim3A_771 = vector.shape_cast %select_n3A_770 : vector<16xi32> to vector<16x1xi32>
        %gather3A_772 = vector.shape_cast %broadcast_in_dim3A_771 : vector<16x1xi32> to vector<16xi32>
        %gather3A_773 = tpu.dynamic_gather %add3A_760[%gather3A_772] in [0] : vector<16xf32>, vector<16xi32> -> vector<16xf32>
        %add3A_774 = arith.addf %add3A_760, %gather3A_773 : vector<16xf32>
        %xor3A_775 = arith.constant 4 : i32
        %xor3A_776 = vector.broadcast %xor3A_775 : i32 to vector<16xi32>
        %xor3A_777 = arith.xori %iota3A_70, %xor3A_776 : vector<16xi32>
        %lt3A_778 = arith.constant 0 : i32
        %lt3A_779 = vector.broadcast %lt3A_778 : i32 to vector<16xi32>
        %lt3A_780 = arith.cmpi slt, %xor3A_777, %lt3A_779 : vector<16xi32>
        %add3A_781 = arith.constant 16 : i32
        %add3A_782 = vector.broadcast %add3A_781 : i32 to vector<16xi32>
        %add3A_783 = arith.addi %xor3A_777, %add3A_782 : vector<16xi32>
        %select_n3A_784 = arith.select %lt3A_780, %add3A_783, %xor3A_777 : vector<16xi1>, vector<16xi32>
        %broadcast_in_dim3A_785 = vector.shape_cast %select_n3A_784 : vector<16xi32> to vector<16x1xi32>
        %gather3A_786 = vector.shape_cast %broadcast_in_dim3A_785 : vector<16x1xi32> to vector<16xi32>
        %gather3A_787 = tpu.dynamic_gather %add3A_774[%gather3A_786] in [0] : vector<16xf32>, vector<16xi32> -> vector<16xf32>
        %add3A_788 = arith.addf %add3A_774, %gather3A_787 : vector<16xf32>
        %xor3A_789 = arith.constant 2 : i32
        %xor3A_790 = vector.broadcast %xor3A_789 : i32 to vector<16xi32>
        %xor3A_791 = arith.xori %iota3A_70, %xor3A_790 : vector<16xi32>
        %lt3A_792 = arith.constant 0 : i32
        %lt3A_793 = vector.broadcast %lt3A_792 : i32 to vector<16xi32>
        %lt3A_794 = arith.cmpi slt, %xor3A_791, %lt3A_793 : vector<16xi32>
        %add3A_795 = arith.constant 16 : i32
        %add3A_796 = vector.broadcast %add3A_795 : i32 to vector<16xi32>
        %add3A_797 = arith.addi %xor3A_791, %add3A_796 : vector<16xi32>
        %select_n3A_798 = arith.select %lt3A_794, %add3A_797, %xor3A_791 : vector<16xi1>, vector<16xi32>
        %broadcast_in_dim3A_799 = vector.shape_cast %select_n3A_798 : vector<16xi32> to vector<16x1xi32>
        %gather3A_800 = vector.shape_cast %broadcast_in_dim3A_799 : vector<16x1xi32> to vector<16xi32>
        %gather3A_801 = tpu.dynamic_gather %add3A_788[%gather3A_800] in [0] : vector<16xf32>, vector<16xi32> -> vector<16xf32>
        %add3A_802 = arith.addf %add3A_788, %gather3A_801 : vector<16xf32>
        %xor3A_803 = arith.constant 1 : i32
        %xor3A_804 = vector.broadcast %xor3A_803 : i32 to vector<16xi32>
        %xor3A_805 = arith.xori %iota3A_70, %xor3A_804 : vector<16xi32>
        %lt3A_806 = arith.constant 0 : i32
        %lt3A_807 = vector.broadcast %lt3A_806 : i32 to vector<16xi32>
        %lt3A_808 = arith.cmpi slt, %xor3A_805, %lt3A_807 : vector<16xi32>
        %add3A_809 = arith.constant 16 : i32
        %add3A_810 = vector.broadcast %add3A_809 : i32 to vector<16xi32>
        %add3A_811 = arith.addi %xor3A_805, %add3A_810 : vector<16xi32>
        %select_n3A_812 = arith.select %lt3A_808, %add3A_811, %xor3A_805 : vector<16xi1>, vector<16xi32>
        %broadcast_in_dim3A_813 = vector.shape_cast %select_n3A_812 : vector<16xi32> to vector<16x1xi32>
        %gather3A_814 = vector.shape_cast %broadcast_in_dim3A_813 : vector<16x1xi32> to vector<16xi32>
        %gather3A_815 = tpu.dynamic_gather %add3A_802[%gather3A_814] in [0] : vector<16xf32>, vector<16xi32> -> vector<16xf32>
        %add3A_816 = arith.addf %add3A_802, %gather3A_815 : vector<16xf32>
        %eq3A_817 = arith.constant 4 : i32
        %eq3A_818 = vector.broadcast %eq3A_817 : i32 to vector<16xi32>
        %eq3A_819 = arith.cmpi eq, %iota3A_70, %eq3A_818 : vector<16xi32>
        %select_n3A_820 = arith.select %eq3A_819, %add3A_816, %select_n3A_677 : vector<16xi1>, vector<16xf32>
        %mul3A_821 = arith.constant 8 : i32
        %mul3A_822 = arith.muli %scan3A_114, %mul3A_821 : i32
        %add3A_823 = arith.constant 5 : i32
        %add3A_824 = arith.addi %mul3A_822, %add3A_823 : i32
        %get3A_825 = arith.index_cast %add3A_824 : i32 to index
        %get3A_826 = arith.constant 0 : index
        %get3A_827 = tpu.vector_load %arg8[%get3A_825, %get3A_826] {strides = array<i32>} : memref<80x128xf32, #tpu.memory_space<vmem>>, vector<1x16xf32>,
        %get3A_828 = vector.shape_cast %get3A_827 : vector<1x16xf32> to vector<16xf32>
        %get3A_829 = arith.index_cast %add3A_824 : i32 to index
        %get3A_830 = arith.constant 0 : index
        %get3A_831 = tpu.vector_load %arg9[%get3A_829, %get3A_830] {strides = array<i32>} : memref<80x128xf32, #tpu.memory_space<vmem>>, vector<1x16xf32>,
        %get3A_832 = vector.shape_cast %get3A_831 : vector<1x16xf32> to vector<16xf32>
        %mul3A_833 = arith.mulf %get3A_828, %get3A_832 : vector<16xf32>
        %get3A_834 = arith.index_cast %add3A_824 : i32 to index
        %get3A_835 = arith.constant 16 : index
        %get3A_836 = tpu.vector_load %arg8[%get3A_834, %get3A_835] {strides = array<i32>} : memref<80x128xf32, #tpu.memory_space<vmem>>, vector<1x16xf32>,
        %get3A_837 = vector.shape_cast %get3A_836 : vector<1x16xf32> to vector<16xf32>
        %get3A_838 = arith.index_cast %add3A_824 : i32 to index
        %get3A_839 = arith.constant 16 : index
        %get3A_840 = tpu.vector_load %arg9[%get3A_838, %get3A_839] {strides = array<i32>} : memref<80x128xf32, #tpu.memory_space<vmem>>, vector<1x16xf32>,
        %get3A_841 = vector.shape_cast %get3A_840 : vector<1x16xf32> to vector<16xf32>
        %mul3A_842 = arith.mulf %get3A_837, %get3A_841 : vector<16xf32>
        %add3A_843 = arith.addf %mul3A_833, %mul3A_842 : vector<16xf32>
        %get3A_844 = arith.index_cast %add3A_824 : i32 to index
        %get3A_845 = arith.constant 32 : index
        %get3A_846 = tpu.vector_load %arg8[%get3A_844, %get3A_845] {strides = array<i32>} : memref<80x128xf32, #tpu.memory_space<vmem>>, vector<1x16xf32>,
        %get3A_847 = vector.shape_cast %get3A_846 : vector<1x16xf32> to vector<16xf32>
        %get3A_848 = arith.index_cast %add3A_824 : i32 to index
        %get3A_849 = arith.constant 32 : index
        %get3A_850 = tpu.vector_load %arg9[%get3A_848, %get3A_849] {strides = array<i32>} : memref<80x128xf32, #tpu.memory_space<vmem>>, vector<1x16xf32>,
        %get3A_851 = vector.shape_cast %get3A_850 : vector<1x16xf32> to vector<16xf32>
        %mul3A_852 = arith.mulf %get3A_847, %get3A_851 : vector<16xf32>
        %add3A_853 = arith.addf %add3A_843, %mul3A_852 : vector<16xf32>
        %get3A_854 = arith.index_cast %add3A_824 : i32 to index
        %get3A_855 = arith.constant 48 : index
        %get3A_856 = tpu.vector_load %arg8[%get3A_854, %get3A_855] {strides = array<i32>} : memref<80x128xf32, #tpu.memory_space<vmem>>, vector<1x16xf32>,
        %get3A_857 = vector.shape_cast %get3A_856 : vector<1x16xf32> to vector<16xf32>
        %get3A_858 = arith.index_cast %add3A_824 : i32 to index
        %get3A_859 = arith.constant 48 : index
        %get3A_860 = tpu.vector_load %arg9[%get3A_858, %get3A_859] {strides = array<i32>} : memref<80x128xf32, #tpu.memory_space<vmem>>, vector<1x16xf32>,
        %get3A_861 = vector.shape_cast %get3A_860 : vector<1x16xf32> to vector<16xf32>
        %mul3A_862 = arith.mulf %get3A_857, %get3A_861 : vector<16xf32>
        %add3A_863 = arith.addf %add3A_853, %mul3A_862 : vector<16xf32>
        %get3A_864 = arith.index_cast %add3A_824 : i32 to index
        %get3A_865 = arith.constant 64 : index
        %get3A_866 = tpu.vector_load %arg8[%get3A_864, %get3A_865] {strides = array<i32>} : memref<80x128xf32, #tpu.memory_space<vmem>>, vector<1x16xf32>,
        %get3A_867 = vector.shape_cast %get3A_866 : vector<1x16xf32> to vector<16xf32>
        %get3A_868 = arith.index_cast %add3A_824 : i32 to index
        %get3A_869 = arith.constant 64 : index
        %get3A_870 = tpu.vector_load %arg9[%get3A_868, %get3A_869] {strides = array<i32>} : memref<80x128xf32, #tpu.memory_space<vmem>>, vector<1x16xf32>,
        %get3A_871 = vector.shape_cast %get3A_870 : vector<1x16xf32> to vector<16xf32>
        %mul3A_872 = arith.mulf %get3A_867, %get3A_871 : vector<16xf32>
        %add3A_873 = arith.addf %add3A_863, %mul3A_872 : vector<16xf32>
        %get3A_874 = arith.index_cast %add3A_824 : i32 to index
        %get3A_875 = arith.constant 80 : index
        %get3A_876 = tpu.vector_load %arg8[%get3A_874, %get3A_875] {strides = array<i32>} : memref<80x128xf32, #tpu.memory_space<vmem>>, vector<1x16xf32>,
        %get3A_877 = vector.shape_cast %get3A_876 : vector<1x16xf32> to vector<16xf32>
        %get3A_878 = arith.index_cast %add3A_824 : i32 to index
        %get3A_879 = arith.constant 80 : index
        %get3A_880 = tpu.vector_load %arg9[%get3A_878, %get3A_879] {strides = array<i32>} : memref<80x128xf32, #tpu.memory_space<vmem>>, vector<1x16xf32>,
        %get3A_881 = vector.shape_cast %get3A_880 : vector<1x16xf32> to vector<16xf32>
        %mul3A_882 = arith.mulf %get3A_877, %get3A_881 : vector<16xf32>
        %add3A_883 = arith.addf %add3A_873, %mul3A_882 : vector<16xf32>
        %get3A_884 = arith.index_cast %add3A_824 : i32 to index
        %get3A_885 = arith.constant 96 : index
        %get3A_886 = tpu.vector_load %arg8[%get3A_884, %get3A_885] {strides = array<i32>} : memref<80x128xf32, #tpu.memory_space<vmem>>, vector<1x16xf32>,
        %get3A_887 = vector.shape_cast %get3A_886 : vector<1x16xf32> to vector<16xf32>
        %get3A_888 = arith.index_cast %add3A_824 : i32 to index
        %get3A_889 = arith.constant 96 : index
        %get3A_890 = tpu.vector_load %arg9[%get3A_888, %get3A_889] {strides = array<i32>} : memref<80x128xf32, #tpu.memory_space<vmem>>, vector<1x16xf32>,
        %get3A_891 = vector.shape_cast %get3A_890 : vector<1x16xf32> to vector<16xf32>
        %mul3A_892 = arith.mulf %get3A_887, %get3A_891 : vector<16xf32>
        %add3A_893 = arith.addf %add3A_883, %mul3A_892 : vector<16xf32>
        %get3A_894 = arith.index_cast %add3A_824 : i32 to index
        %get3A_895 = arith.constant 112 : index
        %get3A_896 = tpu.vector_load %arg8[%get3A_894, %get3A_895] {strides = array<i32>} : memref<80x128xf32, #tpu.memory_space<vmem>>, vector<1x16xf32>,
        %get3A_897 = vector.shape_cast %get3A_896 : vector<1x16xf32> to vector<16xf32>
        %get3A_898 = arith.index_cast %add3A_824 : i32 to index
        %get3A_899 = arith.constant 112 : index
        %get3A_900 = tpu.vector_load %arg9[%get3A_898, %get3A_899] {strides = array<i32>} : memref<80x128xf32, #tpu.memory_space<vmem>>, vector<1x16xf32>,
        %get3A_901 = vector.shape_cast %get3A_900 : vector<1x16xf32> to vector<16xf32>
        %mul3A_902 = arith.mulf %get3A_897, %get3A_901 : vector<16xf32>
        %add3A_903 = arith.addf %add3A_893, %mul3A_902 : vector<16xf32>
        %xor3A_904 = arith.constant 8 : i32
        %xor3A_905 = vector.broadcast %xor3A_904 : i32 to vector<16xi32>
        %xor3A_906 = arith.xori %iota3A_70, %xor3A_905 : vector<16xi32>
        %lt3A_907 = arith.constant 0 : i32
        %lt3A_908 = vector.broadcast %lt3A_907 : i32 to vector<16xi32>
        %lt3A_909 = arith.cmpi slt, %xor3A_906, %lt3A_908 : vector<16xi32>
        %add3A_910 = arith.constant 16 : i32
        %add3A_911 = vector.broadcast %add3A_910 : i32 to vector<16xi32>
        %add3A_912 = arith.addi %xor3A_906, %add3A_911 : vector<16xi32>
        %select_n3A_913 = arith.select %lt3A_909, %add3A_912, %xor3A_906 : vector<16xi1>, vector<16xi32>
        %broadcast_in_dim3A_914 = vector.shape_cast %select_n3A_913 : vector<16xi32> to vector<16x1xi32>
        %gather3A_915 = vector.shape_cast %broadcast_in_dim3A_914 : vector<16x1xi32> to vector<16xi32>
        %gather3A_916 = tpu.dynamic_gather %add3A_903[%gather3A_915] in [0] : vector<16xf32>, vector<16xi32> -> vector<16xf32>
        %add3A_917 = arith.addf %add3A_903, %gather3A_916 : vector<16xf32>
        %xor3A_918 = arith.constant 4 : i32
        %xor3A_919 = vector.broadcast %xor3A_918 : i32 to vector<16xi32>
        %xor3A_920 = arith.xori %iota3A_70, %xor3A_919 : vector<16xi32>
        %lt3A_921 = arith.constant 0 : i32
        %lt3A_922 = vector.broadcast %lt3A_921 : i32 to vector<16xi32>
        %lt3A_923 = arith.cmpi slt, %xor3A_920, %lt3A_922 : vector<16xi32>
        %add3A_924 = arith.constant 16 : i32
        %add3A_925 = vector.broadcast %add3A_924 : i32 to vector<16xi32>
        %add3A_926 = arith.addi %xor3A_920, %add3A_925 : vector<16xi32>
        %select_n3A_927 = arith.select %lt3A_923, %add3A_926, %xor3A_920 : vector<16xi1>, vector<16xi32>
        %broadcast_in_dim3A_928 = vector.shape_cast %select_n3A_927 : vector<16xi32> to vector<16x1xi32>
        %gather3A_929 = vector.shape_cast %broadcast_in_dim3A_928 : vector<16x1xi32> to vector<16xi32>
        %gather3A_930 = tpu.dynamic_gather %add3A_917[%gather3A_929] in [0] : vector<16xf32>, vector<16xi32> -> vector<16xf32>
        %add3A_931 = arith.addf %add3A_917, %gather3A_930 : vector<16xf32>
        %xor3A_932 = arith.constant 2 : i32
        %xor3A_933 = vector.broadcast %xor3A_932 : i32 to vector<16xi32>
        %xor3A_934 = arith.xori %iota3A_70, %xor3A_933 : vector<16xi32>
        %lt3A_935 = arith.constant 0 : i32
        %lt3A_936 = vector.broadcast %lt3A_935 : i32 to vector<16xi32>
        %lt3A_937 = arith.cmpi slt, %xor3A_934, %lt3A_936 : vector<16xi32>
        %add3A_938 = arith.constant 16 : i32
        %add3A_939 = vector.broadcast %add3A_938 : i32 to vector<16xi32>
        %add3A_940 = arith.addi %xor3A_934, %add3A_939 : vector<16xi32>
        %select_n3A_941 = arith.select %lt3A_937, %add3A_940, %xor3A_934 : vector<16xi1>, vector<16xi32>
        %broadcast_in_dim3A_942 = vector.shape_cast %select_n3A_941 : vector<16xi32> to vector<16x1xi32>
        %gather3A_943 = vector.shape_cast %broadcast_in_dim3A_942 : vector<16x1xi32> to vector<16xi32>
        %gather3A_944 = tpu.dynamic_gather %add3A_931[%gather3A_943] in [0] : vector<16xf32>, vector<16xi32> -> vector<16xf32>
        %add3A_945 = arith.addf %add3A_931, %gather3A_944 : vector<16xf32>
        %xor3A_946 = arith.constant 1 : i32
        %xor3A_947 = vector.broadcast %xor3A_946 : i32 to vector<16xi32>
        %xor3A_948 = arith.xori %iota3A_70, %xor3A_947 : vector<16xi32>
        %lt3A_949 = arith.constant 0 : i32
        %lt3A_950 = vector.broadcast %lt3A_949 : i32 to vector<16xi32>
        %lt3A_951 = arith.cmpi slt, %xor3A_948, %lt3A_950 : vector<16xi32>
        %add3A_952 = arith.constant 16 : i32
        %add3A_953 = vector.broadcast %add3A_952 : i32 to vector<16xi32>
        %add3A_954 = arith.addi %xor3A_948, %add3A_953 : vector<16xi32>
        %select_n3A_955 = arith.select %lt3A_951, %add3A_954, %xor3A_948 : vector<16xi1>, vector<16xi32>
        %broadcast_in_dim3A_956 = vector.shape_cast %select_n3A_955 : vector<16xi32> to vector<16x1xi32>
        %gather3A_957 = vector.shape_cast %broadcast_in_dim3A_956 : vector<16x1xi32> to vector<16xi32>
        %gather3A_958 = tpu.dynamic_gather %add3A_945[%gather3A_957] in [0] : vector<16xf32>, vector<16xi32> -> vector<16xf32>
        %add3A_959 = arith.addf %add3A_945, %gather3A_958 : vector<16xf32>
        %eq3A_960 = arith.constant 5 : i32
        %eq3A_961 = vector.broadcast %eq3A_960 : i32 to vector<16xi32>
        %eq3A_962 = arith.cmpi eq, %iota3A_70, %eq3A_961 : vector<16xi32>
        %select_n3A_963 = arith.select %eq3A_962, %add3A_959, %select_n3A_820 : vector<16xi1>, vector<16xf32>
        %mul3A_964 = arith.constant 8 : i32
        %mul3A_965 = arith.muli %scan3A_114, %mul3A_964 : i32
        %add3A_966 = arith.constant 6 : i32
        %add3A_967 = arith.addi %mul3A_965, %add3A_966 : i32
        %get3A_968 = arith.index_cast %add3A_967 : i32 to index
        %get3A_969 = arith.constant 0 : index
        %get3A_970 = tpu.vector_load %arg8[%get3A_968, %get3A_969] {strides = array<i32>} : memref<80x128xf32, #tpu.memory_space<vmem>>, vector<1x16xf32>,
        %get3A_971 = vector.shape_cast %get3A_970 : vector<1x16xf32> to vector<16xf32>
        %get3A_972 = arith.index_cast %add3A_967 : i32 to index
        %get3A_973 = arith.constant 0 : index
        %get3A_974 = tpu.vector_load %arg9[%get3A_972, %get3A_973] {strides = array<i32>} : memref<80x128xf32, #tpu.memory_space<vmem>>, vector<1x16xf32>,
        %get3A_975 = vector.shape_cast %get3A_974 : vector<1x16xf32> to vector<16xf32>
        %mul3A_976 = arith.mulf %get3A_971, %get3A_975 : vector<16xf32>
        %get3A_977 = arith.index_cast %add3A_967 : i32 to index
        %get3A_978 = arith.constant 16 : index
        %get3A_979 = tpu.vector_load %arg8[%get3A_977, %get3A_978] {strides = array<i32>} : memref<80x128xf32, #tpu.memory_space<vmem>>, vector<1x16xf32>,
        %get3A_980 = vector.shape_cast %get3A_979 : vector<1x16xf32> to vector<16xf32>
        %get3A_981 = arith.index_cast %add3A_967 : i32 to index
        %get3A_982 = arith.constant 16 : index
        %get3A_983 = tpu.vector_load %arg9[%get3A_981, %get3A_982] {strides = array<i32>} : memref<80x128xf32, #tpu.memory_space<vmem>>, vector<1x16xf32>,
        %get3A_984 = vector.shape_cast %get3A_983 : vector<1x16xf32> to vector<16xf32>
        %mul3A_985 = arith.mulf %get3A_980, %get3A_984 : vector<16xf32>
        %add3A_986 = arith.addf %mul3A_976, %mul3A_985 : vector<16xf32>
        %get3A_987 = arith.index_cast %add3A_967 : i32 to index
        %get3A_988 = arith.constant 32 : index
        %get3A_989 = tpu.vector_load %arg8[%get3A_987, %get3A_988] {strides = array<i32>} : memref<80x128xf32, #tpu.memory_space<vmem>>, vector<1x16xf32>,
        %get3A_990 = vector.shape_cast %get3A_989 : vector<1x16xf32> to vector<16xf32>
        %get3A_991 = arith.index_cast %add3A_967 : i32 to index
        %get3A_992 = arith.constant 32 : index
        %get3A_993 = tpu.vector_load %arg9[%get3A_991, %get3A_992] {strides = array<i32>} : memref<80x128xf32, #tpu.memory_space<vmem>>, vector<1x16xf32>,
        %get3A_994 = vector.shape_cast %get3A_993 : vector<1x16xf32> to vector<16xf32>
        %mul3A_995 = arith.mulf %get3A_990, %get3A_994 : vector<16xf32>
        %add3A_996 = arith.addf %add3A_986, %mul3A_995 : vector<16xf32>
        %get3A_997 = arith.index_cast %add3A_967 : i32 to index
        %get3A_998 = arith.constant 48 : index
        %get3A_999 = tpu.vector_load %arg8[%get3A_997, %get3A_998] {strides = array<i32>} : memref<80x128xf32, #tpu.memory_space<vmem>>, vector<1x16xf32>,
        %get3A_1000 = vector.shape_cast %get3A_999 : vector<1x16xf32> to vector<16xf32>
        %get3A_1001 = arith.index_cast %add3A_967 : i32 to index
        %get3A_1002 = arith.constant 48 : index
        %get3A_1003 = tpu.vector_load %arg9[%get3A_1001, %get3A_1002] {strides = array<i32>} : memref<80x128xf32, #tpu.memory_space<vmem>>, vector<1x16xf32>,
        %get3A_1004 = vector.shape_cast %get3A_1003 : vector<1x16xf32> to vector<16xf32>
        %mul3A_1005 = arith.mulf %get3A_1000, %get3A_1004 : vector<16xf32>
        %add3A_1006 = arith.addf %add3A_996, %mul3A_1005 : vector<16xf32>
        %get3A_1007 = arith.index_cast %add3A_967 : i32 to index
        %get3A_1008 = arith.constant 64 : index
        %get3A_1009 = tpu.vector_load %arg8[%get3A_1007, %get3A_1008] {strides = array<i32>} : memref<80x128xf32, #tpu.memory_space<vmem>>, vector<1x16xf32>,
        %get3A_1010 = vector.shape_cast %get3A_1009 : vector<1x16xf32> to vector<16xf32>
        %get3A_1011 = arith.index_cast %add3A_967 : i32 to index
        %get3A_1012 = arith.constant 64 : index
        %get3A_1013 = tpu.vector_load %arg9[%get3A_1011, %get3A_1012] {strides = array<i32>} : memref<80x128xf32, #tpu.memory_space<vmem>>, vector<1x16xf32>,
        %get3A_1014 = vector.shape_cast %get3A_1013 : vector<1x16xf32> to vector<16xf32>
        %mul3A_1015 = arith.mulf %get3A_1010, %get3A_1014 : vector<16xf32>
        %add3A_1016 = arith.addf %add3A_1006, %mul3A_1015 : vector<16xf32>
        %get3A_1017 = arith.index_cast %add3A_967 : i32 to index
        %get3A_1018 = arith.constant 80 : index
        %get3A_1019 = tpu.vector_load %arg8[%get3A_1017, %get3A_1018] {strides = array<i32>} : memref<80x128xf32, #tpu.memory_space<vmem>>, vector<1x16xf32>,
        %get3A_1020 = vector.shape_cast %get3A_1019 : vector<1x16xf32> to vector<16xf32>
        %get3A_1021 = arith.index_cast %add3A_967 : i32 to index
        %get3A_1022 = arith.constant 80 : index
        %get3A_1023 = tpu.vector_load %arg9[%get3A_1021, %get3A_1022] {strides = array<i32>} : memref<80x128xf32, #tpu.memory_space<vmem>>, vector<1x16xf32>,
        %get3A_1024 = vector.shape_cast %get3A_1023 : vector<1x16xf32> to vector<16xf32>
        %mul3A_1025 = arith.mulf %get3A_1020, %get3A_1024 : vector<16xf32>
        %add3A_1026 = arith.addf %add3A_1016, %mul3A_1025 : vector<16xf32>
        %get3A_1027 = arith.index_cast %add3A_967 : i32 to index
        %get3A_1028 = arith.constant 96 : index
        %get3A_1029 = tpu.vector_load %arg8[%get3A_1027, %get3A_1028] {strides = array<i32>} : memref<80x128xf32, #tpu.memory_space<vmem>>, vector<1x16xf32>,
        %get3A_1030 = vector.shape_cast %get3A_1029 : vector<1x16xf32> to vector<16xf32>
        %get3A_1031 = arith.index_cast %add3A_967 : i32 to index
        %get3A_1032 = arith.constant 96 : index
        %get3A_1033 = tpu.vector_load %arg9[%get3A_1031, %get3A_1032] {strides = array<i32>} : memref<80x128xf32, #tpu.memory_space<vmem>>, vector<1x16xf32>,
        %get3A_1034 = vector.shape_cast %get3A_1033 : vector<1x16xf32> to vector<16xf32>
        %mul3A_1035 = arith.mulf %get3A_1030, %get3A_1034 : vector<16xf32>
        %add3A_1036 = arith.addf %add3A_1026, %mul3A_1035 : vector<16xf32>
        %get3A_1037 = arith.index_cast %add3A_967 : i32 to index
        %get3A_1038 = arith.constant 112 : index
        %get3A_1039 = tpu.vector_load %arg8[%get3A_1037, %get3A_1038] {strides = array<i32>} : memref<80x128xf32, #tpu.memory_space<vmem>>, vector<1x16xf32>,
        %get3A_1040 = vector.shape_cast %get3A_1039 : vector<1x16xf32> to vector<16xf32>
        %get3A_1041 = arith.index_cast %add3A_967 : i32 to index
        %get3A_1042 = arith.constant 112 : index
        %get3A_1043 = tpu.vector_load %arg9[%get3A_1041, %get3A_1042] {strides = array<i32>} : memref<80x128xf32, #tpu.memory_space<vmem>>, vector<1x16xf32>,
        %get3A_1044 = vector.shape_cast %get3A_1043 : vector<1x16xf32> to vector<16xf32>
        %mul3A_1045 = arith.mulf %get3A_1040, %get3A_1044 : vector<16xf32>
        %add3A_1046 = arith.addf %add3A_1036, %mul3A_1045 : vector<16xf32>
        %xor3A_1047 = arith.constant 8 : i32
        %xor3A_1048 = vector.broadcast %xor3A_1047 : i32 to vector<16xi32>
        %xor3A_1049 = arith.xori %iota3A_70, %xor3A_1048 : vector<16xi32>
        %lt3A_1050 = arith.constant 0 : i32
        %lt3A_1051 = vector.broadcast %lt3A_1050 : i32 to vector<16xi32>
        %lt3A_1052 = arith.cmpi slt, %xor3A_1049, %lt3A_1051 : vector<16xi32>
        %add3A_1053 = arith.constant 16 : i32
        %add3A_1054 = vector.broadcast %add3A_1053 : i32 to vector<16xi32>
        %add3A_1055 = arith.addi %xor3A_1049, %add3A_1054 : vector<16xi32>
        %select_n3A_1056 = arith.select %lt3A_1052, %add3A_1055, %xor3A_1049 : vector<16xi1>, vector<16xi32>
        %broadcast_in_dim3A_1057 = vector.shape_cast %select_n3A_1056 : vector<16xi32> to vector<16x1xi32>
        %gather3A_1058 = vector.shape_cast %broadcast_in_dim3A_1057 : vector<16x1xi32> to vector<16xi32>
        %gather3A_1059 = tpu.dynamic_gather %add3A_1046[%gather3A_1058] in [0] : vector<16xf32>, vector<16xi32> -> vector<16xf32>
        %add3A_1060 = arith.addf %add3A_1046, %gather3A_1059 : vector<16xf32>
        %xor3A_1061 = arith.constant 4 : i32
        %xor3A_1062 = vector.broadcast %xor3A_1061 : i32 to vector<16xi32>
        %xor3A_1063 = arith.xori %iota3A_70, %xor3A_1062 : vector<16xi32>
        %lt3A_1064 = arith.constant 0 : i32
        %lt3A_1065 = vector.broadcast %lt3A_1064 : i32 to vector<16xi32>
        %lt3A_1066 = arith.cmpi slt, %xor3A_1063, %lt3A_1065 : vector<16xi32>
        %add3A_1067 = arith.constant 16 : i32
        %add3A_1068 = vector.broadcast %add3A_1067 : i32 to vector<16xi32>
        %add3A_1069 = arith.addi %xor3A_1063, %add3A_1068 : vector<16xi32>
        %select_n3A_1070 = arith.select %lt3A_1066, %add3A_1069, %xor3A_1063 : vector<16xi1>, vector<16xi32>
        %broadcast_in_dim3A_1071 = vector.shape_cast %select_n3A_1070 : vector<16xi32> to vector<16x1xi32>
        %gather3A_1072 = vector.shape_cast %broadcast_in_dim3A_1071 : vector<16x1xi32> to vector<16xi32>
        %gather3A_1073 = tpu.dynamic_gather %add3A_1060[%gather3A_1072] in [0] : vector<16xf32>, vector<16xi32> -> vector<16xf32>
        %add3A_1074 = arith.addf %add3A_1060, %gather3A_1073 : vector<16xf32>
        %xor3A_1075 = arith.constant 2 : i32
        %xor3A_1076 = vector.broadcast %xor3A_1075 : i32 to vector<16xi32>
        %xor3A_1077 = arith.xori %iota3A_70, %xor3A_1076 : vector<16xi32>
        %lt3A_1078 = arith.constant 0 : i32
        %lt3A_1079 = vector.broadcast %lt3A_1078 : i32 to vector<16xi32>
        %lt3A_1080 = arith.cmpi slt, %xor3A_1077, %lt3A_1079 : vector<16xi32>
        %add3A_1081 = arith.constant 16 : i32
        %add3A_1082 = vector.broadcast %add3A_1081 : i32 to vector<16xi32>
        %add3A_1083 = arith.addi %xor3A_1077, %add3A_1082 : vector<16xi32>
        %select_n3A_1084 = arith.select %lt3A_1080, %add3A_1083, %xor3A_1077 : vector<16xi1>, vector<16xi32>
        %broadcast_in_dim3A_1085 = vector.shape_cast %select_n3A_1084 : vector<16xi32> to vector<16x1xi32>
        %gather3A_1086 = vector.shape_cast %broadcast_in_dim3A_1085 : vector<16x1xi32> to vector<16xi32>
        %gather3A_1087 = tpu.dynamic_gather %add3A_1074[%gather3A_1086] in [0] : vector<16xf32>, vector<16xi32> -> vector<16xf32>
        %add3A_1088 = arith.addf %add3A_1074, %gather3A_1087 : vector<16xf32>
        %xor3A_1089 = arith.constant 1 : i32
        %xor3A_1090 = vector.broadcast %xor3A_1089 : i32 to vector<16xi32>
        %xor3A_1091 = arith.xori %iota3A_70, %xor3A_1090 : vector<16xi32>
        %lt3A_1092 = arith.constant 0 : i32
        %lt3A_1093 = vector.broadcast %lt3A_1092 : i32 to vector<16xi32>
        %lt3A_1094 = arith.cmpi slt, %xor3A_1091, %lt3A_1093 : vector<16xi32>
        %add3A_1095 = arith.constant 16 : i32
        %add3A_1096 = vector.broadcast %add3A_1095 : i32 to vector<16xi32>
        %add3A_1097 = arith.addi %xor3A_1091, %add3A_1096 : vector<16xi32>
        %select_n3A_1098 = arith.select %lt3A_1094, %add3A_1097, %xor3A_1091 : vector<16xi1>, vector<16xi32>
        %broadcast_in_dim3A_1099 = vector.shape_cast %select_n3A_1098 : vector<16xi32> to vector<16x1xi32>
        %gather3A_1100 = vector.shape_cast %broadcast_in_dim3A_1099 : vector<16x1xi32> to vector<16xi32>
        %gather3A_1101 = tpu.dynamic_gather %add3A_1088[%gather3A_1100] in [0] : vector<16xf32>, vector<16xi32> -> vector<16xf32>
        %add3A_1102 = arith.addf %add3A_1088, %gather3A_1101 : vector<16xf32>
        %eq3A_1103 = arith.constant 6 : i32
        %eq3A_1104 = vector.broadcast %eq3A_1103 : i32 to vector<16xi32>
        %eq3A_1105 = arith.cmpi eq, %iota3A_70, %eq3A_1104 : vector<16xi32>
        %select_n3A_1106 = arith.select %eq3A_1105, %add3A_1102, %select_n3A_963 : vector<16xi1>, vector<16xf32>
        %mul3A_1107 = arith.constant 8 : i32
        %mul3A_1108 = arith.muli %scan3A_114, %mul3A_1107 : i32
        %add3A_1109 = arith.constant 7 : i32
        %add3A_1110 = arith.addi %mul3A_1108, %add3A_1109 : i32
        %get3A_1111 = arith.index_cast %add3A_1110 : i32 to index
        %get3A_1112 = arith.constant 0 : index
        %get3A_1113 = tpu.vector_load %arg8[%get3A_1111, %get3A_1112] {strides = array<i32>} : memref<80x128xf32, #tpu.memory_space<vmem>>, vector<1x16xf32>,
        %get3A_1114 = vector.shape_cast %get3A_1113 : vector<1x16xf32> to vector<16xf32>
        %get3A_1115 = arith.index_cast %add3A_1110 : i32 to index
        %get3A_1116 = arith.constant 0 : index
        %get3A_1117 = tpu.vector_load %arg9[%get3A_1115, %get3A_1116] {strides = array<i32>} : memref<80x128xf32, #tpu.memory_space<vmem>>, vector<1x16xf32>,
        %get3A_1118 = vector.shape_cast %get3A_1117 : vector<1x16xf32> to vector<16xf32>
        %mul3A_1119 = arith.mulf %get3A_1114, %get3A_1118 : vector<16xf32>
        %get3A_1120 = arith.index_cast %add3A_1110 : i32 to index
        %get3A_1121 = arith.constant 16 : index
        %get3A_1122 = tpu.vector_load %arg8[%get3A_1120, %get3A_1121] {strides = array<i32>} : memref<80x128xf32, #tpu.memory_space<vmem>>, vector<1x16xf32>,
        %get3A_1123 = vector.shape_cast %get3A_1122 : vector<1x16xf32> to vector<16xf32>
        %get3A_1124 = arith.index_cast %add3A_1110 : i32 to index
        %get3A_1125 = arith.constant 16 : index
        %get3A_1126 = tpu.vector_load %arg9[%get3A_1124, %get3A_1125] {strides = array<i32>} : memref<80x128xf32, #tpu.memory_space<vmem>>, vector<1x16xf32>,
        %get3A_1127 = vector.shape_cast %get3A_1126 : vector<1x16xf32> to vector<16xf32>
        %mul3A_1128 = arith.mulf %get3A_1123, %get3A_1127 : vector<16xf32>
        %add3A_1129 = arith.addf %mul3A_1119, %mul3A_1128 : vector<16xf32>
        %get3A_1130 = arith.index_cast %add3A_1110 : i32 to index
        %get3A_1131 = arith.constant 32 : index
        %get3A_1132 = tpu.vector_load %arg8[%get3A_1130, %get3A_1131] {strides = array<i32>} : memref<80x128xf32, #tpu.memory_space<vmem>>, vector<1x16xf32>,
        %get3A_1133 = vector.shape_cast %get3A_1132 : vector<1x16xf32> to vector<16xf32>
        %get3A_1134 = arith.index_cast %add3A_1110 : i32 to index
        %get3A_1135 = arith.constant 32 : index
        %get3A_1136 = tpu.vector_load %arg9[%get3A_1134, %get3A_1135] {strides = array<i32>} : memref<80x128xf32, #tpu.memory_space<vmem>>, vector<1x16xf32>,
        %get3A_1137 = vector.shape_cast %get3A_1136 : vector<1x16xf32> to vector<16xf32>
        %mul3A_1138 = arith.mulf %get3A_1133, %get3A_1137 : vector<16xf32>
        %add3A_1139 = arith.addf %add3A_1129, %mul3A_1138 : vector<16xf32>
        %get3A_1140 = arith.index_cast %add3A_1110 : i32 to index
        %get3A_1141 = arith.constant 48 : index
        %get3A_1142 = tpu.vector_load %arg8[%get3A_1140, %get3A_1141] {strides = array<i32>} : memref<80x128xf32, #tpu.memory_space<vmem>>, vector<1x16xf32>,
        %get3A_1143 = vector.shape_cast %get3A_1142 : vector<1x16xf32> to vector<16xf32>
        %get3A_1144 = arith.index_cast %add3A_1110 : i32 to index
        %get3A_1145 = arith.constant 48 : index
        %get3A_1146 = tpu.vector_load %arg9[%get3A_1144, %get3A_1145] {strides = array<i32>} : memref<80x128xf32, #tpu.memory_space<vmem>>, vector<1x16xf32>,
        %get3A_1147 = vector.shape_cast %get3A_1146 : vector<1x16xf32> to vector<16xf32>
        %mul3A_1148 = arith.mulf %get3A_1143, %get3A_1147 : vector<16xf32>
        %add3A_1149 = arith.addf %add3A_1139, %mul3A_1148 : vector<16xf32>
        %get3A_1150 = arith.index_cast %add3A_1110 : i32 to index
        %get3A_1151 = arith.constant 64 : index
        %get3A_1152 = tpu.vector_load %arg8[%get3A_1150, %get3A_1151] {strides = array<i32>} : memref<80x128xf32, #tpu.memory_space<vmem>>, vector<1x16xf32>,
        %get3A_1153 = vector.shape_cast %get3A_1152 : vector<1x16xf32> to vector<16xf32>
        %get3A_1154 = arith.index_cast %add3A_1110 : i32 to index
        %get3A_1155 = arith.constant 64 : index
        %get3A_1156 = tpu.vector_load %arg9[%get3A_1154, %get3A_1155] {strides = array<i32>} : memref<80x128xf32, #tpu.memory_space<vmem>>, vector<1x16xf32>,
        %get3A_1157 = vector.shape_cast %get3A_1156 : vector<1x16xf32> to vector<16xf32>
        %mul3A_1158 = arith.mulf %get3A_1153, %get3A_1157 : vector<16xf32>
        %add3A_1159 = arith.addf %add3A_1149, %mul3A_1158 : vector<16xf32>
        %get3A_1160 = arith.index_cast %add3A_1110 : i32 to index
        %get3A_1161 = arith.constant 80 : index
        %get3A_1162 = tpu.vector_load %arg8[%get3A_1160, %get3A_1161] {strides = array<i32>} : memref<80x128xf32, #tpu.memory_space<vmem>>, vector<1x16xf32>,
        %get3A_1163 = vector.shape_cast %get3A_1162 : vector<1x16xf32> to vector<16xf32>
        %get3A_1164 = arith.index_cast %add3A_1110 : i32 to index
        %get3A_1165 = arith.constant 80 : index
        %get3A_1166 = tpu.vector_load %arg9[%get3A_1164, %get3A_1165] {strides = array<i32>} : memref<80x128xf32, #tpu.memory_space<vmem>>, vector<1x16xf32>,
        %get3A_1167 = vector.shape_cast %get3A_1166 : vector<1x16xf32> to vector<16xf32>
        %mul3A_1168 = arith.mulf %get3A_1163, %get3A_1167 : vector<16xf32>
        %add3A_1169 = arith.addf %add3A_1159, %mul3A_1168 : vector<16xf32>
        %get3A_1170 = arith.index_cast %add3A_1110 : i32 to index
        %get3A_1171 = arith.constant 96 : index
        %get3A_1172 = tpu.vector_load %arg8[%get3A_1170, %get3A_1171] {strides = array<i32>} : memref<80x128xf32, #tpu.memory_space<vmem>>, vector<1x16xf32>,
        %get3A_1173 = vector.shape_cast %get3A_1172 : vector<1x16xf32> to vector<16xf32>
        %get3A_1174 = arith.index_cast %add3A_1110 : i32 to index
        %get3A_1175 = arith.constant 96 : index
        %get3A_1176 = tpu.vector_load %arg9[%get3A_1174, %get3A_1175] {strides = array<i32>} : memref<80x128xf32, #tpu.memory_space<vmem>>, vector<1x16xf32>,
        %get3A_1177 = vector.shape_cast %get3A_1176 : vector<1x16xf32> to vector<16xf32>
        %mul3A_1178 = arith.mulf %get3A_1173, %get3A_1177 : vector<16xf32>
        %add3A_1179 = arith.addf %add3A_1169, %mul3A_1178 : vector<16xf32>
        %get3A_1180 = arith.index_cast %add3A_1110 : i32 to index
        %get3A_1181 = arith.constant 112 : index
        %get3A_1182 = tpu.vector_load %arg8[%get3A_1180, %get3A_1181] {strides = array<i32>} : memref<80x128xf32, #tpu.memory_space<vmem>>, vector<1x16xf32>,
        %get3A_1183 = vector.shape_cast %get3A_1182 : vector<1x16xf32> to vector<16xf32>
        %get3A_1184 = arith.index_cast %add3A_1110 : i32 to index
        %get3A_1185 = arith.constant 112 : index
        %get3A_1186 = tpu.vector_load %arg9[%get3A_1184, %get3A_1185] {strides = array<i32>} : memref<80x128xf32, #tpu.memory_space<vmem>>, vector<1x16xf32>,
        %get3A_1187 = vector.shape_cast %get3A_1186 : vector<1x16xf32> to vector<16xf32>
        %mul3A_1188 = arith.mulf %get3A_1183, %get3A_1187 : vector<16xf32>
        %add3A_1189 = arith.addf %add3A_1179, %mul3A_1188 : vector<16xf32>
        %xor3A_1190 = arith.constant 8 : i32
        %xor3A_1191 = vector.broadcast %xor3A_1190 : i32 to vector<16xi32>
        %xor3A_1192 = arith.xori %iota3A_70, %xor3A_1191 : vector<16xi32>
        %lt3A_1193 = arith.constant 0 : i32
        %lt3A_1194 = vector.broadcast %lt3A_1193 : i32 to vector<16xi32>
        %lt3A_1195 = arith.cmpi slt, %xor3A_1192, %lt3A_1194 : vector<16xi32>
        %add3A_1196 = arith.constant 16 : i32
        %add3A_1197 = vector.broadcast %add3A_1196 : i32 to vector<16xi32>
        %add3A_1198 = arith.addi %xor3A_1192, %add3A_1197 : vector<16xi32>
        %select_n3A_1199 = arith.select %lt3A_1195, %add3A_1198, %xor3A_1192 : vector<16xi1>, vector<16xi32>
        %broadcast_in_dim3A_1200 = vector.shape_cast %select_n3A_1199 : vector<16xi32> to vector<16x1xi32>
        %gather3A_1201 = vector.shape_cast %broadcast_in_dim3A_1200 : vector<16x1xi32> to vector<16xi32>
        %gather3A_1202 = tpu.dynamic_gather %add3A_1189[%gather3A_1201] in [0] : vector<16xf32>, vector<16xi32> -> vector<16xf32>
        %add3A_1203 = arith.addf %add3A_1189, %gather3A_1202 : vector<16xf32>
        %xor3A_1204 = arith.constant 4 : i32
        %xor3A_1205 = vector.broadcast %xor3A_1204 : i32 to vector<16xi32>
        %xor3A_1206 = arith.xori %iota3A_70, %xor3A_1205 : vector<16xi32>
        %lt3A_1207 = arith.constant 0 : i32
        %lt3A_1208 = vector.broadcast %lt3A_1207 : i32 to vector<16xi32>
        %lt3A_1209 = arith.cmpi slt, %xor3A_1206, %lt3A_1208 : vector<16xi32>
        %add3A_1210 = arith.constant 16 : i32
        %add3A_1211 = vector.broadcast %add3A_1210 : i32 to vector<16xi32>
        %add3A_1212 = arith.addi %xor3A_1206, %add3A_1211 : vector<16xi32>
        %select_n3A_1213 = arith.select %lt3A_1209, %add3A_1212, %xor3A_1206 : vector<16xi1>, vector<16xi32>
        %broadcast_in_dim3A_1214 = vector.shape_cast %select_n3A_1213 : vector<16xi32> to vector<16x1xi32>
        %gather3A_1215 = vector.shape_cast %broadcast_in_dim3A_1214 : vector<16x1xi32> to vector<16xi32>
        %gather3A_1216 = tpu.dynamic_gather %add3A_1203[%gather3A_1215] in [0] : vector<16xf32>, vector<16xi32> -> vector<16xf32>
        %add3A_1217 = arith.addf %add3A_1203, %gather3A_1216 : vector<16xf32>
        %xor3A_1218 = arith.constant 2 : i32
        %xor3A_1219 = vector.broadcast %xor3A_1218 : i32 to vector<16xi32>
        %xor3A_1220 = arith.xori %iota3A_70, %xor3A_1219 : vector<16xi32>
        %lt3A_1221 = arith.constant 0 : i32
        %lt3A_1222 = vector.broadcast %lt3A_1221 : i32 to vector<16xi32>
        %lt3A_1223 = arith.cmpi slt, %xor3A_1220, %lt3A_1222 : vector<16xi32>
        %add3A_1224 = arith.constant 16 : i32
        %add3A_1225 = vector.broadcast %add3A_1224 : i32 to vector<16xi32>
        %add3A_1226 = arith.addi %xor3A_1220, %add3A_1225 : vector<16xi32>
        %select_n3A_1227 = arith.select %lt3A_1223, %add3A_1226, %xor3A_1220 : vector<16xi1>, vector<16xi32>
        %broadcast_in_dim3A_1228 = vector.shape_cast %select_n3A_1227 : vector<16xi32> to vector<16x1xi32>
        %gather3A_1229 = vector.shape_cast %broadcast_in_dim3A_1228 : vector<16x1xi32> to vector<16xi32>
        %gather3A_1230 = tpu.dynamic_gather %add3A_1217[%gather3A_1229] in [0] : vector<16xf32>, vector<16xi32> -> vector<16xf32>
        %add3A_1231 = arith.addf %add3A_1217, %gather3A_1230 : vector<16xf32>
        %xor3A_1232 = arith.constant 1 : i32
        %xor3A_1233 = vector.broadcast %xor3A_1232 : i32 to vector<16xi32>
        %xor3A_1234 = arith.xori %iota3A_70, %xor3A_1233 : vector<16xi32>
        %lt3A_1235 = arith.constant 0 : i32
        %lt3A_1236 = vector.broadcast %lt3A_1235 : i32 to vector<16xi32>
        %lt3A_1237 = arith.cmpi slt, %xor3A_1234, %lt3A_1236 : vector<16xi32>
        %add3A_1238 = arith.constant 16 : i32
        %add3A_1239 = vector.broadcast %add3A_1238 : i32 to vector<16xi32>
        %add3A_1240 = arith.addi %xor3A_1234, %add3A_1239 : vector<16xi32>
        %select_n3A_1241 = arith.select %lt3A_1237, %add3A_1240, %xor3A_1234 : vector<16xi1>, vector<16xi32>
        %broadcast_in_dim3A_1242 = vector.shape_cast %select_n3A_1241 : vector<16xi32> to vector<16x1xi32>
        %gather3A_1243 = vector.shape_cast %broadcast_in_dim3A_1242 : vector<16x1xi32> to vector<16xi32>
        %gather3A_1244 = tpu.dynamic_gather %add3A_1231[%gather3A_1243] in [0] : vector<16xf32>, vector<16xi32> -> vector<16xf32>
        %add3A_1245 = arith.addf %add3A_1231, %gather3A_1244 : vector<16xf32>
        %eq3A_1246 = arith.constant 7 : i32
        %eq3A_1247 = vector.broadcast %eq3A_1246 : i32 to vector<16xi32>
        %eq3A_1248 = arith.cmpi eq, %iota3A_70, %eq3A_1247 : vector<16xi32>
        %select_n3A_1249 = arith.select %eq3A_1248, %add3A_1245, %select_n3A_1106 : vector<16xi1>, vector<16xf32>
        %jit3A = arith.constant 2 : i32
        %eq3A_1250 = arith.constant 0 : i32
        %eq3A_1251 = arith.cmpi eq, %jit3A, %eq3A_1250 : i32
        %jit3A_1252 = arith.constant 1 : i32
        %select_n3A_1253 = arith.select %eq3A_1251, %jit3A_1252, %jit3A : i32
        %rem3A = arith.remsi %scan3A_114, %select_n3A_1253 : i32
        %ne3A = arith.constant 0 : i32
        %ne3A_1254 = arith.cmpi ne, %rem3A, %ne3A : i32
        %lt3A_1255 = arith.constant 0 : i32
        %lt3A_1256 = arith.cmpi slt, %rem3A, %lt3A_1255 : i32
        %lt3A_1257 = arith.constant 0 : i32
        %lt3A_1258 = arith.cmpi slt, %select_n3A_1253, %lt3A_1257 : i32
        %ne3A_1259 = arith.xori %lt3A_1256, %lt3A_1258 : i1
        %and3A = arith.andi %ne3A_1259, %ne3A_1254 : i1
        %add3A_1260 = arith.addi %rem3A, %select_n3A_1253 : i32
        %select_n3A_1261 = arith.select %and3A, %add3A_1260, %rem3A : i32
        %eq3A_1262 = arith.constant 1 : i32
        %eq3A_1263 = arith.cmpi eq, %select_n3A_1261, %eq3A_1262 : i32
        %convert_element_type3A = arith.extui %eq3A_1263 : i1 to i32
        %cond3A = arith.constant 0 : i32
        %cond3A_1264 = arith.cmpi ne, %convert_element_type3A, %cond3A : i32
        scf.if %cond3A_1264 {
          %xor3A_1265 = arith.constant 8 : i32
          %xor3A_1266 = vector.broadcast %xor3A_1265 : i32 to vector<16xi32>
          %xor3A_1267 = arith.xori %iota3A_70, %xor3A_1266 : vector<16xi32>
          %lt3A_1268 = arith.constant 0 : i32
          %lt3A_1269 = vector.broadcast %lt3A_1268 : i32 to vector<16xi32>
          %lt3A_1270 = arith.cmpi slt, %xor3A_1267, %lt3A_1269 : vector<16xi32>
          %add3A_1271 = arith.constant 16 : i32
          %add3A_1272 = vector.broadcast %add3A_1271 : i32 to vector<16xi32>
          %add3A_1273 = arith.addi %xor3A_1267, %add3A_1272 : vector<16xi32>
          %select_n3A_1274 = arith.select %lt3A_1270, %add3A_1273, %xor3A_1267 : vector<16xi1>, vector<16xi32>
          %broadcast_in_dim3A_1275 = vector.shape_cast %select_n3A_1274 : vector<16xi32> to vector<16x1xi32>
          %gather3A_1276 = vector.shape_cast %broadcast_in_dim3A_1275 : vector<16x1xi32> to vector<16xi32>
          %gather3A_1277 = tpu.dynamic_gather %select_n3A_1249[%gather3A_1276] in [0] : vector<16xf32>, vector<16xi32> -> vector<16xf32>
          %lt3A_1278 = arith.constant 8 : i32
          %lt3A_1279 = vector.broadcast %lt3A_1278 : i32 to vector<16xi32>
          %lt3A_1280 = arith.cmpi slt, %iota3A_70, %lt3A_1279 : vector<16xi32>
          %select_n3A_1281 = arith.select %lt3A_1280, %scan3A_115, %gather3A_1277 : vector<16xi1>, vector<16xf32>
          %neg3A = arith.constant 0.000000e+00 : f32
          %neg3A_1282 = vector.broadcast %neg3A : f32 to vector<16xf32>
          %neg3A_1283 = arith.subf %neg3A_1282, %select_n3A_1281 : vector<16xf32>
          %exp3A = math.exp %neg3A_1283 : vector<16xf32>
          %add3A_1284 = arith.constant 1.000000e+00 : f32
          %add3A_1285 = vector.broadcast %add3A_1284 : f32 to vector<16xf32>
          %add3A_1286 = arith.addf %add3A_1285, %exp3A : vector<16xf32>
          %div3A = arith.constant 1.000000e+00 : f32
          %div3A_1287 = vector.broadcast %div3A : f32 to vector<16xf32>
          %div3A_1288 = arith.divf %div3A_1287, %add3A_1286 : vector<16xf32>
          %mul3A_1289 = arith.constant 80 : i32
          %mul3A_1290 = arith.muli %mul3A_43, %mul3A_1289 : i32
          %jit3A_1291 = arith.constant 2 : i32
          %div3A_1292 = arith.divsi %scan3A_114, %jit3A_1291 : i32
          %sign3A = arith.constant 0 : i32
          %sign3A_1293 = arith.cmpi sgt, %scan3A_114, %sign3A : i32
          %sign3A_1294 = arith.extui %sign3A_1293 : i1 to i32
          %sign3A_1295 = arith.constant 0 : i32
          %sign3A_1296 = arith.cmpi slt, %scan3A_114, %sign3A_1295 : i32
          %sign3A_1297 = arith.extui %sign3A_1296 : i1 to i32
          %sign3A_1298 = arith.subi %sign3A_1294, %sign3A_1297 : i32
          %sign3A_1299 = arith.constant 0 : i32
          %sign3A_1300 = arith.cmpi sgt, %jit3A_1291, %sign3A_1299 : i32
          %sign3A_1301 = arith.extui %sign3A_1300 : i1 to i32
          %sign3A_1302 = arith.constant 0 : i32
          %sign3A_1303 = arith.cmpi slt, %jit3A_1291, %sign3A_1302 : i32
          %sign3A_1304 = arith.extui %sign3A_1303 : i1 to i32
          %sign3A_1305 = arith.subi %sign3A_1301, %sign3A_1304 : i32
          %ne3A_1306 = arith.cmpi ne, %sign3A_1298, %sign3A_1305 : i32
          %rem3A_1307 = arith.remsi %scan3A_114, %jit3A_1291 : i32
          %ne3A_1308 = arith.constant 0 : i32
          %ne3A_1309 = arith.cmpi ne, %rem3A_1307, %ne3A_1308 : i32
          %and3A_1310 = arith.andi %ne3A_1306, %ne3A_1309 : i1
          %sub3A = arith.constant 1 : i32
          %sub3A_1311 = arith.subi %div3A_1292, %sub3A : i32
          %select_n3A_1312 = arith.select %and3A_1310, %sub3A_1311, %div3A_1292 : i32
          %mul3A_1313 = arith.constant 16 : i32
          %mul3A_1314 = arith.muli %select_n3A_1312, %mul3A_1313 : i32
          %add3A_1315 = arith.addi %mul3A_1290, %mul3A_1314 : i32
          %swap3A = arith.index_cast %add3A_1315 : i32 to index
          %swap3A_1316 = tpu.vector_load %arg12[%swap3A] {strides = array<i32>} : memref<10008xf32, #tpu.memory_space<vmem>>, vector<16xf32>,
          %swap3A_1317 = vector.shape_cast %swap3A_1316 : vector<16xf32> to vector<16xf32>
          %swap3A_1318 = vector.shape_cast %div3A_1288 : vector<16xf32> to vector<16xf32>
          tpu.vector_store %arg12[%swap3A], %swap3A_1318 {strides = array<i32>} : memref<10008xf32, #tpu.memory_space<vmem>>, vector<16xf32>,
        } else {
        }
        scf.yield %select_n3A_1249 : vector<16xf32>
      }
      %scan3A_78 = arith.constant 10 : i32
      %add3A_79 = arith.constant 2 : i32
      %add3A_80 = arith.addi %mul3A_43, %add3A_79 : i32
      %dma_start3A_81 = arith.constant 0 : i32
      %dma_start3A_82 = tpu.memref_slice %arg6[%add3A_80, %dma_start3A_81] : memref<125x80xi32, #tpu.memory_space<vmem>> -> memref<1x80xi32, #tpu.memory_space<vmem>>
      %dma_start3A_83 = tpu.memref_squeeze %dma_start3A_82 : memref<1x80xi32, #tpu.memory_space<vmem>> -> memref<80xi32, #tpu.memory_space<vmem>>
      %dma_start3A_84 = arith.constant 0 : i32
      %dma_start3A_85 = arith.constant 0 : i32
      %dma_start3A_86 = tpu.memref_slice %arg2[%dma_start3A_84, %dma_start3A_85] : memref<10000x128xf32, #tpu.memory_space<hbm>> -> memref<10000x128xf32, #tpu.memory_space<hbm>>
      tpu.enqueue_indirect_dma source(%dma_start3A_86 : memref<10000x128xf32, #tpu.memory_space<hbm>>) target(%arg8 : memref<80x128xf32, #tpu.memory_space<vmem>>) offsets(%dma_start3A_83 : memref<80xi32, #tpu.memory_space<vmem>>) semaphore(%arg13 : memref<!tpu.dma_semaphore, #tpu.memory_space<semaphore_mem>>)
      %dma_start3A_87 = arith.constant 0 : i32
      %dma_start3A_88 = tpu.memref_slice %arg7[%add3A_80, %dma_start3A_87] : memref<125x80xi32, #tpu.memory_space<vmem>> -> memref<1x80xi32, #tpu.memory_space<vmem>>
      %dma_start3A_89 = tpu.memref_squeeze %dma_start3A_88 : memref<1x80xi32, #tpu.memory_space<vmem>> -> memref<80xi32, #tpu.memory_space<vmem>>
      %dma_start3A_90 = arith.constant 0 : i32
      %dma_start3A_91 = arith.constant 0 : i32
      %dma_start3A_92 = tpu.memref_slice %arg2[%dma_start3A_90, %dma_start3A_91] : memref<10000x128xf32, #tpu.memory_space<hbm>> -> memref<10000x128xf32, #tpu.memory_space<hbm>>
      tpu.enqueue_indirect_dma source(%dma_start3A_92 : memref<10000x128xf32, #tpu.memory_space<hbm>>) target(%arg9 : memref<80x128xf32, #tpu.memory_space<vmem>>) offsets(%dma_start3A_89 : memref<80xi32, #tpu.memory_space<vmem>>) semaphore(%arg14 : memref<!tpu.dma_semaphore, #tpu.memory_space<semaphore_mem>>)
      %dma_wait3A_93 = arith.constant 0 : i32
      %dma_wait3A_94 = tpu.memref_slice %arg6[%add3A_45, %dma_wait3A_93] : memref<125x80xi32, #tpu.memory_space<vmem>> -> memref<1x80xi32, #tpu.memory_space<vmem>>
      %dma_wait3A_95 = tpu.memref_squeeze %dma_wait3A_94 : memref<1x80xi32, #tpu.memory_space<vmem>> -> memref<80xi32, #tpu.memory_space<vmem>>
      %dma_wait3A_96 = arith.constant 0 : i32
      %dma_wait3A_97 = arith.constant 0 : i32
      %dma_wait3A_98 = tpu.memref_slice %arg2[%dma_wait3A_96, %dma_wait3A_97] : memref<10000x128xf32, #tpu.memory_space<hbm>> -> memref<10000x128xf32, #tpu.memory_space<hbm>>
      tpu.wait_indirect_dma semaphore(%arg15 : memref<!tpu.dma_semaphore, #tpu.memory_space<semaphore_mem>>) src(%dma_wait3A_98 : memref<10000x128xf32, #tpu.memory_space<hbm>>) dst(%arg10 : memref<80x128xf32, #tpu.memory_space<vmem>>)
      %dma_wait3A_99 = arith.constant 0 : i32
      %dma_wait3A_100 = tpu.memref_slice %arg7[%add3A_45, %dma_wait3A_99] : memref<125x80xi32, #tpu.memory_space<vmem>> -> memref<1x80xi32, #tpu.memory_space<vmem>>
      %dma_wait3A_101 = tpu.memref_squeeze %dma_wait3A_100 : memref<1x80xi32, #tpu.memory_space<vmem>> -> memref<80xi32, #tpu.memory_space<vmem>>
      %dma_wait3A_102 = arith.constant 0 : i32
      %dma_wait3A_103 = arith.constant 0 : i32
      %dma_wait3A_104 = tpu.memref_slice %arg2[%dma_wait3A_102, %dma_wait3A_103] : memref<10000x128xf32, #tpu.memory_space<hbm>> -> memref<10000x128xf32, #tpu.memory_space<hbm>>
      tpu.wait_indirect_dma semaphore(%arg16 : memref<!tpu.dma_semaphore, #tpu.memory_space<semaphore_mem>>) src(%dma_wait3A_104 : memref<10000x128xf32, #tpu.memory_space<hbm>>) dst(%arg11 : memref<80x128xf32, #tpu.memory_space<vmem>>)
      %iota3A_105 = tpu.iota {dimensions = array<i32: 0>} : vector<16xi32>
      %broadcast_in_dim3A_106 = arith.constant 0.000000e+00 : f32
      %broadcast_in_dim3A_107 = vector.broadcast %broadcast_in_dim3A_106 : f32 to vector<16xf32>
      %scan3A_108 = arith.constant 0 : i32
      %scan3A_109 = arith.constant 10 : i32
      %scan3A_110 = arith.addi %scan3A_108, %scan3A_109 : i32
      %scan3A_111 = arith.constant 1 : i32
      %scan3A_112 = scf.for %scan3A_114 = %scan3A_108 to %scan3A_110 step %scan3A_111 iter_args(%scan3A_115 = %broadcast_in_dim3A_107) -> (vector<16xf32>)  : i32 {
        %mul3A_116 = arith.constant 8 : i32
        %mul3A_117 = arith.muli %scan3A_114, %mul3A_116 : i32
        %add3A_118 = arith.constant 0 : i32
        %add3A_119 = arith.addi %mul3A_117, %add3A_118 : i32
        %get3A = arith.index_cast %add3A_119 : i32 to index
        %get3A_120 = arith.constant 0 : index
        %get3A_121 = tpu.vector_load %arg10[%get3A, %get3A_120] {strides = array<i32>} : memref<80x128xf32, #tpu.memory_space<vmem>>, vector<1x16xf32>,
        %get3A_122 = vector.shape_cast %get3A_121 : vector<1x16xf32> to vector<16xf32>
        %get3A_123 = arith.index_cast %add3A_119 : i32 to index
        %get3A_124 = arith.constant 0 : index
        %get3A_125 = tpu.vector_load %arg11[%get3A_123, %get3A_124] {strides = array<i32>} : memref<80x128xf32, #tpu.memory_space<vmem>>, vector<1x16xf32>,
        %get3A_126 = vector.shape_cast %get3A_125 : vector<1x16xf32> to vector<16xf32>
        %mul3A_127 = arith.mulf %get3A_122, %get3A_126 : vector<16xf32>
        %get3A_128 = arith.index_cast %add3A_119 : i32 to index
        %get3A_129 = arith.constant 16 : index
        %get3A_130 = tpu.vector_load %arg10[%get3A_128, %get3A_129] {strides = array<i32>} : memref<80x128xf32, #tpu.memory_space<vmem>>, vector<1x16xf32>,
        %get3A_131 = vector.shape_cast %get3A_130 : vector<1x16xf32> to vector<16xf32>
        %get3A_132 = arith.index_cast %add3A_119 : i32 to index
        %get3A_133 = arith.constant 16 : index
        %get3A_134 = tpu.vector_load %arg11[%get3A_132, %get3A_133] {strides = array<i32>} : memref<80x128xf32, #tpu.memory_space<vmem>>, vector<1x16xf32>,
        %get3A_135 = vector.shape_cast %get3A_134 : vector<1x16xf32> to vector<16xf32>
        %mul3A_136 = arith.mulf %get3A_131, %get3A_135 : vector<16xf32>
        %add3A_137 = arith.addf %mul3A_127, %mul3A_136 : vector<16xf32>
        %get3A_138 = arith.index_cast %add3A_119 : i32 to index
        %get3A_139 = arith.constant 32 : index
        %get3A_140 = tpu.vector_load %arg10[%get3A_138, %get3A_139] {strides = array<i32>} : memref<80x128xf32, #tpu.memory_space<vmem>>, vector<1x16xf32>,
        %get3A_141 = vector.shape_cast %get3A_140 : vector<1x16xf32> to vector<16xf32>
        %get3A_142 = arith.index_cast %add3A_119 : i32 to index
        %get3A_143 = arith.constant 32 : index
        %get3A_144 = tpu.vector_load %arg11[%get3A_142, %get3A_143] {strides = array<i32>} : memref<80x128xf32, #tpu.memory_space<vmem>>, vector<1x16xf32>,
        %get3A_145 = vector.shape_cast %get3A_144 : vector<1x16xf32> to vector<16xf32>
        %mul3A_146 = arith.mulf %get3A_141, %get3A_145 : vector<16xf32>
        %add3A_147 = arith.addf %add3A_137, %mul3A_146 : vector<16xf32>
        %get3A_148 = arith.index_cast %add3A_119 : i32 to index
        %get3A_149 = arith.constant 48 : index
        %get3A_150 = tpu.vector_load %arg10[%get3A_148, %get3A_149] {strides = array<i32>} : memref<80x128xf32, #tpu.memory_space<vmem>>, vector<1x16xf32>,
        %get3A_151 = vector.shape_cast %get3A_150 : vector<1x16xf32> to vector<16xf32>
        %get3A_152 = arith.index_cast %add3A_119 : i32 to index
        %get3A_153 = arith.constant 48 : index
        %get3A_154 = tpu.vector_load %arg11[%get3A_152, %get3A_153] {strides = array<i32>} : memref<80x128xf32, #tpu.memory_space<vmem>>, vector<1x16xf32>,
        %get3A_155 = vector.shape_cast %get3A_154 : vector<1x16xf32> to vector<16xf32>
        %mul3A_156 = arith.mulf %get3A_151, %get3A_155 : vector<16xf32>
        %add3A_157 = arith.addf %add3A_147, %mul3A_156 : vector<16xf32>
        %get3A_158 = arith.index_cast %add3A_119 : i32 to index
        %get3A_159 = arith.constant 64 : index
        %get3A_160 = tpu.vector_load %arg10[%get3A_158, %get3A_159] {strides = array<i32>} : memref<80x128xf32, #tpu.memory_space<vmem>>, vector<1x16xf32>,
        %get3A_161 = vector.shape_cast %get3A_160 : vector<1x16xf32> to vector<16xf32>
        %get3A_162 = arith.index_cast %add3A_119 : i32 to index
        %get3A_163 = arith.constant 64 : index
        %get3A_164 = tpu.vector_load %arg11[%get3A_162, %get3A_163] {strides = array<i32>} : memref<80x128xf32, #tpu.memory_space<vmem>>, vector<1x16xf32>,
        %get3A_165 = vector.shape_cast %get3A_164 : vector<1x16xf32> to vector<16xf32>
        %mul3A_166 = arith.mulf %get3A_161, %get3A_165 : vector<16xf32>
        %add3A_167 = arith.addf %add3A_157, %mul3A_166 : vector<16xf32>
        %get3A_168 = arith.index_cast %add3A_119 : i32 to index
        %get3A_169 = arith.constant 80 : index
        %get3A_170 = tpu.vector_load %arg10[%get3A_168, %get3A_169] {strides = array<i32>} : memref<80x128xf32, #tpu.memory_space<vmem>>, vector<1x16xf32>,
        %get3A_171 = vector.shape_cast %get3A_170 : vector<1x16xf32> to vector<16xf32>
        %get3A_172 = arith.index_cast %add3A_119 : i32 to index
        %get3A_173 = arith.constant 80 : index
        %get3A_174 = tpu.vector_load %arg11[%get3A_172, %get3A_173] {strides = array<i32>} : memref<80x128xf32, #tpu.memory_space<vmem>>, vector<1x16xf32>,
        %get3A_175 = vector.shape_cast %get3A_174 : vector<1x16xf32> to vector<16xf32>
        %mul3A_176 = arith.mulf %get3A_171, %get3A_175 : vector<16xf32>
        %add3A_177 = arith.addf %add3A_167, %mul3A_176 : vector<16xf32>
        %get3A_178 = arith.index_cast %add3A_119 : i32 to index
        %get3A_179 = arith.constant 96 : index
        %get3A_180 = tpu.vector_load %arg10[%get3A_178, %get3A_179] {strides = array<i32>} : memref<80x128xf32, #tpu.memory_space<vmem>>, vector<1x16xf32>,
        %get3A_181 = vector.shape_cast %get3A_180 : vector<1x16xf32> to vector<16xf32>
        %get3A_182 = arith.index_cast %add3A_119 : i32 to index
        %get3A_183 = arith.constant 96 : index
        %get3A_184 = tpu.vector_load %arg11[%get3A_182, %get3A_183] {strides = array<i32>} : memref<80x128xf32, #tpu.memory_space<vmem>>, vector<1x16xf32>,
        %get3A_185 = vector.shape_cast %get3A_184 : vector<1x16xf32> to vector<16xf32>
        %mul3A_186 = arith.mulf %get3A_181, %get3A_185 : vector<16xf32>
        %add3A_187 = arith.addf %add3A_177, %mul3A_186 : vector<16xf32>
        %get3A_188 = arith.index_cast %add3A_119 : i32 to index
        %get3A_189 = arith.constant 112 : index
        %get3A_190 = tpu.vector_load %arg10[%get3A_188, %get3A_189] {strides = array<i32>} : memref<80x128xf32, #tpu.memory_space<vmem>>, vector<1x16xf32>,
        %get3A_191 = vector.shape_cast %get3A_190 : vector<1x16xf32> to vector<16xf32>
        %get3A_192 = arith.index_cast %add3A_119 : i32 to index
        %get3A_193 = arith.constant 112 : index
        %get3A_194 = tpu.vector_load %arg11[%get3A_192, %get3A_193] {strides = array<i32>} : memref<80x128xf32, #tpu.memory_space<vmem>>, vector<1x16xf32>,
        %get3A_195 = vector.shape_cast %get3A_194 : vector<1x16xf32> to vector<16xf32>
        %mul3A_196 = arith.mulf %get3A_191, %get3A_195 : vector<16xf32>
        %add3A_197 = arith.addf %add3A_187, %mul3A_196 : vector<16xf32>
        %xor3A = arith.constant 8 : i32
        %xor3A_198 = vector.broadcast %xor3A : i32 to vector<16xi32>
        %xor3A_199 = arith.xori %iota3A_105, %xor3A_198 : vector<16xi32>
        %lt3A = arith.constant 0 : i32
        %lt3A_200 = vector.broadcast %lt3A : i32 to vector<16xi32>
        %lt3A_201 = arith.cmpi slt, %xor3A_199, %lt3A_200 : vector<16xi32>
        %add3A_202 = arith.constant 16 : i32
        %add3A_203 = vector.broadcast %add3A_202 : i32 to vector<16xi32>
        %add3A_204 = arith.addi %xor3A_199, %add3A_203 : vector<16xi32>
        %select_n3A = arith.select %lt3A_201, %add3A_204, %xor3A_199 : vector<16xi1>, vector<16xi32>
        %broadcast_in_dim3A_205 = vector.shape_cast %select_n3A : vector<16xi32> to vector<16x1xi32>
        %gather3A = vector.shape_cast %broadcast_in_dim3A_205 : vector<16x1xi32> to vector<16xi32>
        %gather3A_206 = tpu.dynamic_gather %add3A_197[%gather3A] in [0] : vector<16xf32>, vector<16xi32> -> vector<16xf32>
        %add3A_207 = arith.addf %add3A_197, %gather3A_206 : vector<16xf32>
        %xor3A_208 = arith.constant 4 : i32
        %xor3A_209 = vector.broadcast %xor3A_208 : i32 to vector<16xi32>
        %xor3A_210 = arith.xori %iota3A_105, %xor3A_209 : vector<16xi32>
        %lt3A_211 = arith.constant 0 : i32
        %lt3A_212 = vector.broadcast %lt3A_211 : i32 to vector<16xi32>
        %lt3A_213 = arith.cmpi slt, %xor3A_210, %lt3A_212 : vector<16xi32>
        %add3A_214 = arith.constant 16 : i32
        %add3A_215 = vector.broadcast %add3A_214 : i32 to vector<16xi32>
        %add3A_216 = arith.addi %xor3A_210, %add3A_215 : vector<16xi32>
        %select_n3A_217 = arith.select %lt3A_213, %add3A_216, %xor3A_210 : vector<16xi1>, vector<16xi32>
        %broadcast_in_dim3A_218 = vector.shape_cast %select_n3A_217 : vector<16xi32> to vector<16x1xi32>
        %gather3A_219 = vector.shape_cast %broadcast_in_dim3A_218 : vector<16x1xi32> to vector<16xi32>
        %gather3A_220 = tpu.dynamic_gather %add3A_207[%gather3A_219] in [0] : vector<16xf32>, vector<16xi32> -> vector<16xf32>
        %add3A_221 = arith.addf %add3A_207, %gather3A_220 : vector<16xf32>
        %xor3A_222 = arith.constant 2 : i32
        %xor3A_223 = vector.broadcast %xor3A_222 : i32 to vector<16xi32>
        %xor3A_224 = arith.xori %iota3A_105, %xor3A_223 : vector<16xi32>
        %lt3A_225 = arith.constant 0 : i32
        %lt3A_226 = vector.broadcast %lt3A_225 : i32 to vector<16xi32>
        %lt3A_227 = arith.cmpi slt, %xor3A_224, %lt3A_226 : vector<16xi32>
        %add3A_228 = arith.constant 16 : i32
        %add3A_229 = vector.broadcast %add3A_228 : i32 to vector<16xi32>
        %add3A_230 = arith.addi %xor3A_224, %add3A_229 : vector<16xi32>
        %select_n3A_231 = arith.select %lt3A_227, %add3A_230, %xor3A_224 : vector<16xi1>, vector<16xi32>
        %broadcast_in_dim3A_232 = vector.shape_cast %select_n3A_231 : vector<16xi32> to vector<16x1xi32>
        %gather3A_233 = vector.shape_cast %broadcast_in_dim3A_232 : vector<16x1xi32> to vector<16xi32>
        %gather3A_234 = tpu.dynamic_gather %add3A_221[%gather3A_233] in [0] : vector<16xf32>, vector<16xi32> -> vector<16xf32>
        %add3A_235 = arith.addf %add3A_221, %gather3A_234 : vector<16xf32>
        %xor3A_236 = arith.constant 1 : i32
        %xor3A_237 = vector.broadcast %xor3A_236 : i32 to vector<16xi32>
        %xor3A_238 = arith.xori %iota3A_105, %xor3A_237 : vector<16xi32>
        %lt3A_239 = arith.constant 0 : i32
        %lt3A_240 = vector.broadcast %lt3A_239 : i32 to vector<16xi32>
        %lt3A_241 = arith.cmpi slt, %xor3A_238, %lt3A_240 : vector<16xi32>
        %add3A_242 = arith.constant 16 : i32
        %add3A_243 = vector.broadcast %add3A_242 : i32 to vector<16xi32>
        %add3A_244 = arith.addi %xor3A_238, %add3A_243 : vector<16xi32>
        %select_n3A_245 = arith.select %lt3A_241, %add3A_244, %xor3A_238 : vector<16xi1>, vector<16xi32>
        %broadcast_in_dim3A_246 = vector.shape_cast %select_n3A_245 : vector<16xi32> to vector<16x1xi32>
        %gather3A_247 = vector.shape_cast %broadcast_in_dim3A_246 : vector<16x1xi32> to vector<16xi32>
        %gather3A_248 = tpu.dynamic_gather %add3A_235[%gather3A_247] in [0] : vector<16xf32>, vector<16xi32> -> vector<16xf32>
        %add3A_249 = arith.addf %add3A_235, %gather3A_248 : vector<16xf32>
        %mul3A_250 = arith.constant 8 : i32
        %mul3A_251 = arith.muli %scan3A_114, %mul3A_250 : i32
        %add3A_252 = arith.constant 1 : i32
        %add3A_253 = arith.addi %mul3A_251, %add3A_252 : i32
        %get3A_254 = arith.index_cast %add3A_253 : i32 to index
        %get3A_255 = arith.constant 0 : index
        %get3A_256 = tpu.vector_load %arg10[%get3A_254, %get3A_255] {strides = array<i32>} : memref<80x128xf32, #tpu.memory_space<vmem>>, vector<1x16xf32>,
        %get3A_257 = vector.shape_cast %get3A_256 : vector<1x16xf32> to vector<16xf32>
        %get3A_258 = arith.index_cast %add3A_253 : i32 to index
        %get3A_259 = arith.constant 0 : index
        %get3A_260 = tpu.vector_load %arg11[%get3A_258, %get3A_259] {strides = array<i32>} : memref<80x128xf32, #tpu.memory_space<vmem>>, vector<1x16xf32>,
        %get3A_261 = vector.shape_cast %get3A_260 : vector<1x16xf32> to vector<16xf32>
        %mul3A_262 = arith.mulf %get3A_257, %get3A_261 : vector<16xf32>
        %get3A_263 = arith.index_cast %add3A_253 : i32 to index
        %get3A_264 = arith.constant 16 : index
        %get3A_265 = tpu.vector_load %arg10[%get3A_263, %get3A_264] {strides = array<i32>} : memref<80x128xf32, #tpu.memory_space<vmem>>, vector<1x16xf32>,
        %get3A_266 = vector.shape_cast %get3A_265 : vector<1x16xf32> to vector<16xf32>
        %get3A_267 = arith.index_cast %add3A_253 : i32 to index
        %get3A_268 = arith.constant 16 : index
        %get3A_269 = tpu.vector_load %arg11[%get3A_267, %get3A_268] {strides = array<i32>} : memref<80x128xf32, #tpu.memory_space<vmem>>, vector<1x16xf32>,
        %get3A_270 = vector.shape_cast %get3A_269 : vector<1x16xf32> to vector<16xf32>
        %mul3A_271 = arith.mulf %get3A_266, %get3A_270 : vector<16xf32>
        %add3A_272 = arith.addf %mul3A_262, %mul3A_271 : vector<16xf32>
        %get3A_273 = arith.index_cast %add3A_253 : i32 to index
        %get3A_274 = arith.constant 32 : index
        %get3A_275 = tpu.vector_load %arg10[%get3A_273, %get3A_274] {strides = array<i32>} : memref<80x128xf32, #tpu.memory_space<vmem>>, vector<1x16xf32>,
        %get3A_276 = vector.shape_cast %get3A_275 : vector<1x16xf32> to vector<16xf32>
        %get3A_277 = arith.index_cast %add3A_253 : i32 to index
        %get3A_278 = arith.constant 32 : index
        %get3A_279 = tpu.vector_load %arg11[%get3A_277, %get3A_278] {strides = array<i32>} : memref<80x128xf32, #tpu.memory_space<vmem>>, vector<1x16xf32>,
        %get3A_280 = vector.shape_cast %get3A_279 : vector<1x16xf32> to vector<16xf32>
        %mul3A_281 = arith.mulf %get3A_276, %get3A_280 : vector<16xf32>
        %add3A_282 = arith.addf %add3A_272, %mul3A_281 : vector<16xf32>
        %get3A_283 = arith.index_cast %add3A_253 : i32 to index
        %get3A_284 = arith.constant 48 : index
        %get3A_285 = tpu.vector_load %arg10[%get3A_283, %get3A_284] {strides = array<i32>} : memref<80x128xf32, #tpu.memory_space<vmem>>, vector<1x16xf32>,
        %get3A_286 = vector.shape_cast %get3A_285 : vector<1x16xf32> to vector<16xf32>
        %get3A_287 = arith.index_cast %add3A_253 : i32 to index
        %get3A_288 = arith.constant 48 : index
        %get3A_289 = tpu.vector_load %arg11[%get3A_287, %get3A_288] {strides = array<i32>} : memref<80x128xf32, #tpu.memory_space<vmem>>, vector<1x16xf32>,
        %get3A_290 = vector.shape_cast %get3A_289 : vector<1x16xf32> to vector<16xf32>
        %mul3A_291 = arith.mulf %get3A_286, %get3A_290 : vector<16xf32>
        %add3A_292 = arith.addf %add3A_282, %mul3A_291 : vector<16xf32>
        %get3A_293 = arith.index_cast %add3A_253 : i32 to index
        %get3A_294 = arith.constant 64 : index
        %get3A_295 = tpu.vector_load %arg10[%get3A_293, %get3A_294] {strides = array<i32>} : memref<80x128xf32, #tpu.memory_space<vmem>>, vector<1x16xf32>,
        %get3A_296 = vector.shape_cast %get3A_295 : vector<1x16xf32> to vector<16xf32>
        %get3A_297 = arith.index_cast %add3A_253 : i32 to index
        %get3A_298 = arith.constant 64 : index
        %get3A_299 = tpu.vector_load %arg11[%get3A_297, %get3A_298] {strides = array<i32>} : memref<80x128xf32, #tpu.memory_space<vmem>>, vector<1x16xf32>,
        %get3A_300 = vector.shape_cast %get3A_299 : vector<1x16xf32> to vector<16xf32>
        %mul3A_301 = arith.mulf %get3A_296, %get3A_300 : vector<16xf32>
        %add3A_302 = arith.addf %add3A_292, %mul3A_301 : vector<16xf32>
        %get3A_303 = arith.index_cast %add3A_253 : i32 to index
        %get3A_304 = arith.constant 80 : index
        %get3A_305 = tpu.vector_load %arg10[%get3A_303, %get3A_304] {strides = array<i32>} : memref<80x128xf32, #tpu.memory_space<vmem>>, vector<1x16xf32>,
        %get3A_306 = vector.shape_cast %get3A_305 : vector<1x16xf32> to vector<16xf32>
        %get3A_307 = arith.index_cast %add3A_253 : i32 to index
        %get3A_308 = arith.constant 80 : index
        %get3A_309 = tpu.vector_load %arg11[%get3A_307, %get3A_308] {strides = array<i32>} : memref<80x128xf32, #tpu.memory_space<vmem>>, vector<1x16xf32>,
        %get3A_310 = vector.shape_cast %get3A_309 : vector<1x16xf32> to vector<16xf32>
        %mul3A_311 = arith.mulf %get3A_306, %get3A_310 : vector<16xf32>
        %add3A_312 = arith.addf %add3A_302, %mul3A_311 : vector<16xf32>
        %get3A_313 = arith.index_cast %add3A_253 : i32 to index
        %get3A_314 = arith.constant 96 : index
        %get3A_315 = tpu.vector_load %arg10[%get3A_313, %get3A_314] {strides = array<i32>} : memref<80x128xf32, #tpu.memory_space<vmem>>, vector<1x16xf32>,
        %get3A_316 = vector.shape_cast %get3A_315 : vector<1x16xf32> to vector<16xf32>
        %get3A_317 = arith.index_cast %add3A_253 : i32 to index
        %get3A_318 = arith.constant 96 : index
        %get3A_319 = tpu.vector_load %arg11[%get3A_317, %get3A_318] {strides = array<i32>} : memref<80x128xf32, #tpu.memory_space<vmem>>, vector<1x16xf32>,
        %get3A_320 = vector.shape_cast %get3A_319 : vector<1x16xf32> to vector<16xf32>
        %mul3A_321 = arith.mulf %get3A_316, %get3A_320 : vector<16xf32>
        %add3A_322 = arith.addf %add3A_312, %mul3A_321 : vector<16xf32>
        %get3A_323 = arith.index_cast %add3A_253 : i32 to index
        %get3A_324 = arith.constant 112 : index
        %get3A_325 = tpu.vector_load %arg10[%get3A_323, %get3A_324] {strides = array<i32>} : memref<80x128xf32, #tpu.memory_space<vmem>>, vector<1x16xf32>,
        %get3A_326 = vector.shape_cast %get3A_325 : vector<1x16xf32> to vector<16xf32>
        %get3A_327 = arith.index_cast %add3A_253 : i32 to index
        %get3A_328 = arith.constant 112 : index
        %get3A_329 = tpu.vector_load %arg11[%get3A_327, %get3A_328] {strides = array<i32>} : memref<80x128xf32, #tpu.memory_space<vmem>>, vector<1x16xf32>,
        %get3A_330 = vector.shape_cast %get3A_329 : vector<1x16xf32> to vector<16xf32>
        %mul3A_331 = arith.mulf %get3A_326, %get3A_330 : vector<16xf32>
        %add3A_332 = arith.addf %add3A_322, %mul3A_331 : vector<16xf32>
        %xor3A_333 = arith.constant 8 : i32
        %xor3A_334 = vector.broadcast %xor3A_333 : i32 to vector<16xi32>
        %xor3A_335 = arith.xori %iota3A_105, %xor3A_334 : vector<16xi32>
        %lt3A_336 = arith.constant 0 : i32
        %lt3A_337 = vector.broadcast %lt3A_336 : i32 to vector<16xi32>
        %lt3A_338 = arith.cmpi slt, %xor3A_335, %lt3A_337 : vector<16xi32>
        %add3A_339 = arith.constant 16 : i32
        %add3A_340 = vector.broadcast %add3A_339 : i32 to vector<16xi32>
        %add3A_341 = arith.addi %xor3A_335, %add3A_340 : vector<16xi32>
        %select_n3A_342 = arith.select %lt3A_338, %add3A_341, %xor3A_335 : vector<16xi1>, vector<16xi32>
        %broadcast_in_dim3A_343 = vector.shape_cast %select_n3A_342 : vector<16xi32> to vector<16x1xi32>
        %gather3A_344 = vector.shape_cast %broadcast_in_dim3A_343 : vector<16x1xi32> to vector<16xi32>
        %gather3A_345 = tpu.dynamic_gather %add3A_332[%gather3A_344] in [0] : vector<16xf32>, vector<16xi32> -> vector<16xf32>
        %add3A_346 = arith.addf %add3A_332, %gather3A_345 : vector<16xf32>
        %xor3A_347 = arith.constant 4 : i32
        %xor3A_348 = vector.broadcast %xor3A_347 : i32 to vector<16xi32>
        %xor3A_349 = arith.xori %iota3A_105, %xor3A_348 : vector<16xi32>
        %lt3A_350 = arith.constant 0 : i32
        %lt3A_351 = vector.broadcast %lt3A_350 : i32 to vector<16xi32>
        %lt3A_352 = arith.cmpi slt, %xor3A_349, %lt3A_351 : vector<16xi32>
        %add3A_353 = arith.constant 16 : i32
        %add3A_354 = vector.broadcast %add3A_353 : i32 to vector<16xi32>
        %add3A_355 = arith.addi %xor3A_349, %add3A_354 : vector<16xi32>
        %select_n3A_356 = arith.select %lt3A_352, %add3A_355, %xor3A_349 : vector<16xi1>, vector<16xi32>
        %broadcast_in_dim3A_357 = vector.shape_cast %select_n3A_356 : vector<16xi32> to vector<16x1xi32>
        %gather3A_358 = vector.shape_cast %broadcast_in_dim3A_357 : vector<16x1xi32> to vector<16xi32>
        %gather3A_359 = tpu.dynamic_gather %add3A_346[%gather3A_358] in [0] : vector<16xf32>, vector<16xi32> -> vector<16xf32>
        %add3A_360 = arith.addf %add3A_346, %gather3A_359 : vector<16xf32>
        %xor3A_361 = arith.constant 2 : i32
        %xor3A_362 = vector.broadcast %xor3A_361 : i32 to vector<16xi32>
        %xor3A_363 = arith.xori %iota3A_105, %xor3A_362 : vector<16xi32>
        %lt3A_364 = arith.constant 0 : i32
        %lt3A_365 = vector.broadcast %lt3A_364 : i32 to vector<16xi32>
        %lt3A_366 = arith.cmpi slt, %xor3A_363, %lt3A_365 : vector<16xi32>
        %add3A_367 = arith.constant 16 : i32
        %add3A_368 = vector.broadcast %add3A_367 : i32 to vector<16xi32>
        %add3A_369 = arith.addi %xor3A_363, %add3A_368 : vector<16xi32>
        %select_n3A_370 = arith.select %lt3A_366, %add3A_369, %xor3A_363 : vector<16xi1>, vector<16xi32>
        %broadcast_in_dim3A_371 = vector.shape_cast %select_n3A_370 : vector<16xi32> to vector<16x1xi32>
        %gather3A_372 = vector.shape_cast %broadcast_in_dim3A_371 : vector<16x1xi32> to vector<16xi32>
        %gather3A_373 = tpu.dynamic_gather %add3A_360[%gather3A_372] in [0] : vector<16xf32>, vector<16xi32> -> vector<16xf32>
        %add3A_374 = arith.addf %add3A_360, %gather3A_373 : vector<16xf32>
        %xor3A_375 = arith.constant 1 : i32
        %xor3A_376 = vector.broadcast %xor3A_375 : i32 to vector<16xi32>
        %xor3A_377 = arith.xori %iota3A_105, %xor3A_376 : vector<16xi32>
        %lt3A_378 = arith.constant 0 : i32
        %lt3A_379 = vector.broadcast %lt3A_378 : i32 to vector<16xi32>
        %lt3A_380 = arith.cmpi slt, %xor3A_377, %lt3A_379 : vector<16xi32>
        %add3A_381 = arith.constant 16 : i32
        %add3A_382 = vector.broadcast %add3A_381 : i32 to vector<16xi32>
        %add3A_383 = arith.addi %xor3A_377, %add3A_382 : vector<16xi32>
        %select_n3A_384 = arith.select %lt3A_380, %add3A_383, %xor3A_377 : vector<16xi1>, vector<16xi32>
        %broadcast_in_dim3A_385 = vector.shape_cast %select_n3A_384 : vector<16xi32> to vector<16x1xi32>
        %gather3A_386 = vector.shape_cast %broadcast_in_dim3A_385 : vector<16x1xi32> to vector<16xi32>
        %gather3A_387 = tpu.dynamic_gather %add3A_374[%gather3A_386] in [0] : vector<16xf32>, vector<16xi32> -> vector<16xf32>
        %add3A_388 = arith.addf %add3A_374, %gather3A_387 : vector<16xf32>
        %eq3A = arith.constant 1 : i32
        %eq3A_389 = vector.broadcast %eq3A : i32 to vector<16xi32>
        %eq3A_390 = arith.cmpi eq, %iota3A_105, %eq3A_389 : vector<16xi32>
        %select_n3A_391 = arith.select %eq3A_390, %add3A_388, %add3A_249 : vector<16xi1>, vector<16xf32>
        %mul3A_392 = arith.constant 8 : i32
        %mul3A_393 = arith.muli %scan3A_114, %mul3A_392 : i32
        %add3A_394 = arith.constant 2 : i32
        %add3A_395 = arith.addi %mul3A_393, %add3A_394 : i32
        %get3A_396 = arith.index_cast %add3A_395 : i32 to index
        %get3A_397 = arith.constant 0 : index
        %get3A_398 = tpu.vector_load %arg10[%get3A_396, %get3A_397] {strides = array<i32>} : memref<80x128xf32, #tpu.memory_space<vmem>>, vector<1x16xf32>,
        %get3A_399 = vector.shape_cast %get3A_398 : vector<1x16xf32> to vector<16xf32>
        %get3A_400 = arith.index_cast %add3A_395 : i32 to index
        %get3A_401 = arith.constant 0 : index
        %get3A_402 = tpu.vector_load %arg11[%get3A_400, %get3A_401] {strides = array<i32>} : memref<80x128xf32, #tpu.memory_space<vmem>>, vector<1x16xf32>,
        %get3A_403 = vector.shape_cast %get3A_402 : vector<1x16xf32> to vector<16xf32>
        %mul3A_404 = arith.mulf %get3A_399, %get3A_403 : vector<16xf32>
        %get3A_405 = arith.index_cast %add3A_395 : i32 to index
        %get3A_406 = arith.constant 16 : index
        %get3A_407 = tpu.vector_load %arg10[%get3A_405, %get3A_406] {strides = array<i32>} : memref<80x128xf32, #tpu.memory_space<vmem>>, vector<1x16xf32>,
        %get3A_408 = vector.shape_cast %get3A_407 : vector<1x16xf32> to vector<16xf32>
        %get3A_409 = arith.index_cast %add3A_395 : i32 to index
        %get3A_410 = arith.constant 16 : index
        %get3A_411 = tpu.vector_load %arg11[%get3A_409, %get3A_410] {strides = array<i32>} : memref<80x128xf32, #tpu.memory_space<vmem>>, vector<1x16xf32>,
        %get3A_412 = vector.shape_cast %get3A_411 : vector<1x16xf32> to vector<16xf32>
        %mul3A_413 = arith.mulf %get3A_408, %get3A_412 : vector<16xf32>
        %add3A_414 = arith.addf %mul3A_404, %mul3A_413 : vector<16xf32>
        %get3A_415 = arith.index_cast %add3A_395 : i32 to index
        %get3A_416 = arith.constant 32 : index
        %get3A_417 = tpu.vector_load %arg10[%get3A_415, %get3A_416] {strides = array<i32>} : memref<80x128xf32, #tpu.memory_space<vmem>>, vector<1x16xf32>,
        %get3A_418 = vector.shape_cast %get3A_417 : vector<1x16xf32> to vector<16xf32>
        %get3A_419 = arith.index_cast %add3A_395 : i32 to index
        %get3A_420 = arith.constant 32 : index
        %get3A_421 = tpu.vector_load %arg11[%get3A_419, %get3A_420] {strides = array<i32>} : memref<80x128xf32, #tpu.memory_space<vmem>>, vector<1x16xf32>,
        %get3A_422 = vector.shape_cast %get3A_421 : vector<1x16xf32> to vector<16xf32>
        %mul3A_423 = arith.mulf %get3A_418, %get3A_422 : vector<16xf32>
        %add3A_424 = arith.addf %add3A_414, %mul3A_423 : vector<16xf32>
        %get3A_425 = arith.index_cast %add3A_395 : i32 to index
        %get3A_426 = arith.constant 48 : index
        %get3A_427 = tpu.vector_load %arg10[%get3A_425, %get3A_426] {strides = array<i32>} : memref<80x128xf32, #tpu.memory_space<vmem>>, vector<1x16xf32>,
        %get3A_428 = vector.shape_cast %get3A_427 : vector<1x16xf32> to vector<16xf32>
        %get3A_429 = arith.index_cast %add3A_395 : i32 to index
        %get3A_430 = arith.constant 48 : index
        %get3A_431 = tpu.vector_load %arg11[%get3A_429, %get3A_430] {strides = array<i32>} : memref<80x128xf32, #tpu.memory_space<vmem>>, vector<1x16xf32>,
        %get3A_432 = vector.shape_cast %get3A_431 : vector<1x16xf32> to vector<16xf32>
        %mul3A_433 = arith.mulf %get3A_428, %get3A_432 : vector<16xf32>
        %add3A_434 = arith.addf %add3A_424, %mul3A_433 : vector<16xf32>
        %get3A_435 = arith.index_cast %add3A_395 : i32 to index
        %get3A_436 = arith.constant 64 : index
        %get3A_437 = tpu.vector_load %arg10[%get3A_435, %get3A_436] {strides = array<i32>} : memref<80x128xf32, #tpu.memory_space<vmem>>, vector<1x16xf32>,
        %get3A_438 = vector.shape_cast %get3A_437 : vector<1x16xf32> to vector<16xf32>
        %get3A_439 = arith.index_cast %add3A_395 : i32 to index
        %get3A_440 = arith.constant 64 : index
        %get3A_441 = tpu.vector_load %arg11[%get3A_439, %get3A_440] {strides = array<i32>} : memref<80x128xf32, #tpu.memory_space<vmem>>, vector<1x16xf32>,
        %get3A_442 = vector.shape_cast %get3A_441 : vector<1x16xf32> to vector<16xf32>
        %mul3A_443 = arith.mulf %get3A_438, %get3A_442 : vector<16xf32>
        %add3A_444 = arith.addf %add3A_434, %mul3A_443 : vector<16xf32>
        %get3A_445 = arith.index_cast %add3A_395 : i32 to index
        %get3A_446 = arith.constant 80 : index
        %get3A_447 = tpu.vector_load %arg10[%get3A_445, %get3A_446] {strides = array<i32>} : memref<80x128xf32, #tpu.memory_space<vmem>>, vector<1x16xf32>,
        %get3A_448 = vector.shape_cast %get3A_447 : vector<1x16xf32> to vector<16xf32>
        %get3A_449 = arith.index_cast %add3A_395 : i32 to index
        %get3A_450 = arith.constant 80 : index
        %get3A_451 = tpu.vector_load %arg11[%get3A_449, %get3A_450] {strides = array<i32>} : memref<80x128xf32, #tpu.memory_space<vmem>>, vector<1x16xf32>,
        %get3A_452 = vector.shape_cast %get3A_451 : vector<1x16xf32> to vector<16xf32>
        %mul3A_453 = arith.mulf %get3A_448, %get3A_452 : vector<16xf32>
        %add3A_454 = arith.addf %add3A_444, %mul3A_453 : vector<16xf32>
        %get3A_455 = arith.index_cast %add3A_395 : i32 to index
        %get3A_456 = arith.constant 96 : index
        %get3A_457 = tpu.vector_load %arg10[%get3A_455, %get3A_456] {strides = array<i32>} : memref<80x128xf32, #tpu.memory_space<vmem>>, vector<1x16xf32>,
        %get3A_458 = vector.shape_cast %get3A_457 : vector<1x16xf32> to vector<16xf32>
        %get3A_459 = arith.index_cast %add3A_395 : i32 to index
        %get3A_460 = arith.constant 96 : index
        %get3A_461 = tpu.vector_load %arg11[%get3A_459, %get3A_460] {strides = array<i32>} : memref<80x128xf32, #tpu.memory_space<vmem>>, vector<1x16xf32>,
        %get3A_462 = vector.shape_cast %get3A_461 : vector<1x16xf32> to vector<16xf32>
        %mul3A_463 = arith.mulf %get3A_458, %get3A_462 : vector<16xf32>
        %add3A_464 = arith.addf %add3A_454, %mul3A_463 : vector<16xf32>
        %get3A_465 = arith.index_cast %add3A_395 : i32 to index
        %get3A_466 = arith.constant 112 : index
        %get3A_467 = tpu.vector_load %arg10[%get3A_465, %get3A_466] {strides = array<i32>} : memref<80x128xf32, #tpu.memory_space<vmem>>, vector<1x16xf32>,
        %get3A_468 = vector.shape_cast %get3A_467 : vector<1x16xf32> to vector<16xf32>
        %get3A_469 = arith.index_cast %add3A_395 : i32 to index
        %get3A_470 = arith.constant 112 : index
        %get3A_471 = tpu.vector_load %arg11[%get3A_469, %get3A_470] {strides = array<i32>} : memref<80x128xf32, #tpu.memory_space<vmem>>, vector<1x16xf32>,
        %get3A_472 = vector.shape_cast %get3A_471 : vector<1x16xf32> to vector<16xf32>
        %mul3A_473 = arith.mulf %get3A_468, %get3A_472 : vector<16xf32>
        %add3A_474 = arith.addf %add3A_464, %mul3A_473 : vector<16xf32>
        %xor3A_475 = arith.constant 8 : i32
        %xor3A_476 = vector.broadcast %xor3A_475 : i32 to vector<16xi32>
        %xor3A_477 = arith.xori %iota3A_105, %xor3A_476 : vector<16xi32>
        %lt3A_478 = arith.constant 0 : i32
        %lt3A_479 = vector.broadcast %lt3A_478 : i32 to vector<16xi32>
        %lt3A_480 = arith.cmpi slt, %xor3A_477, %lt3A_479 : vector<16xi32>
        %add3A_481 = arith.constant 16 : i32
        %add3A_482 = vector.broadcast %add3A_481 : i32 to vector<16xi32>
        %add3A_483 = arith.addi %xor3A_477, %add3A_482 : vector<16xi32>
        %select_n3A_484 = arith.select %lt3A_480, %add3A_483, %xor3A_477 : vector<16xi1>, vector<16xi32>
        %broadcast_in_dim3A_485 = vector.shape_cast %select_n3A_484 : vector<16xi32> to vector<16x1xi32>
        %gather3A_486 = vector.shape_cast %broadcast_in_dim3A_485 : vector<16x1xi32> to vector<16xi32>
        %gather3A_487 = tpu.dynamic_gather %add3A_474[%gather3A_486] in [0] : vector<16xf32>, vector<16xi32> -> vector<16xf32>
        %add3A_488 = arith.addf %add3A_474, %gather3A_487 : vector<16xf32>
        %xor3A_489 = arith.constant 4 : i32
        %xor3A_490 = vector.broadcast %xor3A_489 : i32 to vector<16xi32>
        %xor3A_491 = arith.xori %iota3A_105, %xor3A_490 : vector<16xi32>
        %lt3A_492 = arith.constant 0 : i32
        %lt3A_493 = vector.broadcast %lt3A_492 : i32 to vector<16xi32>
        %lt3A_494 = arith.cmpi slt, %xor3A_491, %lt3A_493 : vector<16xi32>
        %add3A_495 = arith.constant 16 : i32
        %add3A_496 = vector.broadcast %add3A_495 : i32 to vector<16xi32>
        %add3A_497 = arith.addi %xor3A_491, %add3A_496 : vector<16xi32>
        %select_n3A_498 = arith.select %lt3A_494, %add3A_497, %xor3A_491 : vector<16xi1>, vector<16xi32>
        %broadcast_in_dim3A_499 = vector.shape_cast %select_n3A_498 : vector<16xi32> to vector<16x1xi32>
        %gather3A_500 = vector.shape_cast %broadcast_in_dim3A_499 : vector<16x1xi32> to vector<16xi32>
        %gather3A_501 = tpu.dynamic_gather %add3A_488[%gather3A_500] in [0] : vector<16xf32>, vector<16xi32> -> vector<16xf32>
        %add3A_502 = arith.addf %add3A_488, %gather3A_501 : vector<16xf32>
        %xor3A_503 = arith.constant 2 : i32
        %xor3A_504 = vector.broadcast %xor3A_503 : i32 to vector<16xi32>
        %xor3A_505 = arith.xori %iota3A_105, %xor3A_504 : vector<16xi32>
        %lt3A_506 = arith.constant 0 : i32
        %lt3A_507 = vector.broadcast %lt3A_506 : i32 to vector<16xi32>
        %lt3A_508 = arith.cmpi slt, %xor3A_505, %lt3A_507 : vector<16xi32>
        %add3A_509 = arith.constant 16 : i32
        %add3A_510 = vector.broadcast %add3A_509 : i32 to vector<16xi32>
        %add3A_511 = arith.addi %xor3A_505, %add3A_510 : vector<16xi32>
        %select_n3A_512 = arith.select %lt3A_508, %add3A_511, %xor3A_505 : vector<16xi1>, vector<16xi32>
        %broadcast_in_dim3A_513 = vector.shape_cast %select_n3A_512 : vector<16xi32> to vector<16x1xi32>
        %gather3A_514 = vector.shape_cast %broadcast_in_dim3A_513 : vector<16x1xi32> to vector<16xi32>
        %gather3A_515 = tpu.dynamic_gather %add3A_502[%gather3A_514] in [0] : vector<16xf32>, vector<16xi32> -> vector<16xf32>
        %add3A_516 = arith.addf %add3A_502, %gather3A_515 : vector<16xf32>
        %xor3A_517 = arith.constant 1 : i32
        %xor3A_518 = vector.broadcast %xor3A_517 : i32 to vector<16xi32>
        %xor3A_519 = arith.xori %iota3A_105, %xor3A_518 : vector<16xi32>
        %lt3A_520 = arith.constant 0 : i32
        %lt3A_521 = vector.broadcast %lt3A_520 : i32 to vector<16xi32>
        %lt3A_522 = arith.cmpi slt, %xor3A_519, %lt3A_521 : vector<16xi32>
        %add3A_523 = arith.constant 16 : i32
        %add3A_524 = vector.broadcast %add3A_523 : i32 to vector<16xi32>
        %add3A_525 = arith.addi %xor3A_519, %add3A_524 : vector<16xi32>
        %select_n3A_526 = arith.select %lt3A_522, %add3A_525, %xor3A_519 : vector<16xi1>, vector<16xi32>
        %broadcast_in_dim3A_527 = vector.shape_cast %select_n3A_526 : vector<16xi32> to vector<16x1xi32>
        %gather3A_528 = vector.shape_cast %broadcast_in_dim3A_527 : vector<16x1xi32> to vector<16xi32>
        %gather3A_529 = tpu.dynamic_gather %add3A_516[%gather3A_528] in [0] : vector<16xf32>, vector<16xi32> -> vector<16xf32>
        %add3A_530 = arith.addf %add3A_516, %gather3A_529 : vector<16xf32>
        %eq3A_531 = arith.constant 2 : i32
        %eq3A_532 = vector.broadcast %eq3A_531 : i32 to vector<16xi32>
        %eq3A_533 = arith.cmpi eq, %iota3A_105, %eq3A_532 : vector<16xi32>
        %select_n3A_534 = arith.select %eq3A_533, %add3A_530, %select_n3A_391 : vector<16xi1>, vector<16xf32>
        %mul3A_535 = arith.constant 8 : i32
        %mul3A_536 = arith.muli %scan3A_114, %mul3A_535 : i32
        %add3A_537 = arith.constant 3 : i32
        %add3A_538 = arith.addi %mul3A_536, %add3A_537 : i32
        %get3A_539 = arith.index_cast %add3A_538 : i32 to index
        %get3A_540 = arith.constant 0 : index
        %get3A_541 = tpu.vector_load %arg10[%get3A_539, %get3A_540] {strides = array<i32>} : memref<80x128xf32, #tpu.memory_space<vmem>>, vector<1x16xf32>,
        %get3A_542 = vector.shape_cast %get3A_541 : vector<1x16xf32> to vector<16xf32>
        %get3A_543 = arith.index_cast %add3A_538 : i32 to index
        %get3A_544 = arith.constant 0 : index
        %get3A_545 = tpu.vector_load %arg11[%get3A_543, %get3A_544] {strides = array<i32>} : memref<80x128xf32, #tpu.memory_space<vmem>>, vector<1x16xf32>,
        %get3A_546 = vector.shape_cast %get3A_545 : vector<1x16xf32> to vector<16xf32>
        %mul3A_547 = arith.mulf %get3A_542, %get3A_546 : vector<16xf32>
        %get3A_548 = arith.index_cast %add3A_538 : i32 to index
        %get3A_549 = arith.constant 16 : index
        %get3A_550 = tpu.vector_load %arg10[%get3A_548, %get3A_549] {strides = array<i32>} : memref<80x128xf32, #tpu.memory_space<vmem>>, vector<1x16xf32>,
        %get3A_551 = vector.shape_cast %get3A_550 : vector<1x16xf32> to vector<16xf32>
        %get3A_552 = arith.index_cast %add3A_538 : i32 to index
        %get3A_553 = arith.constant 16 : index
        %get3A_554 = tpu.vector_load %arg11[%get3A_552, %get3A_553] {strides = array<i32>} : memref<80x128xf32, #tpu.memory_space<vmem>>, vector<1x16xf32>,
        %get3A_555 = vector.shape_cast %get3A_554 : vector<1x16xf32> to vector<16xf32>
        %mul3A_556 = arith.mulf %get3A_551, %get3A_555 : vector<16xf32>
        %add3A_557 = arith.addf %mul3A_547, %mul3A_556 : vector<16xf32>
        %get3A_558 = arith.index_cast %add3A_538 : i32 to index
        %get3A_559 = arith.constant 32 : index
        %get3A_560 = tpu.vector_load %arg10[%get3A_558, %get3A_559] {strides = array<i32>} : memref<80x128xf32, #tpu.memory_space<vmem>>, vector<1x16xf32>,
        %get3A_561 = vector.shape_cast %get3A_560 : vector<1x16xf32> to vector<16xf32>
        %get3A_562 = arith.index_cast %add3A_538 : i32 to index
        %get3A_563 = arith.constant 32 : index
        %get3A_564 = tpu.vector_load %arg11[%get3A_562, %get3A_563] {strides = array<i32>} : memref<80x128xf32, #tpu.memory_space<vmem>>, vector<1x16xf32>,
        %get3A_565 = vector.shape_cast %get3A_564 : vector<1x16xf32> to vector<16xf32>
        %mul3A_566 = arith.mulf %get3A_561, %get3A_565 : vector<16xf32>
        %add3A_567 = arith.addf %add3A_557, %mul3A_566 : vector<16xf32>
        %get3A_568 = arith.index_cast %add3A_538 : i32 to index
        %get3A_569 = arith.constant 48 : index
        %get3A_570 = tpu.vector_load %arg10[%get3A_568, %get3A_569] {strides = array<i32>} : memref<80x128xf32, #tpu.memory_space<vmem>>, vector<1x16xf32>,
        %get3A_571 = vector.shape_cast %get3A_570 : vector<1x16xf32> to vector<16xf32>
        %get3A_572 = arith.index_cast %add3A_538 : i32 to index
        %get3A_573 = arith.constant 48 : index
        %get3A_574 = tpu.vector_load %arg11[%get3A_572, %get3A_573] {strides = array<i32>} : memref<80x128xf32, #tpu.memory_space<vmem>>, vector<1x16xf32>,
        %get3A_575 = vector.shape_cast %get3A_574 : vector<1x16xf32> to vector<16xf32>
        %mul3A_576 = arith.mulf %get3A_571, %get3A_575 : vector<16xf32>
        %add3A_577 = arith.addf %add3A_567, %mul3A_576 : vector<16xf32>
        %get3A_578 = arith.index_cast %add3A_538 : i32 to index
        %get3A_579 = arith.constant 64 : index
        %get3A_580 = tpu.vector_load %arg10[%get3A_578, %get3A_579] {strides = array<i32>} : memref<80x128xf32, #tpu.memory_space<vmem>>, vector<1x16xf32>,
        %get3A_581 = vector.shape_cast %get3A_580 : vector<1x16xf32> to vector<16xf32>
        %get3A_582 = arith.index_cast %add3A_538 : i32 to index
        %get3A_583 = arith.constant 64 : index
        %get3A_584 = tpu.vector_load %arg11[%get3A_582, %get3A_583] {strides = array<i32>} : memref<80x128xf32, #tpu.memory_space<vmem>>, vector<1x16xf32>,
        %get3A_585 = vector.shape_cast %get3A_584 : vector<1x16xf32> to vector<16xf32>
        %mul3A_586 = arith.mulf %get3A_581, %get3A_585 : vector<16xf32>
        %add3A_587 = arith.addf %add3A_577, %mul3A_586 : vector<16xf32>
        %get3A_588 = arith.index_cast %add3A_538 : i32 to index
        %get3A_589 = arith.constant 80 : index
        %get3A_590 = tpu.vector_load %arg10[%get3A_588, %get3A_589] {strides = array<i32>} : memref<80x128xf32, #tpu.memory_space<vmem>>, vector<1x16xf32>,
        %get3A_591 = vector.shape_cast %get3A_590 : vector<1x16xf32> to vector<16xf32>
        %get3A_592 = arith.index_cast %add3A_538 : i32 to index
        %get3A_593 = arith.constant 80 : index
        %get3A_594 = tpu.vector_load %arg11[%get3A_592, %get3A_593] {strides = array<i32>} : memref<80x128xf32, #tpu.memory_space<vmem>>, vector<1x16xf32>,
        %get3A_595 = vector.shape_cast %get3A_594 : vector<1x16xf32> to vector<16xf32>
        %mul3A_596 = arith.mulf %get3A_591, %get3A_595 : vector<16xf32>
        %add3A_597 = arith.addf %add3A_587, %mul3A_596 : vector<16xf32>
        %get3A_598 = arith.index_cast %add3A_538 : i32 to index
        %get3A_599 = arith.constant 96 : index
        %get3A_600 = tpu.vector_load %arg10[%get3A_598, %get3A_599] {strides = array<i32>} : memref<80x128xf32, #tpu.memory_space<vmem>>, vector<1x16xf32>,
        %get3A_601 = vector.shape_cast %get3A_600 : vector<1x16xf32> to vector<16xf32>
        %get3A_602 = arith.index_cast %add3A_538 : i32 to index
        %get3A_603 = arith.constant 96 : index
        %get3A_604 = tpu.vector_load %arg11[%get3A_602, %get3A_603] {strides = array<i32>} : memref<80x128xf32, #tpu.memory_space<vmem>>, vector<1x16xf32>,
        %get3A_605 = vector.shape_cast %get3A_604 : vector<1x16xf32> to vector<16xf32>
        %mul3A_606 = arith.mulf %get3A_601, %get3A_605 : vector<16xf32>
        %add3A_607 = arith.addf %add3A_597, %mul3A_606 : vector<16xf32>
        %get3A_608 = arith.index_cast %add3A_538 : i32 to index
        %get3A_609 = arith.constant 112 : index
        %get3A_610 = tpu.vector_load %arg10[%get3A_608, %get3A_609] {strides = array<i32>} : memref<80x128xf32, #tpu.memory_space<vmem>>, vector<1x16xf32>,
        %get3A_611 = vector.shape_cast %get3A_610 : vector<1x16xf32> to vector<16xf32>
        %get3A_612 = arith.index_cast %add3A_538 : i32 to index
        %get3A_613 = arith.constant 112 : index
        %get3A_614 = tpu.vector_load %arg11[%get3A_612, %get3A_613] {strides = array<i32>} : memref<80x128xf32, #tpu.memory_space<vmem>>, vector<1x16xf32>,
        %get3A_615 = vector.shape_cast %get3A_614 : vector<1x16xf32> to vector<16xf32>
        %mul3A_616 = arith.mulf %get3A_611, %get3A_615 : vector<16xf32>
        %add3A_617 = arith.addf %add3A_607, %mul3A_616 : vector<16xf32>
        %xor3A_618 = arith.constant 8 : i32
        %xor3A_619 = vector.broadcast %xor3A_618 : i32 to vector<16xi32>
        %xor3A_620 = arith.xori %iota3A_105, %xor3A_619 : vector<16xi32>
        %lt3A_621 = arith.constant 0 : i32
        %lt3A_622 = vector.broadcast %lt3A_621 : i32 to vector<16xi32>
        %lt3A_623 = arith.cmpi slt, %xor3A_620, %lt3A_622 : vector<16xi32>
        %add3A_624 = arith.constant 16 : i32
        %add3A_625 = vector.broadcast %add3A_624 : i32 to vector<16xi32>
        %add3A_626 = arith.addi %xor3A_620, %add3A_625 : vector<16xi32>
        %select_n3A_627 = arith.select %lt3A_623, %add3A_626, %xor3A_620 : vector<16xi1>, vector<16xi32>
        %broadcast_in_dim3A_628 = vector.shape_cast %select_n3A_627 : vector<16xi32> to vector<16x1xi32>
        %gather3A_629 = vector.shape_cast %broadcast_in_dim3A_628 : vector<16x1xi32> to vector<16xi32>
        %gather3A_630 = tpu.dynamic_gather %add3A_617[%gather3A_629] in [0] : vector<16xf32>, vector<16xi32> -> vector<16xf32>
        %add3A_631 = arith.addf %add3A_617, %gather3A_630 : vector<16xf32>
        %xor3A_632 = arith.constant 4 : i32
        %xor3A_633 = vector.broadcast %xor3A_632 : i32 to vector<16xi32>
        %xor3A_634 = arith.xori %iota3A_105, %xor3A_633 : vector<16xi32>
        %lt3A_635 = arith.constant 0 : i32
        %lt3A_636 = vector.broadcast %lt3A_635 : i32 to vector<16xi32>
        %lt3A_637 = arith.cmpi slt, %xor3A_634, %lt3A_636 : vector<16xi32>
        %add3A_638 = arith.constant 16 : i32
        %add3A_639 = vector.broadcast %add3A_638 : i32 to vector<16xi32>
        %add3A_640 = arith.addi %xor3A_634, %add3A_639 : vector<16xi32>
        %select_n3A_641 = arith.select %lt3A_637, %add3A_640, %xor3A_634 : vector<16xi1>, vector<16xi32>
        %broadcast_in_dim3A_642 = vector.shape_cast %select_n3A_641 : vector<16xi32> to vector<16x1xi32>
        %gather3A_643 = vector.shape_cast %broadcast_in_dim3A_642 : vector<16x1xi32> to vector<16xi32>
        %gather3A_644 = tpu.dynamic_gather %add3A_631[%gather3A_643] in [0] : vector<16xf32>, vector<16xi32> -> vector<16xf32>
        %add3A_645 = arith.addf %add3A_631, %gather3A_644 : vector<16xf32>
        %xor3A_646 = arith.constant 2 : i32
        %xor3A_647 = vector.broadcast %xor3A_646 : i32 to vector<16xi32>
        %xor3A_648 = arith.xori %iota3A_105, %xor3A_647 : vector<16xi32>
        %lt3A_649 = arith.constant 0 : i32
        %lt3A_650 = vector.broadcast %lt3A_649 : i32 to vector<16xi32>
        %lt3A_651 = arith.cmpi slt, %xor3A_648, %lt3A_650 : vector<16xi32>
        %add3A_652 = arith.constant 16 : i32
        %add3A_653 = vector.broadcast %add3A_652 : i32 to vector<16xi32>
        %add3A_654 = arith.addi %xor3A_648, %add3A_653 : vector<16xi32>
        %select_n3A_655 = arith.select %lt3A_651, %add3A_654, %xor3A_648 : vector<16xi1>, vector<16xi32>
        %broadcast_in_dim3A_656 = vector.shape_cast %select_n3A_655 : vector<16xi32> to vector<16x1xi32>
        %gather3A_657 = vector.shape_cast %broadcast_in_dim3A_656 : vector<16x1xi32> to vector<16xi32>
        %gather3A_658 = tpu.dynamic_gather %add3A_645[%gather3A_657] in [0] : vector<16xf32>, vector<16xi32> -> vector<16xf32>
        %add3A_659 = arith.addf %add3A_645, %gather3A_658 : vector<16xf32>
        %xor3A_660 = arith.constant 1 : i32
        %xor3A_661 = vector.broadcast %xor3A_660 : i32 to vector<16xi32>
        %xor3A_662 = arith.xori %iota3A_105, %xor3A_661 : vector<16xi32>
        %lt3A_663 = arith.constant 0 : i32
        %lt3A_664 = vector.broadcast %lt3A_663 : i32 to vector<16xi32>
        %lt3A_665 = arith.cmpi slt, %xor3A_662, %lt3A_664 : vector<16xi32>
        %add3A_666 = arith.constant 16 : i32
        %add3A_667 = vector.broadcast %add3A_666 : i32 to vector<16xi32>
        %add3A_668 = arith.addi %xor3A_662, %add3A_667 : vector<16xi32>
        %select_n3A_669 = arith.select %lt3A_665, %add3A_668, %xor3A_662 : vector<16xi1>, vector<16xi32>
        %broadcast_in_dim3A_670 = vector.shape_cast %select_n3A_669 : vector<16xi32> to vector<16x1xi32>
        %gather3A_671 = vector.shape_cast %broadcast_in_dim3A_670 : vector<16x1xi32> to vector<16xi32>
        %gather3A_672 = tpu.dynamic_gather %add3A_659[%gather3A_671] in [0] : vector<16xf32>, vector<16xi32> -> vector<16xf32>
        %add3A_673 = arith.addf %add3A_659, %gather3A_672 : vector<16xf32>
        %eq3A_674 = arith.constant 3 : i32
        %eq3A_675 = vector.broadcast %eq3A_674 : i32 to vector<16xi32>
        %eq3A_676 = arith.cmpi eq, %iota3A_105, %eq3A_675 : vector<16xi32>
        %select_n3A_677 = arith.select %eq3A_676, %add3A_673, %select_n3A_534 : vector<16xi1>, vector<16xf32>
        %mul3A_678 = arith.constant 8 : i32
        %mul3A_679 = arith.muli %scan3A_114, %mul3A_678 : i32
        %add3A_680 = arith.constant 4 : i32
        %add3A_681 = arith.addi %mul3A_679, %add3A_680 : i32
        %get3A_682 = arith.index_cast %add3A_681 : i32 to index
        %get3A_683 = arith.constant 0 : index
        %get3A_684 = tpu.vector_load %arg10[%get3A_682, %get3A_683] {strides = array<i32>} : memref<80x128xf32, #tpu.memory_space<vmem>>, vector<1x16xf32>,
        %get3A_685 = vector.shape_cast %get3A_684 : vector<1x16xf32> to vector<16xf32>
        %get3A_686 = arith.index_cast %add3A_681 : i32 to index
        %get3A_687 = arith.constant 0 : index
        %get3A_688 = tpu.vector_load %arg11[%get3A_686, %get3A_687] {strides = array<i32>} : memref<80x128xf32, #tpu.memory_space<vmem>>, vector<1x16xf32>,
        %get3A_689 = vector.shape_cast %get3A_688 : vector<1x16xf32> to vector<16xf32>
        %mul3A_690 = arith.mulf %get3A_685, %get3A_689 : vector<16xf32>
        %get3A_691 = arith.index_cast %add3A_681 : i32 to index
        %get3A_692 = arith.constant 16 : index
        %get3A_693 = tpu.vector_load %arg10[%get3A_691, %get3A_692] {strides = array<i32>} : memref<80x128xf32, #tpu.memory_space<vmem>>, vector<1x16xf32>,
        %get3A_694 = vector.shape_cast %get3A_693 : vector<1x16xf32> to vector<16xf32>
        %get3A_695 = arith.index_cast %add3A_681 : i32 to index
        %get3A_696 = arith.constant 16 : index
        %get3A_697 = tpu.vector_load %arg11[%get3A_695, %get3A_696] {strides = array<i32>} : memref<80x128xf32, #tpu.memory_space<vmem>>, vector<1x16xf32>,
        %get3A_698 = vector.shape_cast %get3A_697 : vector<1x16xf32> to vector<16xf32>
        %mul3A_699 = arith.mulf %get3A_694, %get3A_698 : vector<16xf32>
        %add3A_700 = arith.addf %mul3A_690, %mul3A_699 : vector<16xf32>
        %get3A_701 = arith.index_cast %add3A_681 : i32 to index
        %get3A_702 = arith.constant 32 : index
        %get3A_703 = tpu.vector_load %arg10[%get3A_701, %get3A_702] {strides = array<i32>} : memref<80x128xf32, #tpu.memory_space<vmem>>, vector<1x16xf32>,
        %get3A_704 = vector.shape_cast %get3A_703 : vector<1x16xf32> to vector<16xf32>
        %get3A_705 = arith.index_cast %add3A_681 : i32 to index
        %get3A_706 = arith.constant 32 : index
        %get3A_707 = tpu.vector_load %arg11[%get3A_705, %get3A_706] {strides = array<i32>} : memref<80x128xf32, #tpu.memory_space<vmem>>, vector<1x16xf32>,
        %get3A_708 = vector.shape_cast %get3A_707 : vector<1x16xf32> to vector<16xf32>
        %mul3A_709 = arith.mulf %get3A_704, %get3A_708 : vector<16xf32>
        %add3A_710 = arith.addf %add3A_700, %mul3A_709 : vector<16xf32>
        %get3A_711 = arith.index_cast %add3A_681 : i32 to index
        %get3A_712 = arith.constant 48 : index
        %get3A_713 = tpu.vector_load %arg10[%get3A_711, %get3A_712] {strides = array<i32>} : memref<80x128xf32, #tpu.memory_space<vmem>>, vector<1x16xf32>,
        %get3A_714 = vector.shape_cast %get3A_713 : vector<1x16xf32> to vector<16xf32>
        %get3A_715 = arith.index_cast %add3A_681 : i32 to index
        %get3A_716 = arith.constant 48 : index
        %get3A_717 = tpu.vector_load %arg11[%get3A_715, %get3A_716] {strides = array<i32>} : memref<80x128xf32, #tpu.memory_space<vmem>>, vector<1x16xf32>,
        %get3A_718 = vector.shape_cast %get3A_717 : vector<1x16xf32> to vector<16xf32>
        %mul3A_719 = arith.mulf %get3A_714, %get3A_718 : vector<16xf32>
        %add3A_720 = arith.addf %add3A_710, %mul3A_719 : vector<16xf32>
        %get3A_721 = arith.index_cast %add3A_681 : i32 to index
        %get3A_722 = arith.constant 64 : index
        %get3A_723 = tpu.vector_load %arg10[%get3A_721, %get3A_722] {strides = array<i32>} : memref<80x128xf32, #tpu.memory_space<vmem>>, vector<1x16xf32>,
        %get3A_724 = vector.shape_cast %get3A_723 : vector<1x16xf32> to vector<16xf32>
        %get3A_725 = arith.index_cast %add3A_681 : i32 to index
        %get3A_726 = arith.constant 64 : index
        %get3A_727 = tpu.vector_load %arg11[%get3A_725, %get3A_726] {strides = array<i32>} : memref<80x128xf32, #tpu.memory_space<vmem>>, vector<1x16xf32>,
        %get3A_728 = vector.shape_cast %get3A_727 : vector<1x16xf32> to vector<16xf32>
        %mul3A_729 = arith.mulf %get3A_724, %get3A_728 : vector<16xf32>
        %add3A_730 = arith.addf %add3A_720, %mul3A_729 : vector<16xf32>
        %get3A_731 = arith.index_cast %add3A_681 : i32 to index
        %get3A_732 = arith.constant 80 : index
        %get3A_733 = tpu.vector_load %arg10[%get3A_731, %get3A_732] {strides = array<i32>} : memref<80x128xf32, #tpu.memory_space<vmem>>, vector<1x16xf32>,
        %get3A_734 = vector.shape_cast %get3A_733 : vector<1x16xf32> to vector<16xf32>
        %get3A_735 = arith.index_cast %add3A_681 : i32 to index
        %get3A_736 = arith.constant 80 : index
        %get3A_737 = tpu.vector_load %arg11[%get3A_735, %get3A_736] {strides = array<i32>} : memref<80x128xf32, #tpu.memory_space<vmem>>, vector<1x16xf32>,
        %get3A_738 = vector.shape_cast %get3A_737 : vector<1x16xf32> to vector<16xf32>
        %mul3A_739 = arith.mulf %get3A_734, %get3A_738 : vector<16xf32>
        %add3A_740 = arith.addf %add3A_730, %mul3A_739 : vector<16xf32>
        %get3A_741 = arith.index_cast %add3A_681 : i32 to index
        %get3A_742 = arith.constant 96 : index
        %get3A_743 = tpu.vector_load %arg10[%get3A_741, %get3A_742] {strides = array<i32>} : memref<80x128xf32, #tpu.memory_space<vmem>>, vector<1x16xf32>,
        %get3A_744 = vector.shape_cast %get3A_743 : vector<1x16xf32> to vector<16xf32>
        %get3A_745 = arith.index_cast %add3A_681 : i32 to index
        %get3A_746 = arith.constant 96 : index
        %get3A_747 = tpu.vector_load %arg11[%get3A_745, %get3A_746] {strides = array<i32>} : memref<80x128xf32, #tpu.memory_space<vmem>>, vector<1x16xf32>,
        %get3A_748 = vector.shape_cast %get3A_747 : vector<1x16xf32> to vector<16xf32>
        %mul3A_749 = arith.mulf %get3A_744, %get3A_748 : vector<16xf32>
        %add3A_750 = arith.addf %add3A_740, %mul3A_749 : vector<16xf32>
        %get3A_751 = arith.index_cast %add3A_681 : i32 to index
        %get3A_752 = arith.constant 112 : index
        %get3A_753 = tpu.vector_load %arg10[%get3A_751, %get3A_752] {strides = array<i32>} : memref<80x128xf32, #tpu.memory_space<vmem>>, vector<1x16xf32>,
        %get3A_754 = vector.shape_cast %get3A_753 : vector<1x16xf32> to vector<16xf32>
        %get3A_755 = arith.index_cast %add3A_681 : i32 to index
        %get3A_756 = arith.constant 112 : index
        %get3A_757 = tpu.vector_load %arg11[%get3A_755, %get3A_756] {strides = array<i32>} : memref<80x128xf32, #tpu.memory_space<vmem>>, vector<1x16xf32>,
        %get3A_758 = vector.shape_cast %get3A_757 : vector<1x16xf32> to vector<16xf32>
        %mul3A_759 = arith.mulf %get3A_754, %get3A_758 : vector<16xf32>
        %add3A_760 = arith.addf %add3A_750, %mul3A_759 : vector<16xf32>
        %xor3A_761 = arith.constant 8 : i32
        %xor3A_762 = vector.broadcast %xor3A_761 : i32 to vector<16xi32>
        %xor3A_763 = arith.xori %iota3A_105, %xor3A_762 : vector<16xi32>
        %lt3A_764 = arith.constant 0 : i32
        %lt3A_765 = vector.broadcast %lt3A_764 : i32 to vector<16xi32>
        %lt3A_766 = arith.cmpi slt, %xor3A_763, %lt3A_765 : vector<16xi32>
        %add3A_767 = arith.constant 16 : i32
        %add3A_768 = vector.broadcast %add3A_767 : i32 to vector<16xi32>
        %add3A_769 = arith.addi %xor3A_763, %add3A_768 : vector<16xi32>
        %select_n3A_770 = arith.select %lt3A_766, %add3A_769, %xor3A_763 : vector<16xi1>, vector<16xi32>
        %broadcast_in_dim3A_771 = vector.shape_cast %select_n3A_770 : vector<16xi32> to vector<16x1xi32>
        %gather3A_772 = vector.shape_cast %broadcast_in_dim3A_771 : vector<16x1xi32> to vector<16xi32>
        %gather3A_773 = tpu.dynamic_gather %add3A_760[%gather3A_772] in [0] : vector<16xf32>, vector<16xi32> -> vector<16xf32>
        %add3A_774 = arith.addf %add3A_760, %gather3A_773 : vector<16xf32>
        %xor3A_775 = arith.constant 4 : i32
        %xor3A_776 = vector.broadcast %xor3A_775 : i32 to vector<16xi32>
        %xor3A_777 = arith.xori %iota3A_105, %xor3A_776 : vector<16xi32>
        %lt3A_778 = arith.constant 0 : i32
        %lt3A_779 = vector.broadcast %lt3A_778 : i32 to vector<16xi32>
        %lt3A_780 = arith.cmpi slt, %xor3A_777, %lt3A_779 : vector<16xi32>
        %add3A_781 = arith.constant 16 : i32
        %add3A_782 = vector.broadcast %add3A_781 : i32 to vector<16xi32>
        %add3A_783 = arith.addi %xor3A_777, %add3A_782 : vector<16xi32>
        %select_n3A_784 = arith.select %lt3A_780, %add3A_783, %xor3A_777 : vector<16xi1>, vector<16xi32>
        %broadcast_in_dim3A_785 = vector.shape_cast %select_n3A_784 : vector<16xi32> to vector<16x1xi32>
        %gather3A_786 = vector.shape_cast %broadcast_in_dim3A_785 : vector<16x1xi32> to vector<16xi32>
        %gather3A_787 = tpu.dynamic_gather %add3A_774[%gather3A_786] in [0] : vector<16xf32>, vector<16xi32> -> vector<16xf32>
        %add3A_788 = arith.addf %add3A_774, %gather3A_787 : vector<16xf32>
        %xor3A_789 = arith.constant 2 : i32
        %xor3A_790 = vector.broadcast %xor3A_789 : i32 to vector<16xi32>
        %xor3A_791 = arith.xori %iota3A_105, %xor3A_790 : vector<16xi32>
        %lt3A_792 = arith.constant 0 : i32
        %lt3A_793 = vector.broadcast %lt3A_792 : i32 to vector<16xi32>
        %lt3A_794 = arith.cmpi slt, %xor3A_791, %lt3A_793 : vector<16xi32>
        %add3A_795 = arith.constant 16 : i32
        %add3A_796 = vector.broadcast %add3A_795 : i32 to vector<16xi32>
        %add3A_797 = arith.addi %xor3A_791, %add3A_796 : vector<16xi32>
        %select_n3A_798 = arith.select %lt3A_794, %add3A_797, %xor3A_791 : vector<16xi1>, vector<16xi32>
        %broadcast_in_dim3A_799 = vector.shape_cast %select_n3A_798 : vector<16xi32> to vector<16x1xi32>
        %gather3A_800 = vector.shape_cast %broadcast_in_dim3A_799 : vector<16x1xi32> to vector<16xi32>
        %gather3A_801 = tpu.dynamic_gather %add3A_788[%gather3A_800] in [0] : vector<16xf32>, vector<16xi32> -> vector<16xf32>
        %add3A_802 = arith.addf %add3A_788, %gather3A_801 : vector<16xf32>
        %xor3A_803 = arith.constant 1 : i32
        %xor3A_804 = vector.broadcast %xor3A_803 : i32 to vector<16xi32>
        %xor3A_805 = arith.xori %iota3A_105, %xor3A_804 : vector<16xi32>
        %lt3A_806 = arith.constant 0 : i32
        %lt3A_807 = vector.broadcast %lt3A_806 : i32 to vector<16xi32>
        %lt3A_808 = arith.cmpi slt, %xor3A_805, %lt3A_807 : vector<16xi32>
        %add3A_809 = arith.constant 16 : i32
        %add3A_810 = vector.broadcast %add3A_809 : i32 to vector<16xi32>
        %add3A_811 = arith.addi %xor3A_805, %add3A_810 : vector<16xi32>
        %select_n3A_812 = arith.select %lt3A_808, %add3A_811, %xor3A_805 : vector<16xi1>, vector<16xi32>
        %broadcast_in_dim3A_813 = vector.shape_cast %select_n3A_812 : vector<16xi32> to vector<16x1xi32>
        %gather3A_814 = vector.shape_cast %broadcast_in_dim3A_813 : vector<16x1xi32> to vector<16xi32>
        %gather3A_815 = tpu.dynamic_gather %add3A_802[%gather3A_814] in [0] : vector<16xf32>, vector<16xi32> -> vector<16xf32>
        %add3A_816 = arith.addf %add3A_802, %gather3A_815 : vector<16xf32>
        %eq3A_817 = arith.constant 4 : i32
        %eq3A_818 = vector.broadcast %eq3A_817 : i32 to vector<16xi32>
        %eq3A_819 = arith.cmpi eq, %iota3A_105, %eq3A_818 : vector<16xi32>
        %select_n3A_820 = arith.select %eq3A_819, %add3A_816, %select_n3A_677 : vector<16xi1>, vector<16xf32>
        %mul3A_821 = arith.constant 8 : i32
        %mul3A_822 = arith.muli %scan3A_114, %mul3A_821 : i32
        %add3A_823 = arith.constant 5 : i32
        %add3A_824 = arith.addi %mul3A_822, %add3A_823 : i32
        %get3A_825 = arith.index_cast %add3A_824 : i32 to index
        %get3A_826 = arith.constant 0 : index
        %get3A_827 = tpu.vector_load %arg10[%get3A_825, %get3A_826] {strides = array<i32>} : memref<80x128xf32, #tpu.memory_space<vmem>>, vector<1x16xf32>,
        %get3A_828 = vector.shape_cast %get3A_827 : vector<1x16xf32> to vector<16xf32>
        %get3A_829 = arith.index_cast %add3A_824 : i32 to index
        %get3A_830 = arith.constant 0 : index
        %get3A_831 = tpu.vector_load %arg11[%get3A_829, %get3A_830] {strides = array<i32>} : memref<80x128xf32, #tpu.memory_space<vmem>>, vector<1x16xf32>,
        %get3A_832 = vector.shape_cast %get3A_831 : vector<1x16xf32> to vector<16xf32>
        %mul3A_833 = arith.mulf %get3A_828, %get3A_832 : vector<16xf32>
        %get3A_834 = arith.index_cast %add3A_824 : i32 to index
        %get3A_835 = arith.constant 16 : index
        %get3A_836 = tpu.vector_load %arg10[%get3A_834, %get3A_835] {strides = array<i32>} : memref<80x128xf32, #tpu.memory_space<vmem>>, vector<1x16xf32>,
        %get3A_837 = vector.shape_cast %get3A_836 : vector<1x16xf32> to vector<16xf32>
        %get3A_838 = arith.index_cast %add3A_824 : i32 to index
        %get3A_839 = arith.constant 16 : index
        %get3A_840 = tpu.vector_load %arg11[%get3A_838, %get3A_839] {strides = array<i32>} : memref<80x128xf32, #tpu.memory_space<vmem>>, vector<1x16xf32>,
        %get3A_841 = vector.shape_cast %get3A_840 : vector<1x16xf32> to vector<16xf32>
        %mul3A_842 = arith.mulf %get3A_837, %get3A_841 : vector<16xf32>
        %add3A_843 = arith.addf %mul3A_833, %mul3A_842 : vector<16xf32>
        %get3A_844 = arith.index_cast %add3A_824 : i32 to index
        %get3A_845 = arith.constant 32 : index
        %get3A_846 = tpu.vector_load %arg10[%get3A_844, %get3A_845] {strides = array<i32>} : memref<80x128xf32, #tpu.memory_space<vmem>>, vector<1x16xf32>,
        %get3A_847 = vector.shape_cast %get3A_846 : vector<1x16xf32> to vector<16xf32>
        %get3A_848 = arith.index_cast %add3A_824 : i32 to index
        %get3A_849 = arith.constant 32 : index
        %get3A_850 = tpu.vector_load %arg11[%get3A_848, %get3A_849] {strides = array<i32>} : memref<80x128xf32, #tpu.memory_space<vmem>>, vector<1x16xf32>,
        %get3A_851 = vector.shape_cast %get3A_850 : vector<1x16xf32> to vector<16xf32>
        %mul3A_852 = arith.mulf %get3A_847, %get3A_851 : vector<16xf32>
        %add3A_853 = arith.addf %add3A_843, %mul3A_852 : vector<16xf32>
        %get3A_854 = arith.index_cast %add3A_824 : i32 to index
        %get3A_855 = arith.constant 48 : index
        %get3A_856 = tpu.vector_load %arg10[%get3A_854, %get3A_855] {strides = array<i32>} : memref<80x128xf32, #tpu.memory_space<vmem>>, vector<1x16xf32>,
        %get3A_857 = vector.shape_cast %get3A_856 : vector<1x16xf32> to vector<16xf32>
        %get3A_858 = arith.index_cast %add3A_824 : i32 to index
        %get3A_859 = arith.constant 48 : index
        %get3A_860 = tpu.vector_load %arg11[%get3A_858, %get3A_859] {strides = array<i32>} : memref<80x128xf32, #tpu.memory_space<vmem>>, vector<1x16xf32>,
        %get3A_861 = vector.shape_cast %get3A_860 : vector<1x16xf32> to vector<16xf32>
        %mul3A_862 = arith.mulf %get3A_857, %get3A_861 : vector<16xf32>
        %add3A_863 = arith.addf %add3A_853, %mul3A_862 : vector<16xf32>
        %get3A_864 = arith.index_cast %add3A_824 : i32 to index
        %get3A_865 = arith.constant 64 : index
        %get3A_866 = tpu.vector_load %arg10[%get3A_864, %get3A_865] {strides = array<i32>} : memref<80x128xf32, #tpu.memory_space<vmem>>, vector<1x16xf32>,
        %get3A_867 = vector.shape_cast %get3A_866 : vector<1x16xf32> to vector<16xf32>
        %get3A_868 = arith.index_cast %add3A_824 : i32 to index
        %get3A_869 = arith.constant 64 : index
        %get3A_870 = tpu.vector_load %arg11[%get3A_868, %get3A_869] {strides = array<i32>} : memref<80x128xf32, #tpu.memory_space<vmem>>, vector<1x16xf32>,
        %get3A_871 = vector.shape_cast %get3A_870 : vector<1x16xf32> to vector<16xf32>
        %mul3A_872 = arith.mulf %get3A_867, %get3A_871 : vector<16xf32>
        %add3A_873 = arith.addf %add3A_863, %mul3A_872 : vector<16xf32>
        %get3A_874 = arith.index_cast %add3A_824 : i32 to index
        %get3A_875 = arith.constant 80 : index
        %get3A_876 = tpu.vector_load %arg10[%get3A_874, %get3A_875] {strides = array<i32>} : memref<80x128xf32, #tpu.memory_space<vmem>>, vector<1x16xf32>,
        %get3A_877 = vector.shape_cast %get3A_876 : vector<1x16xf32> to vector<16xf32>
        %get3A_878 = arith.index_cast %add3A_824 : i32 to index
        %get3A_879 = arith.constant 80 : index
        %get3A_880 = tpu.vector_load %arg11[%get3A_878, %get3A_879] {strides = array<i32>} : memref<80x128xf32, #tpu.memory_space<vmem>>, vector<1x16xf32>,
        %get3A_881 = vector.shape_cast %get3A_880 : vector<1x16xf32> to vector<16xf32>
        %mul3A_882 = arith.mulf %get3A_877, %get3A_881 : vector<16xf32>
        %add3A_883 = arith.addf %add3A_873, %mul3A_882 : vector<16xf32>
        %get3A_884 = arith.index_cast %add3A_824 : i32 to index
        %get3A_885 = arith.constant 96 : index
        %get3A_886 = tpu.vector_load %arg10[%get3A_884, %get3A_885] {strides = array<i32>} : memref<80x128xf32, #tpu.memory_space<vmem>>, vector<1x16xf32>,
        %get3A_887 = vector.shape_cast %get3A_886 : vector<1x16xf32> to vector<16xf32>
        %get3A_888 = arith.index_cast %add3A_824 : i32 to index
        %get3A_889 = arith.constant 96 : index
        %get3A_890 = tpu.vector_load %arg11[%get3A_888, %get3A_889] {strides = array<i32>} : memref<80x128xf32, #tpu.memory_space<vmem>>, vector<1x16xf32>,
        %get3A_891 = vector.shape_cast %get3A_890 : vector<1x16xf32> to vector<16xf32>
        %mul3A_892 = arith.mulf %get3A_887, %get3A_891 : vector<16xf32>
        %add3A_893 = arith.addf %add3A_883, %mul3A_892 : vector<16xf32>
        %get3A_894 = arith.index_cast %add3A_824 : i32 to index
        %get3A_895 = arith.constant 112 : index
        %get3A_896 = tpu.vector_load %arg10[%get3A_894, %get3A_895] {strides = array<i32>} : memref<80x128xf32, #tpu.memory_space<vmem>>, vector<1x16xf32>,
        %get3A_897 = vector.shape_cast %get3A_896 : vector<1x16xf32> to vector<16xf32>
        %get3A_898 = arith.index_cast %add3A_824 : i32 to index
        %get3A_899 = arith.constant 112 : index
        %get3A_900 = tpu.vector_load %arg11[%get3A_898, %get3A_899] {strides = array<i32>} : memref<80x128xf32, #tpu.memory_space<vmem>>, vector<1x16xf32>,
        %get3A_901 = vector.shape_cast %get3A_900 : vector<1x16xf32> to vector<16xf32>
        %mul3A_902 = arith.mulf %get3A_897, %get3A_901 : vector<16xf32>
        %add3A_903 = arith.addf %add3A_893, %mul3A_902 : vector<16xf32>
        %xor3A_904 = arith.constant 8 : i32
        %xor3A_905 = vector.broadcast %xor3A_904 : i32 to vector<16xi32>
        %xor3A_906 = arith.xori %iota3A_105, %xor3A_905 : vector<16xi32>
        %lt3A_907 = arith.constant 0 : i32
        %lt3A_908 = vector.broadcast %lt3A_907 : i32 to vector<16xi32>
        %lt3A_909 = arith.cmpi slt, %xor3A_906, %lt3A_908 : vector<16xi32>
        %add3A_910 = arith.constant 16 : i32
        %add3A_911 = vector.broadcast %add3A_910 : i32 to vector<16xi32>
        %add3A_912 = arith.addi %xor3A_906, %add3A_911 : vector<16xi32>
        %select_n3A_913 = arith.select %lt3A_909, %add3A_912, %xor3A_906 : vector<16xi1>, vector<16xi32>
        %broadcast_in_dim3A_914 = vector.shape_cast %select_n3A_913 : vector<16xi32> to vector<16x1xi32>
        %gather3A_915 = vector.shape_cast %broadcast_in_dim3A_914 : vector<16x1xi32> to vector<16xi32>
        %gather3A_916 = tpu.dynamic_gather %add3A_903[%gather3A_915] in [0] : vector<16xf32>, vector<16xi32> -> vector<16xf32>
        %add3A_917 = arith.addf %add3A_903, %gather3A_916 : vector<16xf32>
        %xor3A_918 = arith.constant 4 : i32
        %xor3A_919 = vector.broadcast %xor3A_918 : i32 to vector<16xi32>
        %xor3A_920 = arith.xori %iota3A_105, %xor3A_919 : vector<16xi32>
        %lt3A_921 = arith.constant 0 : i32
        %lt3A_922 = vector.broadcast %lt3A_921 : i32 to vector<16xi32>
        %lt3A_923 = arith.cmpi slt, %xor3A_920, %lt3A_922 : vector<16xi32>
        %add3A_924 = arith.constant 16 : i32
        %add3A_925 = vector.broadcast %add3A_924 : i32 to vector<16xi32>
        %add3A_926 = arith.addi %xor3A_920, %add3A_925 : vector<16xi32>
        %select_n3A_927 = arith.select %lt3A_923, %add3A_926, %xor3A_920 : vector<16xi1>, vector<16xi32>
        %broadcast_in_dim3A_928 = vector.shape_cast %select_n3A_927 : vector<16xi32> to vector<16x1xi32>
        %gather3A_929 = vector.shape_cast %broadcast_in_dim3A_928 : vector<16x1xi32> to vector<16xi32>
        %gather3A_930 = tpu.dynamic_gather %add3A_917[%gather3A_929] in [0] : vector<16xf32>, vector<16xi32> -> vector<16xf32>
        %add3A_931 = arith.addf %add3A_917, %gather3A_930 : vector<16xf32>
        %xor3A_932 = arith.constant 2 : i32
        %xor3A_933 = vector.broadcast %xor3A_932 : i32 to vector<16xi32>
        %xor3A_934 = arith.xori %iota3A_105, %xor3A_933 : vector<16xi32>
        %lt3A_935 = arith.constant 0 : i32
        %lt3A_936 = vector.broadcast %lt3A_935 : i32 to vector<16xi32>
        %lt3A_937 = arith.cmpi slt, %xor3A_934, %lt3A_936 : vector<16xi32>
        %add3A_938 = arith.constant 16 : i32
        %add3A_939 = vector.broadcast %add3A_938 : i32 to vector<16xi32>
        %add3A_940 = arith.addi %xor3A_934, %add3A_939 : vector<16xi32>
        %select_n3A_941 = arith.select %lt3A_937, %add3A_940, %xor3A_934 : vector<16xi1>, vector<16xi32>
        %broadcast_in_dim3A_942 = vector.shape_cast %select_n3A_941 : vector<16xi32> to vector<16x1xi32>
        %gather3A_943 = vector.shape_cast %broadcast_in_dim3A_942 : vector<16x1xi32> to vector<16xi32>
        %gather3A_944 = tpu.dynamic_gather %add3A_931[%gather3A_943] in [0] : vector<16xf32>, vector<16xi32> -> vector<16xf32>
        %add3A_945 = arith.addf %add3A_931, %gather3A_944 : vector<16xf32>
        %xor3A_946 = arith.constant 1 : i32
        %xor3A_947 = vector.broadcast %xor3A_946 : i32 to vector<16xi32>
        %xor3A_948 = arith.xori %iota3A_105, %xor3A_947 : vector<16xi32>
        %lt3A_949 = arith.constant 0 : i32
        %lt3A_950 = vector.broadcast %lt3A_949 : i32 to vector<16xi32>
        %lt3A_951 = arith.cmpi slt, %xor3A_948, %lt3A_950 : vector<16xi32>
        %add3A_952 = arith.constant 16 : i32
        %add3A_953 = vector.broadcast %add3A_952 : i32 to vector<16xi32>
        %add3A_954 = arith.addi %xor3A_948, %add3A_953 : vector<16xi32>
        %select_n3A_955 = arith.select %lt3A_951, %add3A_954, %xor3A_948 : vector<16xi1>, vector<16xi32>
        %broadcast_in_dim3A_956 = vector.shape_cast %select_n3A_955 : vector<16xi32> to vector<16x1xi32>
        %gather3A_957 = vector.shape_cast %broadcast_in_dim3A_956 : vector<16x1xi32> to vector<16xi32>
        %gather3A_958 = tpu.dynamic_gather %add3A_945[%gather3A_957] in [0] : vector<16xf32>, vector<16xi32> -> vector<16xf32>
        %add3A_959 = arith.addf %add3A_945, %gather3A_958 : vector<16xf32>
        %eq3A_960 = arith.constant 5 : i32
        %eq3A_961 = vector.broadcast %eq3A_960 : i32 to vector<16xi32>
        %eq3A_962 = arith.cmpi eq, %iota3A_105, %eq3A_961 : vector<16xi32>
        %select_n3A_963 = arith.select %eq3A_962, %add3A_959, %select_n3A_820 : vector<16xi1>, vector<16xf32>
        %mul3A_964 = arith.constant 8 : i32
        %mul3A_965 = arith.muli %scan3A_114, %mul3A_964 : i32
        %add3A_966 = arith.constant 6 : i32
        %add3A_967 = arith.addi %mul3A_965, %add3A_966 : i32
        %get3A_968 = arith.index_cast %add3A_967 : i32 to index
        %get3A_969 = arith.constant 0 : index
        %get3A_970 = tpu.vector_load %arg10[%get3A_968, %get3A_969] {strides = array<i32>} : memref<80x128xf32, #tpu.memory_space<vmem>>, vector<1x16xf32>,
        %get3A_971 = vector.shape_cast %get3A_970 : vector<1x16xf32> to vector<16xf32>
        %get3A_972 = arith.index_cast %add3A_967 : i32 to index
        %get3A_973 = arith.constant 0 : index
        %get3A_974 = tpu.vector_load %arg11[%get3A_972, %get3A_973] {strides = array<i32>} : memref<80x128xf32, #tpu.memory_space<vmem>>, vector<1x16xf32>,
        %get3A_975 = vector.shape_cast %get3A_974 : vector<1x16xf32> to vector<16xf32>
        %mul3A_976 = arith.mulf %get3A_971, %get3A_975 : vector<16xf32>
        %get3A_977 = arith.index_cast %add3A_967 : i32 to index
        %get3A_978 = arith.constant 16 : index
        %get3A_979 = tpu.vector_load %arg10[%get3A_977, %get3A_978] {strides = array<i32>} : memref<80x128xf32, #tpu.memory_space<vmem>>, vector<1x16xf32>,
        %get3A_980 = vector.shape_cast %get3A_979 : vector<1x16xf32> to vector<16xf32>
        %get3A_981 = arith.index_cast %add3A_967 : i32 to index
        %get3A_982 = arith.constant 16 : index
        %get3A_983 = tpu.vector_load %arg11[%get3A_981, %get3A_982] {strides = array<i32>} : memref<80x128xf32, #tpu.memory_space<vmem>>, vector<1x16xf32>,
        %get3A_984 = vector.shape_cast %get3A_983 : vector<1x16xf32> to vector<16xf32>
        %mul3A_985 = arith.mulf %get3A_980, %get3A_984 : vector<16xf32>
        %add3A_986 = arith.addf %mul3A_976, %mul3A_985 : vector<16xf32>
        %get3A_987 = arith.index_cast %add3A_967 : i32 to index
        %get3A_988 = arith.constant 32 : index
        %get3A_989 = tpu.vector_load %arg10[%get3A_987, %get3A_988] {strides = array<i32>} : memref<80x128xf32, #tpu.memory_space<vmem>>, vector<1x16xf32>,
        %get3A_990 = vector.shape_cast %get3A_989 : vector<1x16xf32> to vector<16xf32>
        %get3A_991 = arith.index_cast %add3A_967 : i32 to index
        %get3A_992 = arith.constant 32 : index
        %get3A_993 = tpu.vector_load %arg11[%get3A_991, %get3A_992] {strides = array<i32>} : memref<80x128xf32, #tpu.memory_space<vmem>>, vector<1x16xf32>,
        %get3A_994 = vector.shape_cast %get3A_993 : vector<1x16xf32> to vector<16xf32>
        %mul3A_995 = arith.mulf %get3A_990, %get3A_994 : vector<16xf32>
        %add3A_996 = arith.addf %add3A_986, %mul3A_995 : vector<16xf32>
        %get3A_997 = arith.index_cast %add3A_967 : i32 to index
        %get3A_998 = arith.constant 48 : index
        %get3A_999 = tpu.vector_load %arg10[%get3A_997, %get3A_998] {strides = array<i32>} : memref<80x128xf32, #tpu.memory_space<vmem>>, vector<1x16xf32>,
        %get3A_1000 = vector.shape_cast %get3A_999 : vector<1x16xf32> to vector<16xf32>
        %get3A_1001 = arith.index_cast %add3A_967 : i32 to index
        %get3A_1002 = arith.constant 48 : index
        %get3A_1003 = tpu.vector_load %arg11[%get3A_1001, %get3A_1002] {strides = array<i32>} : memref<80x128xf32, #tpu.memory_space<vmem>>, vector<1x16xf32>,
        %get3A_1004 = vector.shape_cast %get3A_1003 : vector<1x16xf32> to vector<16xf32>
        %mul3A_1005 = arith.mulf %get3A_1000, %get3A_1004 : vector<16xf32>
        %add3A_1006 = arith.addf %add3A_996, %mul3A_1005 : vector<16xf32>
        %get3A_1007 = arith.index_cast %add3A_967 : i32 to index
        %get3A_1008 = arith.constant 64 : index
        %get3A_1009 = tpu.vector_load %arg10[%get3A_1007, %get3A_1008] {strides = array<i32>} : memref<80x128xf32, #tpu.memory_space<vmem>>, vector<1x16xf32>,
        %get3A_1010 = vector.shape_cast %get3A_1009 : vector<1x16xf32> to vector<16xf32>
        %get3A_1011 = arith.index_cast %add3A_967 : i32 to index
        %get3A_1012 = arith.constant 64 : index
        %get3A_1013 = tpu.vector_load %arg11[%get3A_1011, %get3A_1012] {strides = array<i32>} : memref<80x128xf32, #tpu.memory_space<vmem>>, vector<1x16xf32>,
        %get3A_1014 = vector.shape_cast %get3A_1013 : vector<1x16xf32> to vector<16xf32>
        %mul3A_1015 = arith.mulf %get3A_1010, %get3A_1014 : vector<16xf32>
        %add3A_1016 = arith.addf %add3A_1006, %mul3A_1015 : vector<16xf32>
        %get3A_1017 = arith.index_cast %add3A_967 : i32 to index
        %get3A_1018 = arith.constant 80 : index
        %get3A_1019 = tpu.vector_load %arg10[%get3A_1017, %get3A_1018] {strides = array<i32>} : memref<80x128xf32, #tpu.memory_space<vmem>>, vector<1x16xf32>,
        %get3A_1020 = vector.shape_cast %get3A_1019 : vector<1x16xf32> to vector<16xf32>
        %get3A_1021 = arith.index_cast %add3A_967 : i32 to index
        %get3A_1022 = arith.constant 80 : index
        %get3A_1023 = tpu.vector_load %arg11[%get3A_1021, %get3A_1022] {strides = array<i32>} : memref<80x128xf32, #tpu.memory_space<vmem>>, vector<1x16xf32>,
        %get3A_1024 = vector.shape_cast %get3A_1023 : vector<1x16xf32> to vector<16xf32>
        %mul3A_1025 = arith.mulf %get3A_1020, %get3A_1024 : vector<16xf32>
        %add3A_1026 = arith.addf %add3A_1016, %mul3A_1025 : vector<16xf32>
        %get3A_1027 = arith.index_cast %add3A_967 : i32 to index
        %get3A_1028 = arith.constant 96 : index
        %get3A_1029 = tpu.vector_load %arg10[%get3A_1027, %get3A_1028] {strides = array<i32>} : memref<80x128xf32, #tpu.memory_space<vmem>>, vector<1x16xf32>,
        %get3A_1030 = vector.shape_cast %get3A_1029 : vector<1x16xf32> to vector<16xf32>
        %get3A_1031 = arith.index_cast %add3A_967 : i32 to index
        %get3A_1032 = arith.constant 96 : index
        %get3A_1033 = tpu.vector_load %arg11[%get3A_1031, %get3A_1032] {strides = array<i32>} : memref<80x128xf32, #tpu.memory_space<vmem>>, vector<1x16xf32>,
        %get3A_1034 = vector.shape_cast %get3A_1033 : vector<1x16xf32> to vector<16xf32>
        %mul3A_1035 = arith.mulf %get3A_1030, %get3A_1034 : vector<16xf32>
        %add3A_1036 = arith.addf %add3A_1026, %mul3A_1035 : vector<16xf32>
        %get3A_1037 = arith.index_cast %add3A_967 : i32 to index
        %get3A_1038 = arith.constant 112 : index
        %get3A_1039 = tpu.vector_load %arg10[%get3A_1037, %get3A_1038] {strides = array<i32>} : memref<80x128xf32, #tpu.memory_space<vmem>>, vector<1x16xf32>,
        %get3A_1040 = vector.shape_cast %get3A_1039 : vector<1x16xf32> to vector<16xf32>
        %get3A_1041 = arith.index_cast %add3A_967 : i32 to index
        %get3A_1042 = arith.constant 112 : index
        %get3A_1043 = tpu.vector_load %arg11[%get3A_1041, %get3A_1042] {strides = array<i32>} : memref<80x128xf32, #tpu.memory_space<vmem>>, vector<1x16xf32>,
        %get3A_1044 = vector.shape_cast %get3A_1043 : vector<1x16xf32> to vector<16xf32>
        %mul3A_1045 = arith.mulf %get3A_1040, %get3A_1044 : vector<16xf32>
        %add3A_1046 = arith.addf %add3A_1036, %mul3A_1045 : vector<16xf32>
        %xor3A_1047 = arith.constant 8 : i32
        %xor3A_1048 = vector.broadcast %xor3A_1047 : i32 to vector<16xi32>
        %xor3A_1049 = arith.xori %iota3A_105, %xor3A_1048 : vector<16xi32>
        %lt3A_1050 = arith.constant 0 : i32
        %lt3A_1051 = vector.broadcast %lt3A_1050 : i32 to vector<16xi32>
        %lt3A_1052 = arith.cmpi slt, %xor3A_1049, %lt3A_1051 : vector<16xi32>
        %add3A_1053 = arith.constant 16 : i32
        %add3A_1054 = vector.broadcast %add3A_1053 : i32 to vector<16xi32>
        %add3A_1055 = arith.addi %xor3A_1049, %add3A_1054 : vector<16xi32>
        %select_n3A_1056 = arith.select %lt3A_1052, %add3A_1055, %xor3A_1049 : vector<16xi1>, vector<16xi32>
        %broadcast_in_dim3A_1057 = vector.shape_cast %select_n3A_1056 : vector<16xi32> to vector<16x1xi32>
        %gather3A_1058 = vector.shape_cast %broadcast_in_dim3A_1057 : vector<16x1xi32> to vector<16xi32>
        %gather3A_1059 = tpu.dynamic_gather %add3A_1046[%gather3A_1058] in [0] : vector<16xf32>, vector<16xi32> -> vector<16xf32>
        %add3A_1060 = arith.addf %add3A_1046, %gather3A_1059 : vector<16xf32>
        %xor3A_1061 = arith.constant 4 : i32
        %xor3A_1062 = vector.broadcast %xor3A_1061 : i32 to vector<16xi32>
        %xor3A_1063 = arith.xori %iota3A_105, %xor3A_1062 : vector<16xi32>
        %lt3A_1064 = arith.constant 0 : i32
        %lt3A_1065 = vector.broadcast %lt3A_1064 : i32 to vector<16xi32>
        %lt3A_1066 = arith.cmpi slt, %xor3A_1063, %lt3A_1065 : vector<16xi32>
        %add3A_1067 = arith.constant 16 : i32
        %add3A_1068 = vector.broadcast %add3A_1067 : i32 to vector<16xi32>
        %add3A_1069 = arith.addi %xor3A_1063, %add3A_1068 : vector<16xi32>
        %select_n3A_1070 = arith.select %lt3A_1066, %add3A_1069, %xor3A_1063 : vector<16xi1>, vector<16xi32>
        %broadcast_in_dim3A_1071 = vector.shape_cast %select_n3A_1070 : vector<16xi32> to vector<16x1xi32>
        %gather3A_1072 = vector.shape_cast %broadcast_in_dim3A_1071 : vector<16x1xi32> to vector<16xi32>
        %gather3A_1073 = tpu.dynamic_gather %add3A_1060[%gather3A_1072] in [0] : vector<16xf32>, vector<16xi32> -> vector<16xf32>
        %add3A_1074 = arith.addf %add3A_1060, %gather3A_1073 : vector<16xf32>
        %xor3A_1075 = arith.constant 2 : i32
        %xor3A_1076 = vector.broadcast %xor3A_1075 : i32 to vector<16xi32>
        %xor3A_1077 = arith.xori %iota3A_105, %xor3A_1076 : vector<16xi32>
        %lt3A_1078 = arith.constant 0 : i32
        %lt3A_1079 = vector.broadcast %lt3A_1078 : i32 to vector<16xi32>
        %lt3A_1080 = arith.cmpi slt, %xor3A_1077, %lt3A_1079 : vector<16xi32>
        %add3A_1081 = arith.constant 16 : i32
        %add3A_1082 = vector.broadcast %add3A_1081 : i32 to vector<16xi32>
        %add3A_1083 = arith.addi %xor3A_1077, %add3A_1082 : vector<16xi32>
        %select_n3A_1084 = arith.select %lt3A_1080, %add3A_1083, %xor3A_1077 : vector<16xi1>, vector<16xi32>
        %broadcast_in_dim3A_1085 = vector.shape_cast %select_n3A_1084 : vector<16xi32> to vector<16x1xi32>
        %gather3A_1086 = vector.shape_cast %broadcast_in_dim3A_1085 : vector<16x1xi32> to vector<16xi32>
        %gather3A_1087 = tpu.dynamic_gather %add3A_1074[%gather3A_1086] in [0] : vector<16xf32>, vector<16xi32> -> vector<16xf32>
        %add3A_1088 = arith.addf %add3A_1074, %gather3A_1087 : vector<16xf32>
        %xor3A_1089 = arith.constant 1 : i32
        %xor3A_1090 = vector.broadcast %xor3A_1089 : i32 to vector<16xi32>
        %xor3A_1091 = arith.xori %iota3A_105, %xor3A_1090 : vector<16xi32>
        %lt3A_1092 = arith.constant 0 : i32
        %lt3A_1093 = vector.broadcast %lt3A_1092 : i32 to vector<16xi32>
        %lt3A_1094 = arith.cmpi slt, %xor3A_1091, %lt3A_1093 : vector<16xi32>
        %add3A_1095 = arith.constant 16 : i32
        %add3A_1096 = vector.broadcast %add3A_1095 : i32 to vector<16xi32>
        %add3A_1097 = arith.addi %xor3A_1091, %add3A_1096 : vector<16xi32>
        %select_n3A_1098 = arith.select %lt3A_1094, %add3A_1097, %xor3A_1091 : vector<16xi1>, vector<16xi32>
        %broadcast_in_dim3A_1099 = vector.shape_cast %select_n3A_1098 : vector<16xi32> to vector<16x1xi32>
        %gather3A_1100 = vector.shape_cast %broadcast_in_dim3A_1099 : vector<16x1xi32> to vector<16xi32>
        %gather3A_1101 = tpu.dynamic_gather %add3A_1088[%gather3A_1100] in [0] : vector<16xf32>, vector<16xi32> -> vector<16xf32>
        %add3A_1102 = arith.addf %add3A_1088, %gather3A_1101 : vector<16xf32>
        %eq3A_1103 = arith.constant 6 : i32
        %eq3A_1104 = vector.broadcast %eq3A_1103 : i32 to vector<16xi32>
        %eq3A_1105 = arith.cmpi eq, %iota3A_105, %eq3A_1104 : vector<16xi32>
        %select_n3A_1106 = arith.select %eq3A_1105, %add3A_1102, %select_n3A_963 : vector<16xi1>, vector<16xf32>
        %mul3A_1107 = arith.constant 8 : i32
        %mul3A_1108 = arith.muli %scan3A_114, %mul3A_1107 : i32
        %add3A_1109 = arith.constant 7 : i32
        %add3A_1110 = arith.addi %mul3A_1108, %add3A_1109 : i32
        %get3A_1111 = arith.index_cast %add3A_1110 : i32 to index
        %get3A_1112 = arith.constant 0 : index
        %get3A_1113 = tpu.vector_load %arg10[%get3A_1111, %get3A_1112] {strides = array<i32>} : memref<80x128xf32, #tpu.memory_space<vmem>>, vector<1x16xf32>,
        %get3A_1114 = vector.shape_cast %get3A_1113 : vector<1x16xf32> to vector<16xf32>
        %get3A_1115 = arith.index_cast %add3A_1110 : i32 to index
        %get3A_1116 = arith.constant 0 : index
        %get3A_1117 = tpu.vector_load %arg11[%get3A_1115, %get3A_1116] {strides = array<i32>} : memref<80x128xf32, #tpu.memory_space<vmem>>, vector<1x16xf32>,
        %get3A_1118 = vector.shape_cast %get3A_1117 : vector<1x16xf32> to vector<16xf32>
        %mul3A_1119 = arith.mulf %get3A_1114, %get3A_1118 : vector<16xf32>
        %get3A_1120 = arith.index_cast %add3A_1110 : i32 to index
        %get3A_1121 = arith.constant 16 : index
        %get3A_1122 = tpu.vector_load %arg10[%get3A_1120, %get3A_1121] {strides = array<i32>} : memref<80x128xf32, #tpu.memory_space<vmem>>, vector<1x16xf32>,
        %get3A_1123 = vector.shape_cast %get3A_1122 : vector<1x16xf32> to vector<16xf32>
        %get3A_1124 = arith.index_cast %add3A_1110 : i32 to index
        %get3A_1125 = arith.constant 16 : index
        %get3A_1126 = tpu.vector_load %arg11[%get3A_1124, %get3A_1125] {strides = array<i32>} : memref<80x128xf32, #tpu.memory_space<vmem>>, vector<1x16xf32>,
        %get3A_1127 = vector.shape_cast %get3A_1126 : vector<1x16xf32> to vector<16xf32>
        %mul3A_1128 = arith.mulf %get3A_1123, %get3A_1127 : vector<16xf32>
        %add3A_1129 = arith.addf %mul3A_1119, %mul3A_1128 : vector<16xf32>
        %get3A_1130 = arith.index_cast %add3A_1110 : i32 to index
        %get3A_1131 = arith.constant 32 : index
        %get3A_1132 = tpu.vector_load %arg10[%get3A_1130, %get3A_1131] {strides = array<i32>} : memref<80x128xf32, #tpu.memory_space<vmem>>, vector<1x16xf32>,
        %get3A_1133 = vector.shape_cast %get3A_1132 : vector<1x16xf32> to vector<16xf32>
        %get3A_1134 = arith.index_cast %add3A_1110 : i32 to index
        %get3A_1135 = arith.constant 32 : index
        %get3A_1136 = tpu.vector_load %arg11[%get3A_1134, %get3A_1135] {strides = array<i32>} : memref<80x128xf32, #tpu.memory_space<vmem>>, vector<1x16xf32>,
        %get3A_1137 = vector.shape_cast %get3A_1136 : vector<1x16xf32> to vector<16xf32>
        %mul3A_1138 = arith.mulf %get3A_1133, %get3A_1137 : vector<16xf32>
        %add3A_1139 = arith.addf %add3A_1129, %mul3A_1138 : vector<16xf32>
        %get3A_1140 = arith.index_cast %add3A_1110 : i32 to index
        %get3A_1141 = arith.constant 48 : index
        %get3A_1142 = tpu.vector_load %arg10[%get3A_1140, %get3A_1141] {strides = array<i32>} : memref<80x128xf32, #tpu.memory_space<vmem>>, vector<1x16xf32>,
        %get3A_1143 = vector.shape_cast %get3A_1142 : vector<1x16xf32> to vector<16xf32>
        %get3A_1144 = arith.index_cast %add3A_1110 : i32 to index
        %get3A_1145 = arith.constant 48 : index
        %get3A_1146 = tpu.vector_load %arg11[%get3A_1144, %get3A_1145] {strides = array<i32>} : memref<80x128xf32, #tpu.memory_space<vmem>>, vector<1x16xf32>,
        %get3A_1147 = vector.shape_cast %get3A_1146 : vector<1x16xf32> to vector<16xf32>
        %mul3A_1148 = arith.mulf %get3A_1143, %get3A_1147 : vector<16xf32>
        %add3A_1149 = arith.addf %add3A_1139, %mul3A_1148 : vector<16xf32>
        %get3A_1150 = arith.index_cast %add3A_1110 : i32 to index
        %get3A_1151 = arith.constant 64 : index
        %get3A_1152 = tpu.vector_load %arg10[%get3A_1150, %get3A_1151] {strides = array<i32>} : memref<80x128xf32, #tpu.memory_space<vmem>>, vector<1x16xf32>,
        %get3A_1153 = vector.shape_cast %get3A_1152 : vector<1x16xf32> to vector<16xf32>
        %get3A_1154 = arith.index_cast %add3A_1110 : i32 to index
        %get3A_1155 = arith.constant 64 : index
        %get3A_1156 = tpu.vector_load %arg11[%get3A_1154, %get3A_1155] {strides = array<i32>} : memref<80x128xf32, #tpu.memory_space<vmem>>, vector<1x16xf32>,
        %get3A_1157 = vector.shape_cast %get3A_1156 : vector<1x16xf32> to vector<16xf32>
        %mul3A_1158 = arith.mulf %get3A_1153, %get3A_1157 : vector<16xf32>
        %add3A_1159 = arith.addf %add3A_1149, %mul3A_1158 : vector<16xf32>
        %get3A_1160 = arith.index_cast %add3A_1110 : i32 to index
        %get3A_1161 = arith.constant 80 : index
        %get3A_1162 = tpu.vector_load %arg10[%get3A_1160, %get3A_1161] {strides = array<i32>} : memref<80x128xf32, #tpu.memory_space<vmem>>, vector<1x16xf32>,
        %get3A_1163 = vector.shape_cast %get3A_1162 : vector<1x16xf32> to vector<16xf32>
        %get3A_1164 = arith.index_cast %add3A_1110 : i32 to index
        %get3A_1165 = arith.constant 80 : index
        %get3A_1166 = tpu.vector_load %arg11[%get3A_1164, %get3A_1165] {strides = array<i32>} : memref<80x128xf32, #tpu.memory_space<vmem>>, vector<1x16xf32>,
        %get3A_1167 = vector.shape_cast %get3A_1166 : vector<1x16xf32> to vector<16xf32>
        %mul3A_1168 = arith.mulf %get3A_1163, %get3A_1167 : vector<16xf32>
        %add3A_1169 = arith.addf %add3A_1159, %mul3A_1168 : vector<16xf32>
        %get3A_1170 = arith.index_cast %add3A_1110 : i32 to index
        %get3A_1171 = arith.constant 96 : index
        %get3A_1172 = tpu.vector_load %arg10[%get3A_1170, %get3A_1171] {strides = array<i32>} : memref<80x128xf32, #tpu.memory_space<vmem>>, vector<1x16xf32>,
        %get3A_1173 = vector.shape_cast %get3A_1172 : vector<1x16xf32> to vector<16xf32>
        %get3A_1174 = arith.index_cast %add3A_1110 : i32 to index
        %get3A_1175 = arith.constant 96 : index
        %get3A_1176 = tpu.vector_load %arg11[%get3A_1174, %get3A_1175] {strides = array<i32>} : memref<80x128xf32, #tpu.memory_space<vmem>>, vector<1x16xf32>,
        %get3A_1177 = vector.shape_cast %get3A_1176 : vector<1x16xf32> to vector<16xf32>
        %mul3A_1178 = arith.mulf %get3A_1173, %get3A_1177 : vector<16xf32>
        %add3A_1179 = arith.addf %add3A_1169, %mul3A_1178 : vector<16xf32>
        %get3A_1180 = arith.index_cast %add3A_1110 : i32 to index
        %get3A_1181 = arith.constant 112 : index
        %get3A_1182 = tpu.vector_load %arg10[%get3A_1180, %get3A_1181] {strides = array<i32>} : memref<80x128xf32, #tpu.memory_space<vmem>>, vector<1x16xf32>,
        %get3A_1183 = vector.shape_cast %get3A_1182 : vector<1x16xf32> to vector<16xf32>
        %get3A_1184 = arith.index_cast %add3A_1110 : i32 to index
        %get3A_1185 = arith.constant 112 : index
        %get3A_1186 = tpu.vector_load %arg11[%get3A_1184, %get3A_1185] {strides = array<i32>} : memref<80x128xf32, #tpu.memory_space<vmem>>, vector<1x16xf32>,
        %get3A_1187 = vector.shape_cast %get3A_1186 : vector<1x16xf32> to vector<16xf32>
        %mul3A_1188 = arith.mulf %get3A_1183, %get3A_1187 : vector<16xf32>
        %add3A_1189 = arith.addf %add3A_1179, %mul3A_1188 : vector<16xf32>
        %xor3A_1190 = arith.constant 8 : i32
        %xor3A_1191 = vector.broadcast %xor3A_1190 : i32 to vector<16xi32>
        %xor3A_1192 = arith.xori %iota3A_105, %xor3A_1191 : vector<16xi32>
        %lt3A_1193 = arith.constant 0 : i32
        %lt3A_1194 = vector.broadcast %lt3A_1193 : i32 to vector<16xi32>
        %lt3A_1195 = arith.cmpi slt, %xor3A_1192, %lt3A_1194 : vector<16xi32>
        %add3A_1196 = arith.constant 16 : i32
        %add3A_1197 = vector.broadcast %add3A_1196 : i32 to vector<16xi32>
        %add3A_1198 = arith.addi %xor3A_1192, %add3A_1197 : vector<16xi32>
        %select_n3A_1199 = arith.select %lt3A_1195, %add3A_1198, %xor3A_1192 : vector<16xi1>, vector<16xi32>
        %broadcast_in_dim3A_1200 = vector.shape_cast %select_n3A_1199 : vector<16xi32> to vector<16x1xi32>
        %gather3A_1201 = vector.shape_cast %broadcast_in_dim3A_1200 : vector<16x1xi32> to vector<16xi32>
        %gather3A_1202 = tpu.dynamic_gather %add3A_1189[%gather3A_1201] in [0] : vector<16xf32>, vector<16xi32> -> vector<16xf32>
        %add3A_1203 = arith.addf %add3A_1189, %gather3A_1202 : vector<16xf32>
        %xor3A_1204 = arith.constant 4 : i32
        %xor3A_1205 = vector.broadcast %xor3A_1204 : i32 to vector<16xi32>
        %xor3A_1206 = arith.xori %iota3A_105, %xor3A_1205 : vector<16xi32>
        %lt3A_1207 = arith.constant 0 : i32
        %lt3A_1208 = vector.broadcast %lt3A_1207 : i32 to vector<16xi32>
        %lt3A_1209 = arith.cmpi slt, %xor3A_1206, %lt3A_1208 : vector<16xi32>
        %add3A_1210 = arith.constant 16 : i32
        %add3A_1211 = vector.broadcast %add3A_1210 : i32 to vector<16xi32>
        %add3A_1212 = arith.addi %xor3A_1206, %add3A_1211 : vector<16xi32>
        %select_n3A_1213 = arith.select %lt3A_1209, %add3A_1212, %xor3A_1206 : vector<16xi1>, vector<16xi32>
        %broadcast_in_dim3A_1214 = vector.shape_cast %select_n3A_1213 : vector<16xi32> to vector<16x1xi32>
        %gather3A_1215 = vector.shape_cast %broadcast_in_dim3A_1214 : vector<16x1xi32> to vector<16xi32>
        %gather3A_1216 = tpu.dynamic_gather %add3A_1203[%gather3A_1215] in [0] : vector<16xf32>, vector<16xi32> -> vector<16xf32>
        %add3A_1217 = arith.addf %add3A_1203, %gather3A_1216 : vector<16xf32>
        %xor3A_1218 = arith.constant 2 : i32
        %xor3A_1219 = vector.broadcast %xor3A_1218 : i32 to vector<16xi32>
        %xor3A_1220 = arith.xori %iota3A_105, %xor3A_1219 : vector<16xi32>
        %lt3A_1221 = arith.constant 0 : i32
        %lt3A_1222 = vector.broadcast %lt3A_1221 : i32 to vector<16xi32>
        %lt3A_1223 = arith.cmpi slt, %xor3A_1220, %lt3A_1222 : vector<16xi32>
        %add3A_1224 = arith.constant 16 : i32
        %add3A_1225 = vector.broadcast %add3A_1224 : i32 to vector<16xi32>
        %add3A_1226 = arith.addi %xor3A_1220, %add3A_1225 : vector<16xi32>
        %select_n3A_1227 = arith.select %lt3A_1223, %add3A_1226, %xor3A_1220 : vector<16xi1>, vector<16xi32>
        %broadcast_in_dim3A_1228 = vector.shape_cast %select_n3A_1227 : vector<16xi32> to vector<16x1xi32>
        %gather3A_1229 = vector.shape_cast %broadcast_in_dim3A_1228 : vector<16x1xi32> to vector<16xi32>
        %gather3A_1230 = tpu.dynamic_gather %add3A_1217[%gather3A_1229] in [0] : vector<16xf32>, vector<16xi32> -> vector<16xf32>
        %add3A_1231 = arith.addf %add3A_1217, %gather3A_1230 : vector<16xf32>
        %xor3A_1232 = arith.constant 1 : i32
        %xor3A_1233 = vector.broadcast %xor3A_1232 : i32 to vector<16xi32>
        %xor3A_1234 = arith.xori %iota3A_105, %xor3A_1233 : vector<16xi32>
        %lt3A_1235 = arith.constant 0 : i32
        %lt3A_1236 = vector.broadcast %lt3A_1235 : i32 to vector<16xi32>
        %lt3A_1237 = arith.cmpi slt, %xor3A_1234, %lt3A_1236 : vector<16xi32>
        %add3A_1238 = arith.constant 16 : i32
        %add3A_1239 = vector.broadcast %add3A_1238 : i32 to vector<16xi32>
        %add3A_1240 = arith.addi %xor3A_1234, %add3A_1239 : vector<16xi32>
        %select_n3A_1241 = arith.select %lt3A_1237, %add3A_1240, %xor3A_1234 : vector<16xi1>, vector<16xi32>
        %broadcast_in_dim3A_1242 = vector.shape_cast %select_n3A_1241 : vector<16xi32> to vector<16x1xi32>
        %gather3A_1243 = vector.shape_cast %broadcast_in_dim3A_1242 : vector<16x1xi32> to vector<16xi32>
        %gather3A_1244 = tpu.dynamic_gather %add3A_1231[%gather3A_1243] in [0] : vector<16xf32>, vector<16xi32> -> vector<16xf32>
        %add3A_1245 = arith.addf %add3A_1231, %gather3A_1244 : vector<16xf32>
        %eq3A_1246 = arith.constant 7 : i32
        %eq3A_1247 = vector.broadcast %eq3A_1246 : i32 to vector<16xi32>
        %eq3A_1248 = arith.cmpi eq, %iota3A_105, %eq3A_1247 : vector<16xi32>
        %select_n3A_1249 = arith.select %eq3A_1248, %add3A_1245, %select_n3A_1106 : vector<16xi1>, vector<16xf32>
        %jit3A = arith.constant 2 : i32
        %eq3A_1250 = arith.constant 0 : i32
        %eq3A_1251 = arith.cmpi eq, %jit3A, %eq3A_1250 : i32
        %jit3A_1252 = arith.constant 1 : i32
        %select_n3A_1253 = arith.select %eq3A_1251, %jit3A_1252, %jit3A : i32
        %rem3A = arith.remsi %scan3A_114, %select_n3A_1253 : i32
        %ne3A = arith.constant 0 : i32
        %ne3A_1254 = arith.cmpi ne, %rem3A, %ne3A : i32
        %lt3A_1255 = arith.constant 0 : i32
        %lt3A_1256 = arith.cmpi slt, %rem3A, %lt3A_1255 : i32
        %lt3A_1257 = arith.constant 0 : i32
        %lt3A_1258 = arith.cmpi slt, %select_n3A_1253, %lt3A_1257 : i32
        %ne3A_1259 = arith.xori %lt3A_1256, %lt3A_1258 : i1
        %and3A = arith.andi %ne3A_1259, %ne3A_1254 : i1
        %add3A_1260 = arith.addi %rem3A, %select_n3A_1253 : i32
        %select_n3A_1261 = arith.select %and3A, %add3A_1260, %rem3A : i32
        %eq3A_1262 = arith.constant 1 : i32
        %eq3A_1263 = arith.cmpi eq, %select_n3A_1261, %eq3A_1262 : i32
        %convert_element_type3A = arith.extui %eq3A_1263 : i1 to i32
        %cond3A = arith.constant 0 : i32
        %cond3A_1264 = arith.cmpi ne, %convert_element_type3A, %cond3A : i32
        scf.if %cond3A_1264 {
          %xor3A_1265 = arith.constant 8 : i32
          %xor3A_1266 = vector.broadcast %xor3A_1265 : i32 to vector<16xi32>
          %xor3A_1267 = arith.xori %iota3A_105, %xor3A_1266 : vector<16xi32>
          %lt3A_1268 = arith.constant 0 : i32
          %lt3A_1269 = vector.broadcast %lt3A_1268 : i32 to vector<16xi32>
          %lt3A_1270 = arith.cmpi slt, %xor3A_1267, %lt3A_1269 : vector<16xi32>
          %add3A_1271 = arith.constant 16 : i32
          %add3A_1272 = vector.broadcast %add3A_1271 : i32 to vector<16xi32>
          %add3A_1273 = arith.addi %xor3A_1267, %add3A_1272 : vector<16xi32>
          %select_n3A_1274 = arith.select %lt3A_1270, %add3A_1273, %xor3A_1267 : vector<16xi1>, vector<16xi32>
          %broadcast_in_dim3A_1275 = vector.shape_cast %select_n3A_1274 : vector<16xi32> to vector<16x1xi32>
          %gather3A_1276 = vector.shape_cast %broadcast_in_dim3A_1275 : vector<16x1xi32> to vector<16xi32>
          %gather3A_1277 = tpu.dynamic_gather %select_n3A_1249[%gather3A_1276] in [0] : vector<16xf32>, vector<16xi32> -> vector<16xf32>
          %lt3A_1278 = arith.constant 8 : i32
          %lt3A_1279 = vector.broadcast %lt3A_1278 : i32 to vector<16xi32>
          %lt3A_1280 = arith.cmpi slt, %iota3A_105, %lt3A_1279 : vector<16xi32>
          %select_n3A_1281 = arith.select %lt3A_1280, %scan3A_115, %gather3A_1277 : vector<16xi1>, vector<16xf32>
          %neg3A = arith.constant 0.000000e+00 : f32
          %neg3A_1282 = vector.broadcast %neg3A : f32 to vector<16xf32>
          %neg3A_1283 = arith.subf %neg3A_1282, %select_n3A_1281 : vector<16xf32>
          %exp3A = math.exp %neg3A_1283 : vector<16xf32>
          %add3A_1284 = arith.constant 1.000000e+00 : f32
          %add3A_1285 = vector.broadcast %add3A_1284 : f32 to vector<16xf32>
          %add3A_1286 = arith.addf %add3A_1285, %exp3A : vector<16xf32>
          %div3A = arith.constant 1.000000e+00 : f32
          %div3A_1287 = vector.broadcast %div3A : f32 to vector<16xf32>
          %div3A_1288 = arith.divf %div3A_1287, %add3A_1286 : vector<16xf32>
          %mul3A_1289 = arith.constant 80 : i32
          %mul3A_1290 = arith.muli %add3A_45, %mul3A_1289 : i32
          %jit3A_1291 = arith.constant 2 : i32
          %div3A_1292 = arith.divsi %scan3A_114, %jit3A_1291 : i32
          %sign3A = arith.constant 0 : i32
          %sign3A_1293 = arith.cmpi sgt, %scan3A_114, %sign3A : i32
          %sign3A_1294 = arith.extui %sign3A_1293 : i1 to i32
          %sign3A_1295 = arith.constant 0 : i32
          %sign3A_1296 = arith.cmpi slt, %scan3A_114, %sign3A_1295 : i32
          %sign3A_1297 = arith.extui %sign3A_1296 : i1 to i32
          %sign3A_1298 = arith.subi %sign3A_1294, %sign3A_1297 : i32
          %sign3A_1299 = arith.constant 0 : i32
          %sign3A_1300 = arith.cmpi sgt, %jit3A_1291, %sign3A_1299 : i32
          %sign3A_1301 = arith.extui %sign3A_1300 : i1 to i32
          %sign3A_1302 = arith.constant 0 : i32
          %sign3A_1303 = arith.cmpi slt, %jit3A_1291, %sign3A_1302 : i32
          %sign3A_1304 = arith.extui %sign3A_1303 : i1 to i32
          %sign3A_1305 = arith.subi %sign3A_1301, %sign3A_1304 : i32
          %ne3A_1306 = arith.cmpi ne, %sign3A_1298, %sign3A_1305 : i32
          %rem3A_1307 = arith.remsi %scan3A_114, %jit3A_1291 : i32
          %ne3A_1308 = arith.constant 0 : i32
          %ne3A_1309 = arith.cmpi ne, %rem3A_1307, %ne3A_1308 : i32
          %and3A_1310 = arith.andi %ne3A_1306, %ne3A_1309 : i1
          %sub3A = arith.constant 1 : i32
          %sub3A_1311 = arith.subi %div3A_1292, %sub3A : i32
          %select_n3A_1312 = arith.select %and3A_1310, %sub3A_1311, %div3A_1292 : i32
          %mul3A_1313 = arith.constant 16 : i32
          %mul3A_1314 = arith.muli %select_n3A_1312, %mul3A_1313 : i32
          %add3A_1315 = arith.addi %mul3A_1290, %mul3A_1314 : i32
          %swap3A = arith.index_cast %add3A_1315 : i32 to index
          %swap3A_1316 = tpu.vector_load %arg12[%swap3A] {strides = array<i32>} : memref<10008xf32, #tpu.memory_space<vmem>>, vector<16xf32>,
          %swap3A_1317 = vector.shape_cast %swap3A_1316 : vector<16xf32> to vector<16xf32>
          %swap3A_1318 = vector.shape_cast %div3A_1288 : vector<16xf32> to vector<16xf32>
          tpu.vector_store %arg12[%swap3A], %swap3A_1318 {strides = array<i32>} : memref<10008xf32, #tpu.memory_space<vmem>>, vector<16xf32>,
        } else {
        }
        scf.yield %select_n3A_1249 : vector<16xf32>
      }
      %scan3A_113 = arith.constant 10 : i32
    }
    %scan3A_18 = arith.constant 62 : i32
    %dma_wait3A = arith.constant 124 : i32
    %dma_wait3A_19 = arith.constant 0 : i32
    %dma_wait3A_20 = tpu.memref_slice %arg6[%dma_wait3A, %dma_wait3A_19] : memref<125x80xi32, #tpu.memory_space<vmem>> -> memref<1x80xi32, #tpu.memory_space<vmem>>
    %dma_wait3A_21 = tpu.memref_squeeze %dma_wait3A_20 : memref<1x80xi32, #tpu.memory_space<vmem>> -> memref<80xi32, #tpu.memory_space<vmem>>
    %dma_wait3A_22 = arith.constant 0 : i32
    %dma_wait3A_23 = arith.constant 0 : i32
    %dma_wait3A_24 = tpu.memref_slice %arg2[%dma_wait3A_22, %dma_wait3A_23] : memref<10000x128xf32, #tpu.memory_space<hbm>> -> memref<10000x128xf32, #tpu.memory_space<hbm>>
    tpu.wait_indirect_dma semaphore(%arg13 : memref<!tpu.dma_semaphore, #tpu.memory_space<semaphore_mem>>) src(%dma_wait3A_24 : memref<10000x128xf32, #tpu.memory_space<hbm>>) dst(%arg8 : memref<80x128xf32, #tpu.memory_space<vmem>>)
    %dma_wait3A_25 = arith.constant 124 : i32
    %dma_wait3A_26 = arith.constant 0 : i32
    %dma_wait3A_27 = tpu.memref_slice %arg7[%dma_wait3A_25, %dma_wait3A_26] : memref<125x80xi32, #tpu.memory_space<vmem>> -> memref<1x80xi32, #tpu.memory_space<vmem>>
    %dma_wait3A_28 = tpu.memref_squeeze %dma_wait3A_27 : memref<1x80xi32, #tpu.memory_space<vmem>> -> memref<80xi32, #tpu.memory_space<vmem>>
    %dma_wait3A_29 = arith.constant 0 : i32
    %dma_wait3A_30 = arith.constant 0 : i32
    %dma_wait3A_31 = tpu.memref_slice %arg2[%dma_wait3A_29, %dma_wait3A_30] : memref<10000x128xf32, #tpu.memory_space<hbm>> -> memref<10000x128xf32, #tpu.memory_space<hbm>>
    tpu.wait_indirect_dma semaphore(%arg14 : memref<!tpu.dma_semaphore, #tpu.memory_space<semaphore_mem>>) src(%dma_wait3A_31 : memref<10000x128xf32, #tpu.memory_space<hbm>>) dst(%arg9 : memref<80x128xf32, #tpu.memory_space<vmem>>)
    %iota3A = tpu.iota {dimensions = array<i32: 0>} : vector<16xi32>
    %broadcast_in_dim3A = arith.constant 0.000000e+00 : f32
    %broadcast_in_dim3A_32 = vector.broadcast %broadcast_in_dim3A : f32 to vector<16xf32>
    %scan3A_33 = arith.constant 0 : i32
    %scan3A_34 = arith.constant 10 : i32
    %scan3A_35 = arith.addi %scan3A_33, %scan3A_34 : i32
    %scan3A_36 = arith.constant 1 : i32
    %scan3A_37 = scf.for %scan3A_41 = %scan3A_33 to %scan3A_35 step %scan3A_36 iter_args(%scan3A_42 = %broadcast_in_dim3A_32) -> (vector<16xf32>)  : i32 {
      %mul3A_43 = arith.constant 8 : i32
      %mul3A_44 = arith.muli %scan3A_41, %mul3A_43 : i32
      %add3A_45 = arith.constant 0 : i32
      %add3A_46 = arith.addi %mul3A_44, %add3A_45 : i32
      %get3A = arith.index_cast %add3A_46 : i32 to index
      %get3A_47 = arith.constant 0 : index
      %get3A_48 = tpu.vector_load %arg8[%get3A, %get3A_47] {strides = array<i32>} : memref<80x128xf32, #tpu.memory_space<vmem>>, vector<1x16xf32>,
      %get3A_49 = vector.shape_cast %get3A_48 : vector<1x16xf32> to vector<16xf32>
      %get3A_50 = arith.index_cast %add3A_46 : i32 to index
      %get3A_51 = arith.constant 0 : index
      %get3A_52 = tpu.vector_load %arg9[%get3A_50, %get3A_51] {strides = array<i32>} : memref<80x128xf32, #tpu.memory_space<vmem>>, vector<1x16xf32>,
      %get3A_53 = vector.shape_cast %get3A_52 : vector<1x16xf32> to vector<16xf32>
      %mul3A_54 = arith.mulf %get3A_49, %get3A_53 : vector<16xf32>
      %get3A_55 = arith.index_cast %add3A_46 : i32 to index
      %get3A_56 = arith.constant 16 : index
      %get3A_57 = tpu.vector_load %arg8[%get3A_55, %get3A_56] {strides = array<i32>} : memref<80x128xf32, #tpu.memory_space<vmem>>, vector<1x16xf32>,
      %get3A_58 = vector.shape_cast %get3A_57 : vector<1x16xf32> to vector<16xf32>
      %get3A_59 = arith.index_cast %add3A_46 : i32 to index
      %get3A_60 = arith.constant 16 : index
      %get3A_61 = tpu.vector_load %arg9[%get3A_59, %get3A_60] {strides = array<i32>} : memref<80x128xf32, #tpu.memory_space<vmem>>, vector<1x16xf32>,
      %get3A_62 = vector.shape_cast %get3A_61 : vector<1x16xf32> to vector<16xf32>
      %mul3A_63 = arith.mulf %get3A_58, %get3A_62 : vector<16xf32>
      %add3A_64 = arith.addf %mul3A_54, %mul3A_63 : vector<16xf32>
      %get3A_65 = arith.index_cast %add3A_46 : i32 to index
      %get3A_66 = arith.constant 32 : index
      %get3A_67 = tpu.vector_load %arg8[%get3A_65, %get3A_66] {strides = array<i32>} : memref<80x128xf32, #tpu.memory_space<vmem>>, vector<1x16xf32>,
      %get3A_68 = vector.shape_cast %get3A_67 : vector<1x16xf32> to vector<16xf32>
      %get3A_69 = arith.index_cast %add3A_46 : i32 to index
      %get3A_70 = arith.constant 32 : index
      %get3A_71 = tpu.vector_load %arg9[%get3A_69, %get3A_70] {strides = array<i32>} : memref<80x128xf32, #tpu.memory_space<vmem>>, vector<1x16xf32>,
      %get3A_72 = vector.shape_cast %get3A_71 : vector<1x16xf32> to vector<16xf32>
      %mul3A_73 = arith.mulf %get3A_68, %get3A_72 : vector<16xf32>
      %add3A_74 = arith.addf %add3A_64, %mul3A_73 : vector<16xf32>
      %get3A_75 = arith.index_cast %add3A_46 : i32 to index
      %get3A_76 = arith.constant 48 : index
      %get3A_77 = tpu.vector_load %arg8[%get3A_75, %get3A_76] {strides = array<i32>} : memref<80x128xf32, #tpu.memory_space<vmem>>, vector<1x16xf32>,
      %get3A_78 = vector.shape_cast %get3A_77 : vector<1x16xf32> to vector<16xf32>
      %get3A_79 = arith.index_cast %add3A_46 : i32 to index
      %get3A_80 = arith.constant 48 : index
      %get3A_81 = tpu.vector_load %arg9[%get3A_79, %get3A_80] {strides = array<i32>} : memref<80x128xf32, #tpu.memory_space<vmem>>, vector<1x16xf32>,
      %get3A_82 = vector.shape_cast %get3A_81 : vector<1x16xf32> to vector<16xf32>
      %mul3A_83 = arith.mulf %get3A_78, %get3A_82 : vector<16xf32>
      %add3A_84 = arith.addf %add3A_74, %mul3A_83 : vector<16xf32>
      %get3A_85 = arith.index_cast %add3A_46 : i32 to index
      %get3A_86 = arith.constant 64 : index
      %get3A_87 = tpu.vector_load %arg8[%get3A_85, %get3A_86] {strides = array<i32>} : memref<80x128xf32, #tpu.memory_space<vmem>>, vector<1x16xf32>,
      %get3A_88 = vector.shape_cast %get3A_87 : vector<1x16xf32> to vector<16xf32>
      %get3A_89 = arith.index_cast %add3A_46 : i32 to index
      %get3A_90 = arith.constant 64 : index
      %get3A_91 = tpu.vector_load %arg9[%get3A_89, %get3A_90] {strides = array<i32>} : memref<80x128xf32, #tpu.memory_space<vmem>>, vector<1x16xf32>,
      %get3A_92 = vector.shape_cast %get3A_91 : vector<1x16xf32> to vector<16xf32>
      %mul3A_93 = arith.mulf %get3A_88, %get3A_92 : vector<16xf32>
      %add3A_94 = arith.addf %add3A_84, %mul3A_93 : vector<16xf32>
      %get3A_95 = arith.index_cast %add3A_46 : i32 to index
      %get3A_96 = arith.constant 80 : index
      %get3A_97 = tpu.vector_load %arg8[%get3A_95, %get3A_96] {strides = array<i32>} : memref<80x128xf32, #tpu.memory_space<vmem>>, vector<1x16xf32>,
      %get3A_98 = vector.shape_cast %get3A_97 : vector<1x16xf32> to vector<16xf32>
      %get3A_99 = arith.index_cast %add3A_46 : i32 to index
      %get3A_100 = arith.constant 80 : index
      %get3A_101 = tpu.vector_load %arg9[%get3A_99, %get3A_100] {strides = array<i32>} : memref<80x128xf32, #tpu.memory_space<vmem>>, vector<1x16xf32>,
      %get3A_102 = vector.shape_cast %get3A_101 : vector<1x16xf32> to vector<16xf32>
      %mul3A_103 = arith.mulf %get3A_98, %get3A_102 : vector<16xf32>
      %add3A_104 = arith.addf %add3A_94, %mul3A_103 : vector<16xf32>
      %get3A_105 = arith.index_cast %add3A_46 : i32 to index
      %get3A_106 = arith.constant 96 : index
      %get3A_107 = tpu.vector_load %arg8[%get3A_105, %get3A_106] {strides = array<i32>} : memref<80x128xf32, #tpu.memory_space<vmem>>, vector<1x16xf32>,
      %get3A_108 = vector.shape_cast %get3A_107 : vector<1x16xf32> to vector<16xf32>
      %get3A_109 = arith.index_cast %add3A_46 : i32 to index
      %get3A_110 = arith.constant 96 : index
      %get3A_111 = tpu.vector_load %arg9[%get3A_109, %get3A_110] {strides = array<i32>} : memref<80x128xf32, #tpu.memory_space<vmem>>, vector<1x16xf32>,
      %get3A_112 = vector.shape_cast %get3A_111 : vector<1x16xf32> to vector<16xf32>
      %mul3A_113 = arith.mulf %get3A_108, %get3A_112 : vector<16xf32>
      %add3A_114 = arith.addf %add3A_104, %mul3A_113 : vector<16xf32>
      %get3A_115 = arith.index_cast %add3A_46 : i32 to index
      %get3A_116 = arith.constant 112 : index
      %get3A_117 = tpu.vector_load %arg8[%get3A_115, %get3A_116] {strides = array<i32>} : memref<80x128xf32, #tpu.memory_space<vmem>>, vector<1x16xf32>,
      %get3A_118 = vector.shape_cast %get3A_117 : vector<1x16xf32> to vector<16xf32>
      %get3A_119 = arith.index_cast %add3A_46 : i32 to index
      %get3A_120 = arith.constant 112 : index
      %get3A_121 = tpu.vector_load %arg9[%get3A_119, %get3A_120] {strides = array<i32>} : memref<80x128xf32, #tpu.memory_space<vmem>>, vector<1x16xf32>,
      %get3A_122 = vector.shape_cast %get3A_121 : vector<1x16xf32> to vector<16xf32>
      %mul3A_123 = arith.mulf %get3A_118, %get3A_122 : vector<16xf32>
      %add3A_124 = arith.addf %add3A_114, %mul3A_123 : vector<16xf32>
      %xor3A = arith.constant 8 : i32
      %xor3A_125 = vector.broadcast %xor3A : i32 to vector<16xi32>
      %xor3A_126 = arith.xori %iota3A, %xor3A_125 : vector<16xi32>
      %lt3A = arith.constant 0 : i32
      %lt3A_127 = vector.broadcast %lt3A : i32 to vector<16xi32>
      %lt3A_128 = arith.cmpi slt, %xor3A_126, %lt3A_127 : vector<16xi32>
      %add3A_129 = arith.constant 16 : i32
      %add3A_130 = vector.broadcast %add3A_129 : i32 to vector<16xi32>
      %add3A_131 = arith.addi %xor3A_126, %add3A_130 : vector<16xi32>
      %select_n3A = arith.select %lt3A_128, %add3A_131, %xor3A_126 : vector<16xi1>, vector<16xi32>
      %broadcast_in_dim3A_132 = vector.shape_cast %select_n3A : vector<16xi32> to vector<16x1xi32>
      %gather3A = vector.shape_cast %broadcast_in_dim3A_132 : vector<16x1xi32> to vector<16xi32>
      %gather3A_133 = tpu.dynamic_gather %add3A_124[%gather3A] in [0] : vector<16xf32>, vector<16xi32> -> vector<16xf32>
      %add3A_134 = arith.addf %add3A_124, %gather3A_133 : vector<16xf32>
      %xor3A_135 = arith.constant 4 : i32
      %xor3A_136 = vector.broadcast %xor3A_135 : i32 to vector<16xi32>
      %xor3A_137 = arith.xori %iota3A, %xor3A_136 : vector<16xi32>
      %lt3A_138 = arith.constant 0 : i32
      %lt3A_139 = vector.broadcast %lt3A_138 : i32 to vector<16xi32>
      %lt3A_140 = arith.cmpi slt, %xor3A_137, %lt3A_139 : vector<16xi32>
      %add3A_141 = arith.constant 16 : i32
      %add3A_142 = vector.broadcast %add3A_141 : i32 to vector<16xi32>
      %add3A_143 = arith.addi %xor3A_137, %add3A_142 : vector<16xi32>
      %select_n3A_144 = arith.select %lt3A_140, %add3A_143, %xor3A_137 : vector<16xi1>, vector<16xi32>
      %broadcast_in_dim3A_145 = vector.shape_cast %select_n3A_144 : vector<16xi32> to vector<16x1xi32>
      %gather3A_146 = vector.shape_cast %broadcast_in_dim3A_145 : vector<16x1xi32> to vector<16xi32>
      %gather3A_147 = tpu.dynamic_gather %add3A_134[%gather3A_146] in [0] : vector<16xf32>, vector<16xi32> -> vector<16xf32>
      %add3A_148 = arith.addf %add3A_134, %gather3A_147 : vector<16xf32>
      %xor3A_149 = arith.constant 2 : i32
      %xor3A_150 = vector.broadcast %xor3A_149 : i32 to vector<16xi32>
      %xor3A_151 = arith.xori %iota3A, %xor3A_150 : vector<16xi32>
      %lt3A_152 = arith.constant 0 : i32
      %lt3A_153 = vector.broadcast %lt3A_152 : i32 to vector<16xi32>
      %lt3A_154 = arith.cmpi slt, %xor3A_151, %lt3A_153 : vector<16xi32>
      %add3A_155 = arith.constant 16 : i32
      %add3A_156 = vector.broadcast %add3A_155 : i32 to vector<16xi32>
      %add3A_157 = arith.addi %xor3A_151, %add3A_156 : vector<16xi32>
      %select_n3A_158 = arith.select %lt3A_154, %add3A_157, %xor3A_151 : vector<16xi1>, vector<16xi32>
      %broadcast_in_dim3A_159 = vector.shape_cast %select_n3A_158 : vector<16xi32> to vector<16x1xi32>
      %gather3A_160 = vector.shape_cast %broadcast_in_dim3A_159 : vector<16x1xi32> to vector<16xi32>
      %gather3A_161 = tpu.dynamic_gather %add3A_148[%gather3A_160] in [0] : vector<16xf32>, vector<16xi32> -> vector<16xf32>
      %add3A_162 = arith.addf %add3A_148, %gather3A_161 : vector<16xf32>
      %xor3A_163 = arith.constant 1 : i32
      %xor3A_164 = vector.broadcast %xor3A_163 : i32 to vector<16xi32>
      %xor3A_165 = arith.xori %iota3A, %xor3A_164 : vector<16xi32>
      %lt3A_166 = arith.constant 0 : i32
      %lt3A_167 = vector.broadcast %lt3A_166 : i32 to vector<16xi32>
      %lt3A_168 = arith.cmpi slt, %xor3A_165, %lt3A_167 : vector<16xi32>
      %add3A_169 = arith.constant 16 : i32
      %add3A_170 = vector.broadcast %add3A_169 : i32 to vector<16xi32>
      %add3A_171 = arith.addi %xor3A_165, %add3A_170 : vector<16xi32>
      %select_n3A_172 = arith.select %lt3A_168, %add3A_171, %xor3A_165 : vector<16xi1>, vector<16xi32>
      %broadcast_in_dim3A_173 = vector.shape_cast %select_n3A_172 : vector<16xi32> to vector<16x1xi32>
      %gather3A_174 = vector.shape_cast %broadcast_in_dim3A_173 : vector<16x1xi32> to vector<16xi32>
      %gather3A_175 = tpu.dynamic_gather %add3A_162[%gather3A_174] in [0] : vector<16xf32>, vector<16xi32> -> vector<16xf32>
      %add3A_176 = arith.addf %add3A_162, %gather3A_175 : vector<16xf32>
      %mul3A_177 = arith.constant 8 : i32
      %mul3A_178 = arith.muli %scan3A_41, %mul3A_177 : i32
      %add3A_179 = arith.constant 1 : i32
      %add3A_180 = arith.addi %mul3A_178, %add3A_179 : i32
      %get3A_181 = arith.index_cast %add3A_180 : i32 to index
      %get3A_182 = arith.constant 0 : index
      %get3A_183 = tpu.vector_load %arg8[%get3A_181, %get3A_182] {strides = array<i32>} : memref<80x128xf32, #tpu.memory_space<vmem>>, vector<1x16xf32>,
      %get3A_184 = vector.shape_cast %get3A_183 : vector<1x16xf32> to vector<16xf32>
      %get3A_185 = arith.index_cast %add3A_180 : i32 to index
      %get3A_186 = arith.constant 0 : index
      %get3A_187 = tpu.vector_load %arg9[%get3A_185, %get3A_186] {strides = array<i32>} : memref<80x128xf32, #tpu.memory_space<vmem>>, vector<1x16xf32>,
      %get3A_188 = vector.shape_cast %get3A_187 : vector<1x16xf32> to vector<16xf32>
      %mul3A_189 = arith.mulf %get3A_184, %get3A_188 : vector<16xf32>
      %get3A_190 = arith.index_cast %add3A_180 : i32 to index
      %get3A_191 = arith.constant 16 : index
      %get3A_192 = tpu.vector_load %arg8[%get3A_190, %get3A_191] {strides = array<i32>} : memref<80x128xf32, #tpu.memory_space<vmem>>, vector<1x16xf32>,
      %get3A_193 = vector.shape_cast %get3A_192 : vector<1x16xf32> to vector<16xf32>
      %get3A_194 = arith.index_cast %add3A_180 : i32 to index
      %get3A_195 = arith.constant 16 : index
      %get3A_196 = tpu.vector_load %arg9[%get3A_194, %get3A_195] {strides = array<i32>} : memref<80x128xf32, #tpu.memory_space<vmem>>, vector<1x16xf32>,
      %get3A_197 = vector.shape_cast %get3A_196 : vector<1x16xf32> to vector<16xf32>
      %mul3A_198 = arith.mulf %get3A_193, %get3A_197 : vector<16xf32>
      %add3A_199 = arith.addf %mul3A_189, %mul3A_198 : vector<16xf32>
      %get3A_200 = arith.index_cast %add3A_180 : i32 to index
      %get3A_201 = arith.constant 32 : index
      %get3A_202 = tpu.vector_load %arg8[%get3A_200, %get3A_201] {strides = array<i32>} : memref<80x128xf32, #tpu.memory_space<vmem>>, vector<1x16xf32>,
      %get3A_203 = vector.shape_cast %get3A_202 : vector<1x16xf32> to vector<16xf32>
      %get3A_204 = arith.index_cast %add3A_180 : i32 to index
      %get3A_205 = arith.constant 32 : index
      %get3A_206 = tpu.vector_load %arg9[%get3A_204, %get3A_205] {strides = array<i32>} : memref<80x128xf32, #tpu.memory_space<vmem>>, vector<1x16xf32>,
      %get3A_207 = vector.shape_cast %get3A_206 : vector<1x16xf32> to vector<16xf32>
      %mul3A_208 = arith.mulf %get3A_203, %get3A_207 : vector<16xf32>
      %add3A_209 = arith.addf %add3A_199, %mul3A_208 : vector<16xf32>
      %get3A_210 = arith.index_cast %add3A_180 : i32 to index
      %get3A_211 = arith.constant 48 : index
      %get3A_212 = tpu.vector_load %arg8[%get3A_210, %get3A_211] {strides = array<i32>} : memref<80x128xf32, #tpu.memory_space<vmem>>, vector<1x16xf32>,
      %get3A_213 = vector.shape_cast %get3A_212 : vector<1x16xf32> to vector<16xf32>
      %get3A_214 = arith.index_cast %add3A_180 : i32 to index
      %get3A_215 = arith.constant 48 : index
      %get3A_216 = tpu.vector_load %arg9[%get3A_214, %get3A_215] {strides = array<i32>} : memref<80x128xf32, #tpu.memory_space<vmem>>, vector<1x16xf32>,
      %get3A_217 = vector.shape_cast %get3A_216 : vector<1x16xf32> to vector<16xf32>
      %mul3A_218 = arith.mulf %get3A_213, %get3A_217 : vector<16xf32>
      %add3A_219 = arith.addf %add3A_209, %mul3A_218 : vector<16xf32>
      %get3A_220 = arith.index_cast %add3A_180 : i32 to index
      %get3A_221 = arith.constant 64 : index
      %get3A_222 = tpu.vector_load %arg8[%get3A_220, %get3A_221] {strides = array<i32>} : memref<80x128xf32, #tpu.memory_space<vmem>>, vector<1x16xf32>,
      %get3A_223 = vector.shape_cast %get3A_222 : vector<1x16xf32> to vector<16xf32>
      %get3A_224 = arith.index_cast %add3A_180 : i32 to index
      %get3A_225 = arith.constant 64 : index
      %get3A_226 = tpu.vector_load %arg9[%get3A_224, %get3A_225] {strides = array<i32>} : memref<80x128xf32, #tpu.memory_space<vmem>>, vector<1x16xf32>,
      %get3A_227 = vector.shape_cast %get3A_226 : vector<1x16xf32> to vector<16xf32>
      %mul3A_228 = arith.mulf %get3A_223, %get3A_227 : vector<16xf32>
      %add3A_229 = arith.addf %add3A_219, %mul3A_228 : vector<16xf32>
      %get3A_230 = arith.index_cast %add3A_180 : i32 to index
      %get3A_231 = arith.constant 80 : index
      %get3A_232 = tpu.vector_load %arg8[%get3A_230, %get3A_231] {strides = array<i32>} : memref<80x128xf32, #tpu.memory_space<vmem>>, vector<1x16xf32>,
      %get3A_233 = vector.shape_cast %get3A_232 : vector<1x16xf32> to vector<16xf32>
      %get3A_234 = arith.index_cast %add3A_180 : i32 to index
      %get3A_235 = arith.constant 80 : index
      %get3A_236 = tpu.vector_load %arg9[%get3A_234, %get3A_235] {strides = array<i32>} : memref<80x128xf32, #tpu.memory_space<vmem>>, vector<1x16xf32>,
      %get3A_237 = vector.shape_cast %get3A_236 : vector<1x16xf32> to vector<16xf32>
      %mul3A_238 = arith.mulf %get3A_233, %get3A_237 : vector<16xf32>
      %add3A_239 = arith.addf %add3A_229, %mul3A_238 : vector<16xf32>
      %get3A_240 = arith.index_cast %add3A_180 : i32 to index
      %get3A_241 = arith.constant 96 : index
      %get3A_242 = tpu.vector_load %arg8[%get3A_240, %get3A_241] {strides = array<i32>} : memref<80x128xf32, #tpu.memory_space<vmem>>, vector<1x16xf32>,
      %get3A_243 = vector.shape_cast %get3A_242 : vector<1x16xf32> to vector<16xf32>
      %get3A_244 = arith.index_cast %add3A_180 : i32 to index
      %get3A_245 = arith.constant 96 : index
      %get3A_246 = tpu.vector_load %arg9[%get3A_244, %get3A_245] {strides = array<i32>} : memref<80x128xf32, #tpu.memory_space<vmem>>, vector<1x16xf32>,
      %get3A_247 = vector.shape_cast %get3A_246 : vector<1x16xf32> to vector<16xf32>
      %mul3A_248 = arith.mulf %get3A_243, %get3A_247 : vector<16xf32>
      %add3A_249 = arith.addf %add3A_239, %mul3A_248 : vector<16xf32>
      %get3A_250 = arith.index_cast %add3A_180 : i32 to index
      %get3A_251 = arith.constant 112 : index
      %get3A_252 = tpu.vector_load %arg8[%get3A_250, %get3A_251] {strides = array<i32>} : memref<80x128xf32, #tpu.memory_space<vmem>>, vector<1x16xf32>,
      %get3A_253 = vector.shape_cast %get3A_252 : vector<1x16xf32> to vector<16xf32>
      %get3A_254 = arith.index_cast %add3A_180 : i32 to index
      %get3A_255 = arith.constant 112 : index
      %get3A_256 = tpu.vector_load %arg9[%get3A_254, %get3A_255] {strides = array<i32>} : memref<80x128xf32, #tpu.memory_space<vmem>>, vector<1x16xf32>,
      %get3A_257 = vector.shape_cast %get3A_256 : vector<1x16xf32> to vector<16xf32>
      %mul3A_258 = arith.mulf %get3A_253, %get3A_257 : vector<16xf32>
      %add3A_259 = arith.addf %add3A_249, %mul3A_258 : vector<16xf32>
      %xor3A_260 = arith.constant 8 : i32
      %xor3A_261 = vector.broadcast %xor3A_260 : i32 to vector<16xi32>
      %xor3A_262 = arith.xori %iota3A, %xor3A_261 : vector<16xi32>
      %lt3A_263 = arith.constant 0 : i32
      %lt3A_264 = vector.broadcast %lt3A_263 : i32 to vector<16xi32>
      %lt3A_265 = arith.cmpi slt, %xor3A_262, %lt3A_264 : vector<16xi32>
      %add3A_266 = arith.constant 16 : i32
      %add3A_267 = vector.broadcast %add3A_266 : i32 to vector<16xi32>
      %add3A_268 = arith.addi %xor3A_262, %add3A_267 : vector<16xi32>
      %select_n3A_269 = arith.select %lt3A_265, %add3A_268, %xor3A_262 : vector<16xi1>, vector<16xi32>
      %broadcast_in_dim3A_270 = vector.shape_cast %select_n3A_269 : vector<16xi32> to vector<16x1xi32>
      %gather3A_271 = vector.shape_cast %broadcast_in_dim3A_270 : vector<16x1xi32> to vector<16xi32>
      %gather3A_272 = tpu.dynamic_gather %add3A_259[%gather3A_271] in [0] : vector<16xf32>, vector<16xi32> -> vector<16xf32>
      %add3A_273 = arith.addf %add3A_259, %gather3A_272 : vector<16xf32>
      %xor3A_274 = arith.constant 4 : i32
      %xor3A_275 = vector.broadcast %xor3A_274 : i32 to vector<16xi32>
      %xor3A_276 = arith.xori %iota3A, %xor3A_275 : vector<16xi32>
      %lt3A_277 = arith.constant 0 : i32
      %lt3A_278 = vector.broadcast %lt3A_277 : i32 to vector<16xi32>
      %lt3A_279 = arith.cmpi slt, %xor3A_276, %lt3A_278 : vector<16xi32>
      %add3A_280 = arith.constant 16 : i32
      %add3A_281 = vector.broadcast %add3A_280 : i32 to vector<16xi32>
      %add3A_282 = arith.addi %xor3A_276, %add3A_281 : vector<16xi32>
      %select_n3A_283 = arith.select %lt3A_279, %add3A_282, %xor3A_276 : vector<16xi1>, vector<16xi32>
      %broadcast_in_dim3A_284 = vector.shape_cast %select_n3A_283 : vector<16xi32> to vector<16x1xi32>
      %gather3A_285 = vector.shape_cast %broadcast_in_dim3A_284 : vector<16x1xi32> to vector<16xi32>
      %gather3A_286 = tpu.dynamic_gather %add3A_273[%gather3A_285] in [0] : vector<16xf32>, vector<16xi32> -> vector<16xf32>
      %add3A_287 = arith.addf %add3A_273, %gather3A_286 : vector<16xf32>
      %xor3A_288 = arith.constant 2 : i32
      %xor3A_289 = vector.broadcast %xor3A_288 : i32 to vector<16xi32>
      %xor3A_290 = arith.xori %iota3A, %xor3A_289 : vector<16xi32>
      %lt3A_291 = arith.constant 0 : i32
      %lt3A_292 = vector.broadcast %lt3A_291 : i32 to vector<16xi32>
      %lt3A_293 = arith.cmpi slt, %xor3A_290, %lt3A_292 : vector<16xi32>
      %add3A_294 = arith.constant 16 : i32
      %add3A_295 = vector.broadcast %add3A_294 : i32 to vector<16xi32>
      %add3A_296 = arith.addi %xor3A_290, %add3A_295 : vector<16xi32>
      %select_n3A_297 = arith.select %lt3A_293, %add3A_296, %xor3A_290 : vector<16xi1>, vector<16xi32>
      %broadcast_in_dim3A_298 = vector.shape_cast %select_n3A_297 : vector<16xi32> to vector<16x1xi32>
      %gather3A_299 = vector.shape_cast %broadcast_in_dim3A_298 : vector<16x1xi32> to vector<16xi32>
      %gather3A_300 = tpu.dynamic_gather %add3A_287[%gather3A_299] in [0] : vector<16xf32>, vector<16xi32> -> vector<16xf32>
      %add3A_301 = arith.addf %add3A_287, %gather3A_300 : vector<16xf32>
      %xor3A_302 = arith.constant 1 : i32
      %xor3A_303 = vector.broadcast %xor3A_302 : i32 to vector<16xi32>
      %xor3A_304 = arith.xori %iota3A, %xor3A_303 : vector<16xi32>
      %lt3A_305 = arith.constant 0 : i32
      %lt3A_306 = vector.broadcast %lt3A_305 : i32 to vector<16xi32>
      %lt3A_307 = arith.cmpi slt, %xor3A_304, %lt3A_306 : vector<16xi32>
      %add3A_308 = arith.constant 16 : i32
      %add3A_309 = vector.broadcast %add3A_308 : i32 to vector<16xi32>
      %add3A_310 = arith.addi %xor3A_304, %add3A_309 : vector<16xi32>
      %select_n3A_311 = arith.select %lt3A_307, %add3A_310, %xor3A_304 : vector<16xi1>, vector<16xi32>
      %broadcast_in_dim3A_312 = vector.shape_cast %select_n3A_311 : vector<16xi32> to vector<16x1xi32>
      %gather3A_313 = vector.shape_cast %broadcast_in_dim3A_312 : vector<16x1xi32> to vector<16xi32>
      %gather3A_314 = tpu.dynamic_gather %add3A_301[%gather3A_313] in [0] : vector<16xf32>, vector<16xi32> -> vector<16xf32>
      %add3A_315 = arith.addf %add3A_301, %gather3A_314 : vector<16xf32>
      %eq3A = arith.constant 1 : i32
      %eq3A_316 = vector.broadcast %eq3A : i32 to vector<16xi32>
      %eq3A_317 = arith.cmpi eq, %iota3A, %eq3A_316 : vector<16xi32>
      %select_n3A_318 = arith.select %eq3A_317, %add3A_315, %add3A_176 : vector<16xi1>, vector<16xf32>
      %mul3A_319 = arith.constant 8 : i32
      %mul3A_320 = arith.muli %scan3A_41, %mul3A_319 : i32
      %add3A_321 = arith.constant 2 : i32
      %add3A_322 = arith.addi %mul3A_320, %add3A_321 : i32
      %get3A_323 = arith.index_cast %add3A_322 : i32 to index
      %get3A_324 = arith.constant 0 : index
      %get3A_325 = tpu.vector_load %arg8[%get3A_323, %get3A_324] {strides = array<i32>} : memref<80x128xf32, #tpu.memory_space<vmem>>, vector<1x16xf32>,
      %get3A_326 = vector.shape_cast %get3A_325 : vector<1x16xf32> to vector<16xf32>
      %get3A_327 = arith.index_cast %add3A_322 : i32 to index
      %get3A_328 = arith.constant 0 : index
      %get3A_329 = tpu.vector_load %arg9[%get3A_327, %get3A_328] {strides = array<i32>} : memref<80x128xf32, #tpu.memory_space<vmem>>, vector<1x16xf32>,
      %get3A_330 = vector.shape_cast %get3A_329 : vector<1x16xf32> to vector<16xf32>
      %mul3A_331 = arith.mulf %get3A_326, %get3A_330 : vector<16xf32>
      %get3A_332 = arith.index_cast %add3A_322 : i32 to index
      %get3A_333 = arith.constant 16 : index
      %get3A_334 = tpu.vector_load %arg8[%get3A_332, %get3A_333] {strides = array<i32>} : memref<80x128xf32, #tpu.memory_space<vmem>>, vector<1x16xf32>,
      %get3A_335 = vector.shape_cast %get3A_334 : vector<1x16xf32> to vector<16xf32>
      %get3A_336 = arith.index_cast %add3A_322 : i32 to index
      %get3A_337 = arith.constant 16 : index
      %get3A_338 = tpu.vector_load %arg9[%get3A_336, %get3A_337] {strides = array<i32>} : memref<80x128xf32, #tpu.memory_space<vmem>>, vector<1x16xf32>,
      %get3A_339 = vector.shape_cast %get3A_338 : vector<1x16xf32> to vector<16xf32>
      %mul3A_340 = arith.mulf %get3A_335, %get3A_339 : vector<16xf32>
      %add3A_341 = arith.addf %mul3A_331, %mul3A_340 : vector<16xf32>
      %get3A_342 = arith.index_cast %add3A_322 : i32 to index
      %get3A_343 = arith.constant 32 : index
      %get3A_344 = tpu.vector_load %arg8[%get3A_342, %get3A_343] {strides = array<i32>} : memref<80x128xf32, #tpu.memory_space<vmem>>, vector<1x16xf32>,
      %get3A_345 = vector.shape_cast %get3A_344 : vector<1x16xf32> to vector<16xf32>
      %get3A_346 = arith.index_cast %add3A_322 : i32 to index
      %get3A_347 = arith.constant 32 : index
      %get3A_348 = tpu.vector_load %arg9[%get3A_346, %get3A_347] {strides = array<i32>} : memref<80x128xf32, #tpu.memory_space<vmem>>, vector<1x16xf32>,
      %get3A_349 = vector.shape_cast %get3A_348 : vector<1x16xf32> to vector<16xf32>
      %mul3A_350 = arith.mulf %get3A_345, %get3A_349 : vector<16xf32>
      %add3A_351 = arith.addf %add3A_341, %mul3A_350 : vector<16xf32>
      %get3A_352 = arith.index_cast %add3A_322 : i32 to index
      %get3A_353 = arith.constant 48 : index
      %get3A_354 = tpu.vector_load %arg8[%get3A_352, %get3A_353] {strides = array<i32>} : memref<80x128xf32, #tpu.memory_space<vmem>>, vector<1x16xf32>,
      %get3A_355 = vector.shape_cast %get3A_354 : vector<1x16xf32> to vector<16xf32>
      %get3A_356 = arith.index_cast %add3A_322 : i32 to index
      %get3A_357 = arith.constant 48 : index
      %get3A_358 = tpu.vector_load %arg9[%get3A_356, %get3A_357] {strides = array<i32>} : memref<80x128xf32, #tpu.memory_space<vmem>>, vector<1x16xf32>,
      %get3A_359 = vector.shape_cast %get3A_358 : vector<1x16xf32> to vector<16xf32>
      %mul3A_360 = arith.mulf %get3A_355, %get3A_359 : vector<16xf32>
      %add3A_361 = arith.addf %add3A_351, %mul3A_360 : vector<16xf32>
      %get3A_362 = arith.index_cast %add3A_322 : i32 to index
      %get3A_363 = arith.constant 64 : index
      %get3A_364 = tpu.vector_load %arg8[%get3A_362, %get3A_363] {strides = array<i32>} : memref<80x128xf32, #tpu.memory_space<vmem>>, vector<1x16xf32>,
      %get3A_365 = vector.shape_cast %get3A_364 : vector<1x16xf32> to vector<16xf32>
      %get3A_366 = arith.index_cast %add3A_322 : i32 to index
      %get3A_367 = arith.constant 64 : index
      %get3A_368 = tpu.vector_load %arg9[%get3A_366, %get3A_367] {strides = array<i32>} : memref<80x128xf32, #tpu.memory_space<vmem>>, vector<1x16xf32>,
      %get3A_369 = vector.shape_cast %get3A_368 : vector<1x16xf32> to vector<16xf32>
      %mul3A_370 = arith.mulf %get3A_365, %get3A_369 : vector<16xf32>
      %add3A_371 = arith.addf %add3A_361, %mul3A_370 : vector<16xf32>
      %get3A_372 = arith.index_cast %add3A_322 : i32 to index
      %get3A_373 = arith.constant 80 : index
      %get3A_374 = tpu.vector_load %arg8[%get3A_372, %get3A_373] {strides = array<i32>} : memref<80x128xf32, #tpu.memory_space<vmem>>, vector<1x16xf32>,
      %get3A_375 = vector.shape_cast %get3A_374 : vector<1x16xf32> to vector<16xf32>
      %get3A_376 = arith.index_cast %add3A_322 : i32 to index
      %get3A_377 = arith.constant 80 : index
      %get3A_378 = tpu.vector_load %arg9[%get3A_376, %get3A_377] {strides = array<i32>} : memref<80x128xf32, #tpu.memory_space<vmem>>, vector<1x16xf32>,
      %get3A_379 = vector.shape_cast %get3A_378 : vector<1x16xf32> to vector<16xf32>
      %mul3A_380 = arith.mulf %get3A_375, %get3A_379 : vector<16xf32>
      %add3A_381 = arith.addf %add3A_371, %mul3A_380 : vector<16xf32>
      %get3A_382 = arith.index_cast %add3A_322 : i32 to index
      %get3A_383 = arith.constant 96 : index
      %get3A_384 = tpu.vector_load %arg8[%get3A_382, %get3A_383] {strides = array<i32>} : memref<80x128xf32, #tpu.memory_space<vmem>>, vector<1x16xf32>,
      %get3A_385 = vector.shape_cast %get3A_384 : vector<1x16xf32> to vector<16xf32>
      %get3A_386 = arith.index_cast %add3A_322 : i32 to index
      %get3A_387 = arith.constant 96 : index
      %get3A_388 = tpu.vector_load %arg9[%get3A_386, %get3A_387] {strides = array<i32>} : memref<80x128xf32, #tpu.memory_space<vmem>>, vector<1x16xf32>,
      %get3A_389 = vector.shape_cast %get3A_388 : vector<1x16xf32> to vector<16xf32>
      %mul3A_390 = arith.mulf %get3A_385, %get3A_389 : vector<16xf32>
      %add3A_391 = arith.addf %add3A_381, %mul3A_390 : vector<16xf32>
      %get3A_392 = arith.index_cast %add3A_322 : i32 to index
      %get3A_393 = arith.constant 112 : index
      %get3A_394 = tpu.vector_load %arg8[%get3A_392, %get3A_393] {strides = array<i32>} : memref<80x128xf32, #tpu.memory_space<vmem>>, vector<1x16xf32>,
      %get3A_395 = vector.shape_cast %get3A_394 : vector<1x16xf32> to vector<16xf32>
      %get3A_396 = arith.index_cast %add3A_322 : i32 to index
      %get3A_397 = arith.constant 112 : index
      %get3A_398 = tpu.vector_load %arg9[%get3A_396, %get3A_397] {strides = array<i32>} : memref<80x128xf32, #tpu.memory_space<vmem>>, vector<1x16xf32>,
      %get3A_399 = vector.shape_cast %get3A_398 : vector<1x16xf32> to vector<16xf32>
      %mul3A_400 = arith.mulf %get3A_395, %get3A_399 : vector<16xf32>
      %add3A_401 = arith.addf %add3A_391, %mul3A_400 : vector<16xf32>
      %xor3A_402 = arith.constant 8 : i32
      %xor3A_403 = vector.broadcast %xor3A_402 : i32 to vector<16xi32>
      %xor3A_404 = arith.xori %iota3A, %xor3A_403 : vector<16xi32>
      %lt3A_405 = arith.constant 0 : i32
      %lt3A_406 = vector.broadcast %lt3A_405 : i32 to vector<16xi32>
      %lt3A_407 = arith.cmpi slt, %xor3A_404, %lt3A_406 : vector<16xi32>
      %add3A_408 = arith.constant 16 : i32
      %add3A_409 = vector.broadcast %add3A_408 : i32 to vector<16xi32>
      %add3A_410 = arith.addi %xor3A_404, %add3A_409 : vector<16xi32>
      %select_n3A_411 = arith.select %lt3A_407, %add3A_410, %xor3A_404 : vector<16xi1>, vector<16xi32>
      %broadcast_in_dim3A_412 = vector.shape_cast %select_n3A_411 : vector<16xi32> to vector<16x1xi32>
      %gather3A_413 = vector.shape_cast %broadcast_in_dim3A_412 : vector<16x1xi32> to vector<16xi32>
      %gather3A_414 = tpu.dynamic_gather %add3A_401[%gather3A_413] in [0] : vector<16xf32>, vector<16xi32> -> vector<16xf32>
      %add3A_415 = arith.addf %add3A_401, %gather3A_414 : vector<16xf32>
      %xor3A_416 = arith.constant 4 : i32
      %xor3A_417 = vector.broadcast %xor3A_416 : i32 to vector<16xi32>
      %xor3A_418 = arith.xori %iota3A, %xor3A_417 : vector<16xi32>
      %lt3A_419 = arith.constant 0 : i32
      %lt3A_420 = vector.broadcast %lt3A_419 : i32 to vector<16xi32>
      %lt3A_421 = arith.cmpi slt, %xor3A_418, %lt3A_420 : vector<16xi32>
      %add3A_422 = arith.constant 16 : i32
      %add3A_423 = vector.broadcast %add3A_422 : i32 to vector<16xi32>
      %add3A_424 = arith.addi %xor3A_418, %add3A_423 : vector<16xi32>
      %select_n3A_425 = arith.select %lt3A_421, %add3A_424, %xor3A_418 : vector<16xi1>, vector<16xi32>
      %broadcast_in_dim3A_426 = vector.shape_cast %select_n3A_425 : vector<16xi32> to vector<16x1xi32>
      %gather3A_427 = vector.shape_cast %broadcast_in_dim3A_426 : vector<16x1xi32> to vector<16xi32>
      %gather3A_428 = tpu.dynamic_gather %add3A_415[%gather3A_427] in [0] : vector<16xf32>, vector<16xi32> -> vector<16xf32>
      %add3A_429 = arith.addf %add3A_415, %gather3A_428 : vector<16xf32>
      %xor3A_430 = arith.constant 2 : i32
      %xor3A_431 = vector.broadcast %xor3A_430 : i32 to vector<16xi32>
      %xor3A_432 = arith.xori %iota3A, %xor3A_431 : vector<16xi32>
      %lt3A_433 = arith.constant 0 : i32
      %lt3A_434 = vector.broadcast %lt3A_433 : i32 to vector<16xi32>
      %lt3A_435 = arith.cmpi slt, %xor3A_432, %lt3A_434 : vector<16xi32>
      %add3A_436 = arith.constant 16 : i32
      %add3A_437 = vector.broadcast %add3A_436 : i32 to vector<16xi32>
      %add3A_438 = arith.addi %xor3A_432, %add3A_437 : vector<16xi32>
      %select_n3A_439 = arith.select %lt3A_435, %add3A_438, %xor3A_432 : vector<16xi1>, vector<16xi32>
      %broadcast_in_dim3A_440 = vector.shape_cast %select_n3A_439 : vector<16xi32> to vector<16x1xi32>
      %gather3A_441 = vector.shape_cast %broadcast_in_dim3A_440 : vector<16x1xi32> to vector<16xi32>
      %gather3A_442 = tpu.dynamic_gather %add3A_429[%gather3A_441] in [0] : vector<16xf32>, vector<16xi32> -> vector<16xf32>
      %add3A_443 = arith.addf %add3A_429, %gather3A_442 : vector<16xf32>
      %xor3A_444 = arith.constant 1 : i32
      %xor3A_445 = vector.broadcast %xor3A_444 : i32 to vector<16xi32>
      %xor3A_446 = arith.xori %iota3A, %xor3A_445 : vector<16xi32>
      %lt3A_447 = arith.constant 0 : i32
      %lt3A_448 = vector.broadcast %lt3A_447 : i32 to vector<16xi32>
      %lt3A_449 = arith.cmpi slt, %xor3A_446, %lt3A_448 : vector<16xi32>
      %add3A_450 = arith.constant 16 : i32
      %add3A_451 = vector.broadcast %add3A_450 : i32 to vector<16xi32>
      %add3A_452 = arith.addi %xor3A_446, %add3A_451 : vector<16xi32>
      %select_n3A_453 = arith.select %lt3A_449, %add3A_452, %xor3A_446 : vector<16xi1>, vector<16xi32>
      %broadcast_in_dim3A_454 = vector.shape_cast %select_n3A_453 : vector<16xi32> to vector<16x1xi32>
      %gather3A_455 = vector.shape_cast %broadcast_in_dim3A_454 : vector<16x1xi32> to vector<16xi32>
      %gather3A_456 = tpu.dynamic_gather %add3A_443[%gather3A_455] in [0] : vector<16xf32>, vector<16xi32> -> vector<16xf32>
      %add3A_457 = arith.addf %add3A_443, %gather3A_456 : vector<16xf32>
      %eq3A_458 = arith.constant 2 : i32
      %eq3A_459 = vector.broadcast %eq3A_458 : i32 to vector<16xi32>
      %eq3A_460 = arith.cmpi eq, %iota3A, %eq3A_459 : vector<16xi32>
      %select_n3A_461 = arith.select %eq3A_460, %add3A_457, %select_n3A_318 : vector<16xi1>, vector<16xf32>
      %mul3A_462 = arith.constant 8 : i32
      %mul3A_463 = arith.muli %scan3A_41, %mul3A_462 : i32
      %add3A_464 = arith.constant 3 : i32
      %add3A_465 = arith.addi %mul3A_463, %add3A_464 : i32
      %get3A_466 = arith.index_cast %add3A_465 : i32 to index
      %get3A_467 = arith.constant 0 : index
      %get3A_468 = tpu.vector_load %arg8[%get3A_466, %get3A_467] {strides = array<i32>} : memref<80x128xf32, #tpu.memory_space<vmem>>, vector<1x16xf32>,
      %get3A_469 = vector.shape_cast %get3A_468 : vector<1x16xf32> to vector<16xf32>
      %get3A_470 = arith.index_cast %add3A_465 : i32 to index
      %get3A_471 = arith.constant 0 : index
      %get3A_472 = tpu.vector_load %arg9[%get3A_470, %get3A_471] {strides = array<i32>} : memref<80x128xf32, #tpu.memory_space<vmem>>, vector<1x16xf32>,
      %get3A_473 = vector.shape_cast %get3A_472 : vector<1x16xf32> to vector<16xf32>
      %mul3A_474 = arith.mulf %get3A_469, %get3A_473 : vector<16xf32>
      %get3A_475 = arith.index_cast %add3A_465 : i32 to index
      %get3A_476 = arith.constant 16 : index
      %get3A_477 = tpu.vector_load %arg8[%get3A_475, %get3A_476] {strides = array<i32>} : memref<80x128xf32, #tpu.memory_space<vmem>>, vector<1x16xf32>,
      %get3A_478 = vector.shape_cast %get3A_477 : vector<1x16xf32> to vector<16xf32>
      %get3A_479 = arith.index_cast %add3A_465 : i32 to index
      %get3A_480 = arith.constant 16 : index
      %get3A_481 = tpu.vector_load %arg9[%get3A_479, %get3A_480] {strides = array<i32>} : memref<80x128xf32, #tpu.memory_space<vmem>>, vector<1x16xf32>,
      %get3A_482 = vector.shape_cast %get3A_481 : vector<1x16xf32> to vector<16xf32>
      %mul3A_483 = arith.mulf %get3A_478, %get3A_482 : vector<16xf32>
      %add3A_484 = arith.addf %mul3A_474, %mul3A_483 : vector<16xf32>
      %get3A_485 = arith.index_cast %add3A_465 : i32 to index
      %get3A_486 = arith.constant 32 : index
      %get3A_487 = tpu.vector_load %arg8[%get3A_485, %get3A_486] {strides = array<i32>} : memref<80x128xf32, #tpu.memory_space<vmem>>, vector<1x16xf32>,
      %get3A_488 = vector.shape_cast %get3A_487 : vector<1x16xf32> to vector<16xf32>
      %get3A_489 = arith.index_cast %add3A_465 : i32 to index
      %get3A_490 = arith.constant 32 : index
      %get3A_491 = tpu.vector_load %arg9[%get3A_489, %get3A_490] {strides = array<i32>} : memref<80x128xf32, #tpu.memory_space<vmem>>, vector<1x16xf32>,
      %get3A_492 = vector.shape_cast %get3A_491 : vector<1x16xf32> to vector<16xf32>
      %mul3A_493 = arith.mulf %get3A_488, %get3A_492 : vector<16xf32>
      %add3A_494 = arith.addf %add3A_484, %mul3A_493 : vector<16xf32>
      %get3A_495 = arith.index_cast %add3A_465 : i32 to index
      %get3A_496 = arith.constant 48 : index
      %get3A_497 = tpu.vector_load %arg8[%get3A_495, %get3A_496] {strides = array<i32>} : memref<80x128xf32, #tpu.memory_space<vmem>>, vector<1x16xf32>,
      %get3A_498 = vector.shape_cast %get3A_497 : vector<1x16xf32> to vector<16xf32>
      %get3A_499 = arith.index_cast %add3A_465 : i32 to index
      %get3A_500 = arith.constant 48 : index
      %get3A_501 = tpu.vector_load %arg9[%get3A_499, %get3A_500] {strides = array<i32>} : memref<80x128xf32, #tpu.memory_space<vmem>>, vector<1x16xf32>,
      %get3A_502 = vector.shape_cast %get3A_501 : vector<1x16xf32> to vector<16xf32>
      %mul3A_503 = arith.mulf %get3A_498, %get3A_502 : vector<16xf32>
      %add3A_504 = arith.addf %add3A_494, %mul3A_503 : vector<16xf32>
      %get3A_505 = arith.index_cast %add3A_465 : i32 to index
      %get3A_506 = arith.constant 64 : index
      %get3A_507 = tpu.vector_load %arg8[%get3A_505, %get3A_506] {strides = array<i32>} : memref<80x128xf32, #tpu.memory_space<vmem>>, vector<1x16xf32>,
      %get3A_508 = vector.shape_cast %get3A_507 : vector<1x16xf32> to vector<16xf32>
      %get3A_509 = arith.index_cast %add3A_465 : i32 to index
      %get3A_510 = arith.constant 64 : index
      %get3A_511 = tpu.vector_load %arg9[%get3A_509, %get3A_510] {strides = array<i32>} : memref<80x128xf32, #tpu.memory_space<vmem>>, vector<1x16xf32>,
      %get3A_512 = vector.shape_cast %get3A_511 : vector<1x16xf32> to vector<16xf32>
      %mul3A_513 = arith.mulf %get3A_508, %get3A_512 : vector<16xf32>
      %add3A_514 = arith.addf %add3A_504, %mul3A_513 : vector<16xf32>
      %get3A_515 = arith.index_cast %add3A_465 : i32 to index
      %get3A_516 = arith.constant 80 : index
      %get3A_517 = tpu.vector_load %arg8[%get3A_515, %get3A_516] {strides = array<i32>} : memref<80x128xf32, #tpu.memory_space<vmem>>, vector<1x16xf32>,
      %get3A_518 = vector.shape_cast %get3A_517 : vector<1x16xf32> to vector<16xf32>
      %get3A_519 = arith.index_cast %add3A_465 : i32 to index
      %get3A_520 = arith.constant 80 : index
      %get3A_521 = tpu.vector_load %arg9[%get3A_519, %get3A_520] {strides = array<i32>} : memref<80x128xf32, #tpu.memory_space<vmem>>, vector<1x16xf32>,
      %get3A_522 = vector.shape_cast %get3A_521 : vector<1x16xf32> to vector<16xf32>
      %mul3A_523 = arith.mulf %get3A_518, %get3A_522 : vector<16xf32>
      %add3A_524 = arith.addf %add3A_514, %mul3A_523 : vector<16xf32>
      %get3A_525 = arith.index_cast %add3A_465 : i32 to index
      %get3A_526 = arith.constant 96 : index
      %get3A_527 = tpu.vector_load %arg8[%get3A_525, %get3A_526] {strides = array<i32>} : memref<80x128xf32, #tpu.memory_space<vmem>>, vector<1x16xf32>,
      %get3A_528 = vector.shape_cast %get3A_527 : vector<1x16xf32> to vector<16xf32>
      %get3A_529 = arith.index_cast %add3A_465 : i32 to index
      %get3A_530 = arith.constant 96 : index
      %get3A_531 = tpu.vector_load %arg9[%get3A_529, %get3A_530] {strides = array<i32>} : memref<80x128xf32, #tpu.memory_space<vmem>>, vector<1x16xf32>,
      %get3A_532 = vector.shape_cast %get3A_531 : vector<1x16xf32> to vector<16xf32>
      %mul3A_533 = arith.mulf %get3A_528, %get3A_532 : vector<16xf32>
      %add3A_534 = arith.addf %add3A_524, %mul3A_533 : vector<16xf32>
      %get3A_535 = arith.index_cast %add3A_465 : i32 to index
      %get3A_536 = arith.constant 112 : index
      %get3A_537 = tpu.vector_load %arg8[%get3A_535, %get3A_536] {strides = array<i32>} : memref<80x128xf32, #tpu.memory_space<vmem>>, vector<1x16xf32>,
      %get3A_538 = vector.shape_cast %get3A_537 : vector<1x16xf32> to vector<16xf32>
      %get3A_539 = arith.index_cast %add3A_465 : i32 to index
      %get3A_540 = arith.constant 112 : index
      %get3A_541 = tpu.vector_load %arg9[%get3A_539, %get3A_540] {strides = array<i32>} : memref<80x128xf32, #tpu.memory_space<vmem>>, vector<1x16xf32>,
      %get3A_542 = vector.shape_cast %get3A_541 : vector<1x16xf32> to vector<16xf32>
      %mul3A_543 = arith.mulf %get3A_538, %get3A_542 : vector<16xf32>
      %add3A_544 = arith.addf %add3A_534, %mul3A_543 : vector<16xf32>
      %xor3A_545 = arith.constant 8 : i32
      %xor3A_546 = vector.broadcast %xor3A_545 : i32 to vector<16xi32>
      %xor3A_547 = arith.xori %iota3A, %xor3A_546 : vector<16xi32>
      %lt3A_548 = arith.constant 0 : i32
      %lt3A_549 = vector.broadcast %lt3A_548 : i32 to vector<16xi32>
      %lt3A_550 = arith.cmpi slt, %xor3A_547, %lt3A_549 : vector<16xi32>
      %add3A_551 = arith.constant 16 : i32
      %add3A_552 = vector.broadcast %add3A_551 : i32 to vector<16xi32>
      %add3A_553 = arith.addi %xor3A_547, %add3A_552 : vector<16xi32>
      %select_n3A_554 = arith.select %lt3A_550, %add3A_553, %xor3A_547 : vector<16xi1>, vector<16xi32>
      %broadcast_in_dim3A_555 = vector.shape_cast %select_n3A_554 : vector<16xi32> to vector<16x1xi32>
      %gather3A_556 = vector.shape_cast %broadcast_in_dim3A_555 : vector<16x1xi32> to vector<16xi32>
      %gather3A_557 = tpu.dynamic_gather %add3A_544[%gather3A_556] in [0] : vector<16xf32>, vector<16xi32> -> vector<16xf32>
      %add3A_558 = arith.addf %add3A_544, %gather3A_557 : vector<16xf32>
      %xor3A_559 = arith.constant 4 : i32
      %xor3A_560 = vector.broadcast %xor3A_559 : i32 to vector<16xi32>
      %xor3A_561 = arith.xori %iota3A, %xor3A_560 : vector<16xi32>
      %lt3A_562 = arith.constant 0 : i32
      %lt3A_563 = vector.broadcast %lt3A_562 : i32 to vector<16xi32>
      %lt3A_564 = arith.cmpi slt, %xor3A_561, %lt3A_563 : vector<16xi32>
      %add3A_565 = arith.constant 16 : i32
      %add3A_566 = vector.broadcast %add3A_565 : i32 to vector<16xi32>
      %add3A_567 = arith.addi %xor3A_561, %add3A_566 : vector<16xi32>
      %select_n3A_568 = arith.select %lt3A_564, %add3A_567, %xor3A_561 : vector<16xi1>, vector<16xi32>
      %broadcast_in_dim3A_569 = vector.shape_cast %select_n3A_568 : vector<16xi32> to vector<16x1xi32>
      %gather3A_570 = vector.shape_cast %broadcast_in_dim3A_569 : vector<16x1xi32> to vector<16xi32>
      %gather3A_571 = tpu.dynamic_gather %add3A_558[%gather3A_570] in [0] : vector<16xf32>, vector<16xi32> -> vector<16xf32>
      %add3A_572 = arith.addf %add3A_558, %gather3A_571 : vector<16xf32>
      %xor3A_573 = arith.constant 2 : i32
      %xor3A_574 = vector.broadcast %xor3A_573 : i32 to vector<16xi32>
      %xor3A_575 = arith.xori %iota3A, %xor3A_574 : vector<16xi32>
      %lt3A_576 = arith.constant 0 : i32
      %lt3A_577 = vector.broadcast %lt3A_576 : i32 to vector<16xi32>
      %lt3A_578 = arith.cmpi slt, %xor3A_575, %lt3A_577 : vector<16xi32>
      %add3A_579 = arith.constant 16 : i32
      %add3A_580 = vector.broadcast %add3A_579 : i32 to vector<16xi32>
      %add3A_581 = arith.addi %xor3A_575, %add3A_580 : vector<16xi32>
      %select_n3A_582 = arith.select %lt3A_578, %add3A_581, %xor3A_575 : vector<16xi1>, vector<16xi32>
      %broadcast_in_dim3A_583 = vector.shape_cast %select_n3A_582 : vector<16xi32> to vector<16x1xi32>
      %gather3A_584 = vector.shape_cast %broadcast_in_dim3A_583 : vector<16x1xi32> to vector<16xi32>
      %gather3A_585 = tpu.dynamic_gather %add3A_572[%gather3A_584] in [0] : vector<16xf32>, vector<16xi32> -> vector<16xf32>
      %add3A_586 = arith.addf %add3A_572, %gather3A_585 : vector<16xf32>
      %xor3A_587 = arith.constant 1 : i32
      %xor3A_588 = vector.broadcast %xor3A_587 : i32 to vector<16xi32>
      %xor3A_589 = arith.xori %iota3A, %xor3A_588 : vector<16xi32>
      %lt3A_590 = arith.constant 0 : i32
      %lt3A_591 = vector.broadcast %lt3A_590 : i32 to vector<16xi32>
      %lt3A_592 = arith.cmpi slt, %xor3A_589, %lt3A_591 : vector<16xi32>
      %add3A_593 = arith.constant 16 : i32
      %add3A_594 = vector.broadcast %add3A_593 : i32 to vector<16xi32>
      %add3A_595 = arith.addi %xor3A_589, %add3A_594 : vector<16xi32>
      %select_n3A_596 = arith.select %lt3A_592, %add3A_595, %xor3A_589 : vector<16xi1>, vector<16xi32>
      %broadcast_in_dim3A_597 = vector.shape_cast %select_n3A_596 : vector<16xi32> to vector<16x1xi32>
      %gather3A_598 = vector.shape_cast %broadcast_in_dim3A_597 : vector<16x1xi32> to vector<16xi32>
      %gather3A_599 = tpu.dynamic_gather %add3A_586[%gather3A_598] in [0] : vector<16xf32>, vector<16xi32> -> vector<16xf32>
      %add3A_600 = arith.addf %add3A_586, %gather3A_599 : vector<16xf32>
      %eq3A_601 = arith.constant 3 : i32
      %eq3A_602 = vector.broadcast %eq3A_601 : i32 to vector<16xi32>
      %eq3A_603 = arith.cmpi eq, %iota3A, %eq3A_602 : vector<16xi32>
      %select_n3A_604 = arith.select %eq3A_603, %add3A_600, %select_n3A_461 : vector<16xi1>, vector<16xf32>
      %mul3A_605 = arith.constant 8 : i32
      %mul3A_606 = arith.muli %scan3A_41, %mul3A_605 : i32
      %add3A_607 = arith.constant 4 : i32
      %add3A_608 = arith.addi %mul3A_606, %add3A_607 : i32
      %get3A_609 = arith.index_cast %add3A_608 : i32 to index
      %get3A_610 = arith.constant 0 : index
      %get3A_611 = tpu.vector_load %arg8[%get3A_609, %get3A_610] {strides = array<i32>} : memref<80x128xf32, #tpu.memory_space<vmem>>, vector<1x16xf32>,
      %get3A_612 = vector.shape_cast %get3A_611 : vector<1x16xf32> to vector<16xf32>
      %get3A_613 = arith.index_cast %add3A_608 : i32 to index
      %get3A_614 = arith.constant 0 : index
      %get3A_615 = tpu.vector_load %arg9[%get3A_613, %get3A_614] {strides = array<i32>} : memref<80x128xf32, #tpu.memory_space<vmem>>, vector<1x16xf32>,
      %get3A_616 = vector.shape_cast %get3A_615 : vector<1x16xf32> to vector<16xf32>
      %mul3A_617 = arith.mulf %get3A_612, %get3A_616 : vector<16xf32>
      %get3A_618 = arith.index_cast %add3A_608 : i32 to index
      %get3A_619 = arith.constant 16 : index
      %get3A_620 = tpu.vector_load %arg8[%get3A_618, %get3A_619] {strides = array<i32>} : memref<80x128xf32, #tpu.memory_space<vmem>>, vector<1x16xf32>,
      %get3A_621 = vector.shape_cast %get3A_620 : vector<1x16xf32> to vector<16xf32>
      %get3A_622 = arith.index_cast %add3A_608 : i32 to index
      %get3A_623 = arith.constant 16 : index
      %get3A_624 = tpu.vector_load %arg9[%get3A_622, %get3A_623] {strides = array<i32>} : memref<80x128xf32, #tpu.memory_space<vmem>>, vector<1x16xf32>,
      %get3A_625 = vector.shape_cast %get3A_624 : vector<1x16xf32> to vector<16xf32>
      %mul3A_626 = arith.mulf %get3A_621, %get3A_625 : vector<16xf32>
      %add3A_627 = arith.addf %mul3A_617, %mul3A_626 : vector<16xf32>
      %get3A_628 = arith.index_cast %add3A_608 : i32 to index
      %get3A_629 = arith.constant 32 : index
      %get3A_630 = tpu.vector_load %arg8[%get3A_628, %get3A_629] {strides = array<i32>} : memref<80x128xf32, #tpu.memory_space<vmem>>, vector<1x16xf32>,
      %get3A_631 = vector.shape_cast %get3A_630 : vector<1x16xf32> to vector<16xf32>
      %get3A_632 = arith.index_cast %add3A_608 : i32 to index
      %get3A_633 = arith.constant 32 : index
      %get3A_634 = tpu.vector_load %arg9[%get3A_632, %get3A_633] {strides = array<i32>} : memref<80x128xf32, #tpu.memory_space<vmem>>, vector<1x16xf32>,
      %get3A_635 = vector.shape_cast %get3A_634 : vector<1x16xf32> to vector<16xf32>
      %mul3A_636 = arith.mulf %get3A_631, %get3A_635 : vector<16xf32>
      %add3A_637 = arith.addf %add3A_627, %mul3A_636 : vector<16xf32>
      %get3A_638 = arith.index_cast %add3A_608 : i32 to index
      %get3A_639 = arith.constant 48 : index
      %get3A_640 = tpu.vector_load %arg8[%get3A_638, %get3A_639] {strides = array<i32>} : memref<80x128xf32, #tpu.memory_space<vmem>>, vector<1x16xf32>,
      %get3A_641 = vector.shape_cast %get3A_640 : vector<1x16xf32> to vector<16xf32>
      %get3A_642 = arith.index_cast %add3A_608 : i32 to index
      %get3A_643 = arith.constant 48 : index
      %get3A_644 = tpu.vector_load %arg9[%get3A_642, %get3A_643] {strides = array<i32>} : memref<80x128xf32, #tpu.memory_space<vmem>>, vector<1x16xf32>,
      %get3A_645 = vector.shape_cast %get3A_644 : vector<1x16xf32> to vector<16xf32>
      %mul3A_646 = arith.mulf %get3A_641, %get3A_645 : vector<16xf32>
      %add3A_647 = arith.addf %add3A_637, %mul3A_646 : vector<16xf32>
      %get3A_648 = arith.index_cast %add3A_608 : i32 to index
      %get3A_649 = arith.constant 64 : index
      %get3A_650 = tpu.vector_load %arg8[%get3A_648, %get3A_649] {strides = array<i32>} : memref<80x128xf32, #tpu.memory_space<vmem>>, vector<1x16xf32>,
      %get3A_651 = vector.shape_cast %get3A_650 : vector<1x16xf32> to vector<16xf32>
      %get3A_652 = arith.index_cast %add3A_608 : i32 to index
      %get3A_653 = arith.constant 64 : index
      %get3A_654 = tpu.vector_load %arg9[%get3A_652, %get3A_653] {strides = array<i32>} : memref<80x128xf32, #tpu.memory_space<vmem>>, vector<1x16xf32>,
      %get3A_655 = vector.shape_cast %get3A_654 : vector<1x16xf32> to vector<16xf32>
      %mul3A_656 = arith.mulf %get3A_651, %get3A_655 : vector<16xf32>
      %add3A_657 = arith.addf %add3A_647, %mul3A_656 : vector<16xf32>
      %get3A_658 = arith.index_cast %add3A_608 : i32 to index
      %get3A_659 = arith.constant 80 : index
      %get3A_660 = tpu.vector_load %arg8[%get3A_658, %get3A_659] {strides = array<i32>} : memref<80x128xf32, #tpu.memory_space<vmem>>, vector<1x16xf32>,
      %get3A_661 = vector.shape_cast %get3A_660 : vector<1x16xf32> to vector<16xf32>
      %get3A_662 = arith.index_cast %add3A_608 : i32 to index
      %get3A_663 = arith.constant 80 : index
      %get3A_664 = tpu.vector_load %arg9[%get3A_662, %get3A_663] {strides = array<i32>} : memref<80x128xf32, #tpu.memory_space<vmem>>, vector<1x16xf32>,
      %get3A_665 = vector.shape_cast %get3A_664 : vector<1x16xf32> to vector<16xf32>
      %mul3A_666 = arith.mulf %get3A_661, %get3A_665 : vector<16xf32>
      %add3A_667 = arith.addf %add3A_657, %mul3A_666 : vector<16xf32>
      %get3A_668 = arith.index_cast %add3A_608 : i32 to index
      %get3A_669 = arith.constant 96 : index
      %get3A_670 = tpu.vector_load %arg8[%get3A_668, %get3A_669] {strides = array<i32>} : memref<80x128xf32, #tpu.memory_space<vmem>>, vector<1x16xf32>,
      %get3A_671 = vector.shape_cast %get3A_670 : vector<1x16xf32> to vector<16xf32>
      %get3A_672 = arith.index_cast %add3A_608 : i32 to index
      %get3A_673 = arith.constant 96 : index
      %get3A_674 = tpu.vector_load %arg9[%get3A_672, %get3A_673] {strides = array<i32>} : memref<80x128xf32, #tpu.memory_space<vmem>>, vector<1x16xf32>,
      %get3A_675 = vector.shape_cast %get3A_674 : vector<1x16xf32> to vector<16xf32>
      %mul3A_676 = arith.mulf %get3A_671, %get3A_675 : vector<16xf32>
      %add3A_677 = arith.addf %add3A_667, %mul3A_676 : vector<16xf32>
      %get3A_678 = arith.index_cast %add3A_608 : i32 to index
      %get3A_679 = arith.constant 112 : index
      %get3A_680 = tpu.vector_load %arg8[%get3A_678, %get3A_679] {strides = array<i32>} : memref<80x128xf32, #tpu.memory_space<vmem>>, vector<1x16xf32>,
      %get3A_681 = vector.shape_cast %get3A_680 : vector<1x16xf32> to vector<16xf32>
      %get3A_682 = arith.index_cast %add3A_608 : i32 to index
      %get3A_683 = arith.constant 112 : index
      %get3A_684 = tpu.vector_load %arg9[%get3A_682, %get3A_683] {strides = array<i32>} : memref<80x128xf32, #tpu.memory_space<vmem>>, vector<1x16xf32>,
      %get3A_685 = vector.shape_cast %get3A_684 : vector<1x16xf32> to vector<16xf32>
      %mul3A_686 = arith.mulf %get3A_681, %get3A_685 : vector<16xf32>
      %add3A_687 = arith.addf %add3A_677, %mul3A_686 : vector<16xf32>
      %xor3A_688 = arith.constant 8 : i32
      %xor3A_689 = vector.broadcast %xor3A_688 : i32 to vector<16xi32>
      %xor3A_690 = arith.xori %iota3A, %xor3A_689 : vector<16xi32>
      %lt3A_691 = arith.constant 0 : i32
      %lt3A_692 = vector.broadcast %lt3A_691 : i32 to vector<16xi32>
      %lt3A_693 = arith.cmpi slt, %xor3A_690, %lt3A_692 : vector<16xi32>
      %add3A_694 = arith.constant 16 : i32
      %add3A_695 = vector.broadcast %add3A_694 : i32 to vector<16xi32>
      %add3A_696 = arith.addi %xor3A_690, %add3A_695 : vector<16xi32>
      %select_n3A_697 = arith.select %lt3A_693, %add3A_696, %xor3A_690 : vector<16xi1>, vector<16xi32>
      %broadcast_in_dim3A_698 = vector.shape_cast %select_n3A_697 : vector<16xi32> to vector<16x1xi32>
      %gather3A_699 = vector.shape_cast %broadcast_in_dim3A_698 : vector<16x1xi32> to vector<16xi32>
      %gather3A_700 = tpu.dynamic_gather %add3A_687[%gather3A_699] in [0] : vector<16xf32>, vector<16xi32> -> vector<16xf32>
      %add3A_701 = arith.addf %add3A_687, %gather3A_700 : vector<16xf32>
      %xor3A_702 = arith.constant 4 : i32
      %xor3A_703 = vector.broadcast %xor3A_702 : i32 to vector<16xi32>
      %xor3A_704 = arith.xori %iota3A, %xor3A_703 : vector<16xi32>
      %lt3A_705 = arith.constant 0 : i32
      %lt3A_706 = vector.broadcast %lt3A_705 : i32 to vector<16xi32>
      %lt3A_707 = arith.cmpi slt, %xor3A_704, %lt3A_706 : vector<16xi32>
      %add3A_708 = arith.constant 16 : i32
      %add3A_709 = vector.broadcast %add3A_708 : i32 to vector<16xi32>
      %add3A_710 = arith.addi %xor3A_704, %add3A_709 : vector<16xi32>
      %select_n3A_711 = arith.select %lt3A_707, %add3A_710, %xor3A_704 : vector<16xi1>, vector<16xi32>
      %broadcast_in_dim3A_712 = vector.shape_cast %select_n3A_711 : vector<16xi32> to vector<16x1xi32>
      %gather3A_713 = vector.shape_cast %broadcast_in_dim3A_712 : vector<16x1xi32> to vector<16xi32>
      %gather3A_714 = tpu.dynamic_gather %add3A_701[%gather3A_713] in [0] : vector<16xf32>, vector<16xi32> -> vector<16xf32>
      %add3A_715 = arith.addf %add3A_701, %gather3A_714 : vector<16xf32>
      %xor3A_716 = arith.constant 2 : i32
      %xor3A_717 = vector.broadcast %xor3A_716 : i32 to vector<16xi32>
      %xor3A_718 = arith.xori %iota3A, %xor3A_717 : vector<16xi32>
      %lt3A_719 = arith.constant 0 : i32
      %lt3A_720 = vector.broadcast %lt3A_719 : i32 to vector<16xi32>
      %lt3A_721 = arith.cmpi slt, %xor3A_718, %lt3A_720 : vector<16xi32>
      %add3A_722 = arith.constant 16 : i32
      %add3A_723 = vector.broadcast %add3A_722 : i32 to vector<16xi32>
      %add3A_724 = arith.addi %xor3A_718, %add3A_723 : vector<16xi32>
      %select_n3A_725 = arith.select %lt3A_721, %add3A_724, %xor3A_718 : vector<16xi1>, vector<16xi32>
      %broadcast_in_dim3A_726 = vector.shape_cast %select_n3A_725 : vector<16xi32> to vector<16x1xi32>
      %gather3A_727 = vector.shape_cast %broadcast_in_dim3A_726 : vector<16x1xi32> to vector<16xi32>
      %gather3A_728 = tpu.dynamic_gather %add3A_715[%gather3A_727] in [0] : vector<16xf32>, vector<16xi32> -> vector<16xf32>
      %add3A_729 = arith.addf %add3A_715, %gather3A_728 : vector<16xf32>
      %xor3A_730 = arith.constant 1 : i32
      %xor3A_731 = vector.broadcast %xor3A_730 : i32 to vector<16xi32>
      %xor3A_732 = arith.xori %iota3A, %xor3A_731 : vector<16xi32>
      %lt3A_733 = arith.constant 0 : i32
      %lt3A_734 = vector.broadcast %lt3A_733 : i32 to vector<16xi32>
      %lt3A_735 = arith.cmpi slt, %xor3A_732, %lt3A_734 : vector<16xi32>
      %add3A_736 = arith.constant 16 : i32
      %add3A_737 = vector.broadcast %add3A_736 : i32 to vector<16xi32>
      %add3A_738 = arith.addi %xor3A_732, %add3A_737 : vector<16xi32>
      %select_n3A_739 = arith.select %lt3A_735, %add3A_738, %xor3A_732 : vector<16xi1>, vector<16xi32>
      %broadcast_in_dim3A_740 = vector.shape_cast %select_n3A_739 : vector<16xi32> to vector<16x1xi32>
      %gather3A_741 = vector.shape_cast %broadcast_in_dim3A_740 : vector<16x1xi32> to vector<16xi32>
      %gather3A_742 = tpu.dynamic_gather %add3A_729[%gather3A_741] in [0] : vector<16xf32>, vector<16xi32> -> vector<16xf32>
      %add3A_743 = arith.addf %add3A_729, %gather3A_742 : vector<16xf32>
      %eq3A_744 = arith.constant 4 : i32
      %eq3A_745 = vector.broadcast %eq3A_744 : i32 to vector<16xi32>
      %eq3A_746 = arith.cmpi eq, %iota3A, %eq3A_745 : vector<16xi32>
      %select_n3A_747 = arith.select %eq3A_746, %add3A_743, %select_n3A_604 : vector<16xi1>, vector<16xf32>
      %mul3A_748 = arith.constant 8 : i32
      %mul3A_749 = arith.muli %scan3A_41, %mul3A_748 : i32
      %add3A_750 = arith.constant 5 : i32
      %add3A_751 = arith.addi %mul3A_749, %add3A_750 : i32
      %get3A_752 = arith.index_cast %add3A_751 : i32 to index
      %get3A_753 = arith.constant 0 : index
      %get3A_754 = tpu.vector_load %arg8[%get3A_752, %get3A_753] {strides = array<i32>} : memref<80x128xf32, #tpu.memory_space<vmem>>, vector<1x16xf32>,
      %get3A_755 = vector.shape_cast %get3A_754 : vector<1x16xf32> to vector<16xf32>
      %get3A_756 = arith.index_cast %add3A_751 : i32 to index
      %get3A_757 = arith.constant 0 : index
      %get3A_758 = tpu.vector_load %arg9[%get3A_756, %get3A_757] {strides = array<i32>} : memref<80x128xf32, #tpu.memory_space<vmem>>, vector<1x16xf32>,
      %get3A_759 = vector.shape_cast %get3A_758 : vector<1x16xf32> to vector<16xf32>
      %mul3A_760 = arith.mulf %get3A_755, %get3A_759 : vector<16xf32>
      %get3A_761 = arith.index_cast %add3A_751 : i32 to index
      %get3A_762 = arith.constant 16 : index
      %get3A_763 = tpu.vector_load %arg8[%get3A_761, %get3A_762] {strides = array<i32>} : memref<80x128xf32, #tpu.memory_space<vmem>>, vector<1x16xf32>,
      %get3A_764 = vector.shape_cast %get3A_763 : vector<1x16xf32> to vector<16xf32>
      %get3A_765 = arith.index_cast %add3A_751 : i32 to index
      %get3A_766 = arith.constant 16 : index
      %get3A_767 = tpu.vector_load %arg9[%get3A_765, %get3A_766] {strides = array<i32>} : memref<80x128xf32, #tpu.memory_space<vmem>>, vector<1x16xf32>,
      %get3A_768 = vector.shape_cast %get3A_767 : vector<1x16xf32> to vector<16xf32>
      %mul3A_769 = arith.mulf %get3A_764, %get3A_768 : vector<16xf32>
      %add3A_770 = arith.addf %mul3A_760, %mul3A_769 : vector<16xf32>
      %get3A_771 = arith.index_cast %add3A_751 : i32 to index
      %get3A_772 = arith.constant 32 : index
      %get3A_773 = tpu.vector_load %arg8[%get3A_771, %get3A_772] {strides = array<i32>} : memref<80x128xf32, #tpu.memory_space<vmem>>, vector<1x16xf32>,
      %get3A_774 = vector.shape_cast %get3A_773 : vector<1x16xf32> to vector<16xf32>
      %get3A_775 = arith.index_cast %add3A_751 : i32 to index
      %get3A_776 = arith.constant 32 : index
      %get3A_777 = tpu.vector_load %arg9[%get3A_775, %get3A_776] {strides = array<i32>} : memref<80x128xf32, #tpu.memory_space<vmem>>, vector<1x16xf32>,
      %get3A_778 = vector.shape_cast %get3A_777 : vector<1x16xf32> to vector<16xf32>
      %mul3A_779 = arith.mulf %get3A_774, %get3A_778 : vector<16xf32>
      %add3A_780 = arith.addf %add3A_770, %mul3A_779 : vector<16xf32>
      %get3A_781 = arith.index_cast %add3A_751 : i32 to index
      %get3A_782 = arith.constant 48 : index
      %get3A_783 = tpu.vector_load %arg8[%get3A_781, %get3A_782] {strides = array<i32>} : memref<80x128xf32, #tpu.memory_space<vmem>>, vector<1x16xf32>,
      %get3A_784 = vector.shape_cast %get3A_783 : vector<1x16xf32> to vector<16xf32>
      %get3A_785 = arith.index_cast %add3A_751 : i32 to index
      %get3A_786 = arith.constant 48 : index
      %get3A_787 = tpu.vector_load %arg9[%get3A_785, %get3A_786] {strides = array<i32>} : memref<80x128xf32, #tpu.memory_space<vmem>>, vector<1x16xf32>,
      %get3A_788 = vector.shape_cast %get3A_787 : vector<1x16xf32> to vector<16xf32>
      %mul3A_789 = arith.mulf %get3A_784, %get3A_788 : vector<16xf32>
      %add3A_790 = arith.addf %add3A_780, %mul3A_789 : vector<16xf32>
      %get3A_791 = arith.index_cast %add3A_751 : i32 to index
      %get3A_792 = arith.constant 64 : index
      %get3A_793 = tpu.vector_load %arg8[%get3A_791, %get3A_792] {strides = array<i32>} : memref<80x128xf32, #tpu.memory_space<vmem>>, vector<1x16xf32>,
      %get3A_794 = vector.shape_cast %get3A_793 : vector<1x16xf32> to vector<16xf32>
      %get3A_795 = arith.index_cast %add3A_751 : i32 to index
      %get3A_796 = arith.constant 64 : index
      %get3A_797 = tpu.vector_load %arg9[%get3A_795, %get3A_796] {strides = array<i32>} : memref<80x128xf32, #tpu.memory_space<vmem>>, vector<1x16xf32>,
      %get3A_798 = vector.shape_cast %get3A_797 : vector<1x16xf32> to vector<16xf32>
      %mul3A_799 = arith.mulf %get3A_794, %get3A_798 : vector<16xf32>
      %add3A_800 = arith.addf %add3A_790, %mul3A_799 : vector<16xf32>
      %get3A_801 = arith.index_cast %add3A_751 : i32 to index
      %get3A_802 = arith.constant 80 : index
      %get3A_803 = tpu.vector_load %arg8[%get3A_801, %get3A_802] {strides = array<i32>} : memref<80x128xf32, #tpu.memory_space<vmem>>, vector<1x16xf32>,
      %get3A_804 = vector.shape_cast %get3A_803 : vector<1x16xf32> to vector<16xf32>
      %get3A_805 = arith.index_cast %add3A_751 : i32 to index
      %get3A_806 = arith.constant 80 : index
      %get3A_807 = tpu.vector_load %arg9[%get3A_805, %get3A_806] {strides = array<i32>} : memref<80x128xf32, #tpu.memory_space<vmem>>, vector<1x16xf32>,
      %get3A_808 = vector.shape_cast %get3A_807 : vector<1x16xf32> to vector<16xf32>
      %mul3A_809 = arith.mulf %get3A_804, %get3A_808 : vector<16xf32>
      %add3A_810 = arith.addf %add3A_800, %mul3A_809 : vector<16xf32>
      %get3A_811 = arith.index_cast %add3A_751 : i32 to index
      %get3A_812 = arith.constant 96 : index
      %get3A_813 = tpu.vector_load %arg8[%get3A_811, %get3A_812] {strides = array<i32>} : memref<80x128xf32, #tpu.memory_space<vmem>>, vector<1x16xf32>,
      %get3A_814 = vector.shape_cast %get3A_813 : vector<1x16xf32> to vector<16xf32>
      %get3A_815 = arith.index_cast %add3A_751 : i32 to index
      %get3A_816 = arith.constant 96 : index
      %get3A_817 = tpu.vector_load %arg9[%get3A_815, %get3A_816] {strides = array<i32>} : memref<80x128xf32, #tpu.memory_space<vmem>>, vector<1x16xf32>,
      %get3A_818 = vector.shape_cast %get3A_817 : vector<1x16xf32> to vector<16xf32>
      %mul3A_819 = arith.mulf %get3A_814, %get3A_818 : vector<16xf32>
      %add3A_820 = arith.addf %add3A_810, %mul3A_819 : vector<16xf32>
      %get3A_821 = arith.index_cast %add3A_751 : i32 to index
      %get3A_822 = arith.constant 112 : index
      %get3A_823 = tpu.vector_load %arg8[%get3A_821, %get3A_822] {strides = array<i32>} : memref<80x128xf32, #tpu.memory_space<vmem>>, vector<1x16xf32>,
      %get3A_824 = vector.shape_cast %get3A_823 : vector<1x16xf32> to vector<16xf32>
      %get3A_825 = arith.index_cast %add3A_751 : i32 to index
      %get3A_826 = arith.constant 112 : index
      %get3A_827 = tpu.vector_load %arg9[%get3A_825, %get3A_826] {strides = array<i32>} : memref<80x128xf32, #tpu.memory_space<vmem>>, vector<1x16xf32>,
      %get3A_828 = vector.shape_cast %get3A_827 : vector<1x16xf32> to vector<16xf32>
      %mul3A_829 = arith.mulf %get3A_824, %get3A_828 : vector<16xf32>
      %add3A_830 = arith.addf %add3A_820, %mul3A_829 : vector<16xf32>
      %xor3A_831 = arith.constant 8 : i32
      %xor3A_832 = vector.broadcast %xor3A_831 : i32 to vector<16xi32>
      %xor3A_833 = arith.xori %iota3A, %xor3A_832 : vector<16xi32>
      %lt3A_834 = arith.constant 0 : i32
      %lt3A_835 = vector.broadcast %lt3A_834 : i32 to vector<16xi32>
      %lt3A_836 = arith.cmpi slt, %xor3A_833, %lt3A_835 : vector<16xi32>
      %add3A_837 = arith.constant 16 : i32
      %add3A_838 = vector.broadcast %add3A_837 : i32 to vector<16xi32>
      %add3A_839 = arith.addi %xor3A_833, %add3A_838 : vector<16xi32>
      %select_n3A_840 = arith.select %lt3A_836, %add3A_839, %xor3A_833 : vector<16xi1>, vector<16xi32>
      %broadcast_in_dim3A_841 = vector.shape_cast %select_n3A_840 : vector<16xi32> to vector<16x1xi32>
      %gather3A_842 = vector.shape_cast %broadcast_in_dim3A_841 : vector<16x1xi32> to vector<16xi32>
      %gather3A_843 = tpu.dynamic_gather %add3A_830[%gather3A_842] in [0] : vector<16xf32>, vector<16xi32> -> vector<16xf32>
      %add3A_844 = arith.addf %add3A_830, %gather3A_843 : vector<16xf32>
      %xor3A_845 = arith.constant 4 : i32
      %xor3A_846 = vector.broadcast %xor3A_845 : i32 to vector<16xi32>
      %xor3A_847 = arith.xori %iota3A, %xor3A_846 : vector<16xi32>
      %lt3A_848 = arith.constant 0 : i32
      %lt3A_849 = vector.broadcast %lt3A_848 : i32 to vector<16xi32>
      %lt3A_850 = arith.cmpi slt, %xor3A_847, %lt3A_849 : vector<16xi32>
      %add3A_851 = arith.constant 16 : i32
      %add3A_852 = vector.broadcast %add3A_851 : i32 to vector<16xi32>
      %add3A_853 = arith.addi %xor3A_847, %add3A_852 : vector<16xi32>
      %select_n3A_854 = arith.select %lt3A_850, %add3A_853, %xor3A_847 : vector<16xi1>, vector<16xi32>
      %broadcast_in_dim3A_855 = vector.shape_cast %select_n3A_854 : vector<16xi32> to vector<16x1xi32>
      %gather3A_856 = vector.shape_cast %broadcast_in_dim3A_855 : vector<16x1xi32> to vector<16xi32>
      %gather3A_857 = tpu.dynamic_gather %add3A_844[%gather3A_856] in [0] : vector<16xf32>, vector<16xi32> -> vector<16xf32>
      %add3A_858 = arith.addf %add3A_844, %gather3A_857 : vector<16xf32>
      %xor3A_859 = arith.constant 2 : i32
      %xor3A_860 = vector.broadcast %xor3A_859 : i32 to vector<16xi32>
      %xor3A_861 = arith.xori %iota3A, %xor3A_860 : vector<16xi32>
      %lt3A_862 = arith.constant 0 : i32
      %lt3A_863 = vector.broadcast %lt3A_862 : i32 to vector<16xi32>
      %lt3A_864 = arith.cmpi slt, %xor3A_861, %lt3A_863 : vector<16xi32>
      %add3A_865 = arith.constant 16 : i32
      %add3A_866 = vector.broadcast %add3A_865 : i32 to vector<16xi32>
      %add3A_867 = arith.addi %xor3A_861, %add3A_866 : vector<16xi32>
      %select_n3A_868 = arith.select %lt3A_864, %add3A_867, %xor3A_861 : vector<16xi1>, vector<16xi32>
      %broadcast_in_dim3A_869 = vector.shape_cast %select_n3A_868 : vector<16xi32> to vector<16x1xi32>
      %gather3A_870 = vector.shape_cast %broadcast_in_dim3A_869 : vector<16x1xi32> to vector<16xi32>
      %gather3A_871 = tpu.dynamic_gather %add3A_858[%gather3A_870] in [0] : vector<16xf32>, vector<16xi32> -> vector<16xf32>
      %add3A_872 = arith.addf %add3A_858, %gather3A_871 : vector<16xf32>
      %xor3A_873 = arith.constant 1 : i32
      %xor3A_874 = vector.broadcast %xor3A_873 : i32 to vector<16xi32>
      %xor3A_875 = arith.xori %iota3A, %xor3A_874 : vector<16xi32>
      %lt3A_876 = arith.constant 0 : i32
      %lt3A_877 = vector.broadcast %lt3A_876 : i32 to vector<16xi32>
      %lt3A_878 = arith.cmpi slt, %xor3A_875, %lt3A_877 : vector<16xi32>
      %add3A_879 = arith.constant 16 : i32
      %add3A_880 = vector.broadcast %add3A_879 : i32 to vector<16xi32>
      %add3A_881 = arith.addi %xor3A_875, %add3A_880 : vector<16xi32>
      %select_n3A_882 = arith.select %lt3A_878, %add3A_881, %xor3A_875 : vector<16xi1>, vector<16xi32>
      %broadcast_in_dim3A_883 = vector.shape_cast %select_n3A_882 : vector<16xi32> to vector<16x1xi32>
      %gather3A_884 = vector.shape_cast %broadcast_in_dim3A_883 : vector<16x1xi32> to vector<16xi32>
      %gather3A_885 = tpu.dynamic_gather %add3A_872[%gather3A_884] in [0] : vector<16xf32>, vector<16xi32> -> vector<16xf32>
      %add3A_886 = arith.addf %add3A_872, %gather3A_885 : vector<16xf32>
      %eq3A_887 = arith.constant 5 : i32
      %eq3A_888 = vector.broadcast %eq3A_887 : i32 to vector<16xi32>
      %eq3A_889 = arith.cmpi eq, %iota3A, %eq3A_888 : vector<16xi32>
      %select_n3A_890 = arith.select %eq3A_889, %add3A_886, %select_n3A_747 : vector<16xi1>, vector<16xf32>
      %mul3A_891 = arith.constant 8 : i32
      %mul3A_892 = arith.muli %scan3A_41, %mul3A_891 : i32
      %add3A_893 = arith.constant 6 : i32
      %add3A_894 = arith.addi %mul3A_892, %add3A_893 : i32
      %get3A_895 = arith.index_cast %add3A_894 : i32 to index
      %get3A_896 = arith.constant 0 : index
      %get3A_897 = tpu.vector_load %arg8[%get3A_895, %get3A_896] {strides = array<i32>} : memref<80x128xf32, #tpu.memory_space<vmem>>, vector<1x16xf32>,
      %get3A_898 = vector.shape_cast %get3A_897 : vector<1x16xf32> to vector<16xf32>
      %get3A_899 = arith.index_cast %add3A_894 : i32 to index
      %get3A_900 = arith.constant 0 : index
      %get3A_901 = tpu.vector_load %arg9[%get3A_899, %get3A_900] {strides = array<i32>} : memref<80x128xf32, #tpu.memory_space<vmem>>, vector<1x16xf32>,
      %get3A_902 = vector.shape_cast %get3A_901 : vector<1x16xf32> to vector<16xf32>
      %mul3A_903 = arith.mulf %get3A_898, %get3A_902 : vector<16xf32>
      %get3A_904 = arith.index_cast %add3A_894 : i32 to index
      %get3A_905 = arith.constant 16 : index
      %get3A_906 = tpu.vector_load %arg8[%get3A_904, %get3A_905] {strides = array<i32>} : memref<80x128xf32, #tpu.memory_space<vmem>>, vector<1x16xf32>,
      %get3A_907 = vector.shape_cast %get3A_906 : vector<1x16xf32> to vector<16xf32>
      %get3A_908 = arith.index_cast %add3A_894 : i32 to index
      %get3A_909 = arith.constant 16 : index
      %get3A_910 = tpu.vector_load %arg9[%get3A_908, %get3A_909] {strides = array<i32>} : memref<80x128xf32, #tpu.memory_space<vmem>>, vector<1x16xf32>,
      %get3A_911 = vector.shape_cast %get3A_910 : vector<1x16xf32> to vector<16xf32>
      %mul3A_912 = arith.mulf %get3A_907, %get3A_911 : vector<16xf32>
      %add3A_913 = arith.addf %mul3A_903, %mul3A_912 : vector<16xf32>
      %get3A_914 = arith.index_cast %add3A_894 : i32 to index
      %get3A_915 = arith.constant 32 : index
      %get3A_916 = tpu.vector_load %arg8[%get3A_914, %get3A_915] {strides = array<i32>} : memref<80x128xf32, #tpu.memory_space<vmem>>, vector<1x16xf32>,
      %get3A_917 = vector.shape_cast %get3A_916 : vector<1x16xf32> to vector<16xf32>
      %get3A_918 = arith.index_cast %add3A_894 : i32 to index
      %get3A_919 = arith.constant 32 : index
      %get3A_920 = tpu.vector_load %arg9[%get3A_918, %get3A_919] {strides = array<i32>} : memref<80x128xf32, #tpu.memory_space<vmem>>, vector<1x16xf32>,
      %get3A_921 = vector.shape_cast %get3A_920 : vector<1x16xf32> to vector<16xf32>
      %mul3A_922 = arith.mulf %get3A_917, %get3A_921 : vector<16xf32>
      %add3A_923 = arith.addf %add3A_913, %mul3A_922 : vector<16xf32>
      %get3A_924 = arith.index_cast %add3A_894 : i32 to index
      %get3A_925 = arith.constant 48 : index
      %get3A_926 = tpu.vector_load %arg8[%get3A_924, %get3A_925] {strides = array<i32>} : memref<80x128xf32, #tpu.memory_space<vmem>>, vector<1x16xf32>,
      %get3A_927 = vector.shape_cast %get3A_926 : vector<1x16xf32> to vector<16xf32>
      %get3A_928 = arith.index_cast %add3A_894 : i32 to index
      %get3A_929 = arith.constant 48 : index
      %get3A_930 = tpu.vector_load %arg9[%get3A_928, %get3A_929] {strides = array<i32>} : memref<80x128xf32, #tpu.memory_space<vmem>>, vector<1x16xf32>,
      %get3A_931 = vector.shape_cast %get3A_930 : vector<1x16xf32> to vector<16xf32>
      %mul3A_932 = arith.mulf %get3A_927, %get3A_931 : vector<16xf32>
      %add3A_933 = arith.addf %add3A_923, %mul3A_932 : vector<16xf32>
      %get3A_934 = arith.index_cast %add3A_894 : i32 to index
      %get3A_935 = arith.constant 64 : index
      %get3A_936 = tpu.vector_load %arg8[%get3A_934, %get3A_935] {strides = array<i32>} : memref<80x128xf32, #tpu.memory_space<vmem>>, vector<1x16xf32>,
      %get3A_937 = vector.shape_cast %get3A_936 : vector<1x16xf32> to vector<16xf32>
      %get3A_938 = arith.index_cast %add3A_894 : i32 to index
      %get3A_939 = arith.constant 64 : index
      %get3A_940 = tpu.vector_load %arg9[%get3A_938, %get3A_939] {strides = array<i32>} : memref<80x128xf32, #tpu.memory_space<vmem>>, vector<1x16xf32>,
      %get3A_941 = vector.shape_cast %get3A_940 : vector<1x16xf32> to vector<16xf32>
      %mul3A_942 = arith.mulf %get3A_937, %get3A_941 : vector<16xf32>
      %add3A_943 = arith.addf %add3A_933, %mul3A_942 : vector<16xf32>
      %get3A_944 = arith.index_cast %add3A_894 : i32 to index
      %get3A_945 = arith.constant 80 : index
      %get3A_946 = tpu.vector_load %arg8[%get3A_944, %get3A_945] {strides = array<i32>} : memref<80x128xf32, #tpu.memory_space<vmem>>, vector<1x16xf32>,
      %get3A_947 = vector.shape_cast %get3A_946 : vector<1x16xf32> to vector<16xf32>
      %get3A_948 = arith.index_cast %add3A_894 : i32 to index
      %get3A_949 = arith.constant 80 : index
      %get3A_950 = tpu.vector_load %arg9[%get3A_948, %get3A_949] {strides = array<i32>} : memref<80x128xf32, #tpu.memory_space<vmem>>, vector<1x16xf32>,
      %get3A_951 = vector.shape_cast %get3A_950 : vector<1x16xf32> to vector<16xf32>
      %mul3A_952 = arith.mulf %get3A_947, %get3A_951 : vector<16xf32>
      %add3A_953 = arith.addf %add3A_943, %mul3A_952 : vector<16xf32>
      %get3A_954 = arith.index_cast %add3A_894 : i32 to index
      %get3A_955 = arith.constant 96 : index
      %get3A_956 = tpu.vector_load %arg8[%get3A_954, %get3A_955] {strides = array<i32>} : memref<80x128xf32, #tpu.memory_space<vmem>>, vector<1x16xf32>,
      %get3A_957 = vector.shape_cast %get3A_956 : vector<1x16xf32> to vector<16xf32>
      %get3A_958 = arith.index_cast %add3A_894 : i32 to index
      %get3A_959 = arith.constant 96 : index
      %get3A_960 = tpu.vector_load %arg9[%get3A_958, %get3A_959] {strides = array<i32>} : memref<80x128xf32, #tpu.memory_space<vmem>>, vector<1x16xf32>,
      %get3A_961 = vector.shape_cast %get3A_960 : vector<1x16xf32> to vector<16xf32>
      %mul3A_962 = arith.mulf %get3A_957, %get3A_961 : vector<16xf32>
      %add3A_963 = arith.addf %add3A_953, %mul3A_962 : vector<16xf32>
      %get3A_964 = arith.index_cast %add3A_894 : i32 to index
      %get3A_965 = arith.constant 112 : index
      %get3A_966 = tpu.vector_load %arg8[%get3A_964, %get3A_965] {strides = array<i32>} : memref<80x128xf32, #tpu.memory_space<vmem>>, vector<1x16xf32>,
      %get3A_967 = vector.shape_cast %get3A_966 : vector<1x16xf32> to vector<16xf32>
      %get3A_968 = arith.index_cast %add3A_894 : i32 to index
      %get3A_969 = arith.constant 112 : index
      %get3A_970 = tpu.vector_load %arg9[%get3A_968, %get3A_969] {strides = array<i32>} : memref<80x128xf32, #tpu.memory_space<vmem>>, vector<1x16xf32>,
      %get3A_971 = vector.shape_cast %get3A_970 : vector<1x16xf32> to vector<16xf32>
      %mul3A_972 = arith.mulf %get3A_967, %get3A_971 : vector<16xf32>
      %add3A_973 = arith.addf %add3A_963, %mul3A_972 : vector<16xf32>
      %xor3A_974 = arith.constant 8 : i32
      %xor3A_975 = vector.broadcast %xor3A_974 : i32 to vector<16xi32>
      %xor3A_976 = arith.xori %iota3A, %xor3A_975 : vector<16xi32>
      %lt3A_977 = arith.constant 0 : i32
      %lt3A_978 = vector.broadcast %lt3A_977 : i32 to vector<16xi32>
      %lt3A_979 = arith.cmpi slt, %xor3A_976, %lt3A_978 : vector<16xi32>
      %add3A_980 = arith.constant 16 : i32
      %add3A_981 = vector.broadcast %add3A_980 : i32 to vector<16xi32>
      %add3A_982 = arith.addi %xor3A_976, %add3A_981 : vector<16xi32>
      %select_n3A_983 = arith.select %lt3A_979, %add3A_982, %xor3A_976 : vector<16xi1>, vector<16xi32>
      %broadcast_in_dim3A_984 = vector.shape_cast %select_n3A_983 : vector<16xi32> to vector<16x1xi32>
      %gather3A_985 = vector.shape_cast %broadcast_in_dim3A_984 : vector<16x1xi32> to vector<16xi32>
      %gather3A_986 = tpu.dynamic_gather %add3A_973[%gather3A_985] in [0] : vector<16xf32>, vector<16xi32> -> vector<16xf32>
      %add3A_987 = arith.addf %add3A_973, %gather3A_986 : vector<16xf32>
      %xor3A_988 = arith.constant 4 : i32
      %xor3A_989 = vector.broadcast %xor3A_988 : i32 to vector<16xi32>
      %xor3A_990 = arith.xori %iota3A, %xor3A_989 : vector<16xi32>
      %lt3A_991 = arith.constant 0 : i32
      %lt3A_992 = vector.broadcast %lt3A_991 : i32 to vector<16xi32>
      %lt3A_993 = arith.cmpi slt, %xor3A_990, %lt3A_992 : vector<16xi32>
      %add3A_994 = arith.constant 16 : i32
      %add3A_995 = vector.broadcast %add3A_994 : i32 to vector<16xi32>
      %add3A_996 = arith.addi %xor3A_990, %add3A_995 : vector<16xi32>
      %select_n3A_997 = arith.select %lt3A_993, %add3A_996, %xor3A_990 : vector<16xi1>, vector<16xi32>
      %broadcast_in_dim3A_998 = vector.shape_cast %select_n3A_997 : vector<16xi32> to vector<16x1xi32>
      %gather3A_999 = vector.shape_cast %broadcast_in_dim3A_998 : vector<16x1xi32> to vector<16xi32>
      %gather3A_1000 = tpu.dynamic_gather %add3A_987[%gather3A_999] in [0] : vector<16xf32>, vector<16xi32> -> vector<16xf32>
      %add3A_1001 = arith.addf %add3A_987, %gather3A_1000 : vector<16xf32>
      %xor3A_1002 = arith.constant 2 : i32
      %xor3A_1003 = vector.broadcast %xor3A_1002 : i32 to vector<16xi32>
      %xor3A_1004 = arith.xori %iota3A, %xor3A_1003 : vector<16xi32>
      %lt3A_1005 = arith.constant 0 : i32
      %lt3A_1006 = vector.broadcast %lt3A_1005 : i32 to vector<16xi32>
      %lt3A_1007 = arith.cmpi slt, %xor3A_1004, %lt3A_1006 : vector<16xi32>
      %add3A_1008 = arith.constant 16 : i32
      %add3A_1009 = vector.broadcast %add3A_1008 : i32 to vector<16xi32>
      %add3A_1010 = arith.addi %xor3A_1004, %add3A_1009 : vector<16xi32>
      %select_n3A_1011 = arith.select %lt3A_1007, %add3A_1010, %xor3A_1004 : vector<16xi1>, vector<16xi32>
      %broadcast_in_dim3A_1012 = vector.shape_cast %select_n3A_1011 : vector<16xi32> to vector<16x1xi32>
      %gather3A_1013 = vector.shape_cast %broadcast_in_dim3A_1012 : vector<16x1xi32> to vector<16xi32>
      %gather3A_1014 = tpu.dynamic_gather %add3A_1001[%gather3A_1013] in [0] : vector<16xf32>, vector<16xi32> -> vector<16xf32>
      %add3A_1015 = arith.addf %add3A_1001, %gather3A_1014 : vector<16xf32>
      %xor3A_1016 = arith.constant 1 : i32
      %xor3A_1017 = vector.broadcast %xor3A_1016 : i32 to vector<16xi32>
      %xor3A_1018 = arith.xori %iota3A, %xor3A_1017 : vector<16xi32>
      %lt3A_1019 = arith.constant 0 : i32
      %lt3A_1020 = vector.broadcast %lt3A_1019 : i32 to vector<16xi32>
      %lt3A_1021 = arith.cmpi slt, %xor3A_1018, %lt3A_1020 : vector<16xi32>
      %add3A_1022 = arith.constant 16 : i32
      %add3A_1023 = vector.broadcast %add3A_1022 : i32 to vector<16xi32>
      %add3A_1024 = arith.addi %xor3A_1018, %add3A_1023 : vector<16xi32>
      %select_n3A_1025 = arith.select %lt3A_1021, %add3A_1024, %xor3A_1018 : vector<16xi1>, vector<16xi32>
      %broadcast_in_dim3A_1026 = vector.shape_cast %select_n3A_1025 : vector<16xi32> to vector<16x1xi32>
      %gather3A_1027 = vector.shape_cast %broadcast_in_dim3A_1026 : vector<16x1xi32> to vector<16xi32>
      %gather3A_1028 = tpu.dynamic_gather %add3A_1015[%gather3A_1027] in [0] : vector<16xf32>, vector<16xi32> -> vector<16xf32>
      %add3A_1029 = arith.addf %add3A_1015, %gather3A_1028 : vector<16xf32>
      %eq3A_1030 = arith.constant 6 : i32
      %eq3A_1031 = vector.broadcast %eq3A_1030 : i32 to vector<16xi32>
      %eq3A_1032 = arith.cmpi eq, %iota3A, %eq3A_1031 : vector<16xi32>
      %select_n3A_1033 = arith.select %eq3A_1032, %add3A_1029, %select_n3A_890 : vector<16xi1>, vector<16xf32>
      %mul3A_1034 = arith.constant 8 : i32
      %mul3A_1035 = arith.muli %scan3A_41, %mul3A_1034 : i32
      %add3A_1036 = arith.constant 7 : i32
      %add3A_1037 = arith.addi %mul3A_1035, %add3A_1036 : i32
      %get3A_1038 = arith.index_cast %add3A_1037 : i32 to index
      %get3A_1039 = arith.constant 0 : index
      %get3A_1040 = tpu.vector_load %arg8[%get3A_1038, %get3A_1039] {strides = array<i32>} : memref<80x128xf32, #tpu.memory_space<vmem>>, vector<1x16xf32>,
      %get3A_1041 = vector.shape_cast %get3A_1040 : vector<1x16xf32> to vector<16xf32>
      %get3A_1042 = arith.index_cast %add3A_1037 : i32 to index
      %get3A_1043 = arith.constant 0 : index
      %get3A_1044 = tpu.vector_load %arg9[%get3A_1042, %get3A_1043] {strides = array<i32>} : memref<80x128xf32, #tpu.memory_space<vmem>>, vector<1x16xf32>,
      %get3A_1045 = vector.shape_cast %get3A_1044 : vector<1x16xf32> to vector<16xf32>
      %mul3A_1046 = arith.mulf %get3A_1041, %get3A_1045 : vector<16xf32>
      %get3A_1047 = arith.index_cast %add3A_1037 : i32 to index
      %get3A_1048 = arith.constant 16 : index
      %get3A_1049 = tpu.vector_load %arg8[%get3A_1047, %get3A_1048] {strides = array<i32>} : memref<80x128xf32, #tpu.memory_space<vmem>>, vector<1x16xf32>,
      %get3A_1050 = vector.shape_cast %get3A_1049 : vector<1x16xf32> to vector<16xf32>
      %get3A_1051 = arith.index_cast %add3A_1037 : i32 to index
      %get3A_1052 = arith.constant 16 : index
      %get3A_1053 = tpu.vector_load %arg9[%get3A_1051, %get3A_1052] {strides = array<i32>} : memref<80x128xf32, #tpu.memory_space<vmem>>, vector<1x16xf32>,
      %get3A_1054 = vector.shape_cast %get3A_1053 : vector<1x16xf32> to vector<16xf32>
      %mul3A_1055 = arith.mulf %get3A_1050, %get3A_1054 : vector<16xf32>
      %add3A_1056 = arith.addf %mul3A_1046, %mul3A_1055 : vector<16xf32>
      %get3A_1057 = arith.index_cast %add3A_1037 : i32 to index
      %get3A_1058 = arith.constant 32 : index
      %get3A_1059 = tpu.vector_load %arg8[%get3A_1057, %get3A_1058] {strides = array<i32>} : memref<80x128xf32, #tpu.memory_space<vmem>>, vector<1x16xf32>,
      %get3A_1060 = vector.shape_cast %get3A_1059 : vector<1x16xf32> to vector<16xf32>
      %get3A_1061 = arith.index_cast %add3A_1037 : i32 to index
      %get3A_1062 = arith.constant 32 : index
      %get3A_1063 = tpu.vector_load %arg9[%get3A_1061, %get3A_1062] {strides = array<i32>} : memref<80x128xf32, #tpu.memory_space<vmem>>, vector<1x16xf32>,
      %get3A_1064 = vector.shape_cast %get3A_1063 : vector<1x16xf32> to vector<16xf32>
      %mul3A_1065 = arith.mulf %get3A_1060, %get3A_1064 : vector<16xf32>
      %add3A_1066 = arith.addf %add3A_1056, %mul3A_1065 : vector<16xf32>
      %get3A_1067 = arith.index_cast %add3A_1037 : i32 to index
      %get3A_1068 = arith.constant 48 : index
      %get3A_1069 = tpu.vector_load %arg8[%get3A_1067, %get3A_1068] {strides = array<i32>} : memref<80x128xf32, #tpu.memory_space<vmem>>, vector<1x16xf32>,
      %get3A_1070 = vector.shape_cast %get3A_1069 : vector<1x16xf32> to vector<16xf32>
      %get3A_1071 = arith.index_cast %add3A_1037 : i32 to index
      %get3A_1072 = arith.constant 48 : index
      %get3A_1073 = tpu.vector_load %arg9[%get3A_1071, %get3A_1072] {strides = array<i32>} : memref<80x128xf32, #tpu.memory_space<vmem>>, vector<1x16xf32>,
      %get3A_1074 = vector.shape_cast %get3A_1073 : vector<1x16xf32> to vector<16xf32>
      %mul3A_1075 = arith.mulf %get3A_1070, %get3A_1074 : vector<16xf32>
      %add3A_1076 = arith.addf %add3A_1066, %mul3A_1075 : vector<16xf32>
      %get3A_1077 = arith.index_cast %add3A_1037 : i32 to index
      %get3A_1078 = arith.constant 64 : index
      %get3A_1079 = tpu.vector_load %arg8[%get3A_1077, %get3A_1078] {strides = array<i32>} : memref<80x128xf32, #tpu.memory_space<vmem>>, vector<1x16xf32>,
      %get3A_1080 = vector.shape_cast %get3A_1079 : vector<1x16xf32> to vector<16xf32>
      %get3A_1081 = arith.index_cast %add3A_1037 : i32 to index
      %get3A_1082 = arith.constant 64 : index
      %get3A_1083 = tpu.vector_load %arg9[%get3A_1081, %get3A_1082] {strides = array<i32>} : memref<80x128xf32, #tpu.memory_space<vmem>>, vector<1x16xf32>,
      %get3A_1084 = vector.shape_cast %get3A_1083 : vector<1x16xf32> to vector<16xf32>
      %mul3A_1085 = arith.mulf %get3A_1080, %get3A_1084 : vector<16xf32>
      %add3A_1086 = arith.addf %add3A_1076, %mul3A_1085 : vector<16xf32>
      %get3A_1087 = arith.index_cast %add3A_1037 : i32 to index
      %get3A_1088 = arith.constant 80 : index
      %get3A_1089 = tpu.vector_load %arg8[%get3A_1087, %get3A_1088] {strides = array<i32>} : memref<80x128xf32, #tpu.memory_space<vmem>>, vector<1x16xf32>,
      %get3A_1090 = vector.shape_cast %get3A_1089 : vector<1x16xf32> to vector<16xf32>
      %get3A_1091 = arith.index_cast %add3A_1037 : i32 to index
      %get3A_1092 = arith.constant 80 : index
      %get3A_1093 = tpu.vector_load %arg9[%get3A_1091, %get3A_1092] {strides = array<i32>} : memref<80x128xf32, #tpu.memory_space<vmem>>, vector<1x16xf32>,
      %get3A_1094 = vector.shape_cast %get3A_1093 : vector<1x16xf32> to vector<16xf32>
      %mul3A_1095 = arith.mulf %get3A_1090, %get3A_1094 : vector<16xf32>
      %add3A_1096 = arith.addf %add3A_1086, %mul3A_1095 : vector<16xf32>
      %get3A_1097 = arith.index_cast %add3A_1037 : i32 to index
      %get3A_1098 = arith.constant 96 : index
      %get3A_1099 = tpu.vector_load %arg8[%get3A_1097, %get3A_1098] {strides = array<i32>} : memref<80x128xf32, #tpu.memory_space<vmem>>, vector<1x16xf32>,
      %get3A_1100 = vector.shape_cast %get3A_1099 : vector<1x16xf32> to vector<16xf32>
      %get3A_1101 = arith.index_cast %add3A_1037 : i32 to index
      %get3A_1102 = arith.constant 96 : index
      %get3A_1103 = tpu.vector_load %arg9[%get3A_1101, %get3A_1102] {strides = array<i32>} : memref<80x128xf32, #tpu.memory_space<vmem>>, vector<1x16xf32>,
      %get3A_1104 = vector.shape_cast %get3A_1103 : vector<1x16xf32> to vector<16xf32>
      %mul3A_1105 = arith.mulf %get3A_1100, %get3A_1104 : vector<16xf32>
      %add3A_1106 = arith.addf %add3A_1096, %mul3A_1105 : vector<16xf32>
      %get3A_1107 = arith.index_cast %add3A_1037 : i32 to index
      %get3A_1108 = arith.constant 112 : index
      %get3A_1109 = tpu.vector_load %arg8[%get3A_1107, %get3A_1108] {strides = array<i32>} : memref<80x128xf32, #tpu.memory_space<vmem>>, vector<1x16xf32>,
      %get3A_1110 = vector.shape_cast %get3A_1109 : vector<1x16xf32> to vector<16xf32>
      %get3A_1111 = arith.index_cast %add3A_1037 : i32 to index
      %get3A_1112 = arith.constant 112 : index
      %get3A_1113 = tpu.vector_load %arg9[%get3A_1111, %get3A_1112] {strides = array<i32>} : memref<80x128xf32, #tpu.memory_space<vmem>>, vector<1x16xf32>,
      %get3A_1114 = vector.shape_cast %get3A_1113 : vector<1x16xf32> to vector<16xf32>
      %mul3A_1115 = arith.mulf %get3A_1110, %get3A_1114 : vector<16xf32>
      %add3A_1116 = arith.addf %add3A_1106, %mul3A_1115 : vector<16xf32>
      %xor3A_1117 = arith.constant 8 : i32
      %xor3A_1118 = vector.broadcast %xor3A_1117 : i32 to vector<16xi32>
      %xor3A_1119 = arith.xori %iota3A, %xor3A_1118 : vector<16xi32>
      %lt3A_1120 = arith.constant 0 : i32
      %lt3A_1121 = vector.broadcast %lt3A_1120 : i32 to vector<16xi32>
      %lt3A_1122 = arith.cmpi slt, %xor3A_1119, %lt3A_1121 : vector<16xi32>
      %add3A_1123 = arith.constant 16 : i32
      %add3A_1124 = vector.broadcast %add3A_1123 : i32 to vector<16xi32>
      %add3A_1125 = arith.addi %xor3A_1119, %add3A_1124 : vector<16xi32>
      %select_n3A_1126 = arith.select %lt3A_1122, %add3A_1125, %xor3A_1119 : vector<16xi1>, vector<16xi32>
      %broadcast_in_dim3A_1127 = vector.shape_cast %select_n3A_1126 : vector<16xi32> to vector<16x1xi32>
      %gather3A_1128 = vector.shape_cast %broadcast_in_dim3A_1127 : vector<16x1xi32> to vector<16xi32>
      %gather3A_1129 = tpu.dynamic_gather %add3A_1116[%gather3A_1128] in [0] : vector<16xf32>, vector<16xi32> -> vector<16xf32>
      %add3A_1130 = arith.addf %add3A_1116, %gather3A_1129 : vector<16xf32>
      %xor3A_1131 = arith.constant 4 : i32
      %xor3A_1132 = vector.broadcast %xor3A_1131 : i32 to vector<16xi32>
      %xor3A_1133 = arith.xori %iota3A, %xor3A_1132 : vector<16xi32>
      %lt3A_1134 = arith.constant 0 : i32
      %lt3A_1135 = vector.broadcast %lt3A_1134 : i32 to vector<16xi32>
      %lt3A_1136 = arith.cmpi slt, %xor3A_1133, %lt3A_1135 : vector<16xi32>
      %add3A_1137 = arith.constant 16 : i32
      %add3A_1138 = vector.broadcast %add3A_1137 : i32 to vector<16xi32>
      %add3A_1139 = arith.addi %xor3A_1133, %add3A_1138 : vector<16xi32>
      %select_n3A_1140 = arith.select %lt3A_1136, %add3A_1139, %xor3A_1133 : vector<16xi1>, vector<16xi32>
      %broadcast_in_dim3A_1141 = vector.shape_cast %select_n3A_1140 : vector<16xi32> to vector<16x1xi32>
      %gather3A_1142 = vector.shape_cast %broadcast_in_dim3A_1141 : vector<16x1xi32> to vector<16xi32>
      %gather3A_1143 = tpu.dynamic_gather %add3A_1130[%gather3A_1142] in [0] : vector<16xf32>, vector<16xi32> -> vector<16xf32>
      %add3A_1144 = arith.addf %add3A_1130, %gather3A_1143 : vector<16xf32>
      %xor3A_1145 = arith.constant 2 : i32
      %xor3A_1146 = vector.broadcast %xor3A_1145 : i32 to vector<16xi32>
      %xor3A_1147 = arith.xori %iota3A, %xor3A_1146 : vector<16xi32>
      %lt3A_1148 = arith.constant 0 : i32
      %lt3A_1149 = vector.broadcast %lt3A_1148 : i32 to vector<16xi32>
      %lt3A_1150 = arith.cmpi slt, %xor3A_1147, %lt3A_1149 : vector<16xi32>
      %add3A_1151 = arith.constant 16 : i32
      %add3A_1152 = vector.broadcast %add3A_1151 : i32 to vector<16xi32>
      %add3A_1153 = arith.addi %xor3A_1147, %add3A_1152 : vector<16xi32>
      %select_n3A_1154 = arith.select %lt3A_1150, %add3A_1153, %xor3A_1147 : vector<16xi1>, vector<16xi32>
      %broadcast_in_dim3A_1155 = vector.shape_cast %select_n3A_1154 : vector<16xi32> to vector<16x1xi32>
      %gather3A_1156 = vector.shape_cast %broadcast_in_dim3A_1155 : vector<16x1xi32> to vector<16xi32>
      %gather3A_1157 = tpu.dynamic_gather %add3A_1144[%gather3A_1156] in [0] : vector<16xf32>, vector<16xi32> -> vector<16xf32>
      %add3A_1158 = arith.addf %add3A_1144, %gather3A_1157 : vector<16xf32>
      %xor3A_1159 = arith.constant 1 : i32
      %xor3A_1160 = vector.broadcast %xor3A_1159 : i32 to vector<16xi32>
      %xor3A_1161 = arith.xori %iota3A, %xor3A_1160 : vector<16xi32>
      %lt3A_1162 = arith.constant 0 : i32
      %lt3A_1163 = vector.broadcast %lt3A_1162 : i32 to vector<16xi32>
      %lt3A_1164 = arith.cmpi slt, %xor3A_1161, %lt3A_1163 : vector<16xi32>
      %add3A_1165 = arith.constant 16 : i32
      %add3A_1166 = vector.broadcast %add3A_1165 : i32 to vector<16xi32>
      %add3A_1167 = arith.addi %xor3A_1161, %add3A_1166 : vector<16xi32>
      %select_n3A_1168 = arith.select %lt3A_1164, %add3A_1167, %xor3A_1161 : vector<16xi1>, vector<16xi32>
      %broadcast_in_dim3A_1169 = vector.shape_cast %select_n3A_1168 : vector<16xi32> to vector<16x1xi32>
      %gather3A_1170 = vector.shape_cast %broadcast_in_dim3A_1169 : vector<16x1xi32> to vector<16xi32>
      %gather3A_1171 = tpu.dynamic_gather %add3A_1158[%gather3A_1170] in [0] : vector<16xf32>, vector<16xi32> -> vector<16xf32>
      %add3A_1172 = arith.addf %add3A_1158, %gather3A_1171 : vector<16xf32>
      %eq3A_1173 = arith.constant 7 : i32
      %eq3A_1174 = vector.broadcast %eq3A_1173 : i32 to vector<16xi32>
      %eq3A_1175 = arith.cmpi eq, %iota3A, %eq3A_1174 : vector<16xi32>
      %select_n3A_1176 = arith.select %eq3A_1175, %add3A_1172, %select_n3A_1033 : vector<16xi1>, vector<16xf32>
      %jit3A = arith.constant 2 : i32
      %eq3A_1177 = arith.constant 0 : i32
      %eq3A_1178 = arith.cmpi eq, %jit3A, %eq3A_1177 : i32
      %jit3A_1179 = arith.constant 1 : i32
      %select_n3A_1180 = arith.select %eq3A_1178, %jit3A_1179, %jit3A : i32
      %rem3A = arith.remsi %scan3A_41, %select_n3A_1180 : i32
      %ne3A = arith.constant 0 : i32
      %ne3A_1181 = arith.cmpi ne, %rem3A, %ne3A : i32
      %lt3A_1182 = arith.constant 0 : i32
      %lt3A_1183 = arith.cmpi slt, %rem3A, %lt3A_1182 : i32
      %lt3A_1184 = arith.constant 0 : i32
      %lt3A_1185 = arith.cmpi slt, %select_n3A_1180, %lt3A_1184 : i32
      %ne3A_1186 = arith.xori %lt3A_1183, %lt3A_1185 : i1
      %and3A = arith.andi %ne3A_1186, %ne3A_1181 : i1
      %add3A_1187 = arith.addi %rem3A, %select_n3A_1180 : i32
      %select_n3A_1188 = arith.select %and3A, %add3A_1187, %rem3A : i32
      %eq3A_1189 = arith.constant 1 : i32
      %eq3A_1190 = arith.cmpi eq, %select_n3A_1188, %eq3A_1189 : i32
      %convert_element_type3A = arith.extui %eq3A_1190 : i1 to i32
      %cond3A = arith.constant 0 : i32
      %cond3A_1191 = arith.cmpi ne, %convert_element_type3A, %cond3A : i32
      scf.if %cond3A_1191 {
        %xor3A_1192 = arith.constant 8 : i32
        %xor3A_1193 = vector.broadcast %xor3A_1192 : i32 to vector<16xi32>
        %xor3A_1194 = arith.xori %iota3A, %xor3A_1193 : vector<16xi32>
        %lt3A_1195 = arith.constant 0 : i32
        %lt3A_1196 = vector.broadcast %lt3A_1195 : i32 to vector<16xi32>
        %lt3A_1197 = arith.cmpi slt, %xor3A_1194, %lt3A_1196 : vector<16xi32>
        %add3A_1198 = arith.constant 16 : i32
        %add3A_1199 = vector.broadcast %add3A_1198 : i32 to vector<16xi32>
        %add3A_1200 = arith.addi %xor3A_1194, %add3A_1199 : vector<16xi32>
        %select_n3A_1201 = arith.select %lt3A_1197, %add3A_1200, %xor3A_1194 : vector<16xi1>, vector<16xi32>
        %broadcast_in_dim3A_1202 = vector.shape_cast %select_n3A_1201 : vector<16xi32> to vector<16x1xi32>
        %gather3A_1203 = vector.shape_cast %broadcast_in_dim3A_1202 : vector<16x1xi32> to vector<16xi32>
        %gather3A_1204 = tpu.dynamic_gather %select_n3A_1176[%gather3A_1203] in [0] : vector<16xf32>, vector<16xi32> -> vector<16xf32>
        %lt3A_1205 = arith.constant 8 : i32
        %lt3A_1206 = vector.broadcast %lt3A_1205 : i32 to vector<16xi32>
        %lt3A_1207 = arith.cmpi slt, %iota3A, %lt3A_1206 : vector<16xi32>
        %select_n3A_1208 = arith.select %lt3A_1207, %scan3A_42, %gather3A_1204 : vector<16xi1>, vector<16xf32>
        %neg3A = arith.constant 0.000000e+00 : f32
        %neg3A_1209 = vector.broadcast %neg3A : f32 to vector<16xf32>
        %neg3A_1210 = arith.subf %neg3A_1209, %select_n3A_1208 : vector<16xf32>
        %exp3A = math.exp %neg3A_1210 : vector<16xf32>
        %add3A_1211 = arith.constant 1.000000e+00 : f32
        %add3A_1212 = vector.broadcast %add3A_1211 : f32 to vector<16xf32>
        %add3A_1213 = arith.addf %add3A_1212, %exp3A : vector<16xf32>
        %div3A = arith.constant 1.000000e+00 : f32
        %div3A_1214 = vector.broadcast %div3A : f32 to vector<16xf32>
        %div3A_1215 = arith.divf %div3A_1214, %add3A_1213 : vector<16xf32>
        %jit3A_1216 = arith.constant 2 : i32
        %div3A_1217 = arith.divsi %scan3A_41, %jit3A_1216 : i32
        %sign3A = arith.constant 0 : i32
        %sign3A_1218 = arith.cmpi sgt, %scan3A_41, %sign3A : i32
        %sign3A_1219 = arith.extui %sign3A_1218 : i1 to i32
        %sign3A_1220 = arith.constant 0 : i32
        %sign3A_1221 = arith.cmpi slt, %scan3A_41, %sign3A_1220 : i32
        %sign3A_1222 = arith.extui %sign3A_1221 : i1 to i32
        %sign3A_1223 = arith.subi %sign3A_1219, %sign3A_1222 : i32
        %sign3A_1224 = arith.constant 0 : i32
        %sign3A_1225 = arith.cmpi sgt, %jit3A_1216, %sign3A_1224 : i32
        %sign3A_1226 = arith.extui %sign3A_1225 : i1 to i32
        %sign3A_1227 = arith.constant 0 : i32
        %sign3A_1228 = arith.cmpi slt, %jit3A_1216, %sign3A_1227 : i32
        %sign3A_1229 = arith.extui %sign3A_1228 : i1 to i32
        %sign3A_1230 = arith.subi %sign3A_1226, %sign3A_1229 : i32
        %ne3A_1231 = arith.cmpi ne, %sign3A_1223, %sign3A_1230 : i32
        %rem3A_1232 = arith.remsi %scan3A_41, %jit3A_1216 : i32
        %ne3A_1233 = arith.constant 0 : i32
        %ne3A_1234 = arith.cmpi ne, %rem3A_1232, %ne3A_1233 : i32
        %and3A_1235 = arith.andi %ne3A_1231, %ne3A_1234 : i1
        %sub3A = arith.constant 1 : i32
        %sub3A_1236 = arith.subi %div3A_1217, %sub3A : i32
        %select_n3A_1237 = arith.select %and3A_1235, %sub3A_1236, %div3A_1217 : i32
        %mul3A_1238 = arith.constant 16 : i32
        %mul3A_1239 = arith.muli %select_n3A_1237, %mul3A_1238 : i32
        %add3A_1240 = arith.constant 9920 : i32
        %add3A_1241 = arith.addi %add3A_1240, %mul3A_1239 : i32
        %swap3A = arith.index_cast %add3A_1241 : i32 to index
        %swap3A_1242 = tpu.vector_load %arg12[%swap3A] {strides = array<i32>} : memref<10008xf32, #tpu.memory_space<vmem>>, vector<16xf32>,
        %swap3A_1243 = vector.shape_cast %swap3A_1242 : vector<16xf32> to vector<16xf32>
        %swap3A_1244 = vector.shape_cast %div3A_1215 : vector<16xf32> to vector<16xf32>
        tpu.vector_store %arg12[%swap3A], %swap3A_1244 {strides = array<i32>} : memref<10008xf32, #tpu.memory_space<vmem>>, vector<16xf32>,
      } else {
      }
      scf.yield %select_n3A_1176 : vector<16xf32>
    }
    %scan3A_38 = arith.constant 10 : i32
    %mul3A_39 = arith.constant 10000 : i32
    %mul3A_40 = arith.muli %add3A, %mul3A_39 : i32
    "tpu.region"() ({
      %run_scoped3A = tpu.sem_alloc : memref<!tpu.dma_semaphore, #tpu.memory_space<semaphore_mem>>
      %dma_start3A_41 = arith.constant 0 : i32
      %dma_start3A_42 = tpu.memref_slice %arg12[%dma_start3A_41] : memref<10008xf32, #tpu.memory_space<vmem>> -> memref<10000xf32, #tpu.memory_space<vmem>>
      %dma_start3A_43 = tpu.memref_slice %arg5[%mul3A_40] : memref<320000xf32, #tpu.memory_space<hbm>> -> memref<10000xf32, #tpu.memory_space<hbm>>
      %dma_start3A_44 = tpu.memref_slice %arg5[%mul3A_40] : memref<320000xf32, #tpu.memory_space<hbm>> -> memref<10000xf32, #tpu.memory_space<hbm>>
      %dma_start3A_45 = arith.constant 0 : i32
      %dma_start3A_46 = tpu.memref_slice %arg12[%dma_start3A_45] : memref<10008xf32, #tpu.memory_space<vmem>> -> memref<10000xf32, #tpu.memory_space<vmem>>
      tpu.enqueue_dma source(%dma_start3A_46 : memref<10000xf32, #tpu.memory_space<vmem>>) target(%dma_start3A_44 : memref<10000xf32, #tpu.memory_space<hbm>>) target_semaphore(%run_scoped3A : memref<!tpu.dma_semaphore, #tpu.memory_space<semaphore_mem>>)
      %dma_wait3A_47 = arith.constant 0 : i32
      %dma_wait3A_48 = tpu.memref_slice %arg12[%dma_wait3A_47] : memref<10008xf32, #tpu.memory_space<vmem>> -> memref<10000xf32, #tpu.memory_space<vmem>>
      %dma_wait3A_49 = tpu.memref_slice %arg5[%mul3A_40] : memref<320000xf32, #tpu.memory_space<hbm>> -> memref<10000xf32, #tpu.memory_space<hbm>>
      %dma_wait3A_50 = tpu.memref_slice %arg5[%mul3A_40] : memref<320000xf32, #tpu.memory_space<hbm>> -> memref<10000xf32, #tpu.memory_space<hbm>>
      %dma_wait3A_51 = arith.constant 0 : i32
      %dma_wait3A_52 = tpu.memref_slice %arg12[%dma_wait3A_51] : memref<10008xf32, #tpu.memory_space<vmem>> -> memref<10000xf32, #tpu.memory_space<vmem>>
      tpu.wait_dma2 semaphore(%run_scoped3A : memref<!tpu.dma_semaphore, #tpu.memory_space<semaphore_mem>>) src(%dma_wait3A_52 : memref<10000xf32, #tpu.memory_space<vmem>>) dst(%dma_wait3A_50 : memref<10000xf32, #tpu.memory_space<hbm>>)
      tpu.yield
    }) : () -> ()
    return
  }
}

</mosaic_0001>

<sc_bundles>
// kernel: kernel.3.cloned.1.call-start
scs
__scs_entry_jumppad:
0x0: {  	(pc) =	sbr.rel $0x88, $3  }
0x1: {  	(tag) =	ssettag $0x0;
	lr =	simm.s32 $0x1  }
0x2: {  	[smem:$0x3F9F] =	sst lr;
	_ =	strace $0xD0000000  }
0x3: {  	_ = 	snop  }
0x4: {  	_ = 	snop  }
0x5: {  	_ = 	snop  }
0x6: {  	_ = 	snop  }
0x7: {  	_ = 	snop  }
__scs_overlays_trampoline_lowered:
0x8: {  	[smem:$0x3FAE] =	sst s0  }
0x9: {  	[smem:$0x3FAF] =	sst s1  }
0xa: {  	[smem:$0x3FB0] =	sst s2  }
0xb: {  	[smem:$0x3FB1] =	sst s3  }
0xc: {  	[smem:$0x3FB2] =	sst s4  }
0xd: {  	[smem:$0x3FB3] =	sst s5  }
0xe: {  	[smem:$0x3FB4] =	sst s6  }
0xf: {  	[smem:$0x3FB5] =	sst s7  }
0x10: {  	[smem:$0x3FB6] =	sst s8  }
0x11: {  	[smem:$0x3FB7] =	sst s9;
	s0 =	simm.s32 @!p0 $0x0  }
0x12: {  	s1 =	sld [smem:$0x3F9D];
	s0 =	simm.s32 @p0 $0x1  }
0x13: {  	[smem:$0x3FB8] =	sst s0;
	s0 =	simm.s32 @!p1 $0x0  }
0x14: {  	s2 =	sld [smem:$0x3F9C];
	s0 =	simm.s32 @p1 $0x1  }
0x15: {  	[smem:$0x3FB9] =	sst s0;
	s0 =	simm.s32 @!p2 $0x0  }
0x16: {  	s3 =	sld [smem:$0x3FDB];
	s0 =	simm.s32 @p2 $0x1  }
0x17: {  	s4 =	simm.s32 $0x1BF5;
	[smem:$0x3FBB] =	sst s0  }
0x18: {  	s0 =	sld [smem:$0x3F9E];
	_ =	swait.ge [sflag:s4], $0x0  }
0x19: {  	s7 =	sld [smem:$0x3F9F]  }
0x1a: {  	s8 =	sadd.s32 $0xFFFFE003, lr  }
0x1b: {  	s9 =	sadd.s32 $0xFFFFFEF7, lr;
	s5 =	simm.s32 $0xFFFFFFFF;
	p2 =	slt.u32 s8, $0xFFFFF086  }
0x1c: {  	p1 =	slt.u32 s9, $0xF7A;
	s5 =	simm.s32 @!p2 $0x0  }
0x1d: {  	s5 =	simm.s32 @p1 $0x1;
	p0 =	seq.s32 s7, s2  }
0x1e: {  	s7 =	smul.u32 @!p0 $0xF7A, s2;
	p2 =	seq.s32 @!p0 s5, $0x0  }
0x1f: {  	s9 =	smul.u32 $0xF7A, s1;
	s8 =	simm.s32 @!p0 $0x1BF5;
	p2 =	por !p2, p0  }
0x20: {  	[sflag:s8] =	ssyncset.s32 @!p0 $0xFFFFF086;
	s6 =	sadd.s32 @!p0 s3, s7;
	s7 =	simm.s32 @!p0 $0x108  }
0x21: {  	s3 =	sadd.s32 s3, s9;
	s6 =	sadd.s32 @!p0 $0x88, s6;
	s7 =	simm.s32 @p2 $0x1082  }
0x22: {  	[simem:s7], [sflag:s8] =	dma.local @!p0 [hbm:s6], $0xF7A  }
0x23: {  	s9 =	sor.u32 $0xD0000000, s2;
	s6 =	simm.s32 $0x108;
	_ =	swait.ge @!p0 [sflag:s8], $0x0  }
0x24: {  	s3 =	sadd.s32 $0x88, s3;
	s6 =	simm.s32 @!p1 $0x1082;
	[sflag:s4] =	ssyncset.s32 $0xFFFFF086  }
0x25: {  	[simem:s6], [sflag:s4] =	dma.local [hbm:s3], $0xF7A  }
0x26: {  	[smem:$0x3F9F] =	sst s1;
	(tag) =	ssettag s2;
	_ =	strace s9  }
0x27: {  	s1 =	sld [smem:$0x3FAF]  }
0x28: {  	s2 =	sld [smem:$0x3FB0]  }
0x29: {  	s4 =	sld [smem:$0x3FB2]  }
0x2a: {  	p0 =	seq.s32 s5, $0x0;
	s5 =	sld [smem:$0x3FB3]  }
0x2b: {  	s6 =	sld [smem:$0x3FB4]  }
0x2c: {  	s7 =	sld [smem:$0x3FB5]  }
0x2d: {  	s3 =	simm.s32 $0x108;
	s8 =	sld [smem:$0x3FB6]  }
0x2e: {  	s3 =	simm.s32 @!p0 $0x1082;
	s9 =	sld [smem:$0x3FB7]  }
0x2f: {  	lr =	sadd.s32 s0, s3;
	s0 =	sld [smem:$0x3FAE]  }
0x30: {  	s3 =	sld [smem:$0x3FB1]  }
0x31: {  	[smem:$0x3FBA] =	sst s10  }
0x32: {  	s10 =	sld [smem:$0x3FB8];
	_ =	sdelay $0x3  }
0x33: {  	p0 =	seq.s32 s10, $0x1;
	s10 =	sld [smem:$0x3FBA];
	_ =	sdelay $0x3  }
0x34: {  	[smem:$0x3FBA] =	sst s10  }
0x35: {  	s10 =	sld [smem:$0x3FB9];
	_ =	sdelay $0x3  }
0x36: {  	p1 =	seq.s32 s10, $0x1;
	s10 =	sld [smem:$0x3FBA];
	_ =	sdelay $0x3  }
0x37: {  	[smem:$0x3FBA] =	sst s10  }
0x38: {  	s10 =	sld [smem:$0x3FBB]  }
0x39: {  	_ = 	snop;
	(pc) =	sbr.ind lr, $3  }
0x3a: {  	_ = 	snop  }
0x3b: {  	_ = 	snop  }
0x3c: {  	p2 =	seq.s32 s10, $0x1;
	s10 =	sld [smem:$0x3FBA]  }
0x3d: {  	_ =	shalt  }
0x3e: {  	_ =	shalt  }
0x3f: {  	_ =	shalt  }
0x40: {  	_ =	shalt  }
0x41: {  	_ =	shalt  }
0x42: {  	_ =	shalt  }
0x43: {  	_ =	shalt  }
0x44: {  	_ =	shalt  }
0x45: {  	_ =	shalt  }
0x46: {  	_ =	shalt  }
0x47: {  	_ =	shalt  }
0x48: {  	_ =	shalt  }
0x49: {  	_ =	shalt  }
0x4a: {  	_ =	shalt  }
0x4b: {  	_ =	shalt  }
0x4c: {  	_ =	shalt  }
0x4d: {  	_ =	shalt  }
0x4e: {  	_ =	shalt  }
0x4f: {  	_ =	shalt  }
0x50: {  	_ =	shalt  }
0x51: {  	_ =	shalt  }
0x52: {  	_ =	shalt  }
0x53: {  	_ =	shalt  }
0x54: {  	_ =	shalt  }
0x55: {  	_ =	shalt  }
0x56: {  	_ =	shalt  }
0x57: {  	_ =	shalt  }
0x58: {  	_ =	shalt  }
0x59: {  	_ =	shalt  }
0x5a: {  	_ =	shalt  }
0x5b: {  	_ =	shalt  }
0x5c: {  	_ =	shalt  }
0x5d: {  	_ =	shalt  }
0x5e: {  	_ =	shalt  }
0x5f: {  	_ =	shalt  }
0x60: {  	_ =	shalt  }
0x61: {  	_ =	shalt  }
0x62: {  	_ =	shalt  }
0x63: {  	_ =	shalt  }
0x64: {  	_ =	shalt  }
0x65: {  	_ =	shalt  }
0x66: {  	_ =	shalt  }
0x67: {  	_ =	shalt  }
0x68: {  	_ =	shalt  }
0x69: {  	_ =	shalt  }
0x6a: {  	_ =	shalt  }
0x6b: {  	_ =	shalt  }
0x6c: {  	_ =	shalt  }
0x6d: {  	_ =	shalt  }
0x6e: {  	_ =	shalt  }
0x6f: {  	_ =	shalt  }
0x70: {  	_ =	shalt  }
0x71: {  	_ =	shalt  }
0x72: {  	_ =	shalt  }
0x73: {  	_ =	shalt  }
0x74: {  	_ =	shalt  }
0x75: {  	_ =	shalt  }
0x76: {  	_ =	shalt  }
0x77: {  	_ =	shalt  }
0x78: {  	_ =	shalt  }
0x79: {  	_ =	shalt  }
0x7a: {  	_ =	shalt  }
0x7b: {  	_ =	shalt  }
0x7c: {  	_ =	shalt  }
0x7d: {  	_ =	shalt  }
0x7e: {  	_ =	shalt  }
0x7f: {  	_ =	shalt  }
0x80: {  	_ =	shalt  }
0x81: {  	_ =	shalt  }
0x82: {  	_ =	shalt  }
0x83: {  	_ =	shalt  }
0x84: {  	_ =	shalt  }
0x85: {  	_ =	shalt  }
0x86: {  	_ =	shalt  }
0x87: {  	_ =	shalt  }
.Lfunc_end0:
.L_simem_size_0:
called_computation_lowered:
.L_overlay_start_0:
0x88: {  	s2 =	sld [smem:$0x3FD9]  }
0x89: {  	s3 =	sld [smem:$0x3FFE];
	_ =	sdelay $0x1  }
0x8a: {  	s1 =	srdreg.scid  }
0x8b: {  	s0 =	sand.u32 $0x1, s1  }
0x8c: {  	s17 =	sshll.u32 s0, $0xA;
	s2 =	sadd.s32 s3, s2  }
0x8d: {  	s2 =	sadd.s32 s2, s17  }
0x8e: {  	[smem:$0x3FC6] =	sst s2  }
0x8f: {  	_ = 	snop  }
0x90: {  	s2 =	sld [smem:$0x3FC9]  }
0x91: {  	s18 =	sld [smem:$0x3FD0];
	(tm) =	ssettm $0x1  }
0x92: {  	s4 =	sld [smem:$0x3FFB];
	_ =	sdelay $0x3  }
0x93: {  	_ =	strace s4  }
0x94: {  	s4 =	sld [smem:$0x3FFC];
	_ =	sdelay $0x3  }
0x95: {  	_ =	strace s4  }
0x96: {  	s4 =	sld [smem:$0x3FFD];
	_ =	sdelay $0x3  }
0x97: {  	_ =	strace s4  }
0x98: {  	_ =	strace $0x8FFFFFFF  }
0x99: {  	s19 =	sld [smem:$0x3FDB];
	_ =	sdelay $0x1  }
0x9a: {  	s5 =	simm.s32 $_scs_section_size  }
0x9b: {  	s6 =	simm.s32 $_size__tile_overlayer_lowered;
	s7 =	simm.s32 $_tile_overlayer_lowered  }
0x9c: {  	s22 =	simm.s32 $0x1BFF;
	s21 =	sshll.u32 s7, $0x1;
	s4 =	sadd.s32 s5, s19  }
0x9d: {  	s8 =	simm.s32 $0x0;
	s20 =	sshll.u32 s6, $0x1;
	s6 =	sadd.s32 s21, s4  }
0x9e: {  	[timem:s8], [sflag:s22] =	dma.local [hbm:s6], s20  }
0x9f: {  	_ =	swait.ge [sflag:s22], s20  }
0xa0: {  	s5 =	ssub.s32 $0x0, s20;
	[sflag:s22] =	ssyncset.done $0x0  }
0xa1: {  	[sflag:s22] =	ssyncadd.s32 s5;
	_ =	sdelay $0x1  }
0xa2: {  	s23 =	simm.s32 $0x1B8B  }
0xa3: {  	_ =	swait.ge [sflag:s23], $0x1  }
0xa4: {  	[sflag:s23] =	ssyncset.done $0x0  }
0xa5: {  	s25 =	simm.s32 $0x1B8E;
	s24 =	sld [smem:$0x3FFE];
	[sflag:s23] =	ssyncadd.s32 $0xFFFFFFFF  }
0xa6: {  	s26 =	simm.s32 $execute0_lowered;
	[smem:$0x3FD2] =	sst s25  }
0xa7: {  	s6 =	sshll.u32 s26, $0x1;
	_ =	strace $0x80000046;
	[dreg:$0x1] =	wrdreg $0xFFFFFFFF  }
0xa8: {  	s28 =	simm.s32 $_size_execute0_lowered;
	s4 =	sadd.s32 s4, s6;
	[dreg:$0x0] =	wrdreg $0x0  }
0xa9: {  	s6 =	sshll.u32 s28, $0x1;
	[dreg:$0x2] =	wrdreg s4  }
0xaa: {  	[dreg:$0x3] =	wrdreg s6  }
0xab: {  	[dreg:$0x4] =	wrdreg $0xC0  }
0xac: {  	_ =	task [dreg:s8], $0x5FFFF  }
0xad: {  	[dreg:$0x1] =	wrdreg $0xFFFFFFFF  }
0xae: {  	[dreg:$0x0] =	wrdreg $0x60  }
0xaf: {  	[dreg:$0x2] =	wrdreg s2  }
0xb0: {  	[dreg:$0x3] =	wrdreg s24  }
0xb1: {  	[dreg:$0x4] =	wrdreg s18  }
0xb2: {  	[dreg:$0x5] =	wrdreg $0x9  }
0xb3: {  	_ =	task.clear_ibuf [dreg:s8], $0x6FFFF;
	_ =	strace $0x90000046  }
0xb4: {  	s29 =	simm.s32 $0x9;
	_ =	strace $0x80000048  }
0xb5: {  	_ =	swait.ge [sflag:s29], $0x1  }
0xb6: {  	[sflag:s29] =	ssyncadd.s32 $0xFFFFFFFF  }
0xb7: {  	_ =	strace $0x90000048  }
0xb8: {  	_ =	sfence  }
0xb9: {  	s30 =	sld [smem:$0x0];
	_ =	sdelay $0x2  }
0xba: {  	s31 =	sshll.u32 s1, $0xD;
	s1 =	sshrl.u32 s1, $0x2  }
0xbb: {  	s3 =	sand.u32 $0x4000, s31;
	s1 =	sadd.s32 s1, s30  }
0xbc: {  	s0 =	sor.u32 s3, s0;
	s1 =	sshll.u32 s1, $0x11  }
0xbd: {  	s0 =	sor.u32 s1, s0  }
0xbe: {  	s0 =	sadd.s32 $0x8F2B, s0  }
0xbf: {  	[sflag:s0] =	ssyncadd.remote.s32 $0x1  }
0xc0: {  	_ =	sfence.sel $0xFFFF  }
0xc1: {  	[dreg:$0x0] =	wrdreg $0xFFFFFFFF;
	(pc) =	sbr.abs _section_cstart, $3  }
0xc2: {  	[dreg:$0x1] =	wrdreg $0xFFFFFFFF  }
0xc3: {  	_ =	task.clear_ibuf [dreg:s8], $0x2FFFF;
	_ =	strace $0x9FFFFFFF  }
0xc4: {  	(tm) =	ssettm $0x7FFFFFFF  }
0xc5: {  	_ =	shalt  }
tec
execute0_lowered:
.L_overlay_start_1:
0x0: {  	(tag) =	ssettag $0x1  }
0x1: {  	v0 =	vimm.s32 $0xFEDCBA98;
	v1 =	vimm.s32 $0x76543210;
	v2 =	vimm.s32 $0xBA98FEDC  }
0x2: {  	s0 =	rddreg [dreg:$0x0];
	v3 =	vimm.s32 $0x32107654;
	v4 =	vimm.s32 $0xDCFE98BA;
	v5 =	vimm.s32 $0x54761032  }
0x3: {  	s4 =	rddreg [dreg:$0x1];
	v6 =	vimm.s32 $0xEFCDAB89;
	v7 =	vimm.s32 $0x67452301;
	v0 =	vunpack.c.l.s4.s8 v0  }
0x4: {  	s2 =	srdreg.scid;
	s1 =	stileid.u32;
	v1 =	vunpack.c.l.s4.s8 v1;
	v2 =	vunpack.c.l.s4.s8 v2;
	v3 =	vunpack.c.l.s4.s8 v3  }
0x5: {  	s6 =	rddreg [dreg:$0x2];
	s3 =	simm.s32 $0x0;
	s10 =	simm.s32 $0x50;
	v4 =	vunpack.c.l.s4.s8 v4;
	v5 =	vunpack.c.l.s4.s8 v5;
	v6 =	vunpack.c.l.s4.s8 v6  }
0x6: {  	s11 =	simm.s32 $0x8000;
	s12 =	simm.s32 $0xA800;
	s13 =	simm.s32 $0xD000;
	v7 =	vunpack.c.l.s4.s8 v7;
	v0 =	vunpack.c.0.s8.s32 v0;
	v2 =	vunpack.c.0.s8.s32 v2  }
0x7: {  	s14 =	simm.s32 $0xF800;
	s15 =	simm.s32 $0x1;
	s16 =	simm.s32 $0x2;
	v3 =	vunpack.c.0.s8.s32 v3;
	v4 =	vunpack.c.0.s8.s32 v4;
	v1 =	vunpack.c.0.s8.s32 v1  }
0x8: {  	s17 =	simm.s32 $0x3;
	s18 =	simm.s32 $0x4;
	s19 =	simm.s32 $0x12000;
	v5 =	vunpack.c.0.s8.s32 v5;
	v6 =	vunpack.c.0.s8.s32 v6;
	v0 =	vand.u32 $0xF, v0  }
0x9: {  	s5 =	sand.u32 $0x1, s2;
	s7 =	sshll.u32 s1, $0x1;
	s2 =	rddreg [dreg:$0x3];
	v7 =	vunpack.c.0.s8.s32 v7;
	v2 =	vcombine.low v3, v2;
	v16 =	vcombine.low v0, v1  }
0xa: {  	s20 =	simm.s32 $0x0;
	[smem:$0x7FF] =	sst s3;
	s7 =	sor.u32 s5, s7;
	v62 =	vcombine.low v5, v4  }
0xb: {  	s5 =	ssub.s32 $0x2, s5;
	_ =	strace $0x80000047;
	s8 =	sshll.u32 s7, $0xB;
	v63 =	vcombine.low v7, v6;
	v19 =	vand.u32 $0xF, v2;
	[tilespmem:$0x1FFC0] =	vst v16  }
0xc: {  	vm0 =	vcmask $0x320;
	vm1 =	vcmask $0x720;
	s9 =	sshrl.u32 s5, $0x1;
	s7 =	smul.u32 $0x4E2, s7;
	s4 =	sadd.s32 s4, s8;
	v55 =	vand.u32 $0xF, v62;
	[tilespmem:$0x1FFD0] =	vst v19  }
0xd: {  	vm2 =	vcmask $0xB20;
	vm3 =	vcmask $0xF20;
	s31 =	ssub.s32 s5, s9;
	s8 =	simm.s32 $0x5;
	s9 =	simm.s32 $0x4000;
	v14 =	vand.u32 $0xF, v63;
	[tilespmem:$0x1FFE0] =	vst v55  }
0xe: {  	vm4 =	vcmask $0x1320;
	vm5 =	vcmask $0x1720;
	vm6 =	vcmask $0x1B20;
	s5 =	sadd.s32 $0x10000, s4;
	s6 =	sadd.s32 s6, s7;
	s7 =	smax.u32 s31, $0x1;
	[tilespmem:$0x1FFF0] =	vst v14  }
.LBB2_1:
0xf: {  	[tilespmem:s3], [sflag:$0x5] =	stream.linear.gather [hbm4b:s5+s3], $0x3E80, $0x38;
	[tilespmem:$0x14780] =	vst v63  }
0x10: {  	_ =	swait.ge [sflag:s8], $0x3E80  }
0x11: {  	[sflag:s8] =	ssyncset.done $0x0  }
0x12: {  	[sflag:s8] =	ssyncadd.s32 $0xFFFFC180  }
0x13: {  	[tilespmem:s9], [sflag:$0x5] =	stream.linear.gather [hbm4b:s4+s3], $0x3E80, $0x38;
	[tilespmem:$0x14780] =	vst v63  }
0x14: {  	_ =	swait.ge [sflag:s8], $0x3E80  }
0x15: {  	[sflag:s8] =	ssyncset.done $0x0  }
0x16: {  	[sflag:s8] =	ssyncadd.s32 $0xFFFFC180  }
0x17: {  	[tilespmem:s11], [sflag:$0x1] =	stream.indirect.gather [hbm4b:s0+s10], $0x80, s3, s10, $0xb8;
	[tilespmem:$0x14780] =	vst v63  }
0x18: {  	s21 =	simm.s32 $0x0  }
0x19: {  	[tilespmem:s12], [sflag:$0x2] =	stream.indirect.gather [hbm4b:s0+s10], $0x80, s9, s10, $0xb8;
	[tilespmem:$0x14780] =	vst v63  }
.LBB2_2:
0x1a: {  	s22 =	sshllo.u32 s21, $0x1  }
0x1b: {  	s23 =	sshll.u32 s22, $0x7  }
0x1c: {  	[tilespmem:s13], [sflag:$0x3] =	stream.indirect.gather [hbm4b:s0+s10], $0x80, s23, s10, $0xb8;
	[tilespmem:$0x14780] =	vst v63  }
0x1d: {  	s23 =	sadd.s32 $0x4000, s23  }
0x1e: {  	[tilespmem:s14], [sflag:$0x4] =	stream.indirect.gather [hbm4b:s0+s10], $0x80, s23, s10, $0xb8;
	[tilespmem:$0x14780] =	vst v63  }
0x1f: {  	_ =	swait.ge [sflag:s15], $0x2800  }
0x20: {  	[sflag:s15] =	ssyncset.done $0x0  }
0x21: {  	[sflag:s15] =	ssyncadd.s32 $0xFFFFD800  }
0x22: {  	_ =	swait.ge [sflag:s16], $0x2800  }
0x23: {  	[sflag:s16] =	ssyncset.done $0x0  }
0x24: {  	s24 =	simm.s32 $0x8200;
	[sflag:s16] =	ssyncadd.s32 $0xFFFFD800  }
0x25: {  	s23 =	simm.s32 $0xAA00;
	v26 =	vld [tilespmem:s24+$0x1F0]  }
0x26: {  	v25 =	vld [tilespmem:s23+$0x1F0]  }
0x27: {  	v0 =	vld [tilespmem:s24+$0x170]  }
0x28: {  	v19 =	vld [tilespmem:s24+$0x1E0]  }
0x29: {  	v18 =	vld [tilespmem:s23+$0x1E0]  }
0x2a: {  	v23 =	vld [tilespmem:s24+$0x1D0]  }
0x2b: {  	v24 =	vld [tilespmem:s23+$0x1D0]  }
0x2c: {  	v28 =	vld [tilespmem:s24+$0x70]  }
0x2d: {  	v27 =	vld [tilespmem:s23+$0x70]  }
0x2e: {  	v29 =	vld [tilespmem:s24+$0x150]  }
0x2f: {  	v30 =	vld [tilespmem:s23+$0x150]  }
0x30: {  	v31 =	vld [tilespmem:s24+$0x1C0]  }
0x31: {  	v32 =	vld [tilespmem:s23+$0x1C0]  }
0x32: {  	[tilespmem:$0x1FE80] =	vst v0;
	v0 =	vld [tilespmem:s23+$0x170]  }
0x33: {  	v33 =	vld [tilespmem:s24+$0x60]  }
0x34: {  	v34 =	vld [tilespmem:s23+$0x60]  }
0x35: {  	v35 =	vld [tilespmem:s24+$0xD0]  }
0x36: {  	v36 =	vld [tilespmem:s23+$0xD0]  }
0x37: {  	[tilespmem:$0x1FE90] =	vst v0;
	v0 =	vld [tilespmem:s24+$0xF0]  }
0x38: {  	v37 =	vld [tilespmem:s24+$0x140]  }
0x39: {  	v38 =	vld [tilespmem:s23+$0x140]  }
0x3a: {  	v39 =	vld [tilespmem:s24+$0x1B0]  }
0x3b: {  	v40 =	vld [tilespmem:s23+$0x1B0]  }
0x3c: {  	[tilespmem:$0x1FEA0] =	vst v0;
	v0 =	vld [tilespmem:s23+$0xF0]  }
0x3d: {  	v41 =	vld [tilespmem:s24+$0xFFFFFFE0]  }
0x3e: {  	v42 =	vld [tilespmem:s23+$0xFFFFFFE0]  }
0x3f: {  	v43 =	vld [tilespmem:s24+$0x50]  }
0x40: {  	v44 =	vld [tilespmem:s23+$0x50]  }
0x41: {  	[tilespmem:$0x1FEB0] =	vst v0;
	v0 =	vld [tilespmem:s24+$0x160]  }
0x42: {  	v45 =	vld [tilespmem:s24+$0xC0]  }
0x43: {  	v46 =	vld [tilespmem:s23+$0xC0]  }
0x44: {  	v47 =	vld [tilespmem:s24+$0x130]  }
0x45: {  	v48 =	vld [tilespmem:s23+$0x130]  }
0x46: {  	[tilespmem:$0x1FEC0] =	vst v0;
	v0 =	vld [tilespmem:s23+$0x160]  }
0x47: {  	v49 =	vld [tilespmem:s24+$0x1A0]  }
0x48: {  	v50 =	vld [tilespmem:s23+$0x1A0]  }
0x49: {  	v51 =	vld [tilespmem:s24+$0xFFFFFFD0]  }
0x4a: {  	v52 =	vld [tilespmem:s23+$0xFFFFFFD0]  }
0x4b: {  	[tilespmem:$0x1FED0] =	vst v0;
	v0 =	vld [tilespmem:s24+$0xE0]  }
0x4c: {  	v53 =	vld [tilespmem:s24+$0x40]  }
0x4d: {  	v54 =	vld [tilespmem:s23+$0x40]  }
0x4e: {  	v55 =	vld [tilespmem:s24+$0xB0]  }
0x4f: {  	v56 =	vld [tilespmem:s23+$0xB0]  }
0x50: {  	[tilespmem:$0x1FEE0] =	vst v0;
	v0 =	vld [tilespmem:s23+$0xE0]  }
0x51: {  	v57 =	vld [tilespmem:s24+$0x120]  }
0x52: {  	v58 =	vld [tilespmem:s23+$0x120]  }
0x53: {  	v1 =	vld [tilespmem:s24+$0x180]  }
0x54: {  	v3 =	vld [tilespmem:s23+$0x180]  }
0x55: {  	[tilespmem:$0x1FEF0] =	vst v0;
	v0 =	vld [tilespmem:s24+$0xFFFFFFF0]  }
0x56: {  	v59 =	vld [tilespmem:s24+$0x190]  }
0x57: {  	v60 =	vld [tilespmem:s23+$0x190]  }
0x58: {  	v61 =	vld [tilespmem:s24+$0xFFFFFFC0]  }
0x59: {  	v62 =	vld [tilespmem:s23+$0xFFFFFFC0]  }
0x5a: {  	[tilespmem:$0x1FFA0] =	vst v0;
	v0 =	vld [tilespmem:s24+$0xFFFFFF70]  }
0x5b: {  	v63 =	vld [tilespmem:s24+$0x30]  }
0x5c: {  	v22 =	vld [tilespmem:s23+$0x30]  }
0x5d: {  	v11 =	vld [tilespmem:s24+$0xA0]  }
0x5e: {  	v10 =	vld [tilespmem:s23+$0xA0]  }
0x5f: {  	[tilespmem:$0x1FF90] =	vst v0;
	v0 =	vld [tilespmem:s24+$0xFFFFFE70]  }
0x60: {  	v5 =	vld [tilespmem:s24+$0x100]  }
0x61: {  	v4 =	vld [tilespmem:s23+$0x100]  }
0x62: {  	v2 =	vld [tilespmem:s24+$0x110]  }
0x63: {  	v21 =	vld [tilespmem:s24+$0xFFFFFE50]  }
0x64: {  	[tilespmem:$0x1FF70] =	vst v0;
	v0 =	vld [tilespmem:s23+$0xFFFFFE70]  }
0x65: {  	v20 =	vld [tilespmem:s23+$0xFFFFFE50]  }
0x66: {  	v6 =	vld [tilespmem:s24+$0xFFFFFED0]  }
0x67: {  	v17 =	vld [tilespmem:s24+$0xFFFFFF40]  }
0x68: {  	v16 =	vld [tilespmem:s23+$0xFFFFFFB0]  }
0x69: {  	[tilespmem:$0x1FF80] =	vst v0;
	v0 =	vld [tilespmem:s24+$0xFFFFFF60]  }
0x6a: {  	v13 =	vld [tilespmem:s24+$0x20]  }
0x6b: {  	v12 =	vld [tilespmem:s23+$0x20]  }
0x6c: {  	v9 =	vld [tilespmem:s24+$0x80]  }
0x6d: {  	v8 =	vld [tilespmem:s23+$0x80]  }
0x6e: {  	[tilespmem:$0x1FF60] =	vst v0;
	v0 =	vld [tilespmem:s24+$0xFFFFFE60]  }
0x6f: {  	v7 =	vld [tilespmem:s24+$0x90]  }
0x70: {  	v15 =	vld [tilespmem:s24+$0xFFFFFE40]  }
0x71: {  	v14 =	vld [tilespmem:s23+$0xFFFFFE40]  }
0x72: {  	[tilespmem:$0x1FF00] =	vst v17;
	v17 =	vld [tilespmem:s24+$0xFFFFFFB0]  }
0x73: {  	[tilespmem:$0x1FF30] =	vst v0;
	v0 =	vld [tilespmem:s23+$0xFFFFFE60]  }
0x74: {  	[tilespmem:$0x1FF10] =	vst v6;
	v6 =	vld [tilespmem:s23+$0x90]  }
0x75: {  	v60 =	vmul.f32 v60, v59;
	v59 =	vld [tilespmem:s24+$0xFFFFFEC0]  }
0x76: {  	v1 =	vmul.f32 v3, v1;
	v3 =	vld [tilespmem:s24+$0xFFFFFF30]  }
0x77: {  	v49 =	vmul.f32 v50, v49;
	v50 =	vld [tilespmem:s24+$0xFFFFFFA0]  }
0x78: {  	[tilespmem:$0x1FF40] =	vst v0;
	v0 =	vld [tilespmem:s24+$0xFFFFFEE0]  }
0x79: {  	v39 =	vmul.f32 v40, v39;
	v40 =	vld [tilespmem:s24+$0x0]  }
0x7a: {  	v31 =	vmul.f32 v32, v31;
	v32 =	vld [tilespmem:s24+$0x10]  }
0x7b: {  	v4 =	vmul.f32 v4, v5;
	v5 =	vld [tilespmem:s23+$0x10]  }
0x7c: {  	v18 =	vmul.f32 v18, v19;
	v19 =	vld [tilespmem:s24+$0xFFFFFEB0]  }
0x7d: {  	[tilespmem:$0x1FF50] =	vst v0;
	v0 =	vld [tilespmem:s24+$0xFFFFFF50]  }
0x7e: {  	v29 =	vmul.f32 v30, v29;
	v30 =	vld [tilespmem:s23+$0xFFFFFF90];
	v35 =	vmul.f32 v36, v35  }
0x7f: {  	v36 =	vmul.f32 v42, v41;
	v42 =	vld [tilespmem:s23+$0xFFFFFF00];
	v8 =	vmul.f32 v8, v9  }
0x80: {  	v9 =	vmul.f32 v54, v53;
	v54 =	vmul.f32 v10, v11;
	v11 =	vld [tilespmem:s24+$0xFFFFFE10]  }
0x81: {  	v53 =	vmul.f32 v22, v63;
	v22 =	vld [tilespmem:s23+$0xFFFFFF70];
	v1 =	vadd.f32 v60, v1  }
0x82: {  	[tilespmem:$0x1FF20] =	vst v0;
	v0 =	vld [tilespmem:s23+$0x110]  }
0x83: {  	v60 =	vld [tilespmem:s23+$0xFFFFFFA0];
	v1 =	vadd.f32 v49, v1  }
0x84: {  	v49 =	vld [tilespmem:s23+$0x0]  }
0x85: {  	v1 =	vadd.f32 v39, v1;
	v39 =	vmul.f32 v25, v26;
	v26 =	vld [tilespmem:s24+$0xFFFFFF90]  }
0x86: {  	v6 =	vmul.f32 v6, v7;
	v7 =	vld [tilespmem:s23+$0xFFFFFE00]  }
0x87: {  	v5 =	vmul.f32 v5, v32;
	v32 =	vld [tilespmem:s23+$0xFFFFFE10];
	v0 =	vmul.f32 v0, v2  }
0x88: {  	v25 =	vld [tilespmem:s23+$0xFFFFFF80];
	v6 =	vadd.f32 v6, v8;
	v8 =	vmul.f32 v62, v61;
	v1 =	vadd.f32 v31, v1  }
0x89: {  	v61 =	vld [tilespmem:s23+$0xFFFFFEA0];
	v31 =	vmul.f32 v58, v57;
	v2 =	vmul.f32 v24, v23;
	v0 =	vadd.f32 v0, v4  }
0x8a: {  	v63 =	vmul.f32 v30, v26;
	v58 =	vld [tilespmem:$0x1FED0]  }
0x8b: {  	v30 =	vld [tilespmem:$0x1FF70];
	v1 =	vadd.f32 v2, v1;
	v2 =	vmul.f32 v48, v47;
	v0 =	vadd.f32 v31, v0  }
0x8c: {  	v26 =	vld [tilespmem:$0x1FF50]  }
0x8d: {  	v47 =	vld [tilespmem:$0x1FE80];
	v0 =	vadd.f32 v2, v0;
	v2 =	vmul.f32 v38, v37  }
0x8e: {  	v48 =	vld [tilespmem:$0x1FE90]  }
0x8f: {  	v57 =	vadd.f32 v2, v0;
	v0 =	vld [tilespmem:$0x1FEA0]  }
0x90: {  	v2 =	vld [tilespmem:$0x1FEB0]  }
0x91: {  	v23 =	vld [tilespmem:s24+$0xFFFFFE30]  }
0x92: {  	v24 =	vld [tilespmem:s23+$0xFFFFFE30]  }
0x93: {  	v1 =	vadd.f32 v18, v1;
	v18 =	vld [tilespmem:s24+$0xFFFFFF80]  }
0x94: {  	v4 =	vmul.f32 v48, v47;
	v48 =	vld [tilespmem:$0x1FFC0]  }
0x95: {  	v2 =	vmul.f32 v2, v0;
	v0 =	vld [tilespmem:$0x1FEC0]  }
0x96: {  	v31 =	vld [tilespmem:s24+$0xFFFFFF20]  }
0x97: {  	v1 =	vadd.f32 v39, v1;
	v39 =	vld [tilespmem:s24+$0xFFFFFE20]  }
0x98: {  	v37 =	vld [tilespmem:$0x1FEF0];
	v18 =	vmul.f32 v25, v18  }
0x99: {  	v57 =	vadd.f32 v29, v57;
	v29 =	vmul.f32 v34, v33;
	v34 =	vld [tilespmem:s24+$0xFFFFFEA0];
	v38 =	vperm.xlane v1, v48  }
0x9a: {  	v18 =	vadd.f32 v63, v18;
	v63 =	vld [tilespmem:s23+$0xFFFFFEF0];
	v47 =	vmul.f32 v58, v0  }
0x9b: {  	v1 =	vadd.f32 v1, v38;
	v38 =	vmul.f32 v44, v43;
	v44 =	vld [tilespmem:s24+$0xFFFFFF10]  }
0x9c: {  	v0 =	vmul.f32 v27, v28;
	v27 =	vadd.f32 v47, v57;
	v47 =	vld [tilespmem:$0x1FFD0]  }
0x9d: {  	v43 =	vmul.f32 v46, v45;
	v45 =	vld [tilespmem:s24+$0xFFFFFE00]  }
0x9e: {  	v40 =	vmul.f32 v49, v40;
	v28 =	vld [tilespmem:s23+$0xFFFFFE20]  }
0x9f: {  	v49 =	vmul.f32 v12, v13;
	v58 =	vld [tilespmem:$0x1FEE0]  }
0xa0: {  	v5 =	vadd.f32 v5, v40;
	v4 =	vadd.f32 v4, v27;
	v27 =	vmul.f32 v52, v51;
	v51 =	vld [tilespmem:$0x1FFE0]  }
0xa1: {  	v46 =	vld [tilespmem:s23+$0xFFFFFEC0];
	v57 =	vperm.xlane v1, v47  }
0xa2: {  	v5 =	vadd.f32 v49, v5;
	v49 =	vmul.f32 v61, v34;
	v34 =	vld [tilespmem:$0x1FF90]  }
0xa3: {  	v52 =	vld [tilespmem:s23+$0xFFFFFE80];
	v1 =	vadd.f32 v1, v57  }
0xa4: {  	v33 =	vmul.f32 v37, v58;
	v37 =	vld [tilespmem:s24+$0xFFFFFF00];
	v58 =	vperm.xlane v4, v48  }
0xa5: {  	v62 =	vmul.f32 v28, v39;
	v39 =	vld [tilespmem:s23+$0xFFFFFF20];
	v57 =	vperm.xlane v1, v51  }
0xa6: {  	v11 =	vmul.f32 v32, v11;
	v7 =	vmul.f32 v7, v45;
	v28 =	vld [tilespmem:$0x1FF60];
	v41 =	vadd.f32 v4, v58  }
0xa7: {  	v58 =	vmul.f32 v56, v55;
	v55 =	vld [tilespmem:s24+$0xFFFFFE90];
	v4 =	vadd.f32 v1, v57;
	v1 =	vadd.f32 v54, v6  }
0xa8: {  	v7 =	vadd.f32 v11, v7;
	v56 =	vld [tilespmem:s23+$0xFFFFFE90]  }
0xa9: {  	v1 =	vadd.f32 v58, v1;
	v58 =	vld [tilespmem:s23+$0xFFFFFF10]  }
0xaa: {  	v7 =	vadd.f32 v62, v7;
	v62 =	vld [tilespmem:$0x1FF10]  }
0xab: {  	v20 =	vmul.f32 v20, v21;
	v16 =	vmul.f32 v16, v17;
	v6 =	vld [tilespmem:s24+$0xFFFFFE80]  }
0xac: {  	v45 =	vmul.f32 v42, v37;
	v57 =	vmul.f32 v60, v50;
	v50 =	vld [tilespmem:s23+$0xFFFFFF40]  }
0xad: {  	v54 =	vperm.xlane v41, v47;
	v60 =	vmul.f32 v24, v23;
	v1 =	vadd.f32 v43, v1;
	v43 =	vld [tilespmem:s23+$0xFFFFFF30]  }
0xae: {  	v10 =	vmul.f32 v56, v55;
	v55 =	vld [tilespmem:s23+$0xFFFFFF50];
	v21 =	vmul.f32 v58, v44  }
0xaf: {  	v5 =	vadd.f32 v53, v5;
	v53 =	vmul.f32 v39, v31;
	v7 =	vadd.f32 v60, v7;
	v60 =	vld [tilespmem:$0x1FF00]  }
0xb0: {  	v17 =	vadd.f32 v41, v54;
	v41 =	vld [tilespmem:s23+$0xFFFFFEB0];
	v6 =	vmul.f32 v52, v6;
	v52 =	vadd.f32 v21, v45  }
0xb1: {  	v21 =	vld [tilespmem:$0x1FF20]  }
0xb2: {  	v14 =	vmul.f32 v14, v15;
	v23 =	vld [tilespmem:$0x1FF30];
	v3 =	vmul.f32 v43, v3;
	v13 =	vadd.f32 v53, v52  }
0xb3: {  	v5 =	vadd.f32 v9, v5;
	v6 =	vadd.f32 v10, v6;
	v58 =	vmul.f32 v46, v59;
	v59 =	vld [tilespmem:s23+$0xFFFFFF60]  }
0xb4: {  	v54 =	vld [tilespmem:s23+$0xFFFFFED0];
	v56 =	vadd.f32 v57, v18;
	v11 =	vmul.f32 v50, v60;
	v3 =	vadd.f32 v3, v13  }
0xb5: {  	v5 =	vadd.f32 v38, v5;
	v24 =	vld [tilespmem:$0x1FF40];
	v9 =	vmul.f32 v41, v19;
	v6 =	vadd.f32 v49, v6  }
0xb6: {  	v57 =	vld [tilespmem:s23+$0xFFFFFEE0];
	v12 =	vadd.f32 v16, v56;
	v10 =	vmul.f32 v55, v21;
	v3 =	vadd.f32 v11, v3  }
0xb7: {  	v61 =	vld [tilespmem:s24+$0xFFFFFEF0];
	v7 =	vadd.f32 v14, v7;
	v6 =	vadd.f32 v9, v6  }
0xb8: {  	v31 =	vld [tilespmem:$0x1FF80];
	v1 =	vadd.f32 v35, v1;
	v3 =	vadd.f32 v10, v3;
	v10 =	vmul.f32 v59, v28  }
0xb9: {  	v8 =	vadd.f32 v8, v12;
	v9 =	vmul.f32 v54, v62;
	v6 =	vadd.f32 v58, v6  }
0xba: {  	v25 =	vld [tilespmem:s23+$0xFFFFFFF0];
	v12 =	vmul.f32 v24, v23;
	v3 =	vadd.f32 v10, v3;
	v10 =	vmul.f32 v22, v34  }
0xbb: {  	v7 =	vadd.f32 v20, v7;
	v35 =	vld [tilespmem:$0x1FFA0];
	v15 =	vmul.f32 v57, v26;
	v6 =	vadd.f32 v9, v6  }
0xbc: {  	v5 =	vadd.f32 v29, v5;
	v32 =	vmul.f32 v63, v61;
	v3 =	vadd.f32 v10, v3  }
0xbd: {  	v16 =	vmul.f32 v31, v30;
	v7 =	vadd.f32 v12, v7;
	v6 =	vadd.f32 v15, v6  }
0xbe: {  	v8 =	vadd.f32 v27, v8;
	v1 =	vadd.f32 v33, v1;
	v38 =	vperm.xlane v3, v48  }
0xbf: {  	v7 =	vadd.f32 v16, v7;
	v6 =	vadd.f32 v32, v6  }
0xc0: {  	v8 =	vadd.f32 v36, v8;
	v9 =	vmul.f32 v25, v35;
	v3 =	vadd.f32 v3, v38  }
0xc1: {  	v0 =	vadd.f32 v0, v5;
	v36 =	vperm.xlane v7, v48;
	v37 =	vperm.xlane v6, v48  }
0xc2: {  	v1 =	vadd.f32 v2, v1;
	v8 =	vadd.f32 v9, v8;
	v43 =	vperm.xlane v3, v47  }
0xc3: {  	v40 =	vperm.xlane v0, v48;
	v2 =	vadd.f32 v7, v36;
	v6 =	vadd.f32 v6, v37  }
0xc4: {  	v39 =	vperm.xlane v8, v48;
	v3 =	vadd.f32 v3, v43  }
0xc5: {  	v0 =	vadd.f32 v0, v40;
	v10 =	vperm.xlane v2, v47;
	v42 =	vperm.xlane v6, v47  }
0xc6: {  	v41 =	vperm.xlane v1, v48;
	v7 =	vadd.f32 v8, v39;
	v50 =	vperm.xlane v3, v51  }
0xc7: {  	v46 =	vperm.xlane v0, v47;
	v2 =	vadd.f32 v2, v10;
	v44 =	vadd.f32 v6, v42  }
0xc8: {  	v1 =	vadd.f32 v1, v41;
	v45 =	vperm.xlane v7, v47;
	v3 =	vadd.f32 v3, v50;
	v50 =	vld [tilespmem:$0x1FFF0]  }
0xc9: {  	v0 =	vadd.f32 v0, v46;
	v10 =	vperm.xlane v2, v51;
	v49 =	vperm.xlane v44, v51  }
0xca: {  	v48 =	vperm.xlane v1, v47;
	v6 =	vadd.f32 v7, v45  }
0xcb: {  	v53 =	vperm.xlane v0, v51;
	v2 =	vadd.f32 v2, v10;
	v5 =	vadd.f32 v44, v49  }
0xcc: {  	s24 =	simm.s32 $0x0;
	v56 =	vperm.xlane v17, v51;
	v1 =	vadd.f32 v1, v48;
	v52 =	vperm.xlane v6, v51  }
0xcd: {  	s25 =	sand.u32 $0x1, s24;
	v0 =	vadd.f32 v0, v53;
	v10 =	vperm.xlane v2, v50;
	v55 =	vperm.xlane v5, v50  }
0xce: {  	p0 =	seq.s32 s25, $0x0;
	v54 =	vperm.xlane v1, v51;
	v6 =	vadd.f32 v6, v52;
	v57 =	vperm.xlane v3, v50  }
0xcf: {  	v7 =	vimm.s32 @!p0 $0x76543210;
	v2 =	vadd.f32 v2, v10;
	v5 =	vadd.f32 v5, v55  }
0xd0: {  	v59 =	vadd.f32 v17, v56;
	v7 =	vunpack.c.l.s4.s8 @!p0 v7;
	v3 =	vadd.f32 v3, v57  }
0xd1: {  	v1 =	vadd.f32 v1, v54;
	v58 =	vperm.xlane v6, v50;
	v2 =	vsel vm0, v2, v5  }
0xd2: {  	v60 =	vperm.xlane v0, v50;
	v2 =	vsel vm1, v2, v3;
	v3 =	vimm.s32 @!p0 $0xFEDCBA98  }
0xd3: {  	v61 =	vperm.xlane v1, v50;
	v6 =	vadd.f32 v6, v58;
	v3 =	vunpack.c.l.s4.s8 @!p0 v3  }
0xd4: {  	v62 =	vperm.xlane v59, v50;
	v63 =	vperm.xlane v4, v50;
	v0 =	vadd.f32 v0, v60  }
0xd5: {  	v1 =	vadd.f32 v1, v61;
	v2 =	vsel vm2, v2, v6;
	v3 =	vunpack.c.0.s8.s32 @!p0 v3  }
0xd6: {  	v6 =	vunpack.c.0.s8.s32 @!p0 v7;
	v0 =	vsel vm3, v2, v0;
	v2 =	vadd.f32 v59, v62  }
0xd7: {  	v0 =	vsel vm4, v0, v1;
	v1 =	vadd.f32 v4, v63;
	v3 =	vand.u32 @!p0 $0xF, v3  }
0xd8: {  	v0 =	vsel vm5, v0, v2;
	v2 =	vcombine.low @!p0 v3, v6  }
0xd9: {  	v0 =	vsel vm6, v0, v1  }
0xda: {  	v1 =	vperm.xlane @!p0 v0, v2  }
0xdb: {  	vm7 =	vmmov @!p0 $0xff;
	v2 =	vimm.f32 $0.0e+00  }
0xdc: {  	v1 =	vsel @!p0 vm7, v2, v1  }
0xdd: {  	v1 =	vsub.f32 @!p0 $0.0e+00, v1;
	_ =	sdelay $0x1  }
0xde: {  	v1 =	vmul.f32 @!p0 $1.442695020e+00, v1;
	_ =	sdelay $0x1  }
0xdf: {  	(erf) = vpow2.f32 @!p0 v1;
	_ =	sdelay $0x8  }
0xe0: {  	v1 =	vpop @!p0 (erf)  }
0xe1: {  	v1 =	vadd.f32 @!p0 $1.000000000e+00, v1;
	_ =	sdelay $0x1  }
0xe2: {  	(erf) = vrcp.f32 @!p0 v1  }
0xe3: {  	s31 =	smul.u32 $0x280, s21;
	_ =	sdelay $0x1  }
0xe4: {  	s25 =	sshra.s32 s31, $0x2  }
0xe5: {  	s25 =	sadd.s32 $0x12000, s25  }
0xe6: {  	v2 =	vmov s25;
	_ =	sdelay $0x2  }
0xe7: {  	s25 =	sand.u32 @!p0 $0x1C0, s24  }
0xe8: {  	s25 =	sshrl.u32 @!p0 s25, $0x2;
	[tilespmem:$0x1FFB0] =	vst v2;
	v1 =	vpop @!p0 (erf)  }
0xe9: {  	s26 =	simm.s32 $0x8600;
	[tilespmem:v2+s25+$0x0 ss:$0x1] =	vst.idx.msk @!p0 $0xffff, v1;
	s25 =	simm.s32 $0x1  }
.LBB2_3:
0xea: {  	v1 =	vld [tilespmem:s26+$0x1F0]  }
0xeb: {  	v49 =	vld [tilespmem:s26+$0x170]  }
0xec: {  	v25 =	vld [tilespmem:s26+$0x1E0]  }
0xed: {  	v48 =	vld [tilespmem:s26+$0xF0]  }
0xee: {  	v47 =	vld [tilespmem:s26+$0x1D0]  }
0xef: {  	v33 =	vld [tilespmem:s26+$0x150]  }
0xf0: {  	v23 =	vld [tilespmem:s26+$0x1C0]  }
0xf1: {  	v27 =	vld [tilespmem:s26+$0x60]  }
0xf2: {  	v26 =	vld [tilespmem:s26+$0xD0]  }
0xf3: {  	v58 =	vld [tilespmem:s26+$0x140]  }
0xf4: {  	v15 =	vld [tilespmem:s26+$0x1B0]  }
0xf5: {  	v35 =	vld [tilespmem:s26+$0xFFFFFFE0]  }
0xf6: {  	v37 =	vld [tilespmem:s26+$0x50]  }
0xf7: {  	v38 =	vld [tilespmem:s26+$0xC0]  }
0xf8: {  	v17 =	vld [tilespmem:s26+$0x130]  }
0xf9: {  	v9 =	vld [tilespmem:s26+$0x1A0]  }
0xfa: {  	v42 =	vld [tilespmem:s26+$0xFFFFFE70]  }
0xfb: {  	v54 =	vld [tilespmem:s26+$0xFFFFFFD0]  }
0xfc: {  	v55 =	vld [tilespmem:s26+$0x40]  }
0xfd: {  	s23 =	sadd.s32 $0x400, s23;
	v8 =	vld [tilespmem:s26+$0x120]  }
0xfe: {  	[tilespmem:$0x1FD20] =	vst v1;
	v1 =	vmov v0;
	v0 =	vld [tilespmem:s23+$0x1F0]  }
0xff: {  	v5 =	vld [tilespmem:s26+$0x190]  }
0x100: {  	v46 =	vld [tilespmem:s26+$0xFFFFFFC0]  }
0x101: {  	v24 =	vld [tilespmem:s26+$0xA0]  }
0x102: {  	v4 =	vld [tilespmem:s26+$0x100]  }
0x103: {  	[tilespmem:$0x1FD30] =	vst v0;
	v0 =	vld [tilespmem:s23+$0x170]  }
0x104: {  	v2 =	vld [tilespmem:s26+$0x110]  }
0x105: {  	v60 =	vld [tilespmem:s26+$0xFFFFFE50]  }
0x106: {  	v10 =	vld [tilespmem:s26+$0xFFFFFED0]  }
0x107: {  	v20 =	vld [tilespmem:s26+$0xFFFFFF40]  }
0x108: {  	[tilespmem:$0x1FD40] =	vst v0;
	v0 =	vld [tilespmem:s23+$0xF0]  }
0x109: {  	v62 =	vld [tilespmem:s26+$0xFFFFFFB0]  }
0x10a: {  	v19 =	vld [tilespmem:s26+$0x20]  }
0x10b: {  	v13 =	vld [tilespmem:s26+$0x80]  }
0x10c: {  	v11 =	vld [tilespmem:s26+$0x90]  }
0x10d: {  	[tilespmem:$0x1FD50] =	vst v0;
	v0 =	vld [tilespmem:s26+$0x160]  }
0x10e: {  	v31 =	vld [tilespmem:s23+$0x1E0]  }
0x10f: {  	v51 =	vld [tilespmem:s23+$0x1D0]  }
0x110: {  	v34 =	vld [tilespmem:s23+$0x150]  }
0x111: {  	v22 =	vld [tilespmem:s23+$0x1C0]  }
0x112: {  	[tilespmem:$0x1FD60] =	vst v0;
	v0 =	vld [tilespmem:s23+$0x160]  }
0x113: {  	v30 =	vld [tilespmem:s23+$0x60]  }
0x114: {  	v28 =	vld [tilespmem:s23+$0xD0]  }
0x115: {  	v59 =	vld [tilespmem:s23+$0x140]  }
0x116: {  	v14 =	vld [tilespmem:s23+$0x1B0]  }
0x117: {  	[tilespmem:$0x1FD70] =	vst v0;
	v0 =	vld [tilespmem:s26+$0x70]  }
0x118: {  	v36 =	vld [tilespmem:s23+$0xFFFFFFE0]  }
0x119: {  	v40 =	vld [tilespmem:s23+$0x50]  }
0x11a: {  	v41 =	vld [tilespmem:s23+$0xC0]  }
0x11b: {  	v16 =	vld [tilespmem:s23+$0x130]  }
0x11c: {  	[tilespmem:$0x1FD80] =	vst v0;
	v0 =	vld [tilespmem:s23+$0x70]  }
0x11d: {  	v7 =	vld [tilespmem:s23+$0x1A0]  }
0x11e: {  	v45 =	vld [tilespmem:s23+$0xFFFFFE70]  }
0x11f: {  	v56 =	vld [tilespmem:s23+$0xFFFFFFD0]  }
0x120: {  	v57 =	vld [tilespmem:s23+$0x40]  }
0x121: {  	[tilespmem:$0x1FD90] =	vst v0;
	v0 =	vld [tilespmem:s26+$0xE0]  }
0x122: {  	[tilespmem:$0x1FE70] =	vst v1;
	v1 =	vld [tilespmem:s26+$0xFFFFFE60]  }
0x123: {  	v43 =	vld [tilespmem:s23+$0xB0]  }
0x124: {  	v6 =	vld [tilespmem:s23+$0x120]  }
0x125: {  	v39 =	vld [tilespmem:s23+$0x180]  }
0x126: {  	[tilespmem:$0x1FDA0] =	vst v0;
	v0 =	vld [tilespmem:s23+$0xE0]  }
0x127: {  	[tilespmem:$0x1FDD0] =	vst v1;
	v1 =	vld [tilespmem:s26+$0xFFFFFEE0]  }
0x128: {  	v32 =	vld [tilespmem:s23+$0x190]  }
0x129: {  	v44 =	vld [tilespmem:s23+$0xFFFFFE60]  }
0x12a: {  	v53 =	vld [tilespmem:s23+$0xFFFFFFC0]  }
0x12b: {  	[tilespmem:$0x1FDB0] =	vst v0;
	v0 =	vld [tilespmem:s26+$0xFFFFFFF0]  }
0x12c: {  	[tilespmem:$0x1FE20] =	vst v1;
	v1 =	vld [tilespmem:s26+$0xFFFFFF50]  }
0x12d: {  	v52 =	vld [tilespmem:s23+$0x30]  }
0x12e: {  	v21 =	vld [tilespmem:s23+$0xA0]  }
0x12f: {  	v3 =	vld [tilespmem:s23+$0x100]  }
0x130: {  	[tilespmem:$0x1FE60] =	vst v0;
	v0 =	vld [tilespmem:s26+$0xFFFFFF70]  }
0x131: {  	[tilespmem:$0x1FE10] =	vst v1;
	v1 =	vld [tilespmem:s26+$0x30]  }
0x132: {  	v61 =	vld [tilespmem:s23+$0xFFFFFE50]  }
0x133: {  	v63 =	vld [tilespmem:s23+$0xFFFFFFB0]  }
0x134: {  	v29 =	vld [tilespmem:s23+$0x20]  }
0x135: {  	[tilespmem:$0x1FE50] =	vst v0;
	v0 =	vld [tilespmem:s26+$0xFFFFFEF0]  }
0x136: {  	[tilespmem:$0x1FDE0] =	vst v1;
	v1 =	vld [tilespmem:s23+$0x110]  }
0x137: {  	v12 =	vld [tilespmem:s23+$0x80]  }
0x138: {  	v18 =	vld [tilespmem:s23+$0xFFFFFE40]  }
0x139: {  	[tilespmem:$0x1FE00] =	vst v10;
	v10 =	vld [tilespmem:s23+$0x90]  }
0x13a: {  	[tilespmem:$0x1FE40] =	vst v0;
	v0 =	vld [tilespmem:s26+$0xFFFFFF60]  }
0x13b: {  	[tilespmem:$0x1FDF0] =	vst v20;
	v20 =	vld [tilespmem:s26+$0xFFFFFE40];
	v3 =	vmul.f32 v3, v4;
	v1 =	vmul.f32 v1, v2  }
0x13c: {  	v5 =	vmul.f32 v32, v5;
	v32 =	vld [tilespmem:s26+$0xFFFFFEC0]  }
0x13d: {  	v12 =	vmul.f32 v12, v13;
	v13 =	vld [tilespmem:s26+$0xFFFFFE00];
	v1 =	vadd.f32 v1, v3;
	v3 =	vmul.f32 v6, v8  }
0x13e: {  	v2 =	vld [tilespmem:s26+$0x10]  }
0x13f: {  	v1 =	vadd.f32 v3, v1;
	v3 =	vmul.f32 v16, v17;
	[tilespmem:$0x1FE30] =	vst v0;
	v0 =	vld [tilespmem:s26+$0xB0]  }
0x140: {  	v8 =	vmul.f32 v34, v33;
	v33 =	vld [tilespmem:s26+$0xFFFFFF90]  }
0x141: {  	v34 =	vld [tilespmem:s23+$0xFFFFFF90];
	v1 =	vadd.f32 v3, v1;
	v3 =	vmul.f32 v59, v58  }
0x142: {  	v17 =	vld [tilespmem:$0x1FD20]  }
0x143: {  	v1 =	vadd.f32 v3, v1;
	v3 =	vld [tilespmem:$0x1FD50]  }
0x144: {  	[tilespmem:$0x1FDC0] =	vst v0;
	v0 =	vld [tilespmem:s26+$0x180]  }
0x145: {  	v38 =	vmul.f32 v41, v38;
	v41 =	vmul.f32 v56, v54;
	v56 =	vld [tilespmem:$0x1FDC0]  }
0x146: {  	v58 =	vld [tilespmem:$0x1FD70]  }
0x147: {  	s28 =	sand.u32 $0x1, s25;
	v59 =	vld [tilespmem:$0x1FD80]  }
0x148: {  	p0 =	seq.s32 s28, $0x0;
	v1 =	vadd.f32 v8, v1;
	v3 =	vmul.f32 v3, v48;
	v48 =	vld [tilespmem:$0x1FFC0]  }
0x149: {  	v8 =	vmul.f32 v30, v27;
	v30 =	vimm.s32 @!p0 $0x76543210;
	v0 =	vmul.f32 v39, v0;
	v39 =	vld [tilespmem:s26+$0xFFFFFF30]  }
0x14a: {  	v11 =	vmul.f32 v10, v11;
	v10 =	vunpack.c.l.s4.s8 @!p0 v30;
	v30 =	vmul.f32 v43, v56;
	v56 =	vld [tilespmem:$0x1FFE0]  }
0x14b: {  	v0 =	vadd.f32 v5, v0;
	v5 =	vmul.f32 v7, v9;
	v7 =	vld [tilespmem:s26+$0xFFFFFFA0]  }
0x14c: {  	v9 =	vld [tilespmem:s23+$0xFFFFFFA0]  }
0x14d: {  	v0 =	vadd.f32 v5, v0;
	v5 =	vmul.f32 v14, v15;
	v14 =	vld [tilespmem:s26+$0x0]  }
0x14e: {  	v15 =	vmul.f32 v22, v23;
	v23 =	vmul.f32 v51, v47;
	v47 =	vld [tilespmem:s23+$0x10]  }
0x14f: {  	v51 =	vmul.f32 v31, v25;
	v31 =	vld [tilespmem:$0x1FD40]  }
0x150: {  	v22 =	vld [tilespmem:s23+$0x0];
	v0 =	vadd.f32 v5, v0  }
0x151: {  	v25 =	vld [tilespmem:s23+$0xFFFFFE30]  }
0x152: {  	v0 =	vadd.f32 v15, v0;
	v15 =	vld [tilespmem:s26+$0xFFFFFE30]  }
0x153: {  	v2 =	vmul.f32 v47, v2;
	v47 =	vld [tilespmem:$0x1FDD0]  }
0x154: {  	v5 =	vmul.f32 v31, v49;
	v31 =	vld [tilespmem:s23+$0xFFFFFF80]  }
0x155: {  	v4 =	vadd.f32 v23, v0;
	v23 =	vld [tilespmem:$0x1FD30]  }
0x156: {  	v49 =	vld [tilespmem:$0x1FDB0]  }
0x157: {  	v0 =	vld [tilespmem:s26+$0xFFFFFEB0]  }
0x158: {  	v14 =	vmul.f32 v22, v14;
	v4 =	vadd.f32 v51, v4;
	v51 =	vld [tilespmem:$0x1FD60];
	v22 =	vmul.f32 v44, v47  }
0x159: {  	v44 =	vmul.f32 v53, v46;
	v53 =	vmul.f32 v29, v19;
	v29 =	vld [tilespmem:s26+$0xFFFFFE90]  }
0x15a: {  	v2 =	vadd.f32 v2, v14;
	v6 =	vmul.f32 v23, v17;
	v23 =	vld [tilespmem:s26+$0xFFFFFF20]  }
0x15b: {  	v17 =	vld [tilespmem:s26+$0xFFFFFF80]  }
0x15c: {  	v2 =	vadd.f32 v53, v2;
	v53 =	vmul.f32 v34, v33;
	v33 =	vld [tilespmem:s23+$0xFFFFFFF0]  }
0x15d: {  	v16 =	vmul.f32 v58, v51;
	v58 =	vld [tilespmem:$0x1FD90]  }
0x15e: {  	v34 =	vld [tilespmem:$0x1FE20];
	v6 =	vadd.f32 v6, v4  }
0x15f: {  	v16 =	vadd.f32 v16, v1;
	v1 =	vmul.f32 v36, v35;
	v35 =	vmul.f32 v40, v37;
	v37 =	vld [tilespmem:s26+$0xFFFFFF00]  }
0x160: {  	v40 =	vld [tilespmem:s23+$0xFFFFFF00]  }
0x161: {  	v51 =	vperm.xlane v6, v48;
	v17 =	vmul.f32 v31, v17;
	v31 =	vld [tilespmem:s23+$0xFFFFFF70]  }
0x162: {  	v4 =	vmul.f32 v58, v59;
	v59 =	vld [tilespmem:$0x1FDA0]  }
0x163: {  	v26 =	vmul.f32 v28, v26;
	v28 =	vadd.f32 v6, v51;
	v51 =	vld [tilespmem:s26+$0xFFFFFEA0]  }
0x164: {  	v6 =	vmul.f32 v45, v42;
	v42 =	vld [tilespmem:s26+$0xFFFFFF10]  }
0x165: {  	v16 =	vadd.f32 v5, v16;
	v45 =	vmul.f32 v57, v55;
	v55 =	vld [tilespmem:s23+$0xFFFFFE00]  }
0x166: {  	v11 =	vadd.f32 v11, v12;
	v57 =	vmul.f32 v21, v24;
	v24 =	vld [tilespmem:s23+$0xFFFFFE10]  }
0x167: {  	v54 =	vperm.xlane v16, v48;
	v27 =	vmul.f32 v49, v59;
	v49 =	vld [tilespmem:$0x1FFD0]  }
0x168: {  	v58 =	vld [tilespmem:s26+$0xFFFFFE20];
	v11 =	vadd.f32 v57, v11  }
0x169: {  	v7 =	vmul.f32 v9, v7;
	v21 =	vadd.f32 v16, v54;
	v54 =	vld [tilespmem:$0x1FDE0]  }
0x16a: {  	v17 =	vadd.f32 v53, v17;
	v11 =	vadd.f32 v30, v11;
	v30 =	vmul.f32 v63, v62;
	v62 =	vld [tilespmem:s23+$0xFFFFFF10]  }
0x16b: {  	v13 =	vmul.f32 v55, v13;
	v55 =	vld [tilespmem:s23+$0xFFFFFF30]  }
0x16c: {  	v7 =	vadd.f32 v7, v17;
	v59 =	vld [tilespmem:s23+$0xFFFFFE20];
	v5 =	vperm.xlane v28, v49  }
0x16d: {  	v36 =	vimm.s32 @!p0 $0xFEDCBA98;
	v63 =	vadd.f32 v38, v11;
	v38 =	vld [tilespmem:s23+$0xFFFFFEA0]  }
0x16e: {  	v36 =	vunpack.c.l.s4.s8 @!p0 v36;
	v7 =	vadd.f32 v30, v7;
	v30 =	vld [tilespmem:$0x1FE00];
	v28 =	vadd.f32 v28, v5  }
0x16f: {  	v9 =	vadd.f32 v26, v63;
	v26 =	vld [tilespmem:s23+$0xFFFFFF60];
	v12 =	vperm.xlane v21, v49  }
0x170: {  	v5 =	vunpack.c.0.s8.s32 @!p0 v36;
	v36 =	vld [tilespmem:s26+$0xFFFFFE10];
	v43 =	vperm.xlane v28, v56  }
0x171: {  	v19 =	vadd.f32 v21, v12;
	v12 =	vmul.f32 v61, v60;
	v61 =	vld [tilespmem:s23+$0xFFFFFE90]  }
0x172: {  	v16 =	vadd.f32 v28, v43;
	v28 =	vld [tilespmem:s26+$0xFFFFFE80]  }
0x173: {  	v43 =	vld [tilespmem:s23+$0xFFFFFE80]  }
0x174: {  	v57 =	vmul.f32 v52, v54;
	v52 =	vld [tilespmem:s23+$0xFFFFFF20]  }
0x175: {  	v14 =	vmul.f32 v18, v20;
	v54 =	vld [tilespmem:s23+$0xFFFFFEB0]  }
0x176: {  	v11 =	vmul.f32 v25, v15;
	v18 =	vmul.f32 v62, v42;
	v2 =	vadd.f32 v57, v2;
	v57 =	vld [tilespmem:s23+$0xFFFFFEC0]  }
0x177: {  	v62 =	vld [tilespmem:s23+$0xFFFFFEE0];
	v47 =	vmul.f32 v59, v58;
	v24 =	vmul.f32 v24, v36  }
0x178: {  	v59 =	vld [tilespmem:s23+$0xFFFFFF40];
	v21 =	vmul.f32 v61, v29;
	v28 =	vmul.f32 v43, v28  }
0x179: {  	v7 =	vadd.f32 v44, v7;
	v9 =	vadd.f32 v27, v9;
	v58 =	vmul.f32 v40, v37;
	v60 =	vld [tilespmem:s23+$0xFFFFFED0]  }
0x17a: {  	v15 =	vmul.f32 v38, v51;
	v29 =	vld [tilespmem:$0x1FDF0];
	v13 =	vadd.f32 v24, v13;
	v21 =	vadd.f32 v21, v28  }
0x17b: {  	v18 =	vadd.f32 v18, v58;
	v23 =	vmul.f32 v52, v23;
	v25 =	vmul.f32 v57, v32;
	v32 =	vld [tilespmem:$0x1FE10]  }
0x17c: {  	v0 =	vmul.f32 v54, v0;
	v61 =	vld [tilespmem:s23+$0xFFFFFF50];
	v13 =	vadd.f32 v47, v13;
	v15 =	vadd.f32 v15, v21  }
0x17d: {  	v63 =	vmul.f32 v55, v39;
	v27 =	vld [tilespmem:s23+$0xFFFFFEF0];
	v7 =	vadd.f32 v41, v7;
	v18 =	vadd.f32 v23, v18  }
0x17e: {  	v36 =	vld [tilespmem:$0x1FE30];
	v11 =	vadd.f32 v11, v13;
	v0 =	vadd.f32 v0, v15  }
0x17f: {  	v37 =	vld [tilespmem:$0x1FE40];
	v1 =	vadd.f32 v1, v7;
	v18 =	vadd.f32 v63, v18;
	v23 =	vmul.f32 v59, v29  }
0x180: {  	v38 =	vld [tilespmem:$0x1FE50];
	v13 =	vmul.f32 v60, v30;
	v11 =	vadd.f32 v14, v11;
	v0 =	vadd.f32 v25, v0  }
0x181: {  	v39 =	vld [tilespmem:$0x1FE60];
	v2 =	vadd.f32 v45, v2;
	v20 =	vmul.f32 v61, v32;
	v18 =	vadd.f32 v23, v18  }
0x182: {  	v11 =	vadd.f32 v12, v11;
	v12 =	vmul.f32 v62, v34;
	v0 =	vadd.f32 v13, v0  }
0x183: {  	v2 =	vadd.f32 v35, v2;
	v35 =	vadd.f32 v20, v18;
	v15 =	vmul.f32 v26, v36  }
0x184: {  	v11 =	vadd.f32 v22, v11;
	v0 =	vadd.f32 v12, v0;
	v12 =	vmul.f32 v27, v37  }
0x185: {  	v3 =	vadd.f32 v3, v9;
	v14 =	vmul.f32 v31, v38;
	v13 =	vadd.f32 v15, v35  }
0x186: {  	v7 =	vmul.f32 v33, v39;
	v6 =	vadd.f32 v6, v11;
	v0 =	vadd.f32 v12, v0  }
0x187: {  	v2 =	vadd.f32 v8, v2;
	v40 =	vadd.f32 v14, v13  }
0x188: {  	v1 =	vadd.f32 v7, v1;
	v42 =	vperm.xlane v6, v48;
	v43 =	vperm.xlane v0, v48  }
0x189: {  	v51 =	vperm.xlane v3, v48;
	v2 =	vadd.f32 v4, v2;
	v44 =	vperm.xlane v40, v48  }
0x18a: {  	v46 =	vperm.xlane v1, v48;
	v45 =	vadd.f32 v6, v42;
	v0 =	vadd.f32 v0, v43  }
0x18b: {  	v41 =	vperm.xlane v19, v56;
	v47 =	vperm.xlane v2, v48;
	v7 =	vadd.f32 v40, v44  }
0x18c: {  	v1 =	vadd.f32 v1, v46;
	v12 =	vperm.xlane v45, v49;
	v13 =	vperm.xlane v0, v49  }
0x18d: {  	v3 =	vadd.f32 v3, v51;
	v2 =	vadd.f32 v2, v47;
	v52 =	vperm.xlane v7, v49  }
0x18e: {  	v53 =	vperm.xlane v1, v49;
	v4 =	vadd.f32 v45, v12;
	v0 =	vadd.f32 v0, v13  }
0x18f: {  	v54 =	vperm.xlane v2, v49;
	v11 =	vperm.xlane v3, v49;
	v6 =	vadd.f32 v7, v52  }
0x190: {  	v1 =	vadd.f32 v1, v53;
	v12 =	vperm.xlane v4, v56;
	v13 =	vperm.xlane v0, v56  }
0x191: {  	v2 =	vadd.f32 v2, v54;
	v3 =	vadd.f32 v3, v11;
	v55 =	vperm.xlane v6, v56  }
0x192: {  	v57 =	vperm.xlane v1, v56;
	v4 =	vadd.f32 v4, v12;
	v0 =	vadd.f32 v0, v13  }
0x193: {  	v58 =	vperm.xlane v2, v56;
	v11 =	vperm.xlane v3, v56;
	v6 =	vadd.f32 v6, v55  }
0x194: {  	v1 =	vadd.f32 v1, v57;
	v12 =	vperm.xlane v4, v50;
	v13 =	vperm.xlane v0, v50  }
0x195: {  	v2 =	vadd.f32 v2, v58;
	v3 =	vadd.f32 v3, v11;
	v59 =	vperm.xlane v6, v50  }
0x196: {  	v60 =	vperm.xlane v1, v50;
	v4 =	vadd.f32 v4, v12;
	v0 =	vadd.f32 v0, v13  }
0x197: {  	v8 =	vadd.f32 v19, v41;
	v61 =	vperm.xlane v2, v50;
	v6 =	vadd.f32 v6, v59  }
0x198: {  	v1 =	vadd.f32 v1, v60;
	v62 =	vperm.xlane v3, v50;
	v0 =	vsel vm0, v4, v0  }
0x199: {  	v63 =	vperm.xlane v8, v50;
	v2 =	vadd.f32 v2, v61;
	v0 =	vsel vm1, v0, v6  }
0x19a: {  	v0 =	vsel vm2, v0, v1;
	v1 =	vadd.f32 v3, v62;
	v3 =	vperm.xlane v16, v50  }
0x19b: {  	v4 =	vunpack.c.0.s8.s32 @!p0 v10;
	v0 =	vsel vm3, v0, v2;
	v2 =	vadd.f32 v8, v63  }
0x19c: {  	v0 =	vsel vm4, v0, v1;
	v1 =	vadd.f32 v16, v3;
	v3 =	vand.u32 @!p0 $0xF, v5  }
0x19d: {  	v0 =	vsel vm5, v0, v2;
	v2 =	vcombine.low @!p0 v3, v4  }
0x19e: {  	v0 =	vsel vm6, v0, v1  }
0x19f: {  	v1 =	vperm.xlane @!p0 v0, v2;
	v2 =	vld [tilespmem:$0x1FE70];
	_ =	sdelay $0x3  }
0x1a0: {  	vm7 =	vmmov @!p0 $0xff  }
0x1a1: {  	v1 =	vsel @!p0 vm7, v2, v1  }
0x1a2: {  	v1 =	vsub.f32 @!p0 $0.0e+00, v1;
	_ =	sdelay $0x1  }
0x1a3: {  	v1 =	vmul.f32 @!p0 $1.442695020e+00, v1;
	_ =	sdelay $0x1  }
0x1a4: {  	(erf) = vpow2.f32 @!p0 v1;
	_ =	sdelay $0x8  }
0x1a5: {  	v1 =	vpop @!p0 (erf)  }
0x1a6: {  	v1 =	vadd.f32 @!p0 $1.000000000e+00, v1;
	_ =	sdelay $0x1  }
0x1a7: {  	(erf) = vrcp.f32 @!p0 v1;
	_ =	sdelay $0x1  }
0x1a8: {  	v2 =	vld [tilespmem:$0x1FFB0];
	_ =	sdelay $0x1  }
0x1a9: {  	s25 =	sadd.s32 $0x1, s25  }
0x1aa: {  	p1 =	sne.s32 s25, $0xA  }
.Ltmp0:
0x1ab: {  	_ = 	snop;
	(pc) =	sbr.rel @p1 .LBB2_3-.Ltmp0, $4  }
0x1ac: {  	s24 =	sadd.s32 $0x20, s24  }
0x1ad: {  	s28 =	sand.u32 @!p0 $0x1C0, s24  }
0x1ae: {  	s28 =	sshrl.u32 @!p0 s28, $0x2;
	v1 =	vpop @!p0 (erf)  }
0x1af: {  	s26 =	sadd.s32 $0x400, s26;
	[tilespmem:v2+s28+$0x0 ss:$0x1] =	vst.idx.msk @!p0 $0xffff, v1  }
0x1b0: {  	s23 =	sshll.u32 s21, $0x8  }
0x1b1: {  	s24 =	sadd.s32 $0x100, s23  }
0x1b2: {  	[tilespmem:s11], [sflag:$0x1] =	stream.indirect.gather [hbm4b:s0+s10], $0x80, s24, s10, $0xb8;
	[tilespmem:$0x14780] =	vst v63  }
0x1b3: {  	s23 =	sadd.s32 $0x4100, s23  }
0x1b4: {  	[tilespmem:s12], [sflag:$0x2] =	stream.indirect.gather [hbm4b:s0+s10], $0x80, s23, s10, $0xb8;
	[tilespmem:$0x14780] =	vst v63  }
0x1b5: {  	_ =	swait.ge [sflag:s17], $0x2800  }
0x1b6: {  	[sflag:s17] =	ssyncset.done $0x0  }
0x1b7: {  	[sflag:s17] =	ssyncadd.s32 $0xFFFFD800  }
0x1b8: {  	_ =	swait.ge [sflag:s18], $0x2800  }
0x1b9: {  	[sflag:s18] =	ssyncset.done $0x0  }
0x1ba: {  	s31 =	simm.s32 $0xD200;
	[sflag:s18] =	ssyncadd.s32 $0xFFFFD800  }
0x1bb: {  	s23 =	simm.s32 $0xFA00;
	v26 =	vld [tilespmem:s31+$0x1F0]  }
0x1bc: {  	v25 =	vld [tilespmem:s23+$0x1F0]  }
0x1bd: {  	v0 =	vld [tilespmem:s31+$0x170]  }
0x1be: {  	v20 =	vld [tilespmem:s31+$0x1E0]  }
0x1bf: {  	v18 =	vld [tilespmem:s23+$0x1E0]  }
0x1c0: {  	v23 =	vld [tilespmem:s31+$0x1D0]  }
0x1c1: {  	v24 =	vld [tilespmem:s23+$0x1D0]  }
0x1c2: {  	v28 =	vld [tilespmem:s31+$0x70]  }
0x1c3: {  	v27 =	vld [tilespmem:s23+$0x70]  }
0x1c4: {  	v29 =	vld [tilespmem:s31+$0x150]  }
0x1c5: {  	v30 =	vld [tilespmem:s23+$0x150]  }
0x1c6: {  	v31 =	vld [tilespmem:s31+$0x1C0]  }
0x1c7: {  	[tilespmem:$0x1FBC0] =	vst v0;
	v0 =	vld [tilespmem:s23+$0x170]  }
0x1c8: {  	v32 =	vld [tilespmem:s23+$0x1C0]  }
0x1c9: {  	v35 =	vld [tilespmem:s31+$0x60]  }
0x1ca: {  	v34 =	vld [tilespmem:s23+$0x60]  }
0x1cb: {  	v55 =	vld [tilespmem:s31+$0xD0]  }
0x1cc: {  	[tilespmem:$0x1FBD0] =	vst v0;
	v0 =	vld [tilespmem:s31+$0xF0]  }
0x1cd: {  	v36 =	vld [tilespmem:s23+$0xD0]  }
0x1ce: {  	v37 =	vld [tilespmem:s31+$0x140]  }
0x1cf: {  	v38 =	vld [tilespmem:s23+$0x140]  }
0x1d0: {  	v39 =	vld [tilespmem:s31+$0x1B0]  }
0x1d1: {  	[tilespmem:$0x1FBE0] =	vst v0;
	v0 =	vld [tilespmem:s23+$0xF0]  }
0x1d2: {  	v40 =	vld [tilespmem:s23+$0x1B0]  }
0x1d3: {  	v41 =	vld [tilespmem:s31+$0xFFFFFFE0]  }
0x1d4: {  	v42 =	vld [tilespmem:s23+$0xFFFFFFE0]  }
0x1d5: {  	v43 =	vld [tilespmem:s31+$0x50]  }
0x1d6: {  	[tilespmem:$0x1FBF0] =	vst v0;
	v0 =	vld [tilespmem:s31+$0x160]  }
0x1d7: {  	v44 =	vld [tilespmem:s23+$0x50]  }
0x1d8: {  	v45 =	vld [tilespmem:s31+$0xC0]  }
0x1d9: {  	v46 =	vld [tilespmem:s23+$0xC0]  }
0x1da: {  	v47 =	vld [tilespmem:s31+$0x130]  }
0x1db: {  	[tilespmem:$0x1FC00] =	vst v0;
	v0 =	vld [tilespmem:s23+$0x160]  }
0x1dc: {  	v10 =	vld [tilespmem:s23+$0x130]  }
0x1dd: {  	v48 =	vld [tilespmem:s31+$0x1A0]  }
0x1de: {  	v49 =	vld [tilespmem:s23+$0x1A0]  }
0x1df: {  	v51 =	vld [tilespmem:s31+$0xFFFFFFD0]  }
0x1e0: {  	[tilespmem:$0x1FC10] =	vst v0;
	v0 =	vld [tilespmem:s31+$0xE0]  }
0x1e1: {  	v52 =	vld [tilespmem:s23+$0xFFFFFFD0]  }
0x1e2: {  	v53 =	vld [tilespmem:s31+$0x40]  }
0x1e3: {  	v54 =	vld [tilespmem:s23+$0x40]  }
0x1e4: {  	v56 =	vld [tilespmem:s23+$0xB0]  }
0x1e5: {  	[tilespmem:$0x1FC20] =	vst v0;
	v0 =	vld [tilespmem:s23+$0xE0]  }
0x1e6: {  	v57 =	vld [tilespmem:s31+$0x120]  }
0x1e7: {  	v58 =	vld [tilespmem:s23+$0x120]  }
0x1e8: {  	v1 =	vld [tilespmem:s31+$0x180]  }
0x1e9: {  	v3 =	vld [tilespmem:s23+$0x180]  }
0x1ea: {  	[tilespmem:$0x1FC30] =	vst v0;
	v0 =	vld [tilespmem:s31+$0xFFFFFFF0]  }
0x1eb: {  	v59 =	vld [tilespmem:s31+$0x190]  }
0x1ec: {  	v60 =	vld [tilespmem:s23+$0x190]  }
0x1ed: {  	v61 =	vld [tilespmem:s31+$0xFFFFFFC0]  }
0x1ee: {  	v62 =	vld [tilespmem:s23+$0xFFFFFFC0]  }
0x1ef: {  	[tilespmem:$0x1FD00] =	vst v0;
	v0 =	vld [tilespmem:s31+$0xFFFFFF70]  }
0x1f0: {  	v63 =	vld [tilespmem:s31+$0x30]  }
0x1f1: {  	v22 =	vld [tilespmem:s23+$0x30]  }
0x1f2: {  	v13 =	vld [tilespmem:s31+$0xA0]  }
0x1f3: {  	v11 =	vld [tilespmem:s23+$0xA0]  }
0x1f4: {  	[tilespmem:$0x1FCF0] =	vst v0;
	v0 =	vld [tilespmem:s31+$0xFFFFFE70]  }
0x1f5: {  	v5 =	vld [tilespmem:s31+$0x100]  }
0x1f6: {  	v4 =	vld [tilespmem:s23+$0x100]  }
0x1f7: {  	v2 =	vld [tilespmem:s31+$0x110]  }
0x1f8: {  	v33 =	vld [tilespmem:s31+$0xFFFFFE50]  }
0x1f9: {  	[tilespmem:$0x1FCD0] =	vst v0;
	v0 =	vld [tilespmem:s23+$0xFFFFFE70]  }
0x1fa: {  	v21 =	vld [tilespmem:s23+$0xFFFFFE50]  }
0x1fb: {  	v6 =	vld [tilespmem:s31+$0xFFFFFED0]  }
0x1fc: {  	v19 =	vld [tilespmem:s31+$0xFFFFFF40]  }
0x1fd: {  	v17 =	vld [tilespmem:s31+$0xFFFFFFB0]  }
0x1fe: {  	[tilespmem:$0x1FCE0] =	vst v0;
	v0 =	vld [tilespmem:s31+$0xFFFFFF60]  }
0x1ff: {  	v16 =	vld [tilespmem:s23+$0xFFFFFFB0]  }
0x200: {  	v14 =	vld [tilespmem:s31+$0x20]  }
0x201: {  	v12 =	vld [tilespmem:s23+$0x20]  }
0x202: {  	v9 =	vld [tilespmem:s31+$0x80]  }
0x203: {  	[tilespmem:$0x1FCC0] =	vst v0;
	v0 =	vld [tilespmem:s31+$0xB0]  }
0x204: {  	v8 =	vld [tilespmem:s23+$0x80]  }
0x205: {  	v7 =	vld [tilespmem:s31+$0x90]  }
0x206: {  	v15 =	vld [tilespmem:s23+$0xFFFFFE40]  }
0x207: {  	[tilespmem:$0x1FC70] =	vst v6;
	v6 =	vld [tilespmem:s23+$0x90]  }
0x208: {  	[tilespmem:$0x1FC40] =	vst v0;
	v0 =	vld [tilespmem:s31+$0xFFFFFE60]  }
0x209: {  	[tilespmem:$0x1FC60] =	vst v19;
	v19 =	vld [tilespmem:s31+$0xFFFFFE40]  }
0x20a: {  	v1 =	vmul.f32 v3, v1;
	v3 =	vld [tilespmem:s31+$0xFFFFFEC0]  }
0x20b: {  	v60 =	vmul.f32 v60, v59;
	v59 =	vld [tilespmem:s31+$0xFFFFFF30]  }
0x20c: {  	v48 =	vmul.f32 v49, v48;
	v49 =	vld [tilespmem:s31+$0xFFFFFFA0]  }
0x20d: {  	[tilespmem:$0x1FC90] =	vst v0;
	v0 =	vld [tilespmem:s23+$0xFFFFFE60]  }
0x20e: {  	v39 =	vmul.f32 v40, v39;
	v40 =	vld [tilespmem:s31+$0x0]  }
0x20f: {  	v31 =	vmul.f32 v32, v31;
	v32 =	vld [tilespmem:s31+$0x10]  }
0x210: {  	v4 =	vmul.f32 v4, v5;
	v5 =	vld [tilespmem:s23+$0x10]  }
0x211: {  	v29 =	vmul.f32 v30, v29;
	v30 =	vld [tilespmem:s23+$0xFFFFFF90]  }
0x212: {  	v8 =	vmul.f32 v8, v9;
	[tilespmem:$0x1FCA0] =	vst v0;
	v0 =	vld [tilespmem:s31+$0xFFFFFEE0]  }
0x213: {  	v9 =	vmul.f32 v54, v53;
	v54 =	vmul.f32 v11, v13;
	v11 =	vld [tilespmem:s31+$0xFFFFFE10];
	v1 =	vadd.f32 v60, v1  }
0x214: {  	v60 =	vld [tilespmem:s23+$0xFFFFFFA0]  }
0x215: {  	v1 =	vadd.f32 v48, v1;
	v48 =	vld [tilespmem:$0x1FBC0]  }
0x216: {  	[tilespmem:$0x1FC50] =	vst v3;
	v3 =	vld [tilespmem:s23+$0x0]  }
0x217: {  	[tilespmem:$0x1FCB0] =	vst v0;
	v0 =	vld [tilespmem:s31+$0xFFFFFF50]  }
0x218: {  	v6 =	vmul.f32 v6, v7;
	v7 =	vld [tilespmem:s23+$0xFFFFFE00]  }
0x219: {  	v5 =	vmul.f32 v5, v32;
	v32 =	vld [tilespmem:s23+$0xFFFFFE10]  }
0x21a: {  	v1 =	vadd.f32 v39, v1;
	v39 =	vmul.f32 v58, v57;
	v57 =	vld [tilespmem:s31+$0xFFFFFEB0]  }
0x21b: {  	v58 =	vld [tilespmem:$0x1FBD0];
	v6 =	vadd.f32 v6, v8;
	v8 =	vmul.f32 v62, v61  }
0x21c: {  	v62 =	vmul.f32 v12, v14;
	v40 =	vmul.f32 v3, v40;
	[tilespmem:$0x1FC80] =	vst v0;
	v0 =	vld [tilespmem:s23+$0x110]  }
0x21d: {  	v14 =	vmul.f32 v15, v19;
	v15 =	vmul.f32 v60, v49;
	v60 =	vld [tilespmem:s23+$0xFFFFFF10]  }
0x21e: {  	v19 =	vld [tilespmem:$0x1FC70];
	v5 =	vadd.f32 v5, v40  }
0x21f: {  	v1 =	vadd.f32 v31, v1;
	v31 =	vld [tilespmem:s31+$0xFFFFFF20]  }
0x220: {  	v5 =	vadd.f32 v62, v5;
	v62 =	vld [tilespmem:s23+$0xFFFFFEA0]  }
0x221: {  	v18 =	vmul.f32 v18, v20;
	v20 =	vld [tilespmem:$0x1FC10];
	v0 =	vmul.f32 v0, v2  }
0x222: {  	v11 =	vmul.f32 v32, v11;
	v32 =	vld [tilespmem:$0x1FCE0]  }
0x223: {  	v3 =	vld [tilespmem:$0x1FC40];
	v2 =	vmul.f32 v24, v23;
	v0 =	vadd.f32 v0, v4  }
0x224: {  	v53 =	vmul.f32 v22, v63;
	v22 =	vld [tilespmem:$0x1FC80]  }
0x225: {  	v23 =	vld [tilespmem:s31+$0xFFFFFE30];
	v1 =	vadd.f32 v2, v1;
	v2 =	vmul.f32 v10, v47;
	v0 =	vadd.f32 v39, v0  }
0x226: {  	v24 =	vld [tilespmem:s23+$0xFFFFFE30]  }
0x227: {  	v47 =	vmul.f32 v25, v26;
	v25 =	vld [tilespmem:s23+$0xFFFFFF80];
	v0 =	vadd.f32 v2, v0;
	v2 =	vmul.f32 v38, v37  }
0x228: {  	v26 =	vld [tilespmem:s31+$0xFFFFFF90]  }
0x229: {  	v37 =	vadd.f32 v2, v0;
	v0 =	vld [tilespmem:$0x1FBE0]  }
0x22a: {  	v2 =	vld [tilespmem:$0x1FBF0]  }
0x22b: {  	v4 =	vmul.f32 v58, v48;
	v48 =	vld [tilespmem:$0x1FFC0]  }
0x22c: {  	v58 =	vld [tilespmem:$0x1FC30]  }
0x22d: {  	v1 =	vadd.f32 v18, v1;
	v18 =	vld [tilespmem:s31+$0xFFFFFF80]  }
0x22e: {  	v39 =	vld [tilespmem:s31+$0xFFFFFE20]  }
0x22f: {  	v1 =	vadd.f32 v47, v1;
	v2 =	vmul.f32 v2, v0;
	v0 =	vld [tilespmem:$0x1FC00]  }
0x230: {  	v61 =	vmul.f32 v24, v23;
	v23 =	vld [tilespmem:s23+$0xFFFFFF70]  }
0x231: {  	v24 =	vld [tilespmem:$0x1FC90];
	v38 =	vperm.xlane v1, v48  }
0x232: {  	v18 =	vmul.f32 v25, v18;
	v25 =	vld [tilespmem:$0x1FCA0]  }
0x233: {  	v1 =	vadd.f32 v1, v38;
	v38 =	vmul.f32 v44, v43;
	v43 =	vmul.f32 v46, v45;
	v44 =	vld [tilespmem:s31+$0xFFFFFF10]  }
0x234: {  	v45 =	vld [tilespmem:s31+$0xFFFFFE00];
	v47 =	vmul.f32 v20, v0;
	v0 =	vmul.f32 v27, v28;
	v27 =	vadd.f32 v29, v37  }
0x235: {  	v46 =	vld [tilespmem:s23+$0xFFFFFEC0]  }
0x236: {  	v27 =	vadd.f32 v47, v27;
	v47 =	vld [tilespmem:$0x1FFD0]  }
0x237: {  	v28 =	vld [tilespmem:s23+$0xFFFFFE20]  }
0x238: {  	v37 =	vld [tilespmem:$0x1FC20]  }
0x239: {  	v29 =	vmul.f32 v34, v35;
	v34 =	vld [tilespmem:s31+$0xFFFFFEA0]  }
0x23a: {  	v35 =	vmul.f32 v36, v55;
	v4 =	vadd.f32 v4, v27;
	v27 =	vmul.f32 v52, v51;
	v51 =	vld [tilespmem:$0x1FFE0]  }
0x23b: {  	v36 =	vmul.f32 v42, v41;
	v42 =	vld [tilespmem:s23+$0xFFFFFF00];
	v10 =	vperm.xlane v1, v47  }
0x23c: {  	v52 =	vld [tilespmem:s23+$0xFFFFFE80]  }
0x23d: {  	v58 =	vmul.f32 v58, v37;
	v37 =	vld [tilespmem:s31+$0xFFFFFF00];
	v1 =	vadd.f32 v1, v10  }
0x23e: {  	v63 =	vmul.f32 v28, v39;
	v39 =	vld [tilespmem:s23+$0xFFFFFF20];
	v20 =	vperm.xlane v4, v48  }
0x23f: {  	v49 =	vmul.f32 v62, v34;
	v62 =	vld [tilespmem:$0x1FC60];
	v55 =	vperm.xlane v1, v51  }
0x240: {  	v5 =	vadd.f32 v53, v5;
	v7 =	vmul.f32 v7, v45;
	v28 =	vld [tilespmem:$0x1FCB0];
	v41 =	vadd.f32 v4, v20  }
0x241: {  	v56 =	vmul.f32 v56, v3;
	v4 =	vadd.f32 v1, v55;
	v1 =	vadd.f32 v54, v6;
	v6 =	vld [tilespmem:s31+$0xFFFFFE80]  }
0x242: {  	v7 =	vadd.f32 v11, v7;
	v55 =	vld [tilespmem:s31+$0xFFFFFE90]  }
0x243: {  	v5 =	vadd.f32 v9, v5;
	v1 =	vadd.f32 v56, v1;
	v56 =	vld [tilespmem:s23+$0xFFFFFE90]  }
0x244: {  	v7 =	vadd.f32 v63, v7;
	v63 =	vld [tilespmem:s31+$0xFFFFFEF0];
	v20 =	vmul.f32 v21, v33  }
0x245: {  	v5 =	vadd.f32 v38, v5;
	v21 =	vmul.f32 v60, v44;
	v60 =	vld [tilespmem:$0x1FC50];
	v54 =	vperm.xlane v41, v47  }
0x246: {  	v33 =	vmul.f32 v30, v26;
	v30 =	vld [tilespmem:$0x1FCC0]  }
0x247: {  	v16 =	vmul.f32 v16, v17;
	v5 =	vadd.f32 v29, v5;
	v17 =	vadd.f32 v41, v54;
	v41 =	vld [tilespmem:s23+$0xFFFFFEB0]  }
0x248: {  	v1 =	vadd.f32 v43, v1;
	v43 =	vld [tilespmem:s23+$0xFFFFFF30];
	v6 =	vmul.f32 v52, v6;
	v10 =	vmul.f32 v56, v55  }
0x249: {  	v7 =	vadd.f32 v61, v7;
	v45 =	vmul.f32 v42, v37;
	v54 =	vmul.f32 v39, v31;
	v31 =	vld [tilespmem:$0x1FCD0]  }
0x24a: {  	v18 =	vadd.f32 v33, v18;
	v52 =	vld [tilespmem:s23+$0xFFFFFF40];
	v6 =	vadd.f32 v10, v6  }
0x24b: {  	v7 =	vadd.f32 v14, v7;
	v53 =	vadd.f32 v21, v45;
	v55 =	vld [tilespmem:s23+$0xFFFFFED0]  }
0x24c: {  	v9 =	vmul.f32 v41, v57;
	v56 =	vld [tilespmem:s23+$0xFFFFFF50];
	v57 =	vadd.f32 v15, v18;
	v6 =	vadd.f32 v49, v6  }
0x24d: {  	v7 =	vadd.f32 v20, v7;
	v13 =	vadd.f32 v54, v53;
	v3 =	vmul.f32 v43, v59;
	v59 =	vld [tilespmem:s23+$0xFFFFFEE0]  }
0x24e: {  	v61 =	vld [tilespmem:s23+$0xFFFFFF60];
	v12 =	vadd.f32 v16, v57;
	v6 =	vadd.f32 v9, v6;
	v9 =	vmul.f32 v46, v60  }
0x24f: {  	v21 =	vld [tilespmem:s23+$0xFFFFFEF0];
	v1 =	vadd.f32 v35, v1;
	v11 =	vmul.f32 v52, v62;
	v3 =	vadd.f32 v3, v13  }
0x250: {  	v34 =	vld [tilespmem:$0x1FCF0];
	v8 =	vadd.f32 v8, v12;
	v6 =	vadd.f32 v9, v6;
	v9 =	vmul.f32 v55, v19  }
0x251: {  	v12 =	vmul.f32 v25, v24;
	v10 =	vmul.f32 v56, v22;
	v3 =	vadd.f32 v11, v3  }
0x252: {  	v26 =	vld [tilespmem:s23+$0xFFFFFFF0];
	v16 =	vmul.f32 v32, v31;
	v15 =	vmul.f32 v59, v28;
	v6 =	vadd.f32 v9, v6  }
0x253: {  	v35 =	vld [tilespmem:$0x1FD00];
	v7 =	vadd.f32 v12, v7;
	v3 =	vadd.f32 v10, v3;
	v10 =	vmul.f32 v61, v30  }
0x254: {  	v33 =	vmul.f32 v21, v63;
	v8 =	vadd.f32 v27, v8;
	v6 =	vadd.f32 v15, v6  }
0x255: {  	v7 =	vadd.f32 v16, v7;
	v3 =	vadd.f32 v10, v3;
	v10 =	vmul.f32 v23, v34  }
0x256: {  	v1 =	vadd.f32 v58, v1;
	v6 =	vadd.f32 v33, v6  }
0x257: {  	v8 =	vadd.f32 v36, v8;
	v36 =	vperm.xlane v7, v48;
	v3 =	vadd.f32 v10, v3  }
0x258: {  	v0 =	vadd.f32 v0, v5;
	v9 =	vmul.f32 v26, v35;
	v37 =	vperm.xlane v6, v48  }
0x259: {  	v1 =	vadd.f32 v2, v1;
	v2 =	vadd.f32 v7, v36;
	v38 =	vperm.xlane v3, v48  }
0x25a: {  	v40 =	vperm.xlane v0, v48;
	v8 =	vadd.f32 v9, v8;
	v6 =	vadd.f32 v6, v37  }
0x25b: {  	v63 =	vperm.xlane v4, v50;
	v10 =	vperm.xlane v2, v47;
	v3 =	vadd.f32 v3, v38  }
0x25c: {  	v0 =	vadd.f32 v0, v40;
	v39 =	vperm.xlane v8, v48;
	v42 =	vperm.xlane v6, v47  }
0x25d: {  	v41 =	vperm.xlane v1, v48;
	v2 =	vadd.f32 v2, v10;
	v43 =	vperm.xlane v3, v47  }
0x25e: {  	v56 =	vperm.xlane v17, v51;
	v7 =	vadd.f32 v8, v39;
	v44 =	vadd.f32 v6, v42  }
0x25f: {  	v46 =	vperm.xlane v0, v47;
	v10 =	vperm.xlane v2, v51;
	v3 =	vadd.f32 v3, v43  }
0x260: {  	v1 =	vadd.f32 v1, v41;
	v45 =	vperm.xlane v7, v47;
	v48 =	vperm.xlane v44, v51  }
0x261: {  	v0 =	vadd.f32 v0, v46;
	v2 =	vadd.f32 v2, v10;
	v49 =	vperm.xlane v3, v51  }
0x262: {  	v47 =	vperm.xlane v1, v47;
	v6 =	vadd.f32 v7, v45;
	v5 =	vadd.f32 v44, v48  }
0x263: {  	v53 =	vperm.xlane v0, v51;
	v10 =	vperm.xlane v2, v50;
	v3 =	vadd.f32 v3, v49  }
0x264: {  	v1 =	vadd.f32 v1, v47;
	v52 =	vperm.xlane v6, v51;
	v55 =	vperm.xlane v5, v50  }
0x265: {  	v0 =	vadd.f32 v0, v53;
	v2 =	vadd.f32 v2, v10;
	v57 =	vperm.xlane v3, v50  }
0x266: {  	s24 =	simm.s32 $0x0;
	v54 =	vperm.xlane v1, v51;
	v6 =	vadd.f32 v6, v52;
	v5 =	vadd.f32 v5, v55  }
0x267: {  	s25 =	sand.u32 $0x1, s24;
	v59 =	vadd.f32 v17, v56;
	v60 =	vperm.xlane v0, v50;
	v3 =	vadd.f32 v3, v57  }
0x268: {  	p0 =	seq.s32 s25, $0x0;
	v1 =	vadd.f32 v1, v54;
	v58 =	vperm.xlane v6, v50;
	v2 =	vsel vm0, v2, v5  }
0x269: {  	v7 =	vimm.s32 @!p0 $0x76543210;
	v2 =	vsel vm1, v2, v3;
	v3 =	vimm.s32 @!p0 $0xFEDCBA98  }
0x26a: {  	v61 =	vperm.xlane v1, v50;
	v6 =	vadd.f32 v6, v58;
	v3 =	vunpack.c.l.s4.s8 @!p0 v3  }
0x26b: {  	v62 =	vperm.xlane v59, v50;
	v0 =	vadd.f32 v0, v60;
	v7 =	vunpack.c.l.s4.s8 @!p0 v7  }
0x26c: {  	v1 =	vadd.f32 v1, v61;
	v2 =	vsel vm2, v2, v6;
	v3 =	vunpack.c.0.s8.s32 @!p0 v3  }
0x26d: {  	v6 =	vunpack.c.0.s8.s32 @!p0 v7;
	v0 =	vsel vm3, v2, v0;
	v2 =	vadd.f32 v59, v62  }
0x26e: {  	v0 =	vsel vm4, v0, v1;
	v1 =	vadd.f32 v4, v63;
	v3 =	vand.u32 @!p0 $0xF, v3  }
0x26f: {  	v0 =	vsel vm5, v0, v2;
	v2 =	vcombine.low @!p0 v3, v6  }
0x270: {  	v0 =	vsel vm6, v0, v1  }
0x271: {  	v1 =	vperm.xlane @!p0 v0, v2  }
0x272: {  	vm7 =	vmmov @!p0 $0xff;
	v2 =	vimm.f32 $0.0e+00  }
0x273: {  	v1 =	vsel @!p0 vm7, v2, v1  }
0x274: {  	v1 =	vsub.f32 @!p0 $0.0e+00, v1;
	_ =	sdelay $0x1  }
0x275: {  	v1 =	vmul.f32 @!p0 $1.442695020e+00, v1;
	_ =	sdelay $0x1  }
0x276: {  	(erf) = vpow2.f32 @!p0 v1;
	_ =	sdelay $0x8  }
0x277: {  	v1 =	vpop @!p0 (erf)  }
0x278: {  	v1 =	vadd.f32 @!p0 $1.000000000e+00, v1;
	_ =	sdelay $0x1  }
0x279: {  	(erf) = vrcp.f32 @!p0 v1  }
0x27a: {  	s22 =	smul.u32 $0x140, s22;
	_ =	sdelay $0x1  }
0x27b: {  	s22 =	sshra.s32 s22, $0x2  }
0x27c: {  	s22 =	sadd.s32 $0x12000, s22  }
0x27d: {  	v2 =	vmov s22;
	_ =	sdelay $0x2  }
0x27e: {  	s22 =	sand.u32 @!p0 $0x1C0, s24  }
0x27f: {  	s22 =	sshrl.u32 @!p0 s22, $0x2;
	[tilespmem:$0x1FD10] =	vst v2;
	v1 =	vpop @!p0 (erf)  }
0x280: {  	s25 =	simm.s32 $0xD600;
	[tilespmem:v2+s22+$0x0 ss:$0x1] =	vst.idx.msk @!p0 $0xffff, v1;
	s22 =	simm.s32 $0x1  }
.LBB2_5:
0x281: {  	v1 =	vld [tilespmem:s25+$0x1F0]  }
0x282: {  	v49 =	vld [tilespmem:s25+$0x170]  }
0x283: {  	v29 =	vld [tilespmem:s25+$0x1E0]  }
0x284: {  	v48 =	vld [tilespmem:s25+$0xF0]  }
0x285: {  	v47 =	vld [tilespmem:s25+$0x1D0]  }
0x286: {  	v33 =	vld [tilespmem:s25+$0x150]  }
0x287: {  	v23 =	vld [tilespmem:s25+$0x1C0]  }
0x288: {  	v27 =	vld [tilespmem:s25+$0x60]  }
0x289: {  	v26 =	vld [tilespmem:s25+$0xD0]  }
0x28a: {  	v58 =	vld [tilespmem:s25+$0x140]  }
0x28b: {  	s23 =	sadd.s32 $0x400, s23;
	v15 =	vld [tilespmem:s25+$0x1B0]  }
0x28c: {  	[tilespmem:$0x1FA60] =	vst v1;
	v1 =	vmov v0;
	v0 =	vld [tilespmem:s23+$0x1F0]  }
0x28d: {  	v35 =	vld [tilespmem:s25+$0xFFFFFFE0]  }
0x28e: {  	v37 =	vld [tilespmem:s25+$0x50]  }
0x28f: {  	v38 =	vld [tilespmem:s25+$0xC0]  }
0x290: {  	v17 =	vld [tilespmem:s25+$0x130]  }
0x291: {  	[tilespmem:$0x1FA70] =	vst v0;
	v0 =	vld [tilespmem:s23+$0x170]  }
0x292: {  	v9 =	vld [tilespmem:s25+$0x1A0]  }
0x293: {  	v42 =	vld [tilespmem:s25+$0xFFFFFE70]  }
0x294: {  	v54 =	vld [tilespmem:s25+$0xFFFFFFD0]  }
0x295: {  	v55 =	vld [tilespmem:s25+$0x40]  }
0x296: {  	[tilespmem:$0x1FA80] =	vst v0;
	v0 =	vld [tilespmem:s23+$0xF0]  }
0x297: {  	v7 =	vld [tilespmem:s25+$0x120]  }
0x298: {  	v5 =	vld [tilespmem:s25+$0x190]  }
0x299: {  	v46 =	vld [tilespmem:s25+$0xFFFFFFC0]  }
0x29a: {  	v25 =	vld [tilespmem:s25+$0xA0]  }
0x29b: {  	[tilespmem:$0x1FA90] =	vst v0;
	v0 =	vld [tilespmem:s25+$0x160]  }
0x29c: {  	v4 =	vld [tilespmem:s25+$0x100]  }
0x29d: {  	v2 =	vld [tilespmem:s25+$0x110]  }
0x29e: {  	v60 =	vld [tilespmem:s25+$0xFFFFFE50]  }
0x29f: {  	v10 =	vld [tilespmem:s25+$0xFFFFFED0]  }
0x2a0: {  	[tilespmem:$0x1FAA0] =	vst v0;
	v0 =	vld [tilespmem:s23+$0x160]  }
0x2a1: {  	v22 =	vld [tilespmem:s25+$0xFFFFFF40]  }
0x2a2: {  	v62 =	vld [tilespmem:s25+$0xFFFFFFB0]  }
0x2a3: {  	v19 =	vld [tilespmem:s25+$0x20]  }
0x2a4: {  	v13 =	vld [tilespmem:s25+$0x80]  }
0x2a5: {  	[tilespmem:$0x1FAB0] =	vst v0;
	v0 =	vld [tilespmem:s25+$0x70]  }
0x2a6: {  	v11 =	vld [tilespmem:s25+$0x90]  }
0x2a7: {  	v31 =	vld [tilespmem:s23+$0x1E0]  }
0x2a8: {  	v51 =	vld [tilespmem:s23+$0x1D0]  }
0x2a9: {  	v34 =	vld [tilespmem:s23+$0x150]  }
0x2aa: {  	[tilespmem:$0x1FAC0] =	vst v0;
	v0 =	vld [tilespmem:s23+$0x70]  }
0x2ab: {  	v20 =	vld [tilespmem:s23+$0x1C0]  }
0x2ac: {  	v30 =	vld [tilespmem:s23+$0x60]  }
0x2ad: {  	v28 =	vld [tilespmem:s23+$0xD0]  }
0x2ae: {  	v59 =	vld [tilespmem:s23+$0x140]  }
0x2af: {  	[tilespmem:$0x1FAD0] =	vst v0;
	v0 =	vld [tilespmem:s25+$0xE0]  }
0x2b0: {  	v14 =	vld [tilespmem:s23+$0x1B0]  }
0x2b1: {  	v36 =	vld [tilespmem:s23+$0xFFFFFFE0]  }
0x2b2: {  	v40 =	vld [tilespmem:s23+$0x50]  }
0x2b3: {  	v41 =	vld [tilespmem:s23+$0xC0]  }
0x2b4: {  	[tilespmem:$0x1FAE0] =	vst v0;
	v0 =	vld [tilespmem:s23+$0xE0]  }
0x2b5: {  	v16 =	vld [tilespmem:s23+$0x130]  }
0x2b6: {  	v8 =	vld [tilespmem:s23+$0x1A0]  }
0x2b7: {  	v45 =	vld [tilespmem:s23+$0xFFFFFE70]  }
0x2b8: {  	v56 =	vld [tilespmem:s23+$0xFFFFFFD0]  }
0x2b9: {  	[tilespmem:$0x1FAF0] =	vst v0;
	v0 =	vld [tilespmem:s25+$0xFFFFFFF0]  }
0x2ba: {  	v57 =	vld [tilespmem:s23+$0x40]  }
0x2bb: {  	v43 =	vld [tilespmem:s23+$0xB0]  }
0x2bc: {  	v6 =	vld [tilespmem:s23+$0x120]  }
0x2bd: {  	v39 =	vld [tilespmem:s23+$0x180]  }
0x2be: {  	[tilespmem:$0x1FBA0] =	vst v0;
	v0 =	vld [tilespmem:s25+$0xFFFFFF70]  }
0x2bf: {  	[tilespmem:$0x1FBB0] =	vst v1;
	v1 =	vld [tilespmem:s25+$0xFFFFFE60]  }
0x2c0: {  	v32 =	vld [tilespmem:s23+$0x190]  }
0x2c1: {  	v44 =	vld [tilespmem:s23+$0xFFFFFE60]  }
0x2c2: {  	v53 =	vld [tilespmem:s23+$0xFFFFFFC0]  }
0x2c3: {  	[tilespmem:$0x1FB90] =	vst v0;
	v0 =	vld [tilespmem:s25+$0xFFFFFEF0]  }
0x2c4: {  	[tilespmem:$0x1FB10] =	vst v1;
	v1 =	vld [tilespmem:s25+$0xFFFFFEE0]  }
0x2c5: {  	v52 =	vld [tilespmem:s23+$0x30]  }
0x2c6: {  	v24 =	vld [tilespmem:s23+$0xA0]  }
0x2c7: {  	v3 =	vld [tilespmem:s23+$0x100]  }
0x2c8: {  	[tilespmem:$0x1FB80] =	vst v0;
	v0 =	vld [tilespmem:s25+$0xFFFFFF60]  }
0x2c9: {  	[tilespmem:$0x1FB60] =	vst v1;
	v1 =	vld [tilespmem:s25+$0xFFFFFF50]  }
0x2ca: {  	v61 =	vld [tilespmem:s23+$0xFFFFFE50]  }
0x2cb: {  	v63 =	vld [tilespmem:s23+$0xFFFFFFB0]  }
0x2cc: {  	v18 =	vld [tilespmem:s23+$0x20]  }
0x2cd: {  	[tilespmem:$0x1FB70] =	vst v0;
	v0 =	vld [tilespmem:s25+$0xB0]  }
0x2ce: {  	[tilespmem:$0x1FB50] =	vst v1;
	v1 =	vld [tilespmem:s25+$0x30]  }
0x2cf: {  	v12 =	vld [tilespmem:s23+$0x80]  }
0x2d0: {  	v21 =	vld [tilespmem:s23+$0xFFFFFE40]  }
0x2d1: {  	[tilespmem:$0x1FB40] =	vst v10;
	v10 =	vld [tilespmem:s23+$0x90]  }
0x2d2: {  	[tilespmem:$0x1FB00] =	vst v0;
	v0 =	vld [tilespmem:s25+$0x180]  }
0x2d3: {  	[tilespmem:$0x1FB20] =	vst v1;
	v1 =	vld [tilespmem:s23+$0x110]  }
0x2d4: {  	[tilespmem:$0x1FB30] =	vst v22;
	v22 =	vld [tilespmem:s25+$0xFFFFFE40]  }
0x2d5: {  	v5 =	vmul.f32 v32, v5;
	v32 =	vld [tilespmem:s25+$0xFFFFFEC0]  }
0x2d6: {  	v3 =	vmul.f32 v3, v4;
	v4 =	vld [tilespmem:s25+$0x10]  }
0x2d7: {  	v26 =	vmul.f32 v28, v26;
	v28 =	vld [tilespmem:s25+$0xFFFFFEA0];
	v0 =	vmul.f32 v39, v0  }
0x2d8: {  	v38 =	vmul.f32 v41, v38;
	v41 =	vld [tilespmem:s23+$0xFFFFFF00];
	v1 =	vmul.f32 v1, v2  }
0x2d9: {  	v2 =	vmul.f32 v51, v47;
	v47 =	vld [tilespmem:s23+$0x10];
	v0 =	vadd.f32 v5, v0;
	v5 =	vmul.f32 v8, v9  }
0x2da: {  	v12 =	vmul.f32 v12, v13;
	v13 =	vld [tilespmem:s25+$0xFFFFFE00];
	v1 =	vadd.f32 v1, v3  }
0x2db: {  	v51 =	vld [tilespmem:$0x1FA70];
	v3 =	vmul.f32 v6, v7;
	v0 =	vadd.f32 v5, v0;
	v5 =	vmul.f32 v14, v15  }
0x2dc: {  	v59 =	vmul.f32 v59, v58;
	v58 =	vld [tilespmem:$0x1FAB0]  }
0x2dd: {  	v3 =	vadd.f32 v3, v1;
	v1 =	vld [tilespmem:s25+$0xFFFFFEB0];
	v15 =	vmul.f32 v20, v23;
	v0 =	vadd.f32 v5, v0  }
0x2de: {  	v4 =	vmul.f32 v47, v4;
	v47 =	vld [tilespmem:$0x1FB10]  }
0x2df: {  	v39 =	vld [tilespmem:s25+$0xFFFFFF30];
	v0 =	vadd.f32 v15, v0  }
0x2e0: {  	v8 =	vld [tilespmem:s25+$0xFFFFFFA0]  }
0x2e1: {  	v0 =	vadd.f32 v2, v0;
	v2 =	vld [tilespmem:$0x1FA60]  }
0x2e2: {  	v9 =	vld [tilespmem:s23+$0xFFFFFFA0]  }
0x2e3: {  	v14 =	vld [tilespmem:s25+$0x0]  }
0x2e4: {  	v20 =	vld [tilespmem:s23+$0x0];
	v5 =	vmul.f32 v31, v29  }
0x2e5: {  	v23 =	vld [tilespmem:s25+$0xFFFFFF20]  }
0x2e6: {  	v29 =	vld [tilespmem:s23+$0xFFFFFE30];
	v0 =	vadd.f32 v5, v0;
	v2 =	vmul.f32 v51, v2  }
0x2e7: {  	v31 =	vmul.f32 v16, v17;
	v17 =	vld [tilespmem:s25+$0xFFFFFF80]  }
0x2e8: {  	v0 =	vadd.f32 v2, v0;
	v2 =	vld [tilespmem:$0x1FA90]  }
0x2e9: {  	v16 =	vmul.f32 v34, v33;
	v33 =	vld [tilespmem:s25+$0xFFFFFF90]  }
0x2ea: {  	v34 =	vld [tilespmem:s23+$0xFFFFFF90]  }
0x2eb: {  	v15 =	vld [tilespmem:s25+$0xFFFFFE30];
	v3 =	vadd.f32 v31, v3  }
0x2ec: {  	v31 =	vld [tilespmem:s23+$0xFFFFFF80];
	v14 =	vmul.f32 v20, v14  }
0x2ed: {  	v20 =	vmul.f32 v44, v47;
	v6 =	vadd.f32 v59, v3;
	v3 =	vmul.f32 v2, v48;
	v2 =	vld [tilespmem:$0x1FAA0]  }
0x2ee: {  	v44 =	vmul.f32 v53, v46;
	v53 =	vmul.f32 v18, v19;
	v18 =	vld [tilespmem:s25+$0xFFFFFE90]  }
0x2ef: {  	v59 =	vld [tilespmem:$0x1FAC0]  }
0x2f0: {  	v51 =	vld [tilespmem:$0x1FA80]  }
0x2f1: {  	v48 =	vld [tilespmem:$0x1FFC0]  }
0x2f2: {  	v4 =	vadd.f32 v4, v14;
	v2 =	vmul.f32 v58, v2;
	v58 =	vld [tilespmem:$0x1FAD0]  }
0x2f3: {  	v47 =	vld [tilespmem:s23+$0xFFFFFF20]  }
0x2f4: {  	v4 =	vadd.f32 v53, v4;
	v53 =	vld [tilespmem:s23+$0xFFFFFEB0]  }
0x2f5: {  	v16 =	vadd.f32 v16, v6;
	v17 =	vmul.f32 v31, v17;
	v31 =	vld [tilespmem:s23+$0xFFFFFF70]  }
0x2f6: {  	v7 =	vmul.f32 v51, v49;
	v49 =	vld [tilespmem:$0x1FAF0];
	v51 =	vperm.xlane v0, v48  }
0x2f7: {  	v2 =	vadd.f32 v2, v16;
	v5 =	vmul.f32 v58, v59;
	v59 =	vld [tilespmem:$0x1FAE0]  }
0x2f8: {  	v16 =	vadd.f32 v0, v51;
	v0 =	vmul.f32 v36, v35;
	v35 =	vmul.f32 v40, v37;
	v37 =	vld [tilespmem:s25+$0xFFFFFF00]  }
0x2f9: {  	v51 =	vmul.f32 v57, v55;
	v55 =	vld [tilespmem:s23+$0xFFFFFE00]  }
0x2fa: {  	v57 =	vmul.f32 v24, v25;
	v25 =	vld [tilespmem:s23+$0xFFFFFE10]  }
0x2fb: {  	v40 =	vadd.f32 v7, v2;
	v7 =	vmul.f32 v45, v42;
	v45 =	vld [tilespmem:s25+$0xFFFFFF10]  }
0x2fc: {  	v6 =	vmul.f32 v30, v27;
	v27 =	vmul.f32 v49, v59;
	v49 =	vld [tilespmem:$0x1FFD0]  }
0x2fd: {  	v42 =	vmul.f32 v56, v54;
	v56 =	vld [tilespmem:$0x1FFE0];
	v54 =	vperm.xlane v40, v48  }
0x2fe: {  	v58 =	vld [tilespmem:s25+$0xFFFFFE20]  }
0x2ff: {  	v24 =	vadd.f32 v40, v54;
	v54 =	vld [tilespmem:$0x1FB20]  }
0x300: {  	v11 =	vmul.f32 v10, v11;
	v13 =	vmul.f32 v55, v13;
	v55 =	vld [tilespmem:s23+$0xFFFFFF30]  }
0x301: {  	v40 =	vld [tilespmem:s25+$0xFFFFFE80];
	v2 =	vperm.xlane v16, v49  }
0x302: {  	v11 =	vadd.f32 v11, v12;
	v59 =	vld [tilespmem:s23+$0xFFFFFE20]  }
0x303: {  	s26 =	sand.u32 $0x1, s22;
	v16 =	vadd.f32 v16, v2;
	v2 =	vld [tilespmem:$0x1FB00]  }
0x304: {  	p0 =	seq.s32 s26, $0x0;
	v11 =	vadd.f32 v57, v11;
	v57 =	vmul.f32 v52, v54;
	v52 =	vmul.f32 v34, v33;
	v33 =	vld [tilespmem:s23+$0xFFFFFFF0]  }
0x305: {  	v36 =	vimm.s32 @!p0 $0xFEDCBA98;
	v34 =	vld [tilespmem:$0x1FB60];
	v12 =	vperm.xlane v24, v49  }
0x306: {  	v30 =	vimm.s32 @!p0 $0x76543210;
	v36 =	vunpack.c.l.s4.s8 @!p0 v36;
	v4 =	vadd.f32 v57, v4;
	v57 =	vld [tilespmem:s23+$0xFFFFFEC0]  }
0x307: {  	v46 =	vmul.f32 v59, v58;
	v59 =	vld [tilespmem:s23+$0xFFFFFF40];
	v19 =	vadd.f32 v24, v12;
	v12 =	vmul.f32 v61, v60  }
0x308: {  	v10 =	vunpack.c.l.s4.s8 @!p0 v30;
	v61 =	vld [tilespmem:s23+$0xFFFFFE90];
	v30 =	vmul.f32 v43, v2;
	v43 =	vperm.xlane v16, v56  }
0x309: {  	v2 =	vunpack.c.0.s8.s32 @!p0 v36;
	v36 =	vld [tilespmem:s25+$0xFFFFFE10]  }
0x30a: {  	v16 =	vadd.f32 v16, v43;
	v43 =	vld [tilespmem:s23+$0xFFFFFE80];
	v11 =	vadd.f32 v30, v11  }
0x30b: {  	v30 =	vmul.f32 v63, v62;
	v62 =	vld [tilespmem:s23+$0xFFFFFF10]  }
0x30c: {  	v8 =	vmul.f32 v9, v8;
	v63 =	vadd.f32 v38, v11;
	v38 =	vld [tilespmem:s23+$0xFFFFFEA0]  }
0x30d: {  	v14 =	vmul.f32 v21, v22;
	v58 =	vmul.f32 v41, v37;
	v17 =	vadd.f32 v52, v17;
	v37 =	vld [tilespmem:$0x1FB80]  }
0x30e: {  	v4 =	vadd.f32 v51, v4;
	v60 =	vld [tilespmem:s23+$0xFFFFFED0];
	v24 =	vmul.f32 v57, v32;
	v18 =	vmul.f32 v61, v18  }
0x30f: {  	v8 =	vadd.f32 v8, v17;
	v32 =	vld [tilespmem:$0x1FB50];
	v25 =	vmul.f32 v25, v36;
	v54 =	vmul.f32 v43, v40  }
0x310: {  	v4 =	vadd.f32 v35, v4;
	v61 =	vld [tilespmem:s23+$0xFFFFFF50];
	v11 =	vmul.f32 v29, v15;
	v21 =	vmul.f32 v62, v45  }
0x311: {  	v29 =	vld [tilespmem:$0x1FB30];
	v13 =	vadd.f32 v25, v13;
	v18 =	vadd.f32 v18, v54;
	v15 =	vmul.f32 v38, v28  }
0x312: {  	v23 =	vmul.f32 v47, v23;
	v8 =	vadd.f32 v30, v8;
	v30 =	vld [tilespmem:$0x1FB40];
	v21 =	vadd.f32 v21, v58  }
0x313: {  	v1 =	vmul.f32 v53, v1;
	v36 =	vld [tilespmem:$0x1FB70];
	v13 =	vadd.f32 v46, v13;
	v15 =	vadd.f32 v15, v18  }
0x314: {  	v9 =	vadd.f32 v26, v63;
	v63 =	vmul.f32 v55, v39;
	v62 =	vld [tilespmem:s23+$0xFFFFFEE0];
	v21 =	vadd.f32 v23, v21  }
0x315: {  	v26 =	vld [tilespmem:s23+$0xFFFFFF60];
	v11 =	vadd.f32 v11, v13;
	v1 =	vadd.f32 v1, v15  }
0x316: {  	v9 =	vadd.f32 v27, v9;
	v27 =	vld [tilespmem:s23+$0xFFFFFEF0];
	v23 =	vmul.f32 v59, v29;
	v21 =	vadd.f32 v63, v21  }
0x317: {  	v38 =	vld [tilespmem:$0x1FB90];
	v13 =	vmul.f32 v60, v30;
	v11 =	vadd.f32 v14, v11;
	v1 =	vadd.f32 v24, v1  }
0x318: {  	v8 =	vadd.f32 v44, v8;
	v39 =	vld [tilespmem:$0x1FBA0];
	v18 =	vmul.f32 v61, v32;
	v21 =	vadd.f32 v23, v21  }
0x319: {  	v11 =	vadd.f32 v12, v11;
	v12 =	vmul.f32 v62, v34;
	v1 =	vadd.f32 v13, v1  }
0x31a: {  	v8 =	vadd.f32 v42, v8;
	v15 =	vmul.f32 v26, v36;
	v35 =	vadd.f32 v18, v21  }
0x31b: {  	v11 =	vadd.f32 v20, v11;
	v1 =	vadd.f32 v12, v1;
	v12 =	vmul.f32 v27, v37  }
0x31c: {  	v0 =	vadd.f32 v0, v8;
	v14 =	vmul.f32 v31, v38;
	v13 =	vadd.f32 v15, v35  }
0x31d: {  	v8 =	vmul.f32 v33, v39;
	v7 =	vadd.f32 v7, v11;
	v1 =	vadd.f32 v12, v1  }
0x31e: {  	v41 =	vperm.xlane v19, v56;
	v4 =	vadd.f32 v6, v4;
	v40 =	vadd.f32 v14, v13  }
0x31f: {  	v0 =	vadd.f32 v8, v0;
	v42 =	vperm.xlane v7, v48;
	v43 =	vperm.xlane v1, v48  }
0x320: {  	v4 =	vadd.f32 v5, v4;
	v3 =	vadd.f32 v3, v9;
	v44 =	vperm.xlane v40, v48  }
0x321: {  	v46 =	vperm.xlane v0, v48;
	v45 =	vadd.f32 v7, v42;
	v1 =	vadd.f32 v1, v43  }
0x322: {  	v47 =	vperm.xlane v4, v48;
	v48 =	vperm.xlane v3, v48;
	v8 =	vadd.f32 v40, v44  }
0x323: {  	v0 =	vadd.f32 v0, v46;
	v12 =	vperm.xlane v45, v49;
	v13 =	vperm.xlane v1, v49  }
0x324: {  	v4 =	vadd.f32 v4, v47;
	v3 =	vadd.f32 v3, v48;
	v51 =	vperm.xlane v8, v49  }
0x325: {  	v52 =	vperm.xlane v0, v49;
	v5 =	vadd.f32 v45, v12;
	v1 =	vadd.f32 v1, v13  }
0x326: {  	v53 =	vperm.xlane v4, v49;
	v11 =	vperm.xlane v3, v49;
	v7 =	vadd.f32 v8, v51  }
0x327: {  	v0 =	vadd.f32 v0, v52;
	v12 =	vperm.xlane v5, v56;
	v13 =	vperm.xlane v1, v56  }
0x328: {  	v4 =	vadd.f32 v4, v53;
	v3 =	vadd.f32 v3, v11;
	v54 =	vperm.xlane v7, v56  }
0x329: {  	v55 =	vperm.xlane v0, v56;
	v5 =	vadd.f32 v5, v12;
	v1 =	vadd.f32 v1, v13  }
0x32a: {  	v57 =	vperm.xlane v4, v56;
	v11 =	vperm.xlane v3, v56;
	v7 =	vadd.f32 v7, v54  }
0x32b: {  	v0 =	vadd.f32 v0, v55;
	v12 =	vperm.xlane v5, v50;
	v13 =	vperm.xlane v1, v50  }
0x32c: {  	v4 =	vadd.f32 v4, v57;
	v3 =	vadd.f32 v3, v11;
	v58 =	vperm.xlane v7, v50  }
0x32d: {  	v59 =	vperm.xlane v0, v50;
	v5 =	vadd.f32 v5, v12;
	v1 =	vadd.f32 v1, v13  }
0x32e: {  	v6 =	vadd.f32 v19, v41;
	v60 =	vperm.xlane v4, v50;
	v7 =	vadd.f32 v7, v58  }
0x32f: {  	v0 =	vadd.f32 v0, v59;
	v61 =	vperm.xlane v3, v50;
	v1 =	vsel vm0, v5, v1  }
0x330: {  	v62 =	vperm.xlane v6, v50;
	v4 =	vadd.f32 v4, v60;
	v1 =	vsel vm1, v1, v7  }
0x331: {  	v0 =	vsel vm2, v1, v0;
	v1 =	vadd.f32 v3, v61;
	v3 =	vperm.xlane v16, v50  }
0x332: {  	v63 =	vadd.f32 v6, v62;
	v5 =	vunpack.c.0.s8.s32 @!p0 v10;
	v0 =	vsel vm3, v0, v4  }
0x333: {  	v2 =	vand.u32 @!p0 $0xF, v2;
	v0 =	vsel vm4, v0, v1;
	v1 =	vadd.f32 v16, v3  }
0x334: {  	v2 =	vcombine.low @!p0 v2, v5;
	v0 =	vsel vm5, v0, v63  }
0x335: {  	v0 =	vsel vm6, v0, v1  }
0x336: {  	v1 =	vperm.xlane @!p0 v0, v2;
	v2 =	vld [tilespmem:$0x1FBB0];
	_ =	sdelay $0x3  }
0x337: {  	vm7 =	vmmov @!p0 $0xff  }
0x338: {  	v1 =	vsel @!p0 vm7, v2, v1  }
0x339: {  	v1 =	vsub.f32 @!p0 $0.0e+00, v1;
	_ =	sdelay $0x1  }
0x33a: {  	v1 =	vmul.f32 @!p0 $1.442695020e+00, v1;
	_ =	sdelay $0x1  }
0x33b: {  	(erf) = vpow2.f32 @!p0 v1;
	_ =	sdelay $0x8  }
0x33c: {  	v1 =	vpop @!p0 (erf)  }
0x33d: {  	v1 =	vadd.f32 @!p0 $1.000000000e+00, v1;
	_ =	sdelay $0x1  }
0x33e: {  	(erf) = vrcp.f32 @!p0 v1;
	_ =	sdelay $0x1  }
0x33f: {  	v2 =	vld [tilespmem:$0x1FD10];
	_ =	sdelay $0x1  }
0x340: {  	s22 =	sadd.s32 $0x1, s22  }
0x341: {  	p1 =	sne.s32 s22, $0xA  }
.Ltmp1:
0x342: {  	_ = 	snop;
	(pc) =	sbr.rel @p1 .LBB2_5-.Ltmp1, $4  }
0x343: {  	s24 =	sadd.s32 $0x20, s24  }
0x344: {  	s26 =	sand.u32 @!p0 $0x1C0, s24  }
0x345: {  	s26 =	sshrl.u32 @!p0 s26, $0x2;
	v1 =	vpop @!p0 (erf)  }
0x346: {  	s25 =	sadd.s32 $0x400, s25;
	[tilespmem:v2+s26+$0x0 ss:$0x1] =	vst.idx.msk @!p0 $0xffff, v1  }
0x347: {  	s21 =	sadd.s32 $0x1, s21  }
0x348: {  	p0 =	sne.s32 s21, $0x3E  }
.Ltmp2:
0x349: {  	_ = 	snop;
	(pc) =	sbr.rel @p0 .LBB2_2-.Ltmp2, $1  }
0x34a: {  	_ =	sdelay $0x3  }
0x34b: {  	_ =	swait.ge [sflag:s15], $0x2800  }
0x34c: {  	[sflag:s15] =	ssyncset.done $0x0  }
0x34d: {  	[sflag:s15] =	ssyncadd.s32 $0xFFFFD800  }
0x34e: {  	_ =	swait.ge [sflag:s16], $0x2800  }
0x34f: {  	[sflag:s16] =	ssyncset.done $0x0  }
0x350: {  	s22 =	simm.s32 $0x8200;
	[sflag:s16] =	ssyncadd.s32 $0xFFFFD800  }
0x351: {  	s21 =	simm.s32 $0xAA00;
	v26 =	vld [tilespmem:s22+$0x1F0]  }
0x352: {  	v25 =	vld [tilespmem:s21+$0x1F0]  }
0x353: {  	v0 =	vld [tilespmem:s22+$0x170]  }
0x354: {  	v19 =	vld [tilespmem:s22+$0x1E0]  }
0x355: {  	v18 =	vld [tilespmem:s21+$0x1E0]  }
0x356: {  	v23 =	vld [tilespmem:s22+$0x1D0]  }
0x357: {  	v24 =	vld [tilespmem:s21+$0x1D0]  }
0x358: {  	v28 =	vld [tilespmem:s22+$0x70]  }
0x359: {  	v27 =	vld [tilespmem:s21+$0x70]  }
0x35a: {  	v29 =	vld [tilespmem:s22+$0x150]  }
0x35b: {  	v30 =	vld [tilespmem:s21+$0x150]  }
0x35c: {  	v31 =	vld [tilespmem:s22+$0x1C0]  }
0x35d: {  	v32 =	vld [tilespmem:s21+$0x1C0]  }
0x35e: {  	v33 =	vld [tilespmem:s22+$0x60]  }
0x35f: {  	v34 =	vld [tilespmem:s21+$0x60]  }
0x360: {  	v35 =	vld [tilespmem:s22+$0xD0]  }
0x361: {  	[tilespmem:$0x1F930] =	vst v0;
	v0 =	vld [tilespmem:s21+$0x170]  }
0x362: {  	v36 =	vld [tilespmem:s21+$0xD0]  }
0x363: {  	v37 =	vld [tilespmem:s22+$0x140]  }
0x364: {  	v38 =	vld [tilespmem:s21+$0x140]  }
0x365: {  	v39 =	vld [tilespmem:s22+$0x1B0]  }
0x366: {  	[tilespmem:$0x1F940] =	vst v0;
	v0 =	vld [tilespmem:s22+$0xF0]  }
0x367: {  	v40 =	vld [tilespmem:s21+$0x1B0]  }
0x368: {  	v41 =	vld [tilespmem:s22+$0xFFFFFFE0]  }
0x369: {  	v42 =	vld [tilespmem:s21+$0xFFFFFFE0]  }
0x36a: {  	v43 =	vld [tilespmem:s22+$0x50]  }
0x36b: {  	[tilespmem:$0x1F950] =	vst v0;
	v0 =	vld [tilespmem:s21+$0xF0]  }
0x36c: {  	v44 =	vld [tilespmem:s21+$0x50]  }
0x36d: {  	v45 =	vld [tilespmem:s22+$0xC0]  }
0x36e: {  	v46 =	vld [tilespmem:s21+$0xC0]  }
0x36f: {  	v47 =	vld [tilespmem:s22+$0x130]  }
0x370: {  	[tilespmem:$0x1F960] =	vst v0;
	v0 =	vld [tilespmem:s22+$0x160]  }
0x371: {  	v48 =	vld [tilespmem:s21+$0x130]  }
0x372: {  	v49 =	vld [tilespmem:s22+$0x1A0]  }
0x373: {  	v50 =	vld [tilespmem:s21+$0x1A0]  }
0x374: {  	v51 =	vld [tilespmem:s22+$0xFFFFFFD0]  }
0x375: {  	[tilespmem:$0x1F970] =	vst v0;
	v0 =	vld [tilespmem:s21+$0x160]  }
0x376: {  	v52 =	vld [tilespmem:s21+$0xFFFFFFD0]  }
0x377: {  	v53 =	vld [tilespmem:s22+$0x40]  }
0x378: {  	v54 =	vld [tilespmem:s21+$0x40]  }
0x379: {  	v55 =	vld [tilespmem:s22+$0xB0]  }
0x37a: {  	[tilespmem:$0x1F980] =	vst v0;
	v0 =	vld [tilespmem:s22+$0xE0]  }
0x37b: {  	v56 =	vld [tilespmem:s21+$0xB0]  }
0x37c: {  	v57 =	vld [tilespmem:s22+$0x120]  }
0x37d: {  	v58 =	vld [tilespmem:s21+$0x120]  }
0x37e: {  	v1 =	vld [tilespmem:s22+$0x180]  }
0x37f: {  	[tilespmem:$0x1F990] =	vst v0;
	v0 =	vld [tilespmem:s21+$0xE0]  }
0x380: {  	v3 =	vld [tilespmem:s21+$0x180]  }
0x381: {  	v59 =	vld [tilespmem:s22+$0x190]  }
0x382: {  	v60 =	vld [tilespmem:s21+$0x190]  }
0x383: {  	v61 =	vld [tilespmem:s22+$0xFFFFFFC0]  }
0x384: {  	[tilespmem:$0x1F9A0] =	vst v0;
	v0 =	vld [tilespmem:s22+$0xFFFFFFF0]  }
0x385: {  	v62 =	vld [tilespmem:s21+$0xFFFFFFC0]  }
0x386: {  	v63 =	vld [tilespmem:s22+$0x30]  }
0x387: {  	v22 =	vld [tilespmem:s21+$0x30]  }
0x388: {  	v11 =	vld [tilespmem:s22+$0xA0]  }
0x389: {  	[tilespmem:$0x1FA50] =	vst v0;
	v0 =	vld [tilespmem:s22+$0xFFFFFF70]  }
0x38a: {  	v10 =	vld [tilespmem:s21+$0xA0]  }
0x38b: {  	v5 =	vld [tilespmem:s22+$0x100]  }
0x38c: {  	v4 =	vld [tilespmem:s21+$0x100]  }
0x38d: {  	v2 =	vld [tilespmem:s22+$0x110]  }
0x38e: {  	[tilespmem:$0x1FA40] =	vst v0;
	v0 =	vld [tilespmem:s22+$0xFFFFFE70]  }
0x38f: {  	v21 =	vld [tilespmem:s22+$0xFFFFFE50]  }
0x390: {  	v20 =	vld [tilespmem:s21+$0xFFFFFE50]  }
0x391: {  	v6 =	vld [tilespmem:s22+$0xFFFFFED0]  }
0x392: {  	v17 =	vld [tilespmem:s22+$0xFFFFFF40]  }
0x393: {  	[tilespmem:$0x1FA20] =	vst v0;
	v0 =	vld [tilespmem:s21+$0xFFFFFE70]  }
0x394: {  	v16 =	vld [tilespmem:s21+$0xFFFFFFB0]  }
0x395: {  	v13 =	vld [tilespmem:s22+$0x20]  }
0x396: {  	v12 =	vld [tilespmem:s21+$0x20]  }
0x397: {  	v9 =	vld [tilespmem:s22+$0x80]  }
0x398: {  	[tilespmem:$0x1FA30] =	vst v0;
	v0 =	vld [tilespmem:s22+$0xFFFFFF60]  }
0x399: {  	v8 =	vld [tilespmem:s21+$0x80]  }
0x39a: {  	v7 =	vld [tilespmem:s22+$0x90]  }
0x39b: {  	v15 =	vld [tilespmem:s22+$0xFFFFFE40]  }
0x39c: {  	v14 =	vld [tilespmem:s21+$0xFFFFFE40]  }
0x39d: {  	[tilespmem:$0x1FA10] =	vst v0;
	v0 =	vld [tilespmem:s22+$0xFFFFFE60]  }
0x39e: {  	[tilespmem:$0x1F9B0] =	vst v17;
	v17 =	vld [tilespmem:s22+$0xFFFFFFB0]  }
0x39f: {  	[tilespmem:$0x1F9C0] =	vst v6;
	v6 =	vld [tilespmem:s21+$0x90]  }
0x3a0: {  	v60 =	vmul.f32 v60, v59;
	v59 =	vld [tilespmem:s22+$0xFFFFFEC0]  }
0x3a1: {  	v1 =	vmul.f32 v3, v1;
	v3 =	vld [tilespmem:s22+$0xFFFFFF30]  }
0x3a2: {  	[tilespmem:$0x1F9E0] =	vst v0;
	v0 =	vld [tilespmem:s21+$0xFFFFFE60]  }
0x3a3: {  	v49 =	vmul.f32 v50, v49;
	v50 =	vld [tilespmem:s22+$0xFFFFFFA0]  }
0x3a4: {  	v39 =	vmul.f32 v40, v39;
	v40 =	vld [tilespmem:s22+$0x0]  }
0x3a5: {  	v31 =	vmul.f32 v32, v31;
	v32 =	vld [tilespmem:s22+$0x10]  }
0x3a6: {  	v4 =	vmul.f32 v4, v5;
	v5 =	vld [tilespmem:s21+$0x10]  }
0x3a7: {  	[tilespmem:$0x1F9F0] =	vst v0;
	v0 =	vld [tilespmem:s22+$0xFFFFFEE0]  }
0x3a8: {  	v18 =	vmul.f32 v18, v19;
	v19 =	vld [tilespmem:s22+$0xFFFFFEB0]  }
0x3a9: {  	v29 =	vmul.f32 v30, v29;
	v30 =	vld [tilespmem:s21+$0xFFFFFF90];
	v35 =	vmul.f32 v36, v35  }
0x3aa: {  	v36 =	vmul.f32 v42, v41;
	v42 =	vld [tilespmem:s21+$0xFFFFFF00];
	v8 =	vmul.f32 v8, v9  }
0x3ab: {  	v9 =	vmul.f32 v54, v53;
	v54 =	vmul.f32 v10, v11;
	v11 =	vld [tilespmem:s22+$0xFFFFFE10]  }
0x3ac: {  	[tilespmem:$0x1FA00] =	vst v0;
	v0 =	vld [tilespmem:s22+$0xFFFFFF50]  }
0x3ad: {  	v53 =	vmul.f32 v22, v63;
	v22 =	vld [tilespmem:s21+$0xFFFFFF70];
	v1 =	vadd.f32 v60, v1  }
0x3ae: {  	v60 =	vld [tilespmem:s21+$0xFFFFFFA0]  }
0x3af: {  	v1 =	vadd.f32 v49, v1;
	v49 =	vld [tilespmem:s21+$0x0]  }
0x3b0: {  	v6 =	vmul.f32 v6, v7;
	v7 =	vld [tilespmem:s21+$0xFFFFFE00]  }
0x3b1: {  	[tilespmem:$0x1F9D0] =	vst v0;
	v0 =	vld [tilespmem:s21+$0x110]  }
0x3b2: {  	v1 =	vadd.f32 v39, v1;
	v39 =	vmul.f32 v25, v26;
	v26 =	vld [tilespmem:s22+$0xFFFFFF90]  }
0x3b3: {  	v5 =	vmul.f32 v5, v32;
	v32 =	vld [tilespmem:s21+$0xFFFFFE10]  }
0x3b4: {  	v25 =	vld [tilespmem:s21+$0xFFFFFF80]  }
0x3b5: {  	v6 =	vadd.f32 v6, v8;
	v8 =	vmul.f32 v62, v61;
	v61 =	vld [tilespmem:s21+$0xFFFFFEA0]  }
0x3b6: {  	v1 =	vadd.f32 v31, v1;
	v31 =	vmul.f32 v58, v57;
	v58 =	vld [tilespmem:$0x1F980];
	v0 =	vmul.f32 v0, v2  }
0x3b7: {  	v63 =	vmul.f32 v30, v26;
	v30 =	vld [tilespmem:$0x1FA20]  }
0x3b8: {  	v26 =	vld [tilespmem:$0x1FA00];
	v2 =	vmul.f32 v24, v23;
	v0 =	vadd.f32 v0, v4  }
0x3b9: {  	v23 =	vld [tilespmem:s22+$0xFFFFFE30]  }
0x3ba: {  	v1 =	vadd.f32 v2, v1;
	v2 =	vmul.f32 v48, v47;
	v47 =	vld [tilespmem:$0x1F930];
	v0 =	vadd.f32 v31, v0  }
0x3bb: {  	v48 =	vld [tilespmem:$0x1F940]  }
0x3bc: {  	v24 =	vld [tilespmem:s21+$0xFFFFFE30];
	v0 =	vadd.f32 v2, v0;
	v2 =	vmul.f32 v38, v37  }
0x3bd: {  	v1 =	vadd.f32 v18, v1;
	v18 =	vld [tilespmem:s22+$0xFFFFFF80]  }
0x3be: {  	v57 =	vadd.f32 v2, v0;
	v0 =	vld [tilespmem:$0x1F950]  }
0x3bf: {  	v2 =	vld [tilespmem:$0x1F960]  }
0x3c0: {  	v4 =	vmul.f32 v48, v47;
	v48 =	vld [tilespmem:$0x1FFC0]  }
0x3c1: {  	v31 =	vld [tilespmem:s22+$0xFFFFFF20]  }
0x3c2: {  	v1 =	vadd.f32 v39, v1;
	v39 =	vld [tilespmem:s22+$0xFFFFFE20]  }
0x3c3: {  	v37 =	vld [tilespmem:$0x1F9A0]  }
0x3c4: {  	v18 =	vmul.f32 v25, v18;
	v2 =	vmul.f32 v2, v0;
	v0 =	vld [tilespmem:$0x1F970]  }
0x3c5: {  	v57 =	vadd.f32 v29, v57;
	v29 =	vmul.f32 v34, v33;
	v34 =	vld [tilespmem:s22+$0xFFFFFEA0];
	v38 =	vperm.xlane v1, v48  }
0x3c6: {  	v18 =	vadd.f32 v63, v18;
	v63 =	vld [tilespmem:s21+$0xFFFFFEF0]  }
0x3c7: {  	v1 =	vadd.f32 v1, v38;
	v38 =	vmul.f32 v44, v43;
	v44 =	vld [tilespmem:s22+$0xFFFFFF10]  }
0x3c8: {  	v43 =	vmul.f32 v46, v45;
	v45 =	vld [tilespmem:s22+$0xFFFFFE00]  }
0x3c9: {  	v40 =	vmul.f32 v49, v40;
	v46 =	vld [tilespmem:s21+$0xFFFFFEC0];
	v47 =	vmul.f32 v58, v0  }
0x3ca: {  	v49 =	vmul.f32 v12, v13;
	v58 =	vld [tilespmem:$0x1F990]  }
0x3cb: {  	v5 =	vadd.f32 v5, v40;
	v0 =	vmul.f32 v27, v28;
	v27 =	vadd.f32 v47, v57;
	v47 =	vld [tilespmem:$0x1FFD0]  }
0x3cc: {  	v28 =	vld [tilespmem:s21+$0xFFFFFE20]  }
0x3cd: {  	v5 =	vadd.f32 v49, v5;
	v49 =	vmul.f32 v61, v34;
	v61 =	vld [tilespmem:s22+$0xFFFFFEF0]  }
0x3ce: {  	v4 =	vadd.f32 v4, v27;
	v27 =	vmul.f32 v52, v51;
	v51 =	vld [tilespmem:$0x1FFE0]  }
0x3cf: {  	v11 =	vmul.f32 v32, v11;
	v7 =	vmul.f32 v7, v45;
	v52 =	vld [tilespmem:s21+$0xFFFFFE80]  }
0x3d0: {  	v33 =	vmul.f32 v37, v58;
	v37 =	vld [tilespmem:s22+$0xFFFFFF00];
	v57 =	vperm.xlane v1, v47  }
0x3d1: {  	v62 =	vmul.f32 v28, v39;
	v39 =	vld [tilespmem:s21+$0xFFFFFF20];
	v58 =	vperm.xlane v4, v48  }
0x3d2: {  	v28 =	vld [tilespmem:$0x1FA10];
	v1 =	vadd.f32 v1, v57  }
0x3d3: {  	v7 =	vadd.f32 v11, v7;
	v41 =	vadd.f32 v4, v58;
	v58 =	vmul.f32 v56, v55;
	v55 =	vld [tilespmem:s22+$0xFFFFFE90]  }
0x3d4: {  	v56 =	vld [tilespmem:s21+$0xFFFFFE90];
	v57 =	vperm.xlane v1, v51  }
0x3d5: {  	v7 =	vadd.f32 v62, v7;
	v62 =	vld [tilespmem:$0x1F9C0]  }
0x3d6: {  	v4 =	vadd.f32 v1, v57;
	v1 =	vadd.f32 v54, v6;
	v6 =	vld [tilespmem:s22+$0xFFFFFE80]  }
0x3d7: {  	v5 =	vadd.f32 v53, v5;
	v57 =	vmul.f32 v60, v50;
	v50 =	vld [tilespmem:s21+$0xFFFFFF40]  }
0x3d8: {  	v1 =	vadd.f32 v58, v1;
	v58 =	vld [tilespmem:s21+$0xFFFFFF10]  }
0x3d9: {  	v5 =	vadd.f32 v9, v5;
	v54 =	vperm.xlane v41, v47;
	v10 =	vmul.f32 v56, v55;
	v55 =	vld [tilespmem:s21+$0xFFFFFF50]  }
0x3da: {  	v20 =	vmul.f32 v20, v21;
	v60 =	vmul.f32 v24, v23;
	v23 =	vld [tilespmem:$0x1F9E0]  }
0x3db: {  	v16 =	vmul.f32 v16, v17;
	v5 =	vadd.f32 v38, v5;
	v17 =	vadd.f32 v41, v54;
	v41 =	vld [tilespmem:s21+$0xFFFFFEB0]  }
0x3dc: {  	v14 =	vmul.f32 v14, v15;
	v1 =	vadd.f32 v43, v1;
	v43 =	vld [tilespmem:s21+$0xFFFFFF30];
	v6 =	vmul.f32 v52, v6  }
0x3dd: {  	v5 =	vadd.f32 v29, v5;
	v45 =	vmul.f32 v42, v37;
	v24 =	vld [tilespmem:$0x1F9F0];
	v21 =	vmul.f32 v58, v44  }
0x3de: {  	v32 =	vmul.f32 v63, v61;
	v7 =	vadd.f32 v60, v7;
	v60 =	vld [tilespmem:$0x1F9B0];
	v6 =	vadd.f32 v10, v6  }
0x3df: {  	v53 =	vmul.f32 v39, v31;
	v54 =	vld [tilespmem:s21+$0xFFFFFED0];
	v56 =	vadd.f32 v57, v18;
	v52 =	vadd.f32 v21, v45  }
0x3e0: {  	v0 =	vadd.f32 v0, v5;
	v9 =	vmul.f32 v41, v19;
	v6 =	vadd.f32 v49, v6;
	v21 =	vld [tilespmem:$0x1F9D0]  }
0x3e1: {  	v57 =	vld [tilespmem:s21+$0xFFFFFEE0];
	v12 =	vadd.f32 v16, v56;
	v3 =	vmul.f32 v43, v3;
	v13 =	vadd.f32 v53, v52  }
0x3e2: {  	v7 =	vadd.f32 v14, v7;
	v58 =	vmul.f32 v46, v59;
	v59 =	vld [tilespmem:s21+$0xFFFFFF60];
	v6 =	vadd.f32 v9, v6  }
0x3e3: {  	v31 =	vld [tilespmem:$0x1FA30];
	v1 =	vadd.f32 v35, v1;
	v11 =	vmul.f32 v50, v60;
	v3 =	vadd.f32 v3, v13  }
0x3e4: {  	v34 =	vld [tilespmem:$0x1FA40];
	v8 =	vadd.f32 v8, v12;
	v9 =	vmul.f32 v54, v62;
	v6 =	vadd.f32 v58, v6  }
0x3e5: {  	v25 =	vld [tilespmem:s21+$0xFFFFFFF0];
	v12 =	vmul.f32 v24, v23;
	v10 =	vmul.f32 v55, v21;
	v3 =	vadd.f32 v11, v3  }
0x3e6: {  	v7 =	vadd.f32 v20, v7;
	v35 =	vld [tilespmem:$0x1FA50];
	v15 =	vmul.f32 v57, v26;
	v6 =	vadd.f32 v9, v6  }
0x3e7: {  	v8 =	vadd.f32 v27, v8;
	v3 =	vadd.f32 v10, v3;
	v10 =	vmul.f32 v59, v28  }
0x3e8: {  	v16 =	vmul.f32 v31, v30;
	v7 =	vadd.f32 v12, v7;
	v6 =	vadd.f32 v15, v6  }
0x3e9: {  	v1 =	vadd.f32 v33, v1;
	v3 =	vadd.f32 v10, v3;
	v10 =	vmul.f32 v22, v34  }
0x3ea: {  	v40 =	vperm.xlane v0, v48;
	v7 =	vadd.f32 v16, v7;
	v6 =	vadd.f32 v32, v6  }
0x3eb: {  	v8 =	vadd.f32 v36, v8;
	v9 =	vmul.f32 v25, v35;
	v3 =	vadd.f32 v10, v3  }
0x3ec: {  	v0 =	vadd.f32 v0, v40;
	v36 =	vperm.xlane v7, v48;
	v37 =	vperm.xlane v6, v48  }
0x3ed: {  	v1 =	vadd.f32 v2, v1;
	v8 =	vadd.f32 v9, v8;
	v38 =	vperm.xlane v3, v48  }
0x3ee: {  	v2 =	vadd.f32 v7, v36;
	v6 =	vadd.f32 v6, v37  }
0x3ef: {  	v56 =	vperm.xlane v17, v51;
	v39 =	vperm.xlane v8, v48;
	v3 =	vadd.f32 v3, v38  }
0x3f0: {  	v10 =	vperm.xlane v2, v47;
	v42 =	vperm.xlane v6, v47  }
0x3f1: {  	v46 =	vperm.xlane v0, v47;
	v7 =	vadd.f32 v8, v39;
	v43 =	vperm.xlane v3, v47  }
0x3f2: {  	v41 =	vperm.xlane v1, v48;
	v2 =	vadd.f32 v2, v10;
	v44 =	vadd.f32 v6, v42  }
0x3f3: {  	v0 =	vadd.f32 v0, v46;
	v54 =	vld [tilespmem:$0x1FFF0];
	v45 =	vperm.xlane v7, v47;
	v3 =	vadd.f32 v3, v43  }
0x3f4: {  	v1 =	vadd.f32 v1, v41;
	v10 =	vperm.xlane v2, v51;
	v48 =	vperm.xlane v44, v51  }
0x3f5: {  	v52 =	vperm.xlane v0, v51;
	v6 =	vadd.f32 v7, v45;
	v49 =	vperm.xlane v3, v51  }
0x3f6: {  	v47 =	vperm.xlane v1, v47;
	v2 =	vadd.f32 v2, v10;
	v5 =	vadd.f32 v44, v48  }
0x3f7: {  	v0 =	vadd.f32 v0, v52;
	v50 =	vperm.xlane v6, v51;
	v3 =	vadd.f32 v3, v49  }
0x3f8: {  	v1 =	vadd.f32 v1, v47;
	v10 =	vperm.xlane v2, v54;
	v55 =	vperm.xlane v5, v54  }
0x3f9: {  	v60 =	vperm.xlane v0, v54;
	v6 =	vadd.f32 v6, v50;
	v57 =	vperm.xlane v3, v54  }
0x3fa: {  	s22 =	simm.s32 $0x0;
	v53 =	vperm.xlane v1, v51;
	v2 =	vadd.f32 v2, v10;
	v5 =	vadd.f32 v5, v55  }
0x3fb: {  	s23 =	sand.u32 $0x1, s22;
	v63 =	vperm.xlane v4, v54;
	v59 =	vadd.f32 v17, v56;
	v3 =	vadd.f32 v3, v57  }
0x3fc: {  	p0 =	seq.s32 s23, $0x0;
	v1 =	vadd.f32 v1, v53;
	v58 =	vperm.xlane v6, v54;
	v2 =	vsel vm0, v2, v5  }
0x3fd: {  	v7 =	vimm.s32 @!p0 $0x76543210;
	v2 =	vsel vm1, v2, v3;
	v3 =	vimm.s32 @!p0 $0xFEDCBA98  }
0x3fe: {  	v6 =	vadd.f32 v6, v58;
	v61 =	vperm.xlane v1, v54;
	v3 =	vunpack.c.l.s4.s8 @!p0 v3  }
0x3ff: {  	v0 =	vadd.f32 v0, v60;
	v62 =	vperm.xlane v59, v54;
	v7 =	vunpack.c.l.s4.s8 @!p0 v7  }
0x400: {  	v1 =	vadd.f32 v1, v61;
	v2 =	vsel vm2, v2, v6;
	v3 =	vunpack.c.0.s8.s32 @!p0 v3  }
0x401: {  	v6 =	vunpack.c.0.s8.s32 @!p0 v7;
	v0 =	vsel vm3, v2, v0;
	v2 =	vadd.f32 v59, v62  }
0x402: {  	v0 =	vsel vm4, v0, v1;
	v1 =	vadd.f32 v4, v63;
	v3 =	vand.u32 @!p0 $0xF, v3  }
0x403: {  	v0 =	vsel vm5, v0, v2;
	v2 =	vcombine.low @!p0 v3, v6  }
0x404: {  	v0 =	vsel vm6, v0, v1  }
0x405: {  	v1 =	vperm.xlane @!p0 v0, v2  }
0x406: {  	vm7 =	vmmov @!p0 $0xff;
	v2 =	vimm.f32 $0.0e+00  }
0x407: {  	v1 =	vsel @!p0 vm7, v2, v1  }
0x408: {  	v1 =	vsub.f32 @!p0 $0.0e+00, v1;
	_ =	sdelay $0x1  }
0x409: {  	v1 =	vmul.f32 @!p0 $1.442695020e+00, v1;
	_ =	sdelay $0x1  }
0x40a: {  	(erf) = vpow2.f32 @!p0 v1;
	_ =	sdelay $0x8  }
0x40b: {  	v1 =	vpop @!p0 (erf)  }
0x40c: {  	v1 =	vadd.f32 @!p0 $1.000000000e+00, v1;
	_ =	sdelay $0x1  }
0x40d: {  	(erf) = vrcp.f32 @!p0 v1;
	_ =	sdelay $0x7  }
0x40e: {  	s23 =	sand.u32 @!p0 $0x1C0, s22  }
0x40f: {  	s23 =	sshrl.u32 @!p0 s23, $0x2;
	v1 =	vpop @!p0 (erf)  }
0x410: {  	s24 =	simm.s32 $0x8600;
	[tilespmem:s23+$0x146C0] =	vst @!p0 v1;
	s23 =	simm.s32 $0x1  }
.LBB2_8:
0x411: {  	v1 =	vld [tilespmem:s24+$0x1F0]  }
0x412: {  	v28 =	vld [tilespmem:s24+$0x1E0]  }
0x413: {  	v46 =	vld [tilespmem:s24+$0x1D0]  }
0x414: {  	v32 =	vld [tilespmem:s24+$0x150]  }
0x415: {  	v22 =	vld [tilespmem:s24+$0x1C0]  }
0x416: {  	v26 =	vld [tilespmem:s24+$0x60]  }
0x417: {  	v25 =	vld [tilespmem:s24+$0xD0]  }
0x418: {  	v57 =	vld [tilespmem:s24+$0x140]  }
0x419: {  	s21 =	sadd.s32 $0x400, s21;
	v15 =	vld [tilespmem:s24+$0x1B0]  }
0x41a: {  	[tilespmem:$0x1F7E0] =	vst v1;
	v1 =	vmov v0;
	v0 =	vld [tilespmem:s21+$0x1F0]  }
0x41b: {  	v34 =	vld [tilespmem:s24+$0xFFFFFFE0]  }
0x41c: {  	v36 =	vld [tilespmem:s24+$0x50]  }
0x41d: {  	v37 =	vld [tilespmem:s24+$0xC0]  }
0x41e: {  	v17 =	vld [tilespmem:s24+$0x130]  }
0x41f: {  	[tilespmem:$0x1F7F0] =	vst v0;
	v0 =	vld [tilespmem:s24+$0x170]  }
0x420: {  	v9 =	vld [tilespmem:s24+$0x1A0]  }
0x421: {  	v41 =	vld [tilespmem:s24+$0xFFFFFE70]  }
0x422: {  	v53 =	vld [tilespmem:s24+$0xFFFFFFD0]  }
0x423: {  	v54 =	vld [tilespmem:s24+$0x40]  }
0x424: {  	[tilespmem:$0x1F800] =	vst v0;
	v0 =	vld [tilespmem:s21+$0x170]  }
0x425: {  	v42 =	vld [tilespmem:s24+$0xB0]  }
0x426: {  	v7 =	vld [tilespmem:s24+$0x120]  }
0x427: {  	v5 =	vld [tilespmem:s24+$0x190]  }
0x428: {  	v43 =	vld [tilespmem:s24+$0xFFFFFE60]  }
0x429: {  	[tilespmem:$0x1F810] =	vst v0;
	v0 =	vld [tilespmem:s24+$0xF0]  }
0x42a: {  	v49 =	vld [tilespmem:s24+$0xFFFFFFC0]  }
0x42b: {  	v47 =	vld [tilespmem:s24+$0x30]  }
0x42c: {  	v63 =	vld [tilespmem:s24+$0xA0]  }
0x42d: {  	v4 =	vld [tilespmem:s24+$0x100]  }
0x42e: {  	[tilespmem:$0x1F820] =	vst v0;
	v0 =	vld [tilespmem:s21+$0xF0]  }
0x42f: {  	v2 =	vld [tilespmem:s24+$0x110]  }
0x430: {  	v59 =	vld [tilespmem:s24+$0xFFFFFE50]  }
0x431: {  	v10 =	vld [tilespmem:s24+$0xFFFFFED0]  }
0x432: {  	v21 =	vld [tilespmem:s24+$0xFFFFFF40]  }
0x433: {  	[tilespmem:$0x1F830] =	vst v0;
	v0 =	vld [tilespmem:s24+$0x160]  }
0x434: {  	v61 =	vld [tilespmem:s24+$0xFFFFFFB0]  }
0x435: {  	v13 =	vld [tilespmem:s24+$0x80]  }
0x436: {  	v11 =	vld [tilespmem:s24+$0x90]  }
0x437: {  	v23 =	vld [tilespmem:s24+$0xFFFFFE40]  }
0x438: {  	[tilespmem:$0x1F840] =	vst v0;
	v0 =	vld [tilespmem:s21+$0x160]  }
0x439: {  	v30 =	vld [tilespmem:s21+$0x1E0]  }
0x43a: {  	v50 =	vld [tilespmem:s21+$0x1D0]  }
0x43b: {  	v33 =	vld [tilespmem:s21+$0x150]  }
0x43c: {  	v19 =	vld [tilespmem:s21+$0x1C0]  }
0x43d: {  	[tilespmem:$0x1F850] =	vst v0;
	v0 =	vld [tilespmem:s24+$0x70]  }
0x43e: {  	v29 =	vld [tilespmem:s21+$0x60]  }
0x43f: {  	v27 =	vld [tilespmem:s21+$0xD0]  }
0x440: {  	v58 =	vld [tilespmem:s21+$0x140]  }
0x441: {  	v14 =	vld [tilespmem:s21+$0x1B0]  }
0x442: {  	[tilespmem:$0x1F860] =	vst v0;
	v0 =	vld [tilespmem:s21+$0x70]  }
0x443: {  	v35 =	vld [tilespmem:s21+$0xFFFFFFE0]  }
0x444: {  	v39 =	vld [tilespmem:s21+$0x50]  }
0x445: {  	v40 =	vld [tilespmem:s21+$0xC0]  }
0x446: {  	v16 =	vld [tilespmem:s21+$0x130]  }
0x447: {  	[tilespmem:$0x1F870] =	vst v0;
	v0 =	vld [tilespmem:s24+$0xE0]  }
0x448: {  	v8 =	vld [tilespmem:s21+$0x1A0]  }
0x449: {  	v44 =	vld [tilespmem:s21+$0xFFFFFE70]  }
0x44a: {  	v55 =	vld [tilespmem:s21+$0xFFFFFFD0]  }
0x44b: {  	v56 =	vld [tilespmem:s21+$0x40]  }
0x44c: {  	[tilespmem:$0x1F880] =	vst v0;
	v0 =	vld [tilespmem:s21+$0xE0]  }
0x44d: {  	v45 =	vld [tilespmem:s21+$0xB0]  }
0x44e: {  	v6 =	vld [tilespmem:s21+$0x120]  }
0x44f: {  	v38 =	vld [tilespmem:s21+$0x180]  }
0x450: {  	v31 =	vld [tilespmem:s21+$0x190]  }
0x451: {  	[tilespmem:$0x1F890] =	vst v0;
	v0 =	vld [tilespmem:s24+$0xFFFFFFF0]  }
0x452: {  	v48 =	vld [tilespmem:s21+$0xFFFFFE60]  }
0x453: {  	v52 =	vld [tilespmem:s21+$0xFFFFFFC0]  }
0x454: {  	v51 =	vld [tilespmem:s21+$0x30]  }
0x455: {  	[tilespmem:$0x1F920] =	vst v1;
	v1 =	vld [tilespmem:s24+$0xFFFFFEE0]  }
0x456: {  	[tilespmem:$0x1F910] =	vst v0;
	v0 =	vld [tilespmem:s24+$0xFFFFFF70]  }
0x457: {  	v24 =	vld [tilespmem:s21+$0xA0]  }
0x458: {  	v3 =	vld [tilespmem:s21+$0x100]  }
0x459: {  	v60 =	vld [tilespmem:s21+$0xFFFFFE50]  }
0x45a: {  	[tilespmem:$0x1F8D0] =	vst v1;
	v1 =	vld [tilespmem:s24+$0xFFFFFF50]  }
0x45b: {  	[tilespmem:$0x1F900] =	vst v0;
	v0 =	vld [tilespmem:s24+$0xFFFFFEF0]  }
0x45c: {  	v62 =	vld [tilespmem:s21+$0xFFFFFFB0]  }
0x45d: {  	v18 =	vld [tilespmem:s21+$0x20]  }
0x45e: {  	v12 =	vld [tilespmem:s21+$0x80]  }
0x45f: {  	[tilespmem:$0x1F8C0] =	vst v1;
	v1 =	vld [tilespmem:s21+$0x110]  }
0x460: {  	[tilespmem:$0x1F8F0] =	vst v0;
	v0 =	vld [tilespmem:s24+$0xFFFFFF60]  }
0x461: {  	v20 =	vld [tilespmem:s21+$0xFFFFFE40]  }
0x462: {  	[tilespmem:$0x1F8A0] =	vst v21;
	v21 =	vld [tilespmem:s24+$0x20]  }
0x463: {  	[tilespmem:$0x1F8B0] =	vst v10;
	v10 =	vld [tilespmem:s21+$0x90]  }
0x464: {  	v5 =	vmul.f32 v31, v5;
	v31 =	vld [tilespmem:s24+$0xFFFFFEC0]  }
0x465: {  	v3 =	vmul.f32 v3, v4;
	v1 =	vmul.f32 v1, v2;
	[tilespmem:$0x1F8E0] =	vst v0;
	v0 =	vld [tilespmem:s24+$0x180]  }
0x466: {  	v17 =	vmul.f32 v16, v17;
	v16 =	vld [tilespmem:s24+$0xFFFFFF80]  }
0x467: {  	v25 =	vmul.f32 v27, v25;
	v27 =	vld [tilespmem:s24+$0xFFFFFEA0];
	v1 =	vadd.f32 v1, v3;
	v3 =	vmul.f32 v6, v7  }
0x468: {  	v12 =	vmul.f32 v12, v13;
	v13 =	vld [tilespmem:s24+$0xFFFFFE00]  }
0x469: {  	v2 =	vld [tilespmem:s24+$0x10];
	v3 =	vadd.f32 v3, v1  }
0x46a: {  	v58 =	vmul.f32 v58, v57;
	v57 =	vld [tilespmem:$0x1F810];
	v0 =	vmul.f32 v38, v0  }
0x46b: {  	v1 =	vld [tilespmem:s24+$0xFFFFFEB0];
	v3 =	vadd.f32 v17, v3  }
0x46c: {  	v17 =	vld [tilespmem:s21+$0xFFFFFF80];
	v0 =	vadd.f32 v5, v0;
	v5 =	vmul.f32 v8, v9  }
0x46d: {  	v6 =	vmul.f32 v33, v32;
	v3 =	vadd.f32 v58, v3;
	v58 =	vld [tilespmem:$0x1F820]  }
0x46e: {  	v32 =	vld [tilespmem:$0x1F840];
	v0 =	vadd.f32 v5, v0;
	v5 =	vmul.f32 v14, v15  }
0x46f: {  	v3 =	vadd.f32 v6, v3;
	v33 =	vld [tilespmem:$0x1F850]  }
0x470: {  	v6 =	vmul.f32 v29, v26;
	v26 =	vld [tilespmem:$0x1F880];
	v15 =	vmul.f32 v19, v22;
	v0 =	vadd.f32 v5, v0  }
0x471: {  	v38 =	vld [tilespmem:s24+$0xFFFFFF30]  }
0x472: {  	v8 =	vld [tilespmem:s24+$0xFFFFFFA0];
	v22 =	vmul.f32 v50, v46;
	v0 =	vadd.f32 v15, v0  }
0x473: {  	v15 =	vmul.f32 v30, v28;
	v30 =	vld [tilespmem:$0x1F7F0]  }
0x474: {  	v0 =	vadd.f32 v22, v0;
	v22 =	vld [tilespmem:$0x1F7E0]  }
0x475: {  	v9 =	vld [tilespmem:s21+$0xFFFFFFA0]  }
0x476: {  	v14 =	vld [tilespmem:s24+$0x0]  }
0x477: {  	v19 =	vld [tilespmem:s21+$0x0]  }
0x478: {  	v0 =	vadd.f32 v15, v0;
	v15 =	vld [tilespmem:$0x1F830]  }
0x479: {  	v4 =	vmul.f32 v30, v22;
	v30 =	vld [tilespmem:$0x1F800]  }
0x47a: {  	v46 =	vld [tilespmem:s21+$0x10]  }
0x47b: {  	v50 =	vld [tilespmem:s24+$0xFFFFFE30]  }
0x47c: {  	v28 =	vld [tilespmem:s21+$0xFFFFFE30]  }
0x47d: {  	v0 =	vadd.f32 v4, v0;
	v4 =	vmul.f32 v15, v58;
	v58 =	vld [tilespmem:$0x1F870]  }
0x47e: {  	v7 =	vmul.f32 v57, v30;
	v57 =	vld [tilespmem:$0x1F860]  }
0x47f: {  	v15 =	vmul.f32 v33, v32;
	v32 =	vld [tilespmem:s21+$0xFFFFFF90]  }
0x480: {  	v30 =	vld [tilespmem:s24+$0xFFFFFF90]  }
0x481: {  	v14 =	vmul.f32 v19, v14;
	v19 =	vmul.f32 v48, v43;
	v48 =	vld [tilespmem:$0x1FFD0]  }
0x482: {  	v43 =	vld [tilespmem:s21+$0xFFFFFE80]  }
0x483: {  	v5 =	vmul.f32 v58, v57;
	v57 =	vld [tilespmem:$0x1FFC0]  }
0x484: {  	v58 =	vld [tilespmem:$0x1F890]  }
0x485: {  	v16 =	vmul.f32 v17, v16;
	v22 =	vld [tilespmem:s24+$0xFFFFFF20];
	v30 =	vmul.f32 v32, v30  }
0x486: {  	v32 =	vld [tilespmem:s21+$0xFFFFFFF0]  }
0x487: {  	v16 =	vadd.f32 v30, v16;
	v30 =	vld [tilespmem:s21+$0xFFFFFF70]  }
0x488: {  	v33 =	vperm.xlane v0, v57;
	v57 =	vld [tilespmem:s24+$0xFFFFFE20]  }
0x489: {  	v3 =	vadd.f32 v15, v3;
	v26 =	vmul.f32 v58, v26;
	v58 =	vld [tilespmem:s21+$0xFFFFFE20]  }
0x48a: {  	v15 =	vadd.f32 v0, v33;
	v0 =	vmul.f32 v35, v34;
	v35 =	vld [tilespmem:s24+$0xFFFFFF00]  }
0x48b: {  	v33 =	vmul.f32 v39, v36;
	v36 =	vmul.f32 v40, v37;
	v37 =	vadd.f32 v7, v3;
	v3 =	vld [tilespmem:$0x1FFD0]  }
0x48c: {  	s25 =	sand.u32 $0x1, s23;
	v7 =	vmul.f32 v44, v41;
	v44 =	vmul.f32 v56, v54;
	v56 =	vld [tilespmem:$0x1FFC0]  }
0x48d: {  	p0 =	seq.s32 s25, $0x0;
	v54 =	vld [tilespmem:s21+$0xFFFFFE00]  }
0x48e: {  	v34 =	vimm.s32 @!p0 $0xFEDCBA98;
	v39 =	vld [tilespmem:s21+$0xFFFFFF00]  }
0x48f: {  	v41 =	vld [tilespmem:s24+$0xFFFFFF10];
	v34 =	vunpack.c.l.s4.s8 @!p0 v34  }
0x490: {  	v40 =	vmul.f32 v55, v53;
	v55 =	vld [tilespmem:$0x1FFE0]  }
0x491: {  	v11 =	vmul.f32 v10, v11;
	v10 =	vunpack.c.0.s8.s32 @!p0 v34;
	v34 =	vld [tilespmem:s24+$0xFFFFFE10]  }
0x492: {  	v53 =	vperm.xlane v37, v56;
	v13 =	vmul.f32 v54, v13;
	v54 =	vld [tilespmem:s21+$0xFFFFFF30]  }
0x493: {  	v3 =	vperm.xlane v15, v3;
	v56 =	vmul.f32 v24, v63;
	v24 =	vld [tilespmem:s21+$0xFFFFFF60]  }
0x494: {  	v11 =	vadd.f32 v11, v12;
	v29 =	vimm.s32 @!p0 $0x76543210;
	v63 =	vadd.f32 v37, v53;
	v37 =	vld [tilespmem:s21+$0xFFFFFE10]  }
0x495: {  	v15 =	vadd.f32 v15, v3;
	v3 =	vunpack.c.l.s4.s8 @!p0 v29;
	v29 =	vmul.f32 v45, v42;
	v42 =	vld [tilespmem:s24+$0xFFFFFE80]  }
0x496: {  	v53 =	vmul.f32 v18, v21;
	v21 =	vld [tilespmem:s24+$0xFFFFFE90]  }
0x497: {  	v11 =	vadd.f32 v56, v11;
	v56 =	vmul.f32 v51, v47;
	v47 =	vmul.f32 v28, v50;
	v50 =	vld [tilespmem:s21+$0xFFFFFF20]  }
0x498: {  	v2 =	vmul.f32 v46, v2;
	v28 =	vld [tilespmem:$0x1F8A0]  }
0x499: {  	v8 =	vmul.f32 v9, v8;
	v12 =	vperm.xlane v63, v48;
	v48 =	vld [tilespmem:s21+$0xFFFFFEA0]  }
0x49a: {  	v2 =	vadd.f32 v2, v14;
	v11 =	vadd.f32 v29, v11;
	v29 =	vmul.f32 v62, v61;
	v61 =	vld [tilespmem:s21+$0xFFFFFEE0]  }
0x49b: {  	v45 =	vperm.xlane v15, v55;
	v18 =	vadd.f32 v63, v12;
	v12 =	vmul.f32 v60, v59;
	v60 =	vld [tilespmem:s21+$0xFFFFFE90]  }
0x49c: {  	v14 =	vmul.f32 v20, v23;
	v2 =	vadd.f32 v53, v2;
	v63 =	vld [tilespmem:s21+$0xFFFFFF10]  }
0x49d: {  	v8 =	vadd.f32 v8, v16;
	v15 =	vadd.f32 v15, v45;
	v45 =	vmul.f32 v52, v49;
	v52 =	vld [tilespmem:s21+$0xFFFFFEB0]  }
0x49e: {  	v35 =	vmul.f32 v39, v35;
	v36 =	vadd.f32 v36, v11;
	v2 =	vadd.f32 v56, v2;
	v56 =	vld [tilespmem:s21+$0xFFFFFEC0]  }
0x49f: {  	v49 =	vmul.f32 v58, v57;
	v57 =	vld [tilespmem:s21+$0xFFFFFF40];
	v8 =	vadd.f32 v29, v8;
	v51 =	vmul.f32 v37, v34  }
0x4a0: {  	v58 =	vld [tilespmem:s21+$0xFFFFFED0];
	v53 =	vmul.f32 v43, v42;
	v9 =	vadd.f32 v25, v36;
	v21 =	vmul.f32 v60, v21  }
0x4a1: {  	v29 =	vld [tilespmem:$0x1F8B0];
	v2 =	vadd.f32 v44, v2;
	v13 =	vadd.f32 v51, v13;
	v20 =	vmul.f32 v63, v41  }
0x4a2: {  	v37 =	vld [tilespmem:$0x1F8F0];
	v8 =	vadd.f32 v45, v8;
	v23 =	vmul.f32 v48, v27;
	v21 =	vadd.f32 v21, v53  }
0x4a3: {  	v22 =	vmul.f32 v50, v22;
	v13 =	vadd.f32 v49, v13;
	v60 =	vld [tilespmem:s21+$0xFFFFFF50];
	v20 =	vadd.f32 v20, v35  }
0x4a4: {  	v1 =	vmul.f32 v52, v1;
	v63 =	vmul.f32 v56, v31;
	v31 =	vld [tilespmem:$0x1F8C0];
	v59 =	vadd.f32 v23, v21  }
0x4a5: {  	v62 =	vmul.f32 v54, v38;
	v2 =	vadd.f32 v33, v2;
	v33 =	vld [tilespmem:$0x1F8D0];
	v20 =	vadd.f32 v22, v20  }
0x4a6: {  	v11 =	vadd.f32 v47, v13;
	v35 =	vld [tilespmem:$0x1F8E0];
	v1 =	vadd.f32 v1, v59  }
0x4a7: {  	v9 =	vadd.f32 v26, v9;
	v26 =	vld [tilespmem:s21+$0xFFFFFEF0];
	v22 =	vmul.f32 v57, v28;
	v20 =	vadd.f32 v62, v20  }
0x4a8: {  	v39 =	vld [tilespmem:$0x1F900];
	v13 =	vmul.f32 v58, v29;
	v11 =	vadd.f32 v14, v11;
	v1 =	vadd.f32 v63, v1  }
0x4a9: {  	v8 =	vadd.f32 v40, v8;
	v40 =	vld [tilespmem:$0x1F910];
	v21 =	vmul.f32 v60, v31;
	v20 =	vadd.f32 v22, v20  }
0x4aa: {  	v11 =	vadd.f32 v12, v11;
	v12 =	vmul.f32 v61, v33;
	v1 =	vadd.f32 v13, v1  }
0x4ab: {  	v38 =	vld [tilespmem:$0x1FFC0];
	v16 =	vmul.f32 v24, v35;
	v34 =	vadd.f32 v21, v20  }
0x4ac: {  	v11 =	vadd.f32 v19, v11;
	v1 =	vadd.f32 v12, v1;
	v12 =	vmul.f32 v26, v37  }
0x4ad: {  	v0 =	vadd.f32 v0, v8;
	v14 =	vmul.f32 v30, v39;
	v13 =	vadd.f32 v16, v34  }
0x4ae: {  	v8 =	vmul.f32 v32, v40;
	v7 =	vadd.f32 v7, v11;
	v1 =	vadd.f32 v12, v1  }
0x4af: {  	v36 =	vld [tilespmem:$0x1FFD0];
	v43 =	vperm.xlane v18, v55;
	v2 =	vadd.f32 v6, v2;
	v41 =	vadd.f32 v14, v13  }
0x4b0: {  	v0 =	vadd.f32 v8, v0;
	v44 =	vperm.xlane v7, v38;
	v45 =	vperm.xlane v1, v38  }
0x4b1: {  	v4 =	vadd.f32 v4, v9;
	v2 =	vadd.f32 v5, v2;
	v46 =	vperm.xlane v41, v38  }
0x4b2: {  	v48 =	vperm.xlane v0, v38;
	v47 =	vadd.f32 v7, v44;
	v1 =	vadd.f32 v1, v45  }
0x4b3: {  	v50 =	vperm.xlane v4, v38;
	v49 =	vperm.xlane v2, v38;
	v8 =	vadd.f32 v41, v46  }
0x4b4: {  	v0 =	vadd.f32 v0, v48;
	v12 =	vperm.xlane v47, v36;
	v13 =	vperm.xlane v1, v36  }
0x4b5: {  	v4 =	vadd.f32 v4, v50;
	v2 =	vadd.f32 v2, v49;
	v51 =	vperm.xlane v8, v36  }
0x4b6: {  	v52 =	vperm.xlane v0, v36;
	v5 =	vadd.f32 v47, v12;
	v1 =	vadd.f32 v1, v13  }
0x4b7: {  	v42 =	vld [tilespmem:$0x1FFF0];
	v53 =	vperm.xlane v2, v36;
	v11 =	vperm.xlane v4, v36;
	v7 =	vadd.f32 v8, v51  }
0x4b8: {  	v0 =	vadd.f32 v0, v52;
	v12 =	vperm.xlane v5, v55;
	v13 =	vperm.xlane v1, v55  }
0x4b9: {  	v2 =	vadd.f32 v2, v53;
	v4 =	vadd.f32 v4, v11;
	v54 =	vperm.xlane v7, v55  }
0x4ba: {  	v56 =	vperm.xlane v0, v55;
	v5 =	vadd.f32 v5, v12;
	v1 =	vadd.f32 v1, v13  }
0x4bb: {  	v57 =	vperm.xlane v2, v55;
	v11 =	vperm.xlane v4, v55;
	v7 =	vadd.f32 v7, v54  }
0x4bc: {  	v0 =	vadd.f32 v0, v56;
	v12 =	vperm.xlane v5, v42;
	v13 =	vperm.xlane v1, v42  }
0x4bd: {  	v2 =	vadd.f32 v2, v57;
	v4 =	vadd.f32 v4, v11;
	v58 =	vperm.xlane v7, v42  }
0x4be: {  	v59 =	vperm.xlane v0, v42;
	v5 =	vadd.f32 v5, v12;
	v1 =	vadd.f32 v1, v13  }
0x4bf: {  	v6 =	vadd.f32 v18, v43;
	v60 =	vperm.xlane v2, v42;
	v7 =	vadd.f32 v7, v58  }
0x4c0: {  	v61 =	vperm.xlane v4, v42;
	v0 =	vadd.f32 v0, v59;
	v1 =	vsel vm0, v5, v1  }
0x4c1: {  	v62 =	vperm.xlane v6, v42;
	v2 =	vadd.f32 v2, v60;
	v1 =	vsel vm1, v1, v7  }
0x4c2: {  	v63 =	vperm.xlane v15, v42;
	v0 =	vsel vm2, v1, v0;
	v1 =	vadd.f32 v4, v61  }
0x4c3: {  	v3 =	vunpack.c.0.s8.s32 @!p0 v3;
	v0 =	vsel vm3, v0, v2;
	v2 =	vadd.f32 v6, v62  }
0x4c4: {  	v4 =	vand.u32 @!p0 $0xF, v10;
	v0 =	vsel vm4, v0, v1;
	v1 =	vadd.f32 v15, v63  }
0x4c5: {  	v0 =	vsel vm5, v0, v2;
	v2 =	vcombine.low @!p0 v4, v3  }
0x4c6: {  	v0 =	vsel vm6, v0, v1  }
0x4c7: {  	v1 =	vperm.xlane @!p0 v0, v2;
	v2 =	vld [tilespmem:$0x1F920];
	_ =	sdelay $0x3  }
0x4c8: {  	vm7 =	vmmov @!p0 $0xff  }
0x4c9: {  	v1 =	vsel @!p0 vm7, v2, v1  }
0x4ca: {  	v1 =	vsub.f32 @!p0 $0.0e+00, v1;
	_ =	sdelay $0x1  }
0x4cb: {  	v1 =	vmul.f32 @!p0 $1.442695020e+00, v1;
	_ =	sdelay $0x1  }
0x4cc: {  	(erf) = vpow2.f32 @!p0 v1;
	_ =	sdelay $0x8  }
0x4cd: {  	v1 =	vpop @!p0 (erf)  }
0x4ce: {  	v1 =	vadd.f32 @!p0 $1.000000000e+00, v1;
	_ =	sdelay $0x1  }
0x4cf: {  	(erf) = vrcp.f32 @!p0 v1;
	_ =	sdelay $0x3  }
0x4d0: {  	s23 =	sadd.s32 $0x1, s23  }
0x4d1: {  	p1 =	sne.s32 s23, $0xA  }
.Ltmp3:
0x4d2: {  	_ = 	snop;
	(pc) =	sbr.rel @p1 .LBB2_8-.Ltmp3, $4  }
0x4d3: {  	s22 =	sadd.s32 $0x20, s22  }
0x4d4: {  	s25 =	sand.u32 @!p0 $0x1C0, s22  }
0x4d5: {  	s25 =	sshrl.u32 @!p0 s25, $0x2;
	v1 =	vpop @!p0 (erf)  }
0x4d6: {  	s24 =	sadd.s32 $0x400, s24;
	[tilespmem:s25+$0x146C0] =	vst @!p0 v1  }
0x4d7: {  	s20 =	sadd.s32 $0x1, s20  }
0x4d8: {  	p0 =	sne.s32 s20, s7  }
.Ltmp4:
0x4d9: {  	_ = 	snop;
	(pc) =	sbr.rel @p0 .LBB2_1-.Ltmp4, $4  }
0x4da: {  	[hbm4b:s6+s3] =	stream.linear.scatter [tilespmem:s19], [sflag:$0x5], $0x2710, $0x38;
	[tilespmem:$0x14780] =	vst v63  }
0x4db: {  	_ =	swait.ge [sflag:s8], $0x2710  }
0x4dc: {  	[sflag:s8] =	ssyncset.done $0x0  }
0x4dd: {  	[sflag:s8] =	ssyncadd.s32 $0xFFFFD8F0  }
0x4de: {  	_ =	sfence.sel $0x180000  }
0x4df: {  	[bflag:$0x0] =	sbarrier.arrive $0xFFFF  }
0x4e0: {  	p0 =	sne.s32 s1, $0x0;
	_ =	strace $0x90000047  }
0x4e1: {  	s0 =	sadd.s32 @!p0 $0x100000, s2;
	[bflag:$0x2] =	sbarrier.arrive $0xFFFF  }
0x4e2: {  	[sflag:s0] =	ssyncadd.tile.s32 @!p0 $0x1;
	_ =	shalt  }
.Lfunc_end2:
_tile_overlayer_lowered:
.L_overlay_start_2:
0x4e3: {  	(tag) =	ssettag $0x2  }
0x4e4: {  	s0 =	rddreg [dreg:$0x0];
	s2 =	stileid.u32  }
0x4e5: {  	s1 =	rddreg [dreg:$0x1];
	p0 =	sne.s32 s2, $0x0  }
0x4e6: {  	s3 =	rddreg [dreg:$0x2];
	[bflag:$0x3] =	sbarrier.arrive $0xFFFF;
	s2 =	simm.s32 @!p0 $0x1C05  }
0x4e7: {  	[timem:s3], [sflag:s2] =	dma.local @!p0 [hbm:s0], s1  }
0x4e8: {  	s0 =	simm.s32 @!p0 $0x5  }
0x4e9: {  	_ =	swait.ge @!p0 [sflag:s0], s1  }
0x4ea: {  	s1 =	ssub.s32 @!p0 $0x0, s1;
	[sflag:s0] =	ssyncset.done @!p0 $0x0  }
0x4eb: {  	[sflag:s0] =	ssyncadd.s32 @!p0 s1  }
0x4ec: {  	[bflag:$0x3] =	sbarrier.arrive $0xFFFF  }
0x4ed: {  	_ =	shalt  }

</sc_bundles>
